<compile_context>
chip_gen: v7x
topology: tpu7x:2x2x1
jax: 0.10.2.dev20260603
libtpu: 0.0.44.dev20260713+nightly
codegen_flags: <defaults>
</compile_context>

<pallas_src>
import functools

import numpy as np
import jax
import jax.numpy as jnp
from jax import lax
from jax.experimental import pallas as pl
from jax.experimental.pallas import tpu as pltpu
from jax.experimental.pallas import tpu_sc as plsc

_SQ = np.float32(np.sqrt(np.float32(1.0 + 1e-5)))


def _fps_tc(B, N, S):
    def body(px_ref, py_ref, pz_ref, cx_ref, cy_ref, cz_ref):
        x = px_ref[...]
        y = py_ref[...]
        z = pz_ref[...]
        lane = lax.broadcasted_iota(jnp.int32, (B, N), 1)
        col = lax.broadcasted_iota(jnp.int32, (B, S), 1)

        def it(i, st):
            dists, f, cx, cy, cz = st
            oh = lane == f
            rx = jnp.sum(jnp.where(oh, x, 0.0), axis=1, keepdims=True)
            ry = jnp.sum(jnp.where(oh, y, 0.0), axis=1, keepdims=True)
            rz = jnp.sum(jnp.where(oh, z, 0.0), axis=1, keepdims=True)
            sel = col == i
            cx = jnp.where(sel, rx, cx)
            cy = jnp.where(sel, ry, cy)
            cz = jnp.where(sel, rz, cz)
            dx = x - rx
            dy = y - ry
            dz = z - rz
            d = dx * dx + dy * dy + dz * dz
            dists = jnp.minimum(dists, d)
            mx = jnp.max(dists, axis=1, keepdims=True)
            f = jnp.min(jnp.where(dists == mx, lane, N), axis=1, keepdims=True)
            return (dists, f, cx, cy, cz)

        st = (
            jnp.full((B, N), 1e10, jnp.float32),
            jnp.zeros((B, 1), jnp.int32),
            jnp.zeros((B, S), jnp.float32),
            jnp.zeros((B, S), jnp.float32),
            jnp.zeros((B, S), jnp.float32),
        )
        _, _, cx, cy, cz = lax.fori_loop(0, S, it, st)
        cx_ref[...] = cx
        cy_ref[...] = cy
        cz_ref[...] = cz

    return pl.pallas_call(
        body,
        out_shape=[jax.ShapeDtypeStruct((B, S), jnp.float32)] * 3,
    )


def _bq_sc(B, N, S, K, radius, feat_dim=None):
    rsq = np.float32(radius * radius)
    nchunk = N // 16
    CH = min(S, 128)
    NF = S // CH
    IL = 8

    out_type = [jax.ShapeDtypeStruct((B, S * K * 8), jnp.float32)]
    scratch = (
        [pltpu.VMEM((N,), jnp.float32)] * 3
        + [pltpu.VMEM((S,), jnp.float32)] * 3
        + [pltpu.VMEM((CH * K * 8,), jnp.float32),
           pltpu.VMEM((CH * K,), jnp.int32)]
    )
    if feat_dim is not None:
        out_type = out_type + [
            jax.ShapeDtypeStruct((B, S * K, feat_dim), jnp.float32)
        ]
        scratch = scratch + [
            pltpu.VMEM((128, feat_dim), jnp.float32),
            pltpu.VMEM((128, feat_dim), jnp.float32),
        ] + [pltpu.SemaphoreType.DMA] * 4

    mesh = plsc.VectorSubcoreMesh(
        core_axis_name="c", subcore_axis_name="s", num_cores=2,
        num_subcores=16)

    @functools.partial(
        pl.kernel, out_type=out_type, mesh=mesh, scratch_types=scratch,
        compiler_params=pltpu.CompilerParams(needs_layout_passes=False),
    )
    def body(*refs):
        if feat_dim is not None:
            (px, py, pz, cx, cy, cz, f1h, xgh, gfh,
             xv, yv, zv, cxv, cyv, czv, buf, idxv,
             gfb0, gfb1, sg0, sg1, so0, so1) = refs
        else:
            (px, py, pz, cx, cy, cz, xgh,
             xv, yv, zv, cxv, cyv, czv, buf, idxv) = refs
        b = lax.axis_index("s") * 2 + lax.axis_index("c")
        pltpu.sync_copy(px.at[b], xv)
        pltpu.sync_copy(py.at[b], yv)
        pltpu.sync_copy(pz.at[b], zv)
        pltpu.sync_copy(cx.at[b], cxv)
        pltpu.sync_copy(cy.at[b], cyv)
        pltpu.sync_copy(cz.at[b], czv)
        iota = lax.iota(jnp.int32, 16)
        zf16 = jnp.zeros((16,), jnp.float32)
        ones16 = jnp.ones((16,), jnp.int32)

        def zero_body(i, carry):
            buf[pl.ds(i * 16, 16)] = zf16
            return carry
        lax.fori_loop(0, CH * K * 8 // 16, zero_body, 0)

        def flush_body(F, carry):
            s0f = F * CH

            def group_body(g, carry):
                cloc = g * IL
                ccs = []
                cnts = []
                lims = []
                for c in range(IL):
                    sg = jnp.zeros((16,), jnp.int32) + (s0f + cloc + c)
                    ccs.append((plsc.load_gather(cxv, [sg]),
                                plsc.load_gather(cyv, [sg]),
                                plsc.load_gather(czv, [sg])))
                    bse = jnp.zeros((16,), jnp.int32) + ((cloc + c) * K)
                    cnts.append(bse - 1)
                    lims.append(bse + K)

                def chunk_body(jc, cnt):
                    j0 = jc * 16
                    pxv = xv[pl.ds(j0, 16)]
                    pyv = yv[pl.ds(j0, 16)]
                    pzv = zv[pl.ds(j0, 16)]
                    jv = j0 + iota
                    out = []
                    for c in range(IL):
                        ccx, ccy, ccz = ccs[c]
                        dx = pxv - ccx
                        dy = pyv - ccy
                        dz = pzv - ccz
                        d = dx * dx + dy * dy + dz * dz
                        m = d <= rsq
                        t = cnt[c] + plsc.cumsum(ones16, mask=m)
                        w = jnp.logical_and(m, t < lims[c])
                        plsc.store_scatter(idxv, [t], jv, mask=w)
                        out.append(
                            cnt[c] + plsc.all_reduce_population_count(m))
                    return tuple(out)

                cnt = lax.fori_loop(0, nchunk, chunk_body, tuple(cnts))

                for c in range(IL):
                    bse = jnp.zeros((16,), jnp.int32) + ((cloc + c) * K)
                    idx0 = plsc.load_gather(idxv, [bse])
                    ccx, ccy, ccz = ccs[c]
                    for kc in range(K // 16):
                        pos = bse + (kc * 16 + iota)
                        raw = plsc.load_gather(idxv, [pos])
                        sel = pos <= cnt[c]
                        idxp = jnp.where(sel, raw, idx0)
                        if feat_dim is not None:
                            plsc.store_scatter(idxv, [pos], idxp)
                        gx = plsc.load_gather(xv, [idxp]) - ccx
                        gy = plsc.load_gather(yv, [idxp]) - ccy
                        gz = plsc.load_gather(zv, [idxp]) - ccz
                        a = pos * 8
                        plsc.store_scatter(buf, [a], gx)
                        plsc.store_scatter(buf, [a + 1], gy)
                        plsc.store_scatter(buf, [a + 2], gz)
                return carry

            lax.fori_loop(0, CH // IL, group_body, 0)
            pltpu.sync_copy(buf, xgh.at[b, pl.ds(s0f * K * 8, CH * K * 8)])

            if feat_dim is not None:
                def dma_body(gg, carry):
                    i0 = gg * 256
                    d0 = pltpu.async_copy(
                        f1h.at[b].at[idxv.at[pl.ds(i0, 128)]], gfb0, sg0)
                    d1 = pltpu.async_copy(
                        f1h.at[b].at[idxv.at[pl.ds(i0 + 128, 128)]],
                        gfb1, sg1)
                    d0.wait()
                    o0 = pltpu.async_copy(
                        gfb0, gfh.at[b, pl.ds(i0, 128)], so0)
                    d1.wait()
                    o1 = pltpu.async_copy(
                        gfb1, gfh.at[b, pl.ds(i0 + 128, 128)], so1)
                    o0.wait()
                    o1.wait()
                    return carry

                lax.fori_loop(0, CH * K // 256, dma_body, 0)
            return carry

        lax.fori_loop(0, NF, flush_body, 0)

    return body


def _bn_relu(h, g_ref, b_ref):
    return jnp.maximum(h * (g_ref[...] / _SQ) + b_ref[...], 0.0)


def _mlp1_tc(B, S, K):
    BC = 128
    BR = BC * K
    grid = (B * S) // BC

    def body(x_ref, w1_ref, g1, b1, w2_ref, g2, b2, w3_ref, g3, b3, o_ref):
        bf = jnp.bfloat16
        x = x_ref[...].astype(bf)
        w1 = jnp.concatenate(
            [w1_ref[...], jnp.zeros((5, 64), jnp.float32)], axis=0)
        w1 = w1 * (g1[...] / _SQ)
        h = jnp.maximum(jnp.dot(x, w1.astype(bf),
                                preferred_element_type=jnp.float32)
                        + b1[...], 0.0)
        w2 = w2_ref[...] * (g2[...] / _SQ)
        h = jnp.maximum(jnp.dot(h.astype(bf), w2.astype(bf),
                                preferred_element_type=jnp.float32)
                        + b2[...], 0.0)
        h = jnp.dot(h.astype(bf), w3_ref[...].astype(bf),
                    preferred_element_type=jnp.float32)
        p = jnp.max(h.reshape(BC, K, 128), axis=1)
        o_ref[...] = jnp.maximum(p * (g3[...] / _SQ) + b3[...], 0.0)

    full = lambda shape: pl.BlockSpec(shape, lambda i: (0, 0))
    return pl.pallas_call(
        body,
        grid=(grid,),
        in_specs=[
            pl.BlockSpec((BR, 8), lambda i: (i, 0)),
            full((3, 64)), full((1, 64)), full((1, 64)),
            full((64, 64)), full((1, 64)), full((1, 64)),
            full((64, 128)), full((1, 128)), full((1, 128)),
        ],
        out_specs=pl.BlockSpec((BC, 128), lambda i: (i, 0)),
        out_shape=jax.ShapeDtypeStruct((B * S, 128), jnp.float32),
    )


def _mlp2_tc(B, S, K):
    BC = 128
    BR = BC * K
    grid = (B * S) // BC

    def body(a_ref, f_ref, w1_ref, g1, b1, w2_ref, g2, b2, w3_ref, g3, b3,
             o_ref):
        bf = jnp.bfloat16
        a = a_ref[...].astype(bf)
        ff = f_ref[...].astype(bf)
        w1 = w1_ref[...]
        s1 = g1[...] / _SQ
        w1a = jnp.concatenate(
            [w1[0:3], jnp.zeros((5, 128), jnp.float32)], axis=0) * s1
        w1b = w1[3:131] * s1
        h = jnp.dot(a, w1a.astype(bf),
                    preferred_element_type=jnp.float32) + jnp.dot(
            ff, w1b.astype(bf), preferred_element_type=jnp.float32)
        h = jnp.maximum(h + b1[...], 0.0)
        w2 = w2_ref[...] * (g2[...] / _SQ)
        h = jnp.maximum(jnp.dot(h.astype(bf), w2.astype(bf),
                                preferred_element_type=jnp.float32)
                        + b2[...], 0.0)
        h = jnp.dot(h.astype(bf), w3_ref[...].astype(bf),
                    preferred_element_type=jnp.float32)
        p = jnp.max(h.reshape(BC, K, 256), axis=1)
        o_ref[...] = jnp.maximum(p * (g3[...] / _SQ) + b3[...], 0.0)

    full = lambda shape: pl.BlockSpec(shape, lambda i: (0, 0))
    return pl.pallas_call(
        body,
        grid=(grid,),
        in_specs=[
            pl.BlockSpec((BR, 8), lambda i: (i, 0)),
            pl.BlockSpec((BR, 128), lambda i: (i, 0)),
            full((131, 128)), full((1, 128)), full((1, 128)),
            full((128, 128)), full((1, 128)), full((1, 128)),
            full((128, 256)), full((1, 256)), full((1, 256)),
        ],
        out_specs=pl.BlockSpec((BC, 256), lambda i: (i, 0)),
        out_shape=jax.ShapeDtypeStruct((B * S, 256), jnp.float32),
    )


def _sa3_fc_tc(B, S):
    R = B * S

    def body(a_ref, f_ref, w1_ref, g1, b1, w2_ref, g2, b2, w3_ref, g3, b3,
             fw1_ref, fg1, fb1, fw2_ref, fg2, fb2, fw3_ref, fb3, o_ref):
        a = a_ref[...]
        ff = f_ref[...]
        w1 = w1_ref[...]
        w1a = jnp.concatenate(
            [w1[0:3], jnp.zeros((5, 256), jnp.float32)], axis=0)
        w1b = w1[3:259]
        h = jnp.dot(a, w1a, preferred_element_type=jnp.float32) + jnp.dot(
            ff, w1b, preferred_element_type=jnp.float32)
        h = _bn_relu(h, g1, b1)
        h = _bn_relu(jnp.dot(h, w2_ref[...],
                             preferred_element_type=jnp.float32), g2, b2)
        h = _bn_relu(jnp.dot(h, w3_ref[...],
                             preferred_element_type=jnp.float32), g3, b3)
        feats = jnp.max(h.reshape(B, S, 1024), axis=1)
        u = _bn_relu(jnp.dot(feats, fw1_ref[...],
                             preferred_element_type=jnp.float32), fg1, fb1)
        u = _bn_relu(jnp.dot(u, fw2_ref[...],
                             preferred_element_type=jnp.float32), fg2, fb2)
        o_ref[...] = jnp.dot(u, fw3_ref[...],
                             preferred_element_type=jnp.float32) + fb3[...]

    return pl.pallas_call(
        body,
        out_shape=jax.ShapeDtypeStruct((B, 40), jnp.float32),
    )


def _stack_pad(gx, gy, gz):
    x = jnp.stack([gx, gy, gz], axis=-1).reshape(-1, 3)
    return jnp.pad(x, ((0, 0), (0, 5)))


def kernel(pointcloud, params):
    B, N, _ = pointcloud.shape
    px = pointcloud[:, :, 0]
    py = pointcloud[:, :, 1]
    pz = pointcloud[:, :, 2]

    p1, p2, p3, fc = params['sa1'], params['sa2'], params['sa3'], params['fc']
    r2 = lambda v: v.reshape(1, -1)

    cx1, cy1, cz1 = _fps_tc(B, N, 512)(px, py, pz)
    cx2, cy2, cz2 = _fps_tc(B, 512, 128)(cx1, cy1, cz1)
    xg = _bq_sc(B, N, 512, 64, 0.2)(px, py, pz, cx1, cy1, cz1)
    if isinstance(xg, (list, tuple)):
        xg, = xg
    f1 = _mlp1_tc(B, 512, 64)(
        xg.reshape(B * 512 * 64, 8),
        p1['W'][0], r2(p1['g'][0]), r2(p1['b'][0]),
        p1['W'][1], r2(p1['g'][1]), r2(p1['b'][1]),
        p1['W'][2], r2(p1['g'][2]), r2(p1['b'][2]),
    )
    f1r = f1.reshape(B, 512, 128)

    xg2, gf = _bq_sc(B, 512, 128, 64, 0.4, feat_dim=128)(
        cx1, cy1, cz1, cx2, cy2, cz2, f1r)
    f2 = _mlp2_tc(B, 128, 64)(
        xg2.reshape(B * 128 * 64, 8), gf.reshape(-1, 128),
        p2['W'][0], r2(p2['g'][0]), r2(p2['b'][0]),
        p2['W'][1], r2(p2['g'][1]), r2(p2['b'][1]),
        p2['W'][2], r2(p2['g'][2]), r2(p2['b'][2]),
    )

    out = _sa3_fc_tc(B, 128)(
        _stack_pad(cx2, cy2, cz2), f2,
        p3['W'][0], r2(p3['g'][0]), r2(p3['b'][0]),
        p3['W'][1], r2(p3['g'][1]), r2(p3['b'][1]),
        p3['W'][2], r2(p3['g'][2]), r2(p3['b'][2]),
        fc['W1'], r2(fc['g1']), r2(fc['b1']),
        fc['W2'], r2(fc['g2']), r2(fc['b2']),
        fc['W3'], r2(fc['b3']),
    )
    return out

# --- scband reference (transcript-rebuilt; emitter-appended) ---
"""Pipeline reference for scband-point-net-ssg-plus-plus-14336600834839 (READ-ONLY COPY).

The authoritative reference and input builder live on the scoring server;
editing this copy changes nothing except your own understanding.
"""

import jax, jax.numpy as jnp
import numpy as np

B, N, CLS = 32, 2048, 40


def _w(k, i, o):
    return jax.random.normal(k, (i, o), jnp.float32) * 0.02


def _mlp_params(keys, dims):
    Ws = [_w(keys[j], dims[j], dims[j + 1]) for j in range(len(dims) - 1)]
    gs = [jnp.ones((d,), jnp.float32) for d in dims[1:]]
    bs = [jnp.zeros((d,), jnp.float32) for d in dims[1:]]
    return {'W': Ws, 'g': gs, 'b': bs}


def setup_inputs(seed: int = 0):
    key = jax.random.key(seed)
    ks = jax.random.split(key, 8)
    pointcloud = jax.random.uniform(ks[0], (B, N, 3), dtype=jnp.float32)
    k1 = jax.random.split(ks[1], 3)
    k2 = jax.random.split(ks[2], 3)
    k3 = jax.random.split(ks[3], 3)
    params = {
        'sa1': _mlp_params(k1, [3, 64, 64, 128]),
        'sa2': _mlp_params(k2, [131, 128, 128, 256]),
        'sa3': _mlp_params(k3, [259, 256, 512, 1024]),
        'fc': {
            'W1': _w(ks[4], 1024, 512), 'g1': jnp.ones((512,), jnp.float32), 'b1': jnp.zeros((512,), jnp.float32),
            'W2': _w(ks[5], 512, 256), 'g2': jnp.ones((256,), jnp.float32), 'b2': jnp.zeros((256,), jnp.float32),
            'W3': _w(ks[6], 256, CLS), 'b3': jnp.zeros((CLS,), jnp.float32),
        },
    }
    return {'pointcloud': pointcloud, 'params': params}


def _bn(x, g, b):
    # eval-mode BatchNorm: running_mean=0, running_var=1, eps=1e-5
    return x * (g / jnp.sqrt(1.0 + 1e-5)) + b


def _mlp(x, p):
    for W, g, b in zip(p['W'], p['g'], p['b']):
        x = jax.nn.relu(_bn(x @ W, g, b))
    return x


def _fps(xyz, npoint):
    n = xyz.shape[0]
    def body(i, state):
        dists, farthest, idxs = state
        idxs = idxs.at[i].set(farthest)
        d = jnp.sum((xyz - xyz[farthest]) ** 2, axis=-1)
        dists = jnp.minimum(dists, d)
        return (dists, jnp.argmax(dists).astype(jnp.int32), idxs)
    state = (jnp.full((n,), 1e10, jnp.float32), jnp.array(0, jnp.int32), jnp.zeros((npoint,), jnp.int32))
    state = jax.lax.fori_loop(0, npoint, body, state)
    return state[2]


def _ball_query(radius, nsample, xyz, new_xyz):
    n = xyz.shape[0]
    s = new_xyz.shape[0]
    sqr = jnp.sum((new_xyz[:, None, :] - xyz[None, :, :]) ** 2, axis=-1)
    gidx = jnp.broadcast_to(jnp.arange(n, dtype=jnp.int32), (s, n))
    gidx = jnp.where(sqr > radius * radius, n, gidx)
    gidx = jnp.sort(gidx, axis=-1)[:, :nsample]
    first = gidx[:, :1]
    gidx = jnp.where(gidx == n, first, gidx)
    return gidx


def _sa(xyz, feats, npoint, radius, nsample, p):
    fidx = _fps(xyz, npoint)
    new_xyz = xyz[fidx]
    gidx = _ball_query(radius, nsample, xyz, new_xyz)
    grouped_xyz = xyz[gidx] - new_xyz[:, None, :]
    if feats is not None:
        x = jnp.concatenate([grouped_xyz, feats[gidx]], axis=-1)
    else:
        x = grouped_xyz
    x = _mlp(x, p)
    return new_xyz, jnp.max(x, axis=1)


def _sa_all(xyz, feats, p):
    x = jnp.concatenate([xyz, feats], axis=-1)
    x = _mlp(x, p)
    return jnp.max(x, axis=0)


def _forward(pointcloud, params):
    def single(pc):
        xyz = pc[:, 0:3]
        xyz1, f1 = _sa(xyz, None, 512, 0.2, 64, params['sa1'])
        xyz2, f2 = _sa(xyz1, f1, 128, 0.4, 64, params['sa2'])
        return _sa_all(xyz2, f2, params['sa3'])
    feats = jax.vmap(single)(pointcloud)
    fc = params['fc']
    x = jax.nn.relu(_bn(feats @ fc['W1'], fc['g1'], fc['b1']))
    x = jax.nn.relu(_bn(x @ fc['W2'], fc['g2'], fc['b2']))
    # Dropout is identity at inference
    return x @ fc['W3'] + fc['b3']


def reference(pointcloud, params):
    return _forward(pointcloud, params)

if __name__ == "__main__":
    import jax
    _d = setup_inputs()
    print(jax.jit(kernel)(*tuple(_d.values())))

</pallas_src>

<mosaic_0001>
#map = affine_map<(d0, d1) -> (0, 0)>
module attributes {stable_mosaic.version = 14 : i64} {
  func.func @body(%arg0: i32, %arg1: i32, %arg2: memref<32x2048xf32, #tpu.memory_space<hbm>>, %arg3: memref<32x2048xf32, #tpu.memory_space<hbm>>, %arg4: memref<32x2048xf32, #tpu.memory_space<hbm>>, %arg5: memref<32x512xf32, #tpu.memory_space<hbm>>, %arg6: memref<32x512xf32, #tpu.memory_space<hbm>>, %arg7: memref<32x512xf32, #tpu.memory_space<hbm>>, %arg8: memref<32x262144xf32, #tpu.memory_space<hbm>>, %arg9: memref<2048xf32, #tpu.memory_space<vmem>>, %arg10: memref<2048xf32, #tpu.memory_space<vmem>>, %arg11: memref<2048xf32, #tpu.memory_space<vmem>>, %arg12: memref<512xf32, #tpu.memory_space<vmem>>, %arg13: memref<512xf32, #tpu.memory_space<vmem>>, %arg14: memref<512xf32, #tpu.memory_space<vmem>>, %arg15: memref<65536xf32, #tpu.memory_space<vmem>>, %arg16: memref<8192xi32, #tpu.memory_space<vmem>>) attributes {dimension_semantics = [#tpu.dimension_semantics<core_parallel>, #tpu.dimension_semantics<subcore_parallel>], iteration_bounds = array<i64: 2, 16>, scalar_prefetch = 0 : i64, scratch_operands = 8 : i64, tpu.core_type = #tpu.core_type<sc_vector_subcore>, window_params = [{transform_indices = #map}, {transform_indices = #map}, {transform_indices = #map}, {transform_indices = #map}, {transform_indices = #map}, {transform_indices = #map}, {transform_indices = #map}]} {
    %mul3A = arith.constant 2 : i32
    %mul3A_0 = arith.muli %arg1, %mul3A : i32
    %add3A = arith.addi %mul3A_0, %arg0 : i32
    "tpu.region"() ({
      %run_scoped3A = tpu.sem_alloc : memref<!tpu.dma_semaphore, #tpu.memory_space<semaphore_mem>>
      %dma_start3A = arith.constant 0 : i32
      %dma_start3A_15 = tpu.memref_slice %arg2[%add3A, %dma_start3A] : memref<32x2048xf32, #tpu.memory_space<hbm>> -> memref<1x2048xf32, #tpu.memory_space<hbm>>
      %dma_start3A_16 = tpu.memref_squeeze %dma_start3A_15 : memref<1x2048xf32, #tpu.memory_space<hbm>> -> memref<2048xf32, #tpu.memory_space<hbm>>
      %dma_start3A_17 = arith.constant 0 : i32
      %dma_start3A_18 = tpu.memref_slice %arg2[%add3A, %dma_start3A_17] : memref<32x2048xf32, #tpu.memory_space<hbm>> -> memref<1x2048xf32, #tpu.memory_space<hbm>>
      %dma_start3A_19 = tpu.memref_squeeze %dma_start3A_18 : memref<1x2048xf32, #tpu.memory_space<hbm>> -> memref<2048xf32, #tpu.memory_space<hbm>>
      tpu.enqueue_dma source(%dma_start3A_19 : memref<2048xf32, #tpu.memory_space<hbm>>) target(%arg9 : memref<2048xf32, #tpu.memory_space<vmem>>) target_semaphore(%run_scoped3A : memref<!tpu.dma_semaphore, #tpu.memory_space<semaphore_mem>>)
      %dma_wait3A = arith.constant 0 : i32
      %dma_wait3A_20 = tpu.memref_slice %arg2[%add3A, %dma_wait3A] : memref<32x2048xf32, #tpu.memory_space<hbm>> -> memref<1x2048xf32, #tpu.memory_space<hbm>>
      %dma_wait3A_21 = tpu.memref_squeeze %dma_wait3A_20 : memref<1x2048xf32, #tpu.memory_space<hbm>> -> memref<2048xf32, #tpu.memory_space<hbm>>
      %dma_wait3A_22 = arith.constant 0 : i32
      %dma_wait3A_23 = tpu.memref_slice %arg2[%add3A, %dma_wait3A_22] : memref<32x2048xf32, #tpu.memory_space<hbm>> -> memref<1x2048xf32, #tpu.memory_space<hbm>>
      %dma_wait3A_24 = tpu.memref_squeeze %dma_wait3A_23 : memref<1x2048xf32, #tpu.memory_space<hbm>> -> memref<2048xf32, #tpu.memory_space<hbm>>
      tpu.wait_dma2 semaphore(%run_scoped3A : memref<!tpu.dma_semaphore, #tpu.memory_space<semaphore_mem>>) src(%dma_wait3A_24 : memref<2048xf32, #tpu.memory_space<hbm>>) dst(%arg9 : memref<2048xf32, #tpu.memory_space<vmem>>)
      tpu.yield
    }) : () -> ()
    "tpu.region"() ({
      %run_scoped3A = tpu.sem_alloc : memref<!tpu.dma_semaphore, #tpu.memory_space<semaphore_mem>>
      %dma_start3A = arith.constant 0 : i32
      %dma_start3A_15 = tpu.memref_slice %arg3[%add3A, %dma_start3A] : memref<32x2048xf32, #tpu.memory_space<hbm>> -> memref<1x2048xf32, #tpu.memory_space<hbm>>
      %dma_start3A_16 = tpu.memref_squeeze %dma_start3A_15 : memref<1x2048xf32, #tpu.memory_space<hbm>> -> memref<2048xf32, #tpu.memory_space<hbm>>
      %dma_start3A_17 = arith.constant 0 : i32
      %dma_start3A_18 = tpu.memref_slice %arg3[%add3A, %dma_start3A_17] : memref<32x2048xf32, #tpu.memory_space<hbm>> -> memref<1x2048xf32, #tpu.memory_space<hbm>>
      %dma_start3A_19 = tpu.memref_squeeze %dma_start3A_18 : memref<1x2048xf32, #tpu.memory_space<hbm>> -> memref<2048xf32, #tpu.memory_space<hbm>>
      tpu.enqueue_dma source(%dma_start3A_19 : memref<2048xf32, #tpu.memory_space<hbm>>) target(%arg10 : memref<2048xf32, #tpu.memory_space<vmem>>) target_semaphore(%run_scoped3A : memref<!tpu.dma_semaphore, #tpu.memory_space<semaphore_mem>>)
      %dma_wait3A = arith.constant 0 : i32
      %dma_wait3A_20 = tpu.memref_slice %arg3[%add3A, %dma_wait3A] : memref<32x2048xf32, #tpu.memory_space<hbm>> -> memref<1x2048xf32, #tpu.memory_space<hbm>>
      %dma_wait3A_21 = tpu.memref_squeeze %dma_wait3A_20 : memref<1x2048xf32, #tpu.memory_space<hbm>> -> memref<2048xf32, #tpu.memory_space<hbm>>
      %dma_wait3A_22 = arith.constant 0 : i32
      %dma_wait3A_23 = tpu.memref_slice %arg3[%add3A, %dma_wait3A_22] : memref<32x2048xf32, #tpu.memory_space<hbm>> -> memref<1x2048xf32, #tpu.memory_space<hbm>>
      %dma_wait3A_24 = tpu.memref_squeeze %dma_wait3A_23 : memref<1x2048xf32, #tpu.memory_space<hbm>> -> memref<2048xf32, #tpu.memory_space<hbm>>
      tpu.wait_dma2 semaphore(%run_scoped3A : memref<!tpu.dma_semaphore, #tpu.memory_space<semaphore_mem>>) src(%dma_wait3A_24 : memref<2048xf32, #tpu.memory_space<hbm>>) dst(%arg10 : memref<2048xf32, #tpu.memory_space<vmem>>)
      tpu.yield
    }) : () -> ()
    "tpu.region"() ({
      %run_scoped3A = tpu.sem_alloc : memref<!tpu.dma_semaphore, #tpu.memory_space<semaphore_mem>>
      %dma_start3A = arith.constant 0 : i32
      %dma_start3A_15 = tpu.memref_slice %arg4[%add3A, %dma_start3A] : memref<32x2048xf32, #tpu.memory_space<hbm>> -> memref<1x2048xf32, #tpu.memory_space<hbm>>
      %dma_start3A_16 = tpu.memref_squeeze %dma_start3A_15 : memref<1x2048xf32, #tpu.memory_space<hbm>> -> memref<2048xf32, #tpu.memory_space<hbm>>
      %dma_start3A_17 = arith.constant 0 : i32
      %dma_start3A_18 = tpu.memref_slice %arg4[%add3A, %dma_start3A_17] : memref<32x2048xf32, #tpu.memory_space<hbm>> -> memref<1x2048xf32, #tpu.memory_space<hbm>>
      %dma_start3A_19 = tpu.memref_squeeze %dma_start3A_18 : memref<1x2048xf32, #tpu.memory_space<hbm>> -> memref<2048xf32, #tpu.memory_space<hbm>>
      tpu.enqueue_dma source(%dma_start3A_19 : memref<2048xf32, #tpu.memory_space<hbm>>) target(%arg11 : memref<2048xf32, #tpu.memory_space<vmem>>) target_semaphore(%run_scoped3A : memref<!tpu.dma_semaphore, #tpu.memory_space<semaphore_mem>>)
      %dma_wait3A = arith.constant 0 : i32
      %dma_wait3A_20 = tpu.memref_slice %arg4[%add3A, %dma_wait3A] : memref<32x2048xf32, #tpu.memory_space<hbm>> -> memref<1x2048xf32, #tpu.memory_space<hbm>>
      %dma_wait3A_21 = tpu.memref_squeeze %dma_wait3A_20 : memref<1x2048xf32, #tpu.memory_space<hbm>> -> memref<2048xf32, #tpu.memory_space<hbm>>
      %dma_wait3A_22 = arith.constant 0 : i32
      %dma_wait3A_23 = tpu.memref_slice %arg4[%add3A, %dma_wait3A_22] : memref<32x2048xf32, #tpu.memory_space<hbm>> -> memref<1x2048xf32, #tpu.memory_space<hbm>>
      %dma_wait3A_24 = tpu.memref_squeeze %dma_wait3A_23 : memref<1x2048xf32, #tpu.memory_space<hbm>> -> memref<2048xf32, #tpu.memory_space<hbm>>
      tpu.wait_dma2 semaphore(%run_scoped3A : memref<!tpu.dma_semaphore, #tpu.memory_space<semaphore_mem>>) src(%dma_wait3A_24 : memref<2048xf32, #tpu.memory_space<hbm>>) dst(%arg11 : memref<2048xf32, #tpu.memory_space<vmem>>)
      tpu.yield
    }) : () -> ()
    "tpu.region"() ({
      %run_scoped3A = tpu.sem_alloc : memref<!tpu.dma_semaphore, #tpu.memory_space<semaphore_mem>>
      %dma_start3A = arith.constant 0 : i32
      %dma_start3A_15 = tpu.memref_slice %arg5[%add3A, %dma_start3A] : memref<32x512xf32, #tpu.memory_space<hbm>> -> memref<1x512xf32, #tpu.memory_space<hbm>>
      %dma_start3A_16 = tpu.memref_squeeze %dma_start3A_15 : memref<1x512xf32, #tpu.memory_space<hbm>> -> memref<512xf32, #tpu.memory_space<hbm>>
      %dma_start3A_17 = arith.constant 0 : i32
      %dma_start3A_18 = tpu.memref_slice %arg5[%add3A, %dma_start3A_17] : memref<32x512xf32, #tpu.memory_space<hbm>> -> memref<1x512xf32, #tpu.memory_space<hbm>>
      %dma_start3A_19 = tpu.memref_squeeze %dma_start3A_18 : memref<1x512xf32, #tpu.memory_space<hbm>> -> memref<512xf32, #tpu.memory_space<hbm>>
      tpu.enqueue_dma source(%dma_start3A_19 : memref<512xf32, #tpu.memory_space<hbm>>) target(%arg12 : memref<512xf32, #tpu.memory_space<vmem>>) target_semaphore(%run_scoped3A : memref<!tpu.dma_semaphore, #tpu.memory_space<semaphore_mem>>)
      %dma_wait3A = arith.constant 0 : i32
      %dma_wait3A_20 = tpu.memref_slice %arg5[%add3A, %dma_wait3A] : memref<32x512xf32, #tpu.memory_space<hbm>> -> memref<1x512xf32, #tpu.memory_space<hbm>>
      %dma_wait3A_21 = tpu.memref_squeeze %dma_wait3A_20 : memref<1x512xf32, #tpu.memory_space<hbm>> -> memref<512xf32, #tpu.memory_space<hbm>>
      %dma_wait3A_22 = arith.constant 0 : i32
      %dma_wait3A_23 = tpu.memref_slice %arg5[%add3A, %dma_wait3A_22] : memref<32x512xf32, #tpu.memory_space<hbm>> -> memref<1x512xf32, #tpu.memory_space<hbm>>
      %dma_wait3A_24 = tpu.memref_squeeze %dma_wait3A_23 : memref<1x512xf32, #tpu.memory_space<hbm>> -> memref<512xf32, #tpu.memory_space<hbm>>
      tpu.wait_dma2 semaphore(%run_scoped3A : memref<!tpu.dma_semaphore, #tpu.memory_space<semaphore_mem>>) src(%dma_wait3A_24 : memref<512xf32, #tpu.memory_space<hbm>>) dst(%arg12 : memref<512xf32, #tpu.memory_space<vmem>>)
      tpu.yield
    }) : () -> ()
    "tpu.region"() ({
      %run_scoped3A = tpu.sem_alloc : memref<!tpu.dma_semaphore, #tpu.memory_space<semaphore_mem>>
      %dma_start3A = arith.constant 0 : i32
      %dma_start3A_15 = tpu.memref_slice %arg6[%add3A, %dma_start3A] : memref<32x512xf32, #tpu.memory_space<hbm>> -> memref<1x512xf32, #tpu.memory_space<hbm>>
      %dma_start3A_16 = tpu.memref_squeeze %dma_start3A_15 : memref<1x512xf32, #tpu.memory_space<hbm>> -> memref<512xf32, #tpu.memory_space<hbm>>
      %dma_start3A_17 = arith.constant 0 : i32
      %dma_start3A_18 = tpu.memref_slice %arg6[%add3A, %dma_start3A_17] : memref<32x512xf32, #tpu.memory_space<hbm>> -> memref<1x512xf32, #tpu.memory_space<hbm>>
      %dma_start3A_19 = tpu.memref_squeeze %dma_start3A_18 : memref<1x512xf32, #tpu.memory_space<hbm>> -> memref<512xf32, #tpu.memory_space<hbm>>
      tpu.enqueue_dma source(%dma_start3A_19 : memref<512xf32, #tpu.memory_space<hbm>>) target(%arg13 : memref<512xf32, #tpu.memory_space<vmem>>) target_semaphore(%run_scoped3A : memref<!tpu.dma_semaphore, #tpu.memory_space<semaphore_mem>>)
      %dma_wait3A = arith.constant 0 : i32
      %dma_wait3A_20 = tpu.memref_slice %arg6[%add3A, %dma_wait3A] : memref<32x512xf32, #tpu.memory_space<hbm>> -> memref<1x512xf32, #tpu.memory_space<hbm>>
      %dma_wait3A_21 = tpu.memref_squeeze %dma_wait3A_20 : memref<1x512xf32, #tpu.memory_space<hbm>> -> memref<512xf32, #tpu.memory_space<hbm>>
      %dma_wait3A_22 = arith.constant 0 : i32
      %dma_wait3A_23 = tpu.memref_slice %arg6[%add3A, %dma_wait3A_22] : memref<32x512xf32, #tpu.memory_space<hbm>> -> memref<1x512xf32, #tpu.memory_space<hbm>>
      %dma_wait3A_24 = tpu.memref_squeeze %dma_wait3A_23 : memref<1x512xf32, #tpu.memory_space<hbm>> -> memref<512xf32, #tpu.memory_space<hbm>>
      tpu.wait_dma2 semaphore(%run_scoped3A : memref<!tpu.dma_semaphore, #tpu.memory_space<semaphore_mem>>) src(%dma_wait3A_24 : memref<512xf32, #tpu.memory_space<hbm>>) dst(%arg13 : memref<512xf32, #tpu.memory_space<vmem>>)
      tpu.yield
    }) : () -> ()
    "tpu.region"() ({
      %run_scoped3A = tpu.sem_alloc : memref<!tpu.dma_semaphore, #tpu.memory_space<semaphore_mem>>
      %dma_start3A = arith.constant 0 : i32
      %dma_start3A_15 = tpu.memref_slice %arg7[%add3A, %dma_start3A] : memref<32x512xf32, #tpu.memory_space<hbm>> -> memref<1x512xf32, #tpu.memory_space<hbm>>
      %dma_start3A_16 = tpu.memref_squeeze %dma_start3A_15 : memref<1x512xf32, #tpu.memory_space<hbm>> -> memref<512xf32, #tpu.memory_space<hbm>>
      %dma_start3A_17 = arith.constant 0 : i32
      %dma_start3A_18 = tpu.memref_slice %arg7[%add3A, %dma_start3A_17] : memref<32x512xf32, #tpu.memory_space<hbm>> -> memref<1x512xf32, #tpu.memory_space<hbm>>
      %dma_start3A_19 = tpu.memref_squeeze %dma_start3A_18 : memref<1x512xf32, #tpu.memory_space<hbm>> -> memref<512xf32, #tpu.memory_space<hbm>>
      tpu.enqueue_dma source(%dma_start3A_19 : memref<512xf32, #tpu.memory_space<hbm>>) target(%arg14 : memref<512xf32, #tpu.memory_space<vmem>>) target_semaphore(%run_scoped3A : memref<!tpu.dma_semaphore, #tpu.memory_space<semaphore_mem>>)
      %dma_wait3A = arith.constant 0 : i32
      %dma_wait3A_20 = tpu.memref_slice %arg7[%add3A, %dma_wait3A] : memref<32x512xf32, #tpu.memory_space<hbm>> -> memref<1x512xf32, #tpu.memory_space<hbm>>
      %dma_wait3A_21 = tpu.memref_squeeze %dma_wait3A_20 : memref<1x512xf32, #tpu.memory_space<hbm>> -> memref<512xf32, #tpu.memory_space<hbm>>
      %dma_wait3A_22 = arith.constant 0 : i32
      %dma_wait3A_23 = tpu.memref_slice %arg7[%add3A, %dma_wait3A_22] : memref<32x512xf32, #tpu.memory_space<hbm>> -> memref<1x512xf32, #tpu.memory_space<hbm>>
      %dma_wait3A_24 = tpu.memref_squeeze %dma_wait3A_23 : memref<1x512xf32, #tpu.memory_space<hbm>> -> memref<512xf32, #tpu.memory_space<hbm>>
      tpu.wait_dma2 semaphore(%run_scoped3A : memref<!tpu.dma_semaphore, #tpu.memory_space<semaphore_mem>>) src(%dma_wait3A_24 : memref<512xf32, #tpu.memory_space<hbm>>) dst(%arg14 : memref<512xf32, #tpu.memory_space<vmem>>)
      tpu.yield
    }) : () -> ()
    %iota3A = tpu.iota {dimensions = array<i32: 0>} : vector<16xi32>
    %broadcast_in_dim3A = arith.constant 0.000000e+00 : f32
    %broadcast_in_dim3A_1 = vector.broadcast %broadcast_in_dim3A : f32 to vector<16xf32>
    %broadcast_in_dim3A_2 = arith.constant 1 : i32
    %broadcast_in_dim3A_3 = vector.broadcast %broadcast_in_dim3A_2 : i32 to vector<16xi32>
    %scan3A = arith.constant 0 : i32
    %scan3A_4 = arith.constant 0 : i32
    %scan3A_5 = arith.constant 4096 : i32
    %scan3A_6 = arith.addi %scan3A_4, %scan3A_5 : i32
    %scan3A_7 = arith.constant 1 : i32
    scf.for %scan3A_15 = %scan3A_4 to %scan3A_6 step %scan3A_7  : i32 {
      %mul3A_16 = arith.constant 16 : i32
      %mul3A_17 = arith.muli %scan3A_15, %mul3A_16 : i32
      %swap3A = arith.index_cast %mul3A_17 : i32 to index
      %swap3A_18 = tpu.vector_load %arg15[%swap3A] {strides = array<i32>} : memref<65536xf32, #tpu.memory_space<vmem>>, vector<16xf32>,
      tpu.vector_store %arg15[%swap3A], %broadcast_in_dim3A_1 {strides = array<i32>} : memref<65536xf32, #tpu.memory_space<vmem>>, vector<16xf32>,
    }
    %scan3A_8 = arith.constant 4096 : i32
    %scan3A_9 = arith.constant 0 : i32
    %scan3A_10 = arith.constant 0 : i32
    %scan3A_11 = arith.constant 4 : i32
    %scan3A_12 = arith.addi %scan3A_10, %scan3A_11 : i32
    %scan3A_13 = arith.constant 1 : i32
    scf.for %scan3A_15 = %scan3A_10 to %scan3A_12 step %scan3A_13  : i32 {
      %mul3A_16 = arith.constant 128 : i32
      %mul3A_17 = arith.muli %scan3A_15, %mul3A_16 : i32
      %scan3A_18 = arith.constant 0 : i32
      %scan3A_19 = arith.constant 0 : i32
      %scan3A_20 = arith.constant 16 : i32
      %scan3A_21 = arith.addi %scan3A_19, %scan3A_20 : i32
      %scan3A_22 = arith.constant 1 : i32
      scf.for %scan3A_28 = %scan3A_19 to %scan3A_21 step %scan3A_22  : i32 {
        %mul3A_29 = arith.constant 8 : i32
        %mul3A_30 = arith.muli %scan3A_28, %mul3A_29 : i32
        %broadcast_in_dim3A_31 = arith.constant 0 : i32
        %broadcast_in_dim3A_32 = vector.broadcast %broadcast_in_dim3A_31 : i32 to vector<16xi32>
        %add3A_33 = arith.addi %mul3A_17, %mul3A_30 : i32
        %add3A_34 = arith.constant 0 : i32
        %add3A_35 = arith.addi %add3A_33, %add3A_34 : i32
        %add3A_36 = vector.broadcast %add3A_35 : i32 to vector<16xi32>
        %add3A_37 = arith.addi %broadcast_in_dim3A_32, %add3A_36 : vector<16xi32>
        %gather3A = tpu.vector_load_idx %arg12[%add3A_37] : memref<512xf32, #tpu.memory_space<vmem>>[vector<16xi32>], vector<16xf32>,
        %gather3A_38 = tpu.vector_load_idx %arg13[%add3A_37] : memref<512xf32, #tpu.memory_space<vmem>>[vector<16xi32>], vector<16xf32>,
        %gather3A_39 = tpu.vector_load_idx %arg14[%add3A_37] : memref<512xf32, #tpu.memory_space<vmem>>[vector<16xi32>], vector<16xf32>,
        %broadcast_in_dim3A_40 = arith.constant 0 : i32
        %broadcast_in_dim3A_41 = vector.broadcast %broadcast_in_dim3A_40 : i32 to vector<16xi32>
        %add3A_42 = arith.constant 0 : i32
        %add3A_43 = arith.addi %mul3A_30, %add3A_42 : i32
        %mul3A_44 = arith.constant 64 : i32
        %mul3A_45 = arith.muli %add3A_43, %mul3A_44 : i32
        %add3A_46 = vector.broadcast %mul3A_45 : i32 to vector<16xi32>
        %add3A_47 = arith.addi %broadcast_in_dim3A_41, %add3A_46 : vector<16xi32>
        %sub3A = arith.constant 1 : i32
        %sub3A_48 = vector.broadcast %sub3A : i32 to vector<16xi32>
        %sub3A_49 = arith.subi %add3A_47, %sub3A_48 : vector<16xi32>
        %add3A_50 = arith.constant 64 : i32
        %add3A_51 = vector.broadcast %add3A_50 : i32 to vector<16xi32>
        %add3A_52 = arith.addi %add3A_47, %add3A_51 : vector<16xi32>
        %broadcast_in_dim3A_53 = arith.constant 0 : i32
        %broadcast_in_dim3A_54 = vector.broadcast %broadcast_in_dim3A_53 : i32 to vector<16xi32>
        %add3A_55 = arith.addi %mul3A_17, %mul3A_30 : i32
        %add3A_56 = arith.constant 1 : i32
        %add3A_57 = arith.addi %add3A_55, %add3A_56 : i32
        %add3A_58 = vector.broadcast %add3A_57 : i32 to vector<16xi32>
        %add3A_59 = arith.addi %broadcast_in_dim3A_54, %add3A_58 : vector<16xi32>
        %gather3A_60 = tpu.vector_load_idx %arg12[%add3A_59] : memref<512xf32, #tpu.memory_space<vmem>>[vector<16xi32>], vector<16xf32>,
        %gather3A_61 = tpu.vector_load_idx %arg13[%add3A_59] : memref<512xf32, #tpu.memory_space<vmem>>[vector<16xi32>], vector<16xf32>,
        %gather3A_62 = tpu.vector_load_idx %arg14[%add3A_59] : memref<512xf32, #tpu.memory_space<vmem>>[vector<16xi32>], vector<16xf32>,
        %broadcast_in_dim3A_63 = arith.constant 0 : i32
        %broadcast_in_dim3A_64 = vector.broadcast %broadcast_in_dim3A_63 : i32 to vector<16xi32>
        %add3A_65 = arith.constant 1 : i32
        %add3A_66 = arith.addi %mul3A_30, %add3A_65 : i32
        %mul3A_67 = arith.constant 64 : i32
        %mul3A_68 = arith.muli %add3A_66, %mul3A_67 : i32
        %add3A_69 = vector.broadcast %mul3A_68 : i32 to vector<16xi32>
        %add3A_70 = arith.addi %broadcast_in_dim3A_64, %add3A_69 : vector<16xi32>
        %sub3A_71 = arith.constant 1 : i32
        %sub3A_72 = vector.broadcast %sub3A_71 : i32 to vector<16xi32>
        %sub3A_73 = arith.subi %add3A_70, %sub3A_72 : vector<16xi32>
        %add3A_74 = arith.constant 64 : i32
        %add3A_75 = vector.broadcast %add3A_74 : i32 to vector<16xi32>
        %add3A_76 = arith.addi %add3A_70, %add3A_75 : vector<16xi32>
        %broadcast_in_dim3A_77 = arith.constant 0 : i32
        %broadcast_in_dim3A_78 = vector.broadcast %broadcast_in_dim3A_77 : i32 to vector<16xi32>
        %add3A_79 = arith.addi %mul3A_17, %mul3A_30 : i32
        %add3A_80 = arith.constant 2 : i32
        %add3A_81 = arith.addi %add3A_79, %add3A_80 : i32
        %add3A_82 = vector.broadcast %add3A_81 : i32 to vector<16xi32>
        %add3A_83 = arith.addi %broadcast_in_dim3A_78, %add3A_82 : vector<16xi32>
        %gather3A_84 = tpu.vector_load_idx %arg12[%add3A_83] : memref<512xf32, #tpu.memory_space<vmem>>[vector<16xi32>], vector<16xf32>,
        %gather3A_85 = tpu.vector_load_idx %arg13[%add3A_83] : memref<512xf32, #tpu.memory_space<vmem>>[vector<16xi32>], vector<16xf32>,
        %gather3A_86 = tpu.vector_load_idx %arg14[%add3A_83] : memref<512xf32, #tpu.memory_space<vmem>>[vector<16xi32>], vector<16xf32>,
        %broadcast_in_dim3A_87 = arith.constant 0 : i32
        %broadcast_in_dim3A_88 = vector.broadcast %broadcast_in_dim3A_87 : i32 to vector<16xi32>
        %add3A_89 = arith.constant 2 : i32
        %add3A_90 = arith.addi %mul3A_30, %add3A_89 : i32
        %mul3A_91 = arith.constant 64 : i32
        %mul3A_92 = arith.muli %add3A_90, %mul3A_91 : i32
        %add3A_93 = vector.broadcast %mul3A_92 : i32 to vector<16xi32>
        %add3A_94 = arith.addi %broadcast_in_dim3A_88, %add3A_93 : vector<16xi32>
        %sub3A_95 = arith.constant 1 : i32
        %sub3A_96 = vector.broadcast %sub3A_95 : i32 to vector<16xi32>
        %sub3A_97 = arith.subi %add3A_94, %sub3A_96 : vector<16xi32>
        %add3A_98 = arith.constant 64 : i32
        %add3A_99 = vector.broadcast %add3A_98 : i32 to vector<16xi32>
        %add3A_100 = arith.addi %add3A_94, %add3A_99 : vector<16xi32>
        %broadcast_in_dim3A_101 = arith.constant 0 : i32
        %broadcast_in_dim3A_102 = vector.broadcast %broadcast_in_dim3A_101 : i32 to vector<16xi32>
        %add3A_103 = arith.addi %mul3A_17, %mul3A_30 : i32
        %add3A_104 = arith.constant 3 : i32
        %add3A_105 = arith.addi %add3A_103, %add3A_104 : i32
        %add3A_106 = vector.broadcast %add3A_105 : i32 to vector<16xi32>
        %add3A_107 = arith.addi %broadcast_in_dim3A_102, %add3A_106 : vector<16xi32>
        %gather3A_108 = tpu.vector_load_idx %arg12[%add3A_107] : memref<512xf32, #tpu.memory_space<vmem>>[vector<16xi32>], vector<16xf32>,
        %gather3A_109 = tpu.vector_load_idx %arg13[%add3A_107] : memref<512xf32, #tpu.memory_space<vmem>>[vector<16xi32>], vector<16xf32>,
        %gather3A_110 = tpu.vector_load_idx %arg14[%add3A_107] : memref<512xf32, #tpu.memory_space<vmem>>[vector<16xi32>], vector<16xf32>,
        %broadcast_in_dim3A_111 = arith.constant 0 : i32
        %broadcast_in_dim3A_112 = vector.broadcast %broadcast_in_dim3A_111 : i32 to vector<16xi32>
        %add3A_113 = arith.constant 3 : i32
        %add3A_114 = arith.addi %mul3A_30, %add3A_113 : i32
        %mul3A_115 = arith.constant 64 : i32
        %mul3A_116 = arith.muli %add3A_114, %mul3A_115 : i32
        %add3A_117 = vector.broadcast %mul3A_116 : i32 to vector<16xi32>
        %add3A_118 = arith.addi %broadcast_in_dim3A_112, %add3A_117 : vector<16xi32>
        %sub3A_119 = arith.constant 1 : i32
        %sub3A_120 = vector.broadcast %sub3A_119 : i32 to vector<16xi32>
        %sub3A_121 = arith.subi %add3A_118, %sub3A_120 : vector<16xi32>
        %add3A_122 = arith.constant 64 : i32
        %add3A_123 = vector.broadcast %add3A_122 : i32 to vector<16xi32>
        %add3A_124 = arith.addi %add3A_118, %add3A_123 : vector<16xi32>
        %broadcast_in_dim3A_125 = arith.constant 0 : i32
        %broadcast_in_dim3A_126 = vector.broadcast %broadcast_in_dim3A_125 : i32 to vector<16xi32>
        %add3A_127 = arith.addi %mul3A_17, %mul3A_30 : i32
        %add3A_128 = arith.constant 4 : i32
        %add3A_129 = arith.addi %add3A_127, %add3A_128 : i32
        %add3A_130 = vector.broadcast %add3A_129 : i32 to vector<16xi32>
        %add3A_131 = arith.addi %broadcast_in_dim3A_126, %add3A_130 : vector<16xi32>
        %gather3A_132 = tpu.vector_load_idx %arg12[%add3A_131] : memref<512xf32, #tpu.memory_space<vmem>>[vector<16xi32>], vector<16xf32>,
        %gather3A_133 = tpu.vector_load_idx %arg13[%add3A_131] : memref<512xf32, #tpu.memory_space<vmem>>[vector<16xi32>], vector<16xf32>,
        %gather3A_134 = tpu.vector_load_idx %arg14[%add3A_131] : memref<512xf32, #tpu.memory_space<vmem>>[vector<16xi32>], vector<16xf32>,
        %broadcast_in_dim3A_135 = arith.constant 0 : i32
        %broadcast_in_dim3A_136 = vector.broadcast %broadcast_in_dim3A_135 : i32 to vector<16xi32>
        %add3A_137 = arith.constant 4 : i32
        %add3A_138 = arith.addi %mul3A_30, %add3A_137 : i32
        %mul3A_139 = arith.constant 64 : i32
        %mul3A_140 = arith.muli %add3A_138, %mul3A_139 : i32
        %add3A_141 = vector.broadcast %mul3A_140 : i32 to vector<16xi32>
        %add3A_142 = arith.addi %broadcast_in_dim3A_136, %add3A_141 : vector<16xi32>
        %sub3A_143 = arith.constant 1 : i32
        %sub3A_144 = vector.broadcast %sub3A_143 : i32 to vector<16xi32>
        %sub3A_145 = arith.subi %add3A_142, %sub3A_144 : vector<16xi32>
        %add3A_146 = arith.constant 64 : i32
        %add3A_147 = vector.broadcast %add3A_146 : i32 to vector<16xi32>
        %add3A_148 = arith.addi %add3A_142, %add3A_147 : vector<16xi32>
        %broadcast_in_dim3A_149 = arith.constant 0 : i32
        %broadcast_in_dim3A_150 = vector.broadcast %broadcast_in_dim3A_149 : i32 to vector<16xi32>
        %add3A_151 = arith.addi %mul3A_17, %mul3A_30 : i32
        %add3A_152 = arith.constant 5 : i32
        %add3A_153 = arith.addi %add3A_151, %add3A_152 : i32
        %add3A_154 = vector.broadcast %add3A_153 : i32 to vector<16xi32>
        %add3A_155 = arith.addi %broadcast_in_dim3A_150, %add3A_154 : vector<16xi32>
        %gather3A_156 = tpu.vector_load_idx %arg12[%add3A_155] : memref<512xf32, #tpu.memory_space<vmem>>[vector<16xi32>], vector<16xf32>,
        %gather3A_157 = tpu.vector_load_idx %arg13[%add3A_155] : memref<512xf32, #tpu.memory_space<vmem>>[vector<16xi32>], vector<16xf32>,
        %gather3A_158 = tpu.vector_load_idx %arg14[%add3A_155] : memref<512xf32, #tpu.memory_space<vmem>>[vector<16xi32>], vector<16xf32>,
        %broadcast_in_dim3A_159 = arith.constant 0 : i32
        %broadcast_in_dim3A_160 = vector.broadcast %broadcast_in_dim3A_159 : i32 to vector<16xi32>
        %add3A_161 = arith.constant 5 : i32
        %add3A_162 = arith.addi %mul3A_30, %add3A_161 : i32
        %mul3A_163 = arith.constant 64 : i32
        %mul3A_164 = arith.muli %add3A_162, %mul3A_163 : i32
        %add3A_165 = vector.broadcast %mul3A_164 : i32 to vector<16xi32>
        %add3A_166 = arith.addi %broadcast_in_dim3A_160, %add3A_165 : vector<16xi32>
        %sub3A_167 = arith.constant 1 : i32
        %sub3A_168 = vector.broadcast %sub3A_167 : i32 to vector<16xi32>
        %sub3A_169 = arith.subi %add3A_166, %sub3A_168 : vector<16xi32>
        %add3A_170 = arith.constant 64 : i32
        %add3A_171 = vector.broadcast %add3A_170 : i32 to vector<16xi32>
        %add3A_172 = arith.addi %add3A_166, %add3A_171 : vector<16xi32>
        %broadcast_in_dim3A_173 = arith.constant 0 : i32
        %broadcast_in_dim3A_174 = vector.broadcast %broadcast_in_dim3A_173 : i32 to vector<16xi32>
        %add3A_175 = arith.addi %mul3A_17, %mul3A_30 : i32
        %add3A_176 = arith.constant 6 : i32
        %add3A_177 = arith.addi %add3A_175, %add3A_176 : i32
        %add3A_178 = vector.broadcast %add3A_177 : i32 to vector<16xi32>
        %add3A_179 = arith.addi %broadcast_in_dim3A_174, %add3A_178 : vector<16xi32>
        %gather3A_180 = tpu.vector_load_idx %arg12[%add3A_179] : memref<512xf32, #tpu.memory_space<vmem>>[vector<16xi32>], vector<16xf32>,
        %gather3A_181 = tpu.vector_load_idx %arg13[%add3A_179] : memref<512xf32, #tpu.memory_space<vmem>>[vector<16xi32>], vector<16xf32>,
        %gather3A_182 = tpu.vector_load_idx %arg14[%add3A_179] : memref<512xf32, #tpu.memory_space<vmem>>[vector<16xi32>], vector<16xf32>,
        %broadcast_in_dim3A_183 = arith.constant 0 : i32
        %broadcast_in_dim3A_184 = vector.broadcast %broadcast_in_dim3A_183 : i32 to vector<16xi32>
        %add3A_185 = arith.constant 6 : i32
        %add3A_186 = arith.addi %mul3A_30, %add3A_185 : i32
        %mul3A_187 = arith.constant 64 : i32
        %mul3A_188 = arith.muli %add3A_186, %mul3A_187 : i32
        %add3A_189 = vector.broadcast %mul3A_188 : i32 to vector<16xi32>
        %add3A_190 = arith.addi %broadcast_in_dim3A_184, %add3A_189 : vector<16xi32>
        %sub3A_191 = arith.constant 1 : i32
        %sub3A_192 = vector.broadcast %sub3A_191 : i32 to vector<16xi32>
        %sub3A_193 = arith.subi %add3A_190, %sub3A_192 : vector<16xi32>
        %add3A_194 = arith.constant 64 : i32
        %add3A_195 = vector.broadcast %add3A_194 : i32 to vector<16xi32>
        %add3A_196 = arith.addi %add3A_190, %add3A_195 : vector<16xi32>
        %broadcast_in_dim3A_197 = arith.constant 0 : i32
        %broadcast_in_dim3A_198 = vector.broadcast %broadcast_in_dim3A_197 : i32 to vector<16xi32>
        %add3A_199 = arith.addi %mul3A_17, %mul3A_30 : i32
        %add3A_200 = arith.constant 7 : i32
        %add3A_201 = arith.addi %add3A_199, %add3A_200 : i32
        %add3A_202 = vector.broadcast %add3A_201 : i32 to vector<16xi32>
        %add3A_203 = arith.addi %broadcast_in_dim3A_198, %add3A_202 : vector<16xi32>
        %gather3A_204 = tpu.vector_load_idx %arg12[%add3A_203] : memref<512xf32, #tpu.memory_space<vmem>>[vector<16xi32>], vector<16xf32>,
        %gather3A_205 = tpu.vector_load_idx %arg13[%add3A_203] : memref<512xf32, #tpu.memory_space<vmem>>[vector<16xi32>], vector<16xf32>,
        %gather3A_206 = tpu.vector_load_idx %arg14[%add3A_203] : memref<512xf32, #tpu.memory_space<vmem>>[vector<16xi32>], vector<16xf32>,
        %broadcast_in_dim3A_207 = arith.constant 0 : i32
        %broadcast_in_dim3A_208 = vector.broadcast %broadcast_in_dim3A_207 : i32 to vector<16xi32>
        %add3A_209 = arith.constant 7 : i32
        %add3A_210 = arith.addi %mul3A_30, %add3A_209 : i32
        %mul3A_211 = arith.constant 64 : i32
        %mul3A_212 = arith.muli %add3A_210, %mul3A_211 : i32
        %add3A_213 = vector.broadcast %mul3A_212 : i32 to vector<16xi32>
        %add3A_214 = arith.addi %broadcast_in_dim3A_208, %add3A_213 : vector<16xi32>
        %sub3A_215 = arith.constant 1 : i32
        %sub3A_216 = vector.broadcast %sub3A_215 : i32 to vector<16xi32>
        %sub3A_217 = arith.subi %add3A_214, %sub3A_216 : vector<16xi32>
        %add3A_218 = arith.constant 64 : i32
        %add3A_219 = vector.broadcast %add3A_218 : i32 to vector<16xi32>
        %add3A_220 = arith.addi %add3A_214, %add3A_219 : vector<16xi32>
        %scan3A_221 = arith.constant 0 : i32
        %scan3A_222 = arith.constant 128 : i32
        %scan3A_223 = arith.addi %scan3A_221, %scan3A_222 : i32
        %scan3A_224 = arith.constant 1 : i32
        %scan3A_225:8 = scf.for %scan3A_1001 = %scan3A_221 to %scan3A_223 step %scan3A_224 iter_args(%scan3A_1002 = %sub3A_49, %scan3A_1003 = %sub3A_73, %scan3A_1004 = %sub3A_97, %scan3A_1005 = %sub3A_121, %scan3A_1006 = %sub3A_145, %scan3A_1007 = %sub3A_169, %scan3A_1008 = %sub3A_193, %scan3A_1009 = %sub3A_217) -> (vector<16xi32>, vector<16xi32>, vector<16xi32>, vector<16xi32>, vector<16xi32>, vector<16xi32>, vector<16xi32>, vector<16xi32>)  : i32 {
          %mul3A_1010 = arith.constant 16 : i32
          %mul3A_1011 = arith.muli %scan3A_1001, %mul3A_1010 : i32
          %get3A = arith.index_cast %mul3A_1011 : i32 to index
          %get3A_1012 = tpu.vector_load %arg9[%get3A] {strides = array<i32>} : memref<2048xf32, #tpu.memory_space<vmem>>, vector<16xf32>,
          %get3A_1013 = arith.index_cast %mul3A_1011 : i32 to index
          %get3A_1014 = tpu.vector_load %arg10[%get3A_1013] {strides = array<i32>} : memref<2048xf32, #tpu.memory_space<vmem>>, vector<16xf32>,
          %get3A_1015 = arith.index_cast %mul3A_1011 : i32 to index
          %get3A_1016 = tpu.vector_load %arg11[%get3A_1015] {strides = array<i32>} : memref<2048xf32, #tpu.memory_space<vmem>>, vector<16xf32>,
          %add3A_1017 = vector.broadcast %mul3A_1011 : i32 to vector<16xi32>
          %add3A_1018 = arith.addi %add3A_1017, %iota3A : vector<16xi32>
          %sub3A_1019 = arith.subf %get3A_1012, %gather3A : vector<16xf32>
          %sub3A_1020 = arith.subf %get3A_1014, %gather3A_38 : vector<16xf32>
          %sub3A_1021 = arith.subf %get3A_1016, %gather3A_39 : vector<16xf32>
          %mul3A_1022 = arith.mulf %sub3A_1019, %sub3A_1019 : vector<16xf32>
          %mul3A_1023 = arith.mulf %sub3A_1020, %sub3A_1020 : vector<16xf32>
          %add3A_1024 = arith.addf %mul3A_1022, %mul3A_1023 : vector<16xf32>
          %mul3A_1025 = arith.mulf %sub3A_1021, %sub3A_1021 : vector<16xf32>
          %add3A_1026 = arith.addf %add3A_1024, %mul3A_1025 : vector<16xf32>
          %le3A_1027 = arith.constant 4.000000e-02 : f32
          %le3A_1028 = vector.broadcast %le3A_1027 : f32 to vector<16xf32>
          %le3A_1029 = arith.cmpf ole, %add3A_1026, %le3A_1028 : vector<16xf32>
          %masked_cumsum3A = tpu.scan <sum>, %broadcast_in_dim3A_3 masked %le3A_1029 : vector<16xi32>, vector<16xi1> -> vector<16xi32>
          %add3A_1030 = arith.addi %scan3A_1002, %masked_cumsum3A : vector<16xi32>
          %lt3A = arith.cmpi slt, %add3A_1030, %add3A_52 : vector<16xi32>
          %and3A = arith.andi %le3A_1029, %lt3A : vector<16xi1>
          tpu.vector_store_idx %arg16[%add3A_1030], %add3A_1018 masked %and3A : memref<8192xi32, #tpu.memory_space<vmem>>[vector<16xi32>], vector<16xi32>, vector<16xi1>
          %all_reduce_population_count3A = tpu.all_reduce %le3A_1029 {dim = 0 : i64, kind = #tpu.reduction_kind<sum>} : vector<16xi1> -> vector<16xi32>
          %add3A_1031 = arith.addi %scan3A_1002, %all_reduce_population_count3A : vector<16xi32>
          %sub3A_1032 = arith.subf %get3A_1012, %gather3A_60 : vector<16xf32>
          %sub3A_1033 = arith.subf %get3A_1014, %gather3A_61 : vector<16xf32>
          %sub3A_1034 = arith.subf %get3A_1016, %gather3A_62 : vector<16xf32>
          %mul3A_1035 = arith.mulf %sub3A_1032, %sub3A_1032 : vector<16xf32>
          %mul3A_1036 = arith.mulf %sub3A_1033, %sub3A_1033 : vector<16xf32>
          %add3A_1037 = arith.addf %mul3A_1035, %mul3A_1036 : vector<16xf32>
          %mul3A_1038 = arith.mulf %sub3A_1034, %sub3A_1034 : vector<16xf32>
          %add3A_1039 = arith.addf %add3A_1037, %mul3A_1038 : vector<16xf32>
          %le3A_1040 = arith.constant 4.000000e-02 : f32
          %le3A_1041 = vector.broadcast %le3A_1040 : f32 to vector<16xf32>
          %le3A_1042 = arith.cmpf ole, %add3A_1039, %le3A_1041 : vector<16xf32>
          %masked_cumsum3A_1043 = tpu.scan <sum>, %broadcast_in_dim3A_3 masked %le3A_1042 : vector<16xi32>, vector<16xi1> -> vector<16xi32>
          %add3A_1044 = arith.addi %scan3A_1003, %masked_cumsum3A_1043 : vector<16xi32>
          %lt3A_1045 = arith.cmpi slt, %add3A_1044, %add3A_76 : vector<16xi32>
          %and3A_1046 = arith.andi %le3A_1042, %lt3A_1045 : vector<16xi1>
          tpu.vector_store_idx %arg16[%add3A_1044], %add3A_1018 masked %and3A_1046 : memref<8192xi32, #tpu.memory_space<vmem>>[vector<16xi32>], vector<16xi32>, vector<16xi1>
          %all_reduce_population_count3A_1047 = tpu.all_reduce %le3A_1042 {dim = 0 : i64, kind = #tpu.reduction_kind<sum>} : vector<16xi1> -> vector<16xi32>
          %add3A_1048 = arith.addi %scan3A_1003, %all_reduce_population_count3A_1047 : vector<16xi32>
          %sub3A_1049 = arith.subf %get3A_1012, %gather3A_84 : vector<16xf32>
          %sub3A_1050 = arith.subf %get3A_1014, %gather3A_85 : vector<16xf32>
          %sub3A_1051 = arith.subf %get3A_1016, %gather3A_86 : vector<16xf32>
          %mul3A_1052 = arith.mulf %sub3A_1049, %sub3A_1049 : vector<16xf32>
          %mul3A_1053 = arith.mulf %sub3A_1050, %sub3A_1050 : vector<16xf32>
          %add3A_1054 = arith.addf %mul3A_1052, %mul3A_1053 : vector<16xf32>
          %mul3A_1055 = arith.mulf %sub3A_1051, %sub3A_1051 : vector<16xf32>
          %add3A_1056 = arith.addf %add3A_1054, %mul3A_1055 : vector<16xf32>
          %le3A_1057 = arith.constant 4.000000e-02 : f32
          %le3A_1058 = vector.broadcast %le3A_1057 : f32 to vector<16xf32>
          %le3A_1059 = arith.cmpf ole, %add3A_1056, %le3A_1058 : vector<16xf32>
          %masked_cumsum3A_1060 = tpu.scan <sum>, %broadcast_in_dim3A_3 masked %le3A_1059 : vector<16xi32>, vector<16xi1> -> vector<16xi32>
          %add3A_1061 = arith.addi %scan3A_1004, %masked_cumsum3A_1060 : vector<16xi32>
          %lt3A_1062 = arith.cmpi slt, %add3A_1061, %add3A_100 : vector<16xi32>
          %and3A_1063 = arith.andi %le3A_1059, %lt3A_1062 : vector<16xi1>
          tpu.vector_store_idx %arg16[%add3A_1061], %add3A_1018 masked %and3A_1063 : memref<8192xi32, #tpu.memory_space<vmem>>[vector<16xi32>], vector<16xi32>, vector<16xi1>
          %all_reduce_population_count3A_1064 = tpu.all_reduce %le3A_1059 {dim = 0 : i64, kind = #tpu.reduction_kind<sum>} : vector<16xi1> -> vector<16xi32>
          %add3A_1065 = arith.addi %scan3A_1004, %all_reduce_population_count3A_1064 : vector<16xi32>
          %sub3A_1066 = arith.subf %get3A_1012, %gather3A_108 : vector<16xf32>
          %sub3A_1067 = arith.subf %get3A_1014, %gather3A_109 : vector<16xf32>
          %sub3A_1068 = arith.subf %get3A_1016, %gather3A_110 : vector<16xf32>
          %mul3A_1069 = arith.mulf %sub3A_1066, %sub3A_1066 : vector<16xf32>
          %mul3A_1070 = arith.mulf %sub3A_1067, %sub3A_1067 : vector<16xf32>
          %add3A_1071 = arith.addf %mul3A_1069, %mul3A_1070 : vector<16xf32>
          %mul3A_1072 = arith.mulf %sub3A_1068, %sub3A_1068 : vector<16xf32>
          %add3A_1073 = arith.addf %add3A_1071, %mul3A_1072 : vector<16xf32>
          %le3A_1074 = arith.constant 4.000000e-02 : f32
          %le3A_1075 = vector.broadcast %le3A_1074 : f32 to vector<16xf32>
          %le3A_1076 = arith.cmpf ole, %add3A_1073, %le3A_1075 : vector<16xf32>
          %masked_cumsum3A_1077 = tpu.scan <sum>, %broadcast_in_dim3A_3 masked %le3A_1076 : vector<16xi32>, vector<16xi1> -> vector<16xi32>
          %add3A_1078 = arith.addi %scan3A_1005, %masked_cumsum3A_1077 : vector<16xi32>
          %lt3A_1079 = arith.cmpi slt, %add3A_1078, %add3A_124 : vector<16xi32>
          %and3A_1080 = arith.andi %le3A_1076, %lt3A_1079 : vector<16xi1>
          tpu.vector_store_idx %arg16[%add3A_1078], %add3A_1018 masked %and3A_1080 : memref<8192xi32, #tpu.memory_space<vmem>>[vector<16xi32>], vector<16xi32>, vector<16xi1>
          %all_reduce_population_count3A_1081 = tpu.all_reduce %le3A_1076 {dim = 0 : i64, kind = #tpu.reduction_kind<sum>} : vector<16xi1> -> vector<16xi32>
          %add3A_1082 = arith.addi %scan3A_1005, %all_reduce_population_count3A_1081 : vector<16xi32>
          %sub3A_1083 = arith.subf %get3A_1012, %gather3A_132 : vector<16xf32>
          %sub3A_1084 = arith.subf %get3A_1014, %gather3A_133 : vector<16xf32>
          %sub3A_1085 = arith.subf %get3A_1016, %gather3A_134 : vector<16xf32>
          %mul3A_1086 = arith.mulf %sub3A_1083, %sub3A_1083 : vector<16xf32>
          %mul3A_1087 = arith.mulf %sub3A_1084, %sub3A_1084 : vector<16xf32>
          %add3A_1088 = arith.addf %mul3A_1086, %mul3A_1087 : vector<16xf32>
          %mul3A_1089 = arith.mulf %sub3A_1085, %sub3A_1085 : vector<16xf32>
          %add3A_1090 = arith.addf %add3A_1088, %mul3A_1089 : vector<16xf32>
          %le3A_1091 = arith.constant 4.000000e-02 : f32
          %le3A_1092 = vector.broadcast %le3A_1091 : f32 to vector<16xf32>
          %le3A_1093 = arith.cmpf ole, %add3A_1090, %le3A_1092 : vector<16xf32>
          %masked_cumsum3A_1094 = tpu.scan <sum>, %broadcast_in_dim3A_3 masked %le3A_1093 : vector<16xi32>, vector<16xi1> -> vector<16xi32>
          %add3A_1095 = arith.addi %scan3A_1006, %masked_cumsum3A_1094 : vector<16xi32>
          %lt3A_1096 = arith.cmpi slt, %add3A_1095, %add3A_148 : vector<16xi32>
          %and3A_1097 = arith.andi %le3A_1093, %lt3A_1096 : vector<16xi1>
          tpu.vector_store_idx %arg16[%add3A_1095], %add3A_1018 masked %and3A_1097 : memref<8192xi32, #tpu.memory_space<vmem>>[vector<16xi32>], vector<16xi32>, vector<16xi1>
          %all_reduce_population_count3A_1098 = tpu.all_reduce %le3A_1093 {dim = 0 : i64, kind = #tpu.reduction_kind<sum>} : vector<16xi1> -> vector<16xi32>
          %add3A_1099 = arith.addi %scan3A_1006, %all_reduce_population_count3A_1098 : vector<16xi32>
          %sub3A_1100 = arith.subf %get3A_1012, %gather3A_156 : vector<16xf32>
          %sub3A_1101 = arith.subf %get3A_1014, %gather3A_157 : vector<16xf32>
          %sub3A_1102 = arith.subf %get3A_1016, %gather3A_158 : vector<16xf32>
          %mul3A_1103 = arith.mulf %sub3A_1100, %sub3A_1100 : vector<16xf32>
          %mul3A_1104 = arith.mulf %sub3A_1101, %sub3A_1101 : vector<16xf32>
          %add3A_1105 = arith.addf %mul3A_1103, %mul3A_1104 : vector<16xf32>
          %mul3A_1106 = arith.mulf %sub3A_1102, %sub3A_1102 : vector<16xf32>
          %add3A_1107 = arith.addf %add3A_1105, %mul3A_1106 : vector<16xf32>
          %le3A_1108 = arith.constant 4.000000e-02 : f32
          %le3A_1109 = vector.broadcast %le3A_1108 : f32 to vector<16xf32>
          %le3A_1110 = arith.cmpf ole, %add3A_1107, %le3A_1109 : vector<16xf32>
          %masked_cumsum3A_1111 = tpu.scan <sum>, %broadcast_in_dim3A_3 masked %le3A_1110 : vector<16xi32>, vector<16xi1> -> vector<16xi32>
          %add3A_1112 = arith.addi %scan3A_1007, %masked_cumsum3A_1111 : vector<16xi32>
          %lt3A_1113 = arith.cmpi slt, %add3A_1112, %add3A_172 : vector<16xi32>
          %and3A_1114 = arith.andi %le3A_1110, %lt3A_1113 : vector<16xi1>
          tpu.vector_store_idx %arg16[%add3A_1112], %add3A_1018 masked %and3A_1114 : memref<8192xi32, #tpu.memory_space<vmem>>[vector<16xi32>], vector<16xi32>, vector<16xi1>
          %all_reduce_population_count3A_1115 = tpu.all_reduce %le3A_1110 {dim = 0 : i64, kind = #tpu.reduction_kind<sum>} : vector<16xi1> -> vector<16xi32>
          %add3A_1116 = arith.addi %scan3A_1007, %all_reduce_population_count3A_1115 : vector<16xi32>
          %sub3A_1117 = arith.subf %get3A_1012, %gather3A_180 : vector<16xf32>
          %sub3A_1118 = arith.subf %get3A_1014, %gather3A_181 : vector<16xf32>
          %sub3A_1119 = arith.subf %get3A_1016, %gather3A_182 : vector<16xf32>
          %mul3A_1120 = arith.mulf %sub3A_1117, %sub3A_1117 : vector<16xf32>
          %mul3A_1121 = arith.mulf %sub3A_1118, %sub3A_1118 : vector<16xf32>
          %add3A_1122 = arith.addf %mul3A_1120, %mul3A_1121 : vector<16xf32>
          %mul3A_1123 = arith.mulf %sub3A_1119, %sub3A_1119 : vector<16xf32>
          %add3A_1124 = arith.addf %add3A_1122, %mul3A_1123 : vector<16xf32>
          %le3A_1125 = arith.constant 4.000000e-02 : f32
          %le3A_1126 = vector.broadcast %le3A_1125 : f32 to vector<16xf32>
          %le3A_1127 = arith.cmpf ole, %add3A_1124, %le3A_1126 : vector<16xf32>
          %masked_cumsum3A_1128 = tpu.scan <sum>, %broadcast_in_dim3A_3 masked %le3A_1127 : vector<16xi32>, vector<16xi1> -> vector<16xi32>
          %add3A_1129 = arith.addi %scan3A_1008, %masked_cumsum3A_1128 : vector<16xi32>
          %lt3A_1130 = arith.cmpi slt, %add3A_1129, %add3A_196 : vector<16xi32>
          %and3A_1131 = arith.andi %le3A_1127, %lt3A_1130 : vector<16xi1>
          tpu.vector_store_idx %arg16[%add3A_1129], %add3A_1018 masked %and3A_1131 : memref<8192xi32, #tpu.memory_space<vmem>>[vector<16xi32>], vector<16xi32>, vector<16xi1>
          %all_reduce_population_count3A_1132 = tpu.all_reduce %le3A_1127 {dim = 0 : i64, kind = #tpu.reduction_kind<sum>} : vector<16xi1> -> vector<16xi32>
          %add3A_1133 = arith.addi %scan3A_1008, %all_reduce_population_count3A_1132 : vector<16xi32>
          %sub3A_1134 = arith.subf %get3A_1012, %gather3A_204 : vector<16xf32>
          %sub3A_1135 = arith.subf %get3A_1014, %gather3A_205 : vector<16xf32>
          %sub3A_1136 = arith.subf %get3A_1016, %gather3A_206 : vector<16xf32>
          %mul3A_1137 = arith.mulf %sub3A_1134, %sub3A_1134 : vector<16xf32>
          %mul3A_1138 = arith.mulf %sub3A_1135, %sub3A_1135 : vector<16xf32>
          %add3A_1139 = arith.addf %mul3A_1137, %mul3A_1138 : vector<16xf32>
          %mul3A_1140 = arith.mulf %sub3A_1136, %sub3A_1136 : vector<16xf32>
          %add3A_1141 = arith.addf %add3A_1139, %mul3A_1140 : vector<16xf32>
          %le3A_1142 = arith.constant 4.000000e-02 : f32
          %le3A_1143 = vector.broadcast %le3A_1142 : f32 to vector<16xf32>
          %le3A_1144 = arith.cmpf ole, %add3A_1141, %le3A_1143 : vector<16xf32>
          %masked_cumsum3A_1145 = tpu.scan <sum>, %broadcast_in_dim3A_3 masked %le3A_1144 : vector<16xi32>, vector<16xi1> -> vector<16xi32>
          %add3A_1146 = arith.addi %scan3A_1009, %masked_cumsum3A_1145 : vector<16xi32>
          %lt3A_1147 = arith.cmpi slt, %add3A_1146, %add3A_220 : vector<16xi32>
          %and3A_1148 = arith.andi %le3A_1144, %lt3A_1147 : vector<16xi1>
          tpu.vector_store_idx %arg16[%add3A_1146], %add3A_1018 masked %and3A_1148 : memref<8192xi32, #tpu.memory_space<vmem>>[vector<16xi32>], vector<16xi32>, vector<16xi1>
          %all_reduce_population_count3A_1149 = tpu.all_reduce %le3A_1144 {dim = 0 : i64, kind = #tpu.reduction_kind<sum>} : vector<16xi1> -> vector<16xi32>
          %add3A_1150 = arith.addi %scan3A_1009, %all_reduce_population_count3A_1149 : vector<16xi32>
          scf.yield %add3A_1031, %add3A_1048, %add3A_1065, %add3A_1082, %add3A_1099, %add3A_1116, %add3A_1133, %add3A_1150 : vector<16xi32>, vector<16xi32>, vector<16xi32>, vector<16xi32>, vector<16xi32>, vector<16xi32>, vector<16xi32>, vector<16xi32>
        }
        %scan3A_226 = arith.constant 128 : i32
        %broadcast_in_dim3A_227 = arith.constant 0 : i32
        %broadcast_in_dim3A_228 = vector.broadcast %broadcast_in_dim3A_227 : i32 to vector<16xi32>
        %add3A_229 = arith.constant 0 : i32
        %add3A_230 = arith.addi %mul3A_30, %add3A_229 : i32
        %mul3A_231 = arith.constant 64 : i32
        %mul3A_232 = arith.muli %add3A_230, %mul3A_231 : i32
        %add3A_233 = vector.broadcast %mul3A_232 : i32 to vector<16xi32>
        %add3A_234 = arith.addi %broadcast_in_dim3A_228, %add3A_233 : vector<16xi32>
        %gather3A_235 = tpu.vector_load_idx %arg16[%add3A_234] : memref<8192xi32, #tpu.memory_space<vmem>>[vector<16xi32>], vector<16xi32>,
        %add3A_236 = arith.constant 0 : i32
        %add3A_237 = vector.broadcast %add3A_236 : i32 to vector<16xi32>
        %add3A_238 = arith.addi %add3A_237, %iota3A : vector<16xi32>
        %add3A_239 = arith.addi %add3A_234, %add3A_238 : vector<16xi32>
        %gather3A_240 = tpu.vector_load_idx %arg16[%add3A_239] : memref<8192xi32, #tpu.memory_space<vmem>>[vector<16xi32>], vector<16xi32>,
        %le3A = arith.cmpi sle, %add3A_239, %scan3A_225#0 : vector<16xi32>
        %select_n3A = arith.select %le3A, %gather3A_240, %gather3A_235 : vector<16xi1>, vector<16xi32>
        %gather3A_241 = tpu.vector_load_idx %arg9[%select_n3A] : memref<2048xf32, #tpu.memory_space<vmem>>[vector<16xi32>], vector<16xf32>,
        %sub3A_242 = arith.subf %gather3A_241, %gather3A : vector<16xf32>
        %gather3A_243 = tpu.vector_load_idx %arg10[%select_n3A] : memref<2048xf32, #tpu.memory_space<vmem>>[vector<16xi32>], vector<16xf32>,
        %sub3A_244 = arith.subf %gather3A_243, %gather3A_38 : vector<16xf32>
        %gather3A_245 = tpu.vector_load_idx %arg11[%select_n3A] : memref<2048xf32, #tpu.memory_space<vmem>>[vector<16xi32>], vector<16xf32>,
        %sub3A_246 = arith.subf %gather3A_245, %gather3A_39 : vector<16xf32>
        %mul3A_247 = arith.constant 8 : i32
        %mul3A_248 = vector.broadcast %mul3A_247 : i32 to vector<16xi32>
        %mul3A_249 = arith.muli %add3A_239, %mul3A_248 : vector<16xi32>
        tpu.vector_store_idx %arg15[%mul3A_249], %sub3A_242 : memref<65536xf32, #tpu.memory_space<vmem>>[vector<16xi32>], vector<16xf32>,
        %add3A_250 = arith.constant 1 : i32
        %add3A_251 = vector.broadcast %add3A_250 : i32 to vector<16xi32>
        %add3A_252 = arith.addi %mul3A_249, %add3A_251 : vector<16xi32>
        tpu.vector_store_idx %arg15[%add3A_252], %sub3A_244 : memref<65536xf32, #tpu.memory_space<vmem>>[vector<16xi32>], vector<16xf32>,
        %add3A_253 = arith.constant 2 : i32
        %add3A_254 = vector.broadcast %add3A_253 : i32 to vector<16xi32>
        %add3A_255 = arith.addi %mul3A_249, %add3A_254 : vector<16xi32>
        tpu.vector_store_idx %arg15[%add3A_255], %sub3A_246 : memref<65536xf32, #tpu.memory_space<vmem>>[vector<16xi32>], vector<16xf32>,
        %add3A_256 = arith.constant 16 : i32
        %add3A_257 = vector.broadcast %add3A_256 : i32 to vector<16xi32>
        %add3A_258 = arith.addi %add3A_257, %iota3A : vector<16xi32>
        %add3A_259 = arith.addi %add3A_234, %add3A_258 : vector<16xi32>
        %gather3A_260 = tpu.vector_load_idx %arg16[%add3A_259] : memref<8192xi32, #tpu.memory_space<vmem>>[vector<16xi32>], vector<16xi32>,
        %le3A_261 = arith.cmpi sle, %add3A_259, %scan3A_225#0 : vector<16xi32>
        %select_n3A_262 = arith.select %le3A_261, %gather3A_260, %gather3A_235 : vector<16xi1>, vector<16xi32>
        %gather3A_263 = tpu.vector_load_idx %arg9[%select_n3A_262] : memref<2048xf32, #tpu.memory_space<vmem>>[vector<16xi32>], vector<16xf32>,
        %sub3A_264 = arith.subf %gather3A_263, %gather3A : vector<16xf32>
        %gather3A_265 = tpu.vector_load_idx %arg10[%select_n3A_262] : memref<2048xf32, #tpu.memory_space<vmem>>[vector<16xi32>], vector<16xf32>,
        %sub3A_266 = arith.subf %gather3A_265, %gather3A_38 : vector<16xf32>
        %gather3A_267 = tpu.vector_load_idx %arg11[%select_n3A_262] : memref<2048xf32, #tpu.memory_space<vmem>>[vector<16xi32>], vector<16xf32>,
        %sub3A_268 = arith.subf %gather3A_267, %gather3A_39 : vector<16xf32>
        %mul3A_269 = arith.constant 8 : i32
        %mul3A_270 = vector.broadcast %mul3A_269 : i32 to vector<16xi32>
        %mul3A_271 = arith.muli %add3A_259, %mul3A_270 : vector<16xi32>
        tpu.vector_store_idx %arg15[%mul3A_271], %sub3A_264 : memref<65536xf32, #tpu.memory_space<vmem>>[vector<16xi32>], vector<16xf32>,
        %add3A_272 = arith.constant 1 : i32
        %add3A_273 = vector.broadcast %add3A_272 : i32 to vector<16xi32>
        %add3A_274 = arith.addi %mul3A_271, %add3A_273 : vector<16xi32>
        tpu.vector_store_idx %arg15[%add3A_274], %sub3A_266 : memref<65536xf32, #tpu.memory_space<vmem>>[vector<16xi32>], vector<16xf32>,
        %add3A_275 = arith.constant 2 : i32
        %add3A_276 = vector.broadcast %add3A_275 : i32 to vector<16xi32>
        %add3A_277 = arith.addi %mul3A_271, %add3A_276 : vector<16xi32>
        tpu.vector_store_idx %arg15[%add3A_277], %sub3A_268 : memref<65536xf32, #tpu.memory_space<vmem>>[vector<16xi32>], vector<16xf32>,
        %add3A_278 = arith.constant 32 : i32
        %add3A_279 = vector.broadcast %add3A_278 : i32 to vector<16xi32>
        %add3A_280 = arith.addi %add3A_279, %iota3A : vector<16xi32>
        %add3A_281 = arith.addi %add3A_234, %add3A_280 : vector<16xi32>
        %gather3A_282 = tpu.vector_load_idx %arg16[%add3A_281] : memref<8192xi32, #tpu.memory_space<vmem>>[vector<16xi32>], vector<16xi32>,
        %le3A_283 = arith.cmpi sle, %add3A_281, %scan3A_225#0 : vector<16xi32>
        %select_n3A_284 = arith.select %le3A_283, %gather3A_282, %gather3A_235 : vector<16xi1>, vector<16xi32>
        %gather3A_285 = tpu.vector_load_idx %arg9[%select_n3A_284] : memref<2048xf32, #tpu.memory_space<vmem>>[vector<16xi32>], vector<16xf32>,
        %sub3A_286 = arith.subf %gather3A_285, %gather3A : vector<16xf32>
        %gather3A_287 = tpu.vector_load_idx %arg10[%select_n3A_284] : memref<2048xf32, #tpu.memory_space<vmem>>[vector<16xi32>], vector<16xf32>,
        %sub3A_288 = arith.subf %gather3A_287, %gather3A_38 : vector<16xf32>
        %gather3A_289 = tpu.vector_load_idx %arg11[%select_n3A_284] : memref<2048xf32, #tpu.memory_space<vmem>>[vector<16xi32>], vector<16xf32>,
        %sub3A_290 = arith.subf %gather3A_289, %gather3A_39 : vector<16xf32>
        %mul3A_291 = arith.constant 8 : i32
        %mul3A_292 = vector.broadcast %mul3A_291 : i32 to vector<16xi32>
        %mul3A_293 = arith.muli %add3A_281, %mul3A_292 : vector<16xi32>
        tpu.vector_store_idx %arg15[%mul3A_293], %sub3A_286 : memref<65536xf32, #tpu.memory_space<vmem>>[vector<16xi32>], vector<16xf32>,
        %add3A_294 = arith.constant 1 : i32
        %add3A_295 = vector.broadcast %add3A_294 : i32 to vector<16xi32>
        %add3A_296 = arith.addi %mul3A_293, %add3A_295 : vector<16xi32>
        tpu.vector_store_idx %arg15[%add3A_296], %sub3A_288 : memref<65536xf32, #tpu.memory_space<vmem>>[vector<16xi32>], vector<16xf32>,
        %add3A_297 = arith.constant 2 : i32
        %add3A_298 = vector.broadcast %add3A_297 : i32 to vector<16xi32>
        %add3A_299 = arith.addi %mul3A_293, %add3A_298 : vector<16xi32>
        tpu.vector_store_idx %arg15[%add3A_299], %sub3A_290 : memref<65536xf32, #tpu.memory_space<vmem>>[vector<16xi32>], vector<16xf32>,
        %add3A_300 = arith.constant 48 : i32
        %add3A_301 = vector.broadcast %add3A_300 : i32 to vector<16xi32>
        %add3A_302 = arith.addi %add3A_301, %iota3A : vector<16xi32>
        %add3A_303 = arith.addi %add3A_234, %add3A_302 : vector<16xi32>
        %gather3A_304 = tpu.vector_load_idx %arg16[%add3A_303] : memref<8192xi32, #tpu.memory_space<vmem>>[vector<16xi32>], vector<16xi32>,
        %le3A_305 = arith.cmpi sle, %add3A_303, %scan3A_225#0 : vector<16xi32>
        %select_n3A_306 = arith.select %le3A_305, %gather3A_304, %gather3A_235 : vector<16xi1>, vector<16xi32>
        %gather3A_307 = tpu.vector_load_idx %arg9[%select_n3A_306] : memref<2048xf32, #tpu.memory_space<vmem>>[vector<16xi32>], vector<16xf32>,
        %sub3A_308 = arith.subf %gather3A_307, %gather3A : vector<16xf32>
        %gather3A_309 = tpu.vector_load_idx %arg10[%select_n3A_306] : memref<2048xf32, #tpu.memory_space<vmem>>[vector<16xi32>], vector<16xf32>,
        %sub3A_310 = arith.subf %gather3A_309, %gather3A_38 : vector<16xf32>
        %gather3A_311 = tpu.vector_load_idx %arg11[%select_n3A_306] : memref<2048xf32, #tpu.memory_space<vmem>>[vector<16xi32>], vector<16xf32>,
        %sub3A_312 = arith.subf %gather3A_311, %gather3A_39 : vector<16xf32>
        %mul3A_313 = arith.constant 8 : i32
        %mul3A_314 = vector.broadcast %mul3A_313 : i32 to vector<16xi32>
        %mul3A_315 = arith.muli %add3A_303, %mul3A_314 : vector<16xi32>
        tpu.vector_store_idx %arg15[%mul3A_315], %sub3A_308 : memref<65536xf32, #tpu.memory_space<vmem>>[vector<16xi32>], vector<16xf32>,
        %add3A_316 = arith.constant 1 : i32
        %add3A_317 = vector.broadcast %add3A_316 : i32 to vector<16xi32>
        %add3A_318 = arith.addi %mul3A_315, %add3A_317 : vector<16xi32>
        tpu.vector_store_idx %arg15[%add3A_318], %sub3A_310 : memref<65536xf32, #tpu.memory_space<vmem>>[vector<16xi32>], vector<16xf32>,
        %add3A_319 = arith.constant 2 : i32
        %add3A_320 = vector.broadcast %add3A_319 : i32 to vector<16xi32>
        %add3A_321 = arith.addi %mul3A_315, %add3A_320 : vector<16xi32>
        tpu.vector_store_idx %arg15[%add3A_321], %sub3A_312 : memref<65536xf32, #tpu.memory_space<vmem>>[vector<16xi32>], vector<16xf32>,
        %broadcast_in_dim3A_322 = arith.constant 0 : i32
        %broadcast_in_dim3A_323 = vector.broadcast %broadcast_in_dim3A_322 : i32 to vector<16xi32>
        %add3A_324 = arith.constant 1 : i32
        %add3A_325 = arith.addi %mul3A_30, %add3A_324 : i32
        %mul3A_326 = arith.constant 64 : i32
        %mul3A_327 = arith.muli %add3A_325, %mul3A_326 : i32
        %add3A_328 = vector.broadcast %mul3A_327 : i32 to vector<16xi32>
        %add3A_329 = arith.addi %broadcast_in_dim3A_323, %add3A_328 : vector<16xi32>
        %gather3A_330 = tpu.vector_load_idx %arg16[%add3A_329] : memref<8192xi32, #tpu.memory_space<vmem>>[vector<16xi32>], vector<16xi32>,
        %add3A_331 = arith.constant 0 : i32
        %add3A_332 = vector.broadcast %add3A_331 : i32 to vector<16xi32>
        %add3A_333 = arith.addi %add3A_332, %iota3A : vector<16xi32>
        %add3A_334 = arith.addi %add3A_329, %add3A_333 : vector<16xi32>
        %gather3A_335 = tpu.vector_load_idx %arg16[%add3A_334] : memref<8192xi32, #tpu.memory_space<vmem>>[vector<16xi32>], vector<16xi32>,
        %le3A_336 = arith.cmpi sle, %add3A_334, %scan3A_225#1 : vector<16xi32>
        %select_n3A_337 = arith.select %le3A_336, %gather3A_335, %gather3A_330 : vector<16xi1>, vector<16xi32>
        %gather3A_338 = tpu.vector_load_idx %arg9[%select_n3A_337] : memref<2048xf32, #tpu.memory_space<vmem>>[vector<16xi32>], vector<16xf32>,
        %sub3A_339 = arith.subf %gather3A_338, %gather3A_60 : vector<16xf32>
        %gather3A_340 = tpu.vector_load_idx %arg10[%select_n3A_337] : memref<2048xf32, #tpu.memory_space<vmem>>[vector<16xi32>], vector<16xf32>,
        %sub3A_341 = arith.subf %gather3A_340, %gather3A_61 : vector<16xf32>
        %gather3A_342 = tpu.vector_load_idx %arg11[%select_n3A_337] : memref<2048xf32, #tpu.memory_space<vmem>>[vector<16xi32>], vector<16xf32>,
        %sub3A_343 = arith.subf %gather3A_342, %gather3A_62 : vector<16xf32>
        %mul3A_344 = arith.constant 8 : i32
        %mul3A_345 = vector.broadcast %mul3A_344 : i32 to vector<16xi32>
        %mul3A_346 = arith.muli %add3A_334, %mul3A_345 : vector<16xi32>
        tpu.vector_store_idx %arg15[%mul3A_346], %sub3A_339 : memref<65536xf32, #tpu.memory_space<vmem>>[vector<16xi32>], vector<16xf32>,
        %add3A_347 = arith.constant 1 : i32
        %add3A_348 = vector.broadcast %add3A_347 : i32 to vector<16xi32>
        %add3A_349 = arith.addi %mul3A_346, %add3A_348 : vector<16xi32>
        tpu.vector_store_idx %arg15[%add3A_349], %sub3A_341 : memref<65536xf32, #tpu.memory_space<vmem>>[vector<16xi32>], vector<16xf32>,
        %add3A_350 = arith.constant 2 : i32
        %add3A_351 = vector.broadcast %add3A_350 : i32 to vector<16xi32>
        %add3A_352 = arith.addi %mul3A_346, %add3A_351 : vector<16xi32>
        tpu.vector_store_idx %arg15[%add3A_352], %sub3A_343 : memref<65536xf32, #tpu.memory_space<vmem>>[vector<16xi32>], vector<16xf32>,
        %add3A_353 = arith.constant 16 : i32
        %add3A_354 = vector.broadcast %add3A_353 : i32 to vector<16xi32>
        %add3A_355 = arith.addi %add3A_354, %iota3A : vector<16xi32>
        %add3A_356 = arith.addi %add3A_329, %add3A_355 : vector<16xi32>
        %gather3A_357 = tpu.vector_load_idx %arg16[%add3A_356] : memref<8192xi32, #tpu.memory_space<vmem>>[vector<16xi32>], vector<16xi32>,
        %le3A_358 = arith.cmpi sle, %add3A_356, %scan3A_225#1 : vector<16xi32>
        %select_n3A_359 = arith.select %le3A_358, %gather3A_357, %gather3A_330 : vector<16xi1>, vector<16xi32>
        %gather3A_360 = tpu.vector_load_idx %arg9[%select_n3A_359] : memref<2048xf32, #tpu.memory_space<vmem>>[vector<16xi32>], vector<16xf32>,
        %sub3A_361 = arith.subf %gather3A_360, %gather3A_60 : vector<16xf32>
        %gather3A_362 = tpu.vector_load_idx %arg10[%select_n3A_359] : memref<2048xf32, #tpu.memory_space<vmem>>[vector<16xi32>], vector<16xf32>,
        %sub3A_363 = arith.subf %gather3A_362, %gather3A_61 : vector<16xf32>
        %gather3A_364 = tpu.vector_load_idx %arg11[%select_n3A_359] : memref<2048xf32, #tpu.memory_space<vmem>>[vector<16xi32>], vector<16xf32>,
        %sub3A_365 = arith.subf %gather3A_364, %gather3A_62 : vector<16xf32>
        %mul3A_366 = arith.constant 8 : i32
        %mul3A_367 = vector.broadcast %mul3A_366 : i32 to vector<16xi32>
        %mul3A_368 = arith.muli %add3A_356, %mul3A_367 : vector<16xi32>
        tpu.vector_store_idx %arg15[%mul3A_368], %sub3A_361 : memref<65536xf32, #tpu.memory_space<vmem>>[vector<16xi32>], vector<16xf32>,
        %add3A_369 = arith.constant 1 : i32
        %add3A_370 = vector.broadcast %add3A_369 : i32 to vector<16xi32>
        %add3A_371 = arith.addi %mul3A_368, %add3A_370 : vector<16xi32>
        tpu.vector_store_idx %arg15[%add3A_371], %sub3A_363 : memref<65536xf32, #tpu.memory_space<vmem>>[vector<16xi32>], vector<16xf32>,
        %add3A_372 = arith.constant 2 : i32
        %add3A_373 = vector.broadcast %add3A_372 : i32 to vector<16xi32>
        %add3A_374 = arith.addi %mul3A_368, %add3A_373 : vector<16xi32>
        tpu.vector_store_idx %arg15[%add3A_374], %sub3A_365 : memref<65536xf32, #tpu.memory_space<vmem>>[vector<16xi32>], vector<16xf32>,
        %add3A_375 = arith.constant 32 : i32
        %add3A_376 = vector.broadcast %add3A_375 : i32 to vector<16xi32>
        %add3A_377 = arith.addi %add3A_376, %iota3A : vector<16xi32>
        %add3A_378 = arith.addi %add3A_329, %add3A_377 : vector<16xi32>
        %gather3A_379 = tpu.vector_load_idx %arg16[%add3A_378] : memref<8192xi32, #tpu.memory_space<vmem>>[vector<16xi32>], vector<16xi32>,
        %le3A_380 = arith.cmpi sle, %add3A_378, %scan3A_225#1 : vector<16xi32>
        %select_n3A_381 = arith.select %le3A_380, %gather3A_379, %gather3A_330 : vector<16xi1>, vector<16xi32>
        %gather3A_382 = tpu.vector_load_idx %arg9[%select_n3A_381] : memref<2048xf32, #tpu.memory_space<vmem>>[vector<16xi32>], vector<16xf32>,
        %sub3A_383 = arith.subf %gather3A_382, %gather3A_60 : vector<16xf32>
        %gather3A_384 = tpu.vector_load_idx %arg10[%select_n3A_381] : memref<2048xf32, #tpu.memory_space<vmem>>[vector<16xi32>], vector<16xf32>,
        %sub3A_385 = arith.subf %gather3A_384, %gather3A_61 : vector<16xf32>
        %gather3A_386 = tpu.vector_load_idx %arg11[%select_n3A_381] : memref<2048xf32, #tpu.memory_space<vmem>>[vector<16xi32>], vector<16xf32>,
        %sub3A_387 = arith.subf %gather3A_386, %gather3A_62 : vector<16xf32>
        %mul3A_388 = arith.constant 8 : i32
        %mul3A_389 = vector.broadcast %mul3A_388 : i32 to vector<16xi32>
        %mul3A_390 = arith.muli %add3A_378, %mul3A_389 : vector<16xi32>
        tpu.vector_store_idx %arg15[%mul3A_390], %sub3A_383 : memref<65536xf32, #tpu.memory_space<vmem>>[vector<16xi32>], vector<16xf32>,
        %add3A_391 = arith.constant 1 : i32
        %add3A_392 = vector.broadcast %add3A_391 : i32 to vector<16xi32>
        %add3A_393 = arith.addi %mul3A_390, %add3A_392 : vector<16xi32>
        tpu.vector_store_idx %arg15[%add3A_393], %sub3A_385 : memref<65536xf32, #tpu.memory_space<vmem>>[vector<16xi32>], vector<16xf32>,
        %add3A_394 = arith.constant 2 : i32
        %add3A_395 = vector.broadcast %add3A_394 : i32 to vector<16xi32>
        %add3A_396 = arith.addi %mul3A_390, %add3A_395 : vector<16xi32>
        tpu.vector_store_idx %arg15[%add3A_396], %sub3A_387 : memref<65536xf32, #tpu.memory_space<vmem>>[vector<16xi32>], vector<16xf32>,
        %add3A_397 = arith.constant 48 : i32
        %add3A_398 = vector.broadcast %add3A_397 : i32 to vector<16xi32>
        %add3A_399 = arith.addi %add3A_398, %iota3A : vector<16xi32>
        %add3A_400 = arith.addi %add3A_329, %add3A_399 : vector<16xi32>
        %gather3A_401 = tpu.vector_load_idx %arg16[%add3A_400] : memref<8192xi32, #tpu.memory_space<vmem>>[vector<16xi32>], vector<16xi32>,
        %le3A_402 = arith.cmpi sle, %add3A_400, %scan3A_225#1 : vector<16xi32>
        %select_n3A_403 = arith.select %le3A_402, %gather3A_401, %gather3A_330 : vector<16xi1>, vector<16xi32>
        %gather3A_404 = tpu.vector_load_idx %arg9[%select_n3A_403] : memref<2048xf32, #tpu.memory_space<vmem>>[vector<16xi32>], vector<16xf32>,
        %sub3A_405 = arith.subf %gather3A_404, %gather3A_60 : vector<16xf32>
        %gather3A_406 = tpu.vector_load_idx %arg10[%select_n3A_403] : memref<2048xf32, #tpu.memory_space<vmem>>[vector<16xi32>], vector<16xf32>,
        %sub3A_407 = arith.subf %gather3A_406, %gather3A_61 : vector<16xf32>
        %gather3A_408 = tpu.vector_load_idx %arg11[%select_n3A_403] : memref<2048xf32, #tpu.memory_space<vmem>>[vector<16xi32>], vector<16xf32>,
        %sub3A_409 = arith.subf %gather3A_408, %gather3A_62 : vector<16xf32>
        %mul3A_410 = arith.constant 8 : i32
        %mul3A_411 = vector.broadcast %mul3A_410 : i32 to vector<16xi32>
        %mul3A_412 = arith.muli %add3A_400, %mul3A_411 : vector<16xi32>
        tpu.vector_store_idx %arg15[%mul3A_412], %sub3A_405 : memref<65536xf32, #tpu.memory_space<vmem>>[vector<16xi32>], vector<16xf32>,
        %add3A_413 = arith.constant 1 : i32
        %add3A_414 = vector.broadcast %add3A_413 : i32 to vector<16xi32>
        %add3A_415 = arith.addi %mul3A_412, %add3A_414 : vector<16xi32>
        tpu.vector_store_idx %arg15[%add3A_415], %sub3A_407 : memref<65536xf32, #tpu.memory_space<vmem>>[vector<16xi32>], vector<16xf32>,
        %add3A_416 = arith.constant 2 : i32
        %add3A_417 = vector.broadcast %add3A_416 : i32 to vector<16xi32>
        %add3A_418 = arith.addi %mul3A_412, %add3A_417 : vector<16xi32>
        tpu.vector_store_idx %arg15[%add3A_418], %sub3A_409 : memref<65536xf32, #tpu.memory_space<vmem>>[vector<16xi32>], vector<16xf32>,
        %broadcast_in_dim3A_419 = arith.constant 0 : i32
        %broadcast_in_dim3A_420 = vector.broadcast %broadcast_in_dim3A_419 : i32 to vector<16xi32>
        %add3A_421 = arith.constant 2 : i32
        %add3A_422 = arith.addi %mul3A_30, %add3A_421 : i32
        %mul3A_423 = arith.constant 64 : i32
        %mul3A_424 = arith.muli %add3A_422, %mul3A_423 : i32
        %add3A_425 = vector.broadcast %mul3A_424 : i32 to vector<16xi32>
        %add3A_426 = arith.addi %broadcast_in_dim3A_420, %add3A_425 : vector<16xi32>
        %gather3A_427 = tpu.vector_load_idx %arg16[%add3A_426] : memref<8192xi32, #tpu.memory_space<vmem>>[vector<16xi32>], vector<16xi32>,
        %add3A_428 = arith.constant 0 : i32
        %add3A_429 = vector.broadcast %add3A_428 : i32 to vector<16xi32>
        %add3A_430 = arith.addi %add3A_429, %iota3A : vector<16xi32>
        %add3A_431 = arith.addi %add3A_426, %add3A_430 : vector<16xi32>
        %gather3A_432 = tpu.vector_load_idx %arg16[%add3A_431] : memref<8192xi32, #tpu.memory_space<vmem>>[vector<16xi32>], vector<16xi32>,
        %le3A_433 = arith.cmpi sle, %add3A_431, %scan3A_225#2 : vector<16xi32>
        %select_n3A_434 = arith.select %le3A_433, %gather3A_432, %gather3A_427 : vector<16xi1>, vector<16xi32>
        %gather3A_435 = tpu.vector_load_idx %arg9[%select_n3A_434] : memref<2048xf32, #tpu.memory_space<vmem>>[vector<16xi32>], vector<16xf32>,
        %sub3A_436 = arith.subf %gather3A_435, %gather3A_84 : vector<16xf32>
        %gather3A_437 = tpu.vector_load_idx %arg10[%select_n3A_434] : memref<2048xf32, #tpu.memory_space<vmem>>[vector<16xi32>], vector<16xf32>,
        %sub3A_438 = arith.subf %gather3A_437, %gather3A_85 : vector<16xf32>
        %gather3A_439 = tpu.vector_load_idx %arg11[%select_n3A_434] : memref<2048xf32, #tpu.memory_space<vmem>>[vector<16xi32>], vector<16xf32>,
        %sub3A_440 = arith.subf %gather3A_439, %gather3A_86 : vector<16xf32>
        %mul3A_441 = arith.constant 8 : i32
        %mul3A_442 = vector.broadcast %mul3A_441 : i32 to vector<16xi32>
        %mul3A_443 = arith.muli %add3A_431, %mul3A_442 : vector<16xi32>
        tpu.vector_store_idx %arg15[%mul3A_443], %sub3A_436 : memref<65536xf32, #tpu.memory_space<vmem>>[vector<16xi32>], vector<16xf32>,
        %add3A_444 = arith.constant 1 : i32
        %add3A_445 = vector.broadcast %add3A_444 : i32 to vector<16xi32>
        %add3A_446 = arith.addi %mul3A_443, %add3A_445 : vector<16xi32>
        tpu.vector_store_idx %arg15[%add3A_446], %sub3A_438 : memref<65536xf32, #tpu.memory_space<vmem>>[vector<16xi32>], vector<16xf32>,
        %add3A_447 = arith.constant 2 : i32
        %add3A_448 = vector.broadcast %add3A_447 : i32 to vector<16xi32>
        %add3A_449 = arith.addi %mul3A_443, %add3A_448 : vector<16xi32>
        tpu.vector_store_idx %arg15[%add3A_449], %sub3A_440 : memref<65536xf32, #tpu.memory_space<vmem>>[vector<16xi32>], vector<16xf32>,
        %add3A_450 = arith.constant 16 : i32
        %add3A_451 = vector.broadcast %add3A_450 : i32 to vector<16xi32>
        %add3A_452 = arith.addi %add3A_451, %iota3A : vector<16xi32>
        %add3A_453 = arith.addi %add3A_426, %add3A_452 : vector<16xi32>
        %gather3A_454 = tpu.vector_load_idx %arg16[%add3A_453] : memref<8192xi32, #tpu.memory_space<vmem>>[vector<16xi32>], vector<16xi32>,
        %le3A_455 = arith.cmpi sle, %add3A_453, %scan3A_225#2 : vector<16xi32>
        %select_n3A_456 = arith.select %le3A_455, %gather3A_454, %gather3A_427 : vector<16xi1>, vector<16xi32>
        %gather3A_457 = tpu.vector_load_idx %arg9[%select_n3A_456] : memref<2048xf32, #tpu.memory_space<vmem>>[vector<16xi32>], vector<16xf32>,
        %sub3A_458 = arith.subf %gather3A_457, %gather3A_84 : vector<16xf32>
        %gather3A_459 = tpu.vector_load_idx %arg10[%select_n3A_456] : memref<2048xf32, #tpu.memory_space<vmem>>[vector<16xi32>], vector<16xf32>,
        %sub3A_460 = arith.subf %gather3A_459, %gather3A_85 : vector<16xf32>
        %gather3A_461 = tpu.vector_load_idx %arg11[%select_n3A_456] : memref<2048xf32, #tpu.memory_space<vmem>>[vector<16xi32>], vector<16xf32>,
        %sub3A_462 = arith.subf %gather3A_461, %gather3A_86 : vector<16xf32>
        %mul3A_463 = arith.constant 8 : i32
        %mul3A_464 = vector.broadcast %mul3A_463 : i32 to vector<16xi32>
        %mul3A_465 = arith.muli %add3A_453, %mul3A_464 : vector<16xi32>
        tpu.vector_store_idx %arg15[%mul3A_465], %sub3A_458 : memref<65536xf32, #tpu.memory_space<vmem>>[vector<16xi32>], vector<16xf32>,
        %add3A_466 = arith.constant 1 : i32
        %add3A_467 = vector.broadcast %add3A_466 : i32 to vector<16xi32>
        %add3A_468 = arith.addi %mul3A_465, %add3A_467 : vector<16xi32>
        tpu.vector_store_idx %arg15[%add3A_468], %sub3A_460 : memref<65536xf32, #tpu.memory_space<vmem>>[vector<16xi32>], vector<16xf32>,
        %add3A_469 = arith.constant 2 : i32
        %add3A_470 = vector.broadcast %add3A_469 : i32 to vector<16xi32>
        %add3A_471 = arith.addi %mul3A_465, %add3A_470 : vector<16xi32>
        tpu.vector_store_idx %arg15[%add3A_471], %sub3A_462 : memref<65536xf32, #tpu.memory_space<vmem>>[vector<16xi32>], vector<16xf32>,
        %add3A_472 = arith.constant 32 : i32
        %add3A_473 = vector.broadcast %add3A_472 : i32 to vector<16xi32>
        %add3A_474 = arith.addi %add3A_473, %iota3A : vector<16xi32>
        %add3A_475 = arith.addi %add3A_426, %add3A_474 : vector<16xi32>
        %gather3A_476 = tpu.vector_load_idx %arg16[%add3A_475] : memref<8192xi32, #tpu.memory_space<vmem>>[vector<16xi32>], vector<16xi32>,
        %le3A_477 = arith.cmpi sle, %add3A_475, %scan3A_225#2 : vector<16xi32>
        %select_n3A_478 = arith.select %le3A_477, %gather3A_476, %gather3A_427 : vector<16xi1>, vector<16xi32>
        %gather3A_479 = tpu.vector_load_idx %arg9[%select_n3A_478] : memref<2048xf32, #tpu.memory_space<vmem>>[vector<16xi32>], vector<16xf32>,
        %sub3A_480 = arith.subf %gather3A_479, %gather3A_84 : vector<16xf32>
        %gather3A_481 = tpu.vector_load_idx %arg10[%select_n3A_478] : memref<2048xf32, #tpu.memory_space<vmem>>[vector<16xi32>], vector<16xf32>,
        %sub3A_482 = arith.subf %gather3A_481, %gather3A_85 : vector<16xf32>
        %gather3A_483 = tpu.vector_load_idx %arg11[%select_n3A_478] : memref<2048xf32, #tpu.memory_space<vmem>>[vector<16xi32>], vector<16xf32>,
        %sub3A_484 = arith.subf %gather3A_483, %gather3A_86 : vector<16xf32>
        %mul3A_485 = arith.constant 8 : i32
        %mul3A_486 = vector.broadcast %mul3A_485 : i32 to vector<16xi32>
        %mul3A_487 = arith.muli %add3A_475, %mul3A_486 : vector<16xi32>
        tpu.vector_store_idx %arg15[%mul3A_487], %sub3A_480 : memref<65536xf32, #tpu.memory_space<vmem>>[vector<16xi32>], vector<16xf32>,
        %add3A_488 = arith.constant 1 : i32
        %add3A_489 = vector.broadcast %add3A_488 : i32 to vector<16xi32>
        %add3A_490 = arith.addi %mul3A_487, %add3A_489 : vector<16xi32>
        tpu.vector_store_idx %arg15[%add3A_490], %sub3A_482 : memref<65536xf32, #tpu.memory_space<vmem>>[vector<16xi32>], vector<16xf32>,
        %add3A_491 = arith.constant 2 : i32
        %add3A_492 = vector.broadcast %add3A_491 : i32 to vector<16xi32>
        %add3A_493 = arith.addi %mul3A_487, %add3A_492 : vector<16xi32>
        tpu.vector_store_idx %arg15[%add3A_493], %sub3A_484 : memref<65536xf32, #tpu.memory_space<vmem>>[vector<16xi32>], vector<16xf32>,
        %add3A_494 = arith.constant 48 : i32
        %add3A_495 = vector.broadcast %add3A_494 : i32 to vector<16xi32>
        %add3A_496 = arith.addi %add3A_495, %iota3A : vector<16xi32>
        %add3A_497 = arith.addi %add3A_426, %add3A_496 : vector<16xi32>
        %gather3A_498 = tpu.vector_load_idx %arg16[%add3A_497] : memref<8192xi32, #tpu.memory_space<vmem>>[vector<16xi32>], vector<16xi32>,
        %le3A_499 = arith.cmpi sle, %add3A_497, %scan3A_225#2 : vector<16xi32>
        %select_n3A_500 = arith.select %le3A_499, %gather3A_498, %gather3A_427 : vector<16xi1>, vector<16xi32>
        %gather3A_501 = tpu.vector_load_idx %arg9[%select_n3A_500] : memref<2048xf32, #tpu.memory_space<vmem>>[vector<16xi32>], vector<16xf32>,
        %sub3A_502 = arith.subf %gather3A_501, %gather3A_84 : vector<16xf32>
        %gather3A_503 = tpu.vector_load_idx %arg10[%select_n3A_500] : memref<2048xf32, #tpu.memory_space<vmem>>[vector<16xi32>], vector<16xf32>,
        %sub3A_504 = arith.subf %gather3A_503, %gather3A_85 : vector<16xf32>
        %gather3A_505 = tpu.vector_load_idx %arg11[%select_n3A_500] : memref<2048xf32, #tpu.memory_space<vmem>>[vector<16xi32>], vector<16xf32>,
        %sub3A_506 = arith.subf %gather3A_505, %gather3A_86 : vector<16xf32>
        %mul3A_507 = arith.constant 8 : i32
        %mul3A_508 = vector.broadcast %mul3A_507 : i32 to vector<16xi32>
        %mul3A_509 = arith.muli %add3A_497, %mul3A_508 : vector<16xi32>
        tpu.vector_store_idx %arg15[%mul3A_509], %sub3A_502 : memref<65536xf32, #tpu.memory_space<vmem>>[vector<16xi32>], vector<16xf32>,
        %add3A_510 = arith.constant 1 : i32
        %add3A_511 = vector.broadcast %add3A_510 : i32 to vector<16xi32>
        %add3A_512 = arith.addi %mul3A_509, %add3A_511 : vector<16xi32>
        tpu.vector_store_idx %arg15[%add3A_512], %sub3A_504 : memref<65536xf32, #tpu.memory_space<vmem>>[vector<16xi32>], vector<16xf32>,
        %add3A_513 = arith.constant 2 : i32
        %add3A_514 = vector.broadcast %add3A_513 : i32 to vector<16xi32>
        %add3A_515 = arith.addi %mul3A_509, %add3A_514 : vector<16xi32>
        tpu.vector_store_idx %arg15[%add3A_515], %sub3A_506 : memref<65536xf32, #tpu.memory_space<vmem>>[vector<16xi32>], vector<16xf32>,
        %broadcast_in_dim3A_516 = arith.constant 0 : i32
        %broadcast_in_dim3A_517 = vector.broadcast %broadcast_in_dim3A_516 : i32 to vector<16xi32>
        %add3A_518 = arith.constant 3 : i32
        %add3A_519 = arith.addi %mul3A_30, %add3A_518 : i32
        %mul3A_520 = arith.constant 64 : i32
        %mul3A_521 = arith.muli %add3A_519, %mul3A_520 : i32
        %add3A_522 = vector.broadcast %mul3A_521 : i32 to vector<16xi32>
        %add3A_523 = arith.addi %broadcast_in_dim3A_517, %add3A_522 : vector<16xi32>
        %gather3A_524 = tpu.vector_load_idx %arg16[%add3A_523] : memref<8192xi32, #tpu.memory_space<vmem>>[vector<16xi32>], vector<16xi32>,
        %add3A_525 = arith.constant 0 : i32
        %add3A_526 = vector.broadcast %add3A_525 : i32 to vector<16xi32>
        %add3A_527 = arith.addi %add3A_526, %iota3A : vector<16xi32>
        %add3A_528 = arith.addi %add3A_523, %add3A_527 : vector<16xi32>
        %gather3A_529 = tpu.vector_load_idx %arg16[%add3A_528] : memref<8192xi32, #tpu.memory_space<vmem>>[vector<16xi32>], vector<16xi32>,
        %le3A_530 = arith.cmpi sle, %add3A_528, %scan3A_225#3 : vector<16xi32>
        %select_n3A_531 = arith.select %le3A_530, %gather3A_529, %gather3A_524 : vector<16xi1>, vector<16xi32>
        %gather3A_532 = tpu.vector_load_idx %arg9[%select_n3A_531] : memref<2048xf32, #tpu.memory_space<vmem>>[vector<16xi32>], vector<16xf32>,
        %sub3A_533 = arith.subf %gather3A_532, %gather3A_108 : vector<16xf32>
        %gather3A_534 = tpu.vector_load_idx %arg10[%select_n3A_531] : memref<2048xf32, #tpu.memory_space<vmem>>[vector<16xi32>], vector<16xf32>,
        %sub3A_535 = arith.subf %gather3A_534, %gather3A_109 : vector<16xf32>
        %gather3A_536 = tpu.vector_load_idx %arg11[%select_n3A_531] : memref<2048xf32, #tpu.memory_space<vmem>>[vector<16xi32>], vector<16xf32>,
        %sub3A_537 = arith.subf %gather3A_536, %gather3A_110 : vector<16xf32>
        %mul3A_538 = arith.constant 8 : i32
        %mul3A_539 = vector.broadcast %mul3A_538 : i32 to vector<16xi32>
        %mul3A_540 = arith.muli %add3A_528, %mul3A_539 : vector<16xi32>
        tpu.vector_store_idx %arg15[%mul3A_540], %sub3A_533 : memref<65536xf32, #tpu.memory_space<vmem>>[vector<16xi32>], vector<16xf32>,
        %add3A_541 = arith.constant 1 : i32
        %add3A_542 = vector.broadcast %add3A_541 : i32 to vector<16xi32>
        %add3A_543 = arith.addi %mul3A_540, %add3A_542 : vector<16xi32>
        tpu.vector_store_idx %arg15[%add3A_543], %sub3A_535 : memref<65536xf32, #tpu.memory_space<vmem>>[vector<16xi32>], vector<16xf32>,
        %add3A_544 = arith.constant 2 : i32
        %add3A_545 = vector.broadcast %add3A_544 : i32 to vector<16xi32>
        %add3A_546 = arith.addi %mul3A_540, %add3A_545 : vector<16xi32>
        tpu.vector_store_idx %arg15[%add3A_546], %sub3A_537 : memref<65536xf32, #tpu.memory_space<vmem>>[vector<16xi32>], vector<16xf32>,
        %add3A_547 = arith.constant 16 : i32
        %add3A_548 = vector.broadcast %add3A_547 : i32 to vector<16xi32>
        %add3A_549 = arith.addi %add3A_548, %iota3A : vector<16xi32>
        %add3A_550 = arith.addi %add3A_523, %add3A_549 : vector<16xi32>
        %gather3A_551 = tpu.vector_load_idx %arg16[%add3A_550] : memref<8192xi32, #tpu.memory_space<vmem>>[vector<16xi32>], vector<16xi32>,
        %le3A_552 = arith.cmpi sle, %add3A_550, %scan3A_225#3 : vector<16xi32>
        %select_n3A_553 = arith.select %le3A_552, %gather3A_551, %gather3A_524 : vector<16xi1>, vector<16xi32>
        %gather3A_554 = tpu.vector_load_idx %arg9[%select_n3A_553] : memref<2048xf32, #tpu.memory_space<vmem>>[vector<16xi32>], vector<16xf32>,
        %sub3A_555 = arith.subf %gather3A_554, %gather3A_108 : vector<16xf32>
        %gather3A_556 = tpu.vector_load_idx %arg10[%select_n3A_553] : memref<2048xf32, #tpu.memory_space<vmem>>[vector<16xi32>], vector<16xf32>,
        %sub3A_557 = arith.subf %gather3A_556, %gather3A_109 : vector<16xf32>
        %gather3A_558 = tpu.vector_load_idx %arg11[%select_n3A_553] : memref<2048xf32, #tpu.memory_space<vmem>>[vector<16xi32>], vector<16xf32>,
        %sub3A_559 = arith.subf %gather3A_558, %gather3A_110 : vector<16xf32>
        %mul3A_560 = arith.constant 8 : i32
        %mul3A_561 = vector.broadcast %mul3A_560 : i32 to vector<16xi32>
        %mul3A_562 = arith.muli %add3A_550, %mul3A_561 : vector<16xi32>
        tpu.vector_store_idx %arg15[%mul3A_562], %sub3A_555 : memref<65536xf32, #tpu.memory_space<vmem>>[vector<16xi32>], vector<16xf32>,
        %add3A_563 = arith.constant 1 : i32
        %add3A_564 = vector.broadcast %add3A_563 : i32 to vector<16xi32>
        %add3A_565 = arith.addi %mul3A_562, %add3A_564 : vector<16xi32>
        tpu.vector_store_idx %arg15[%add3A_565], %sub3A_557 : memref<65536xf32, #tpu.memory_space<vmem>>[vector<16xi32>], vector<16xf32>,
        %add3A_566 = arith.constant 2 : i32
        %add3A_567 = vector.broadcast %add3A_566 : i32 to vector<16xi32>
        %add3A_568 = arith.addi %mul3A_562, %add3A_567 : vector<16xi32>
        tpu.vector_store_idx %arg15[%add3A_568], %sub3A_559 : memref<65536xf32, #tpu.memory_space<vmem>>[vector<16xi32>], vector<16xf32>,
        %add3A_569 = arith.constant 32 : i32
        %add3A_570 = vector.broadcast %add3A_569 : i32 to vector<16xi32>
        %add3A_571 = arith.addi %add3A_570, %iota3A : vector<16xi32>
        %add3A_572 = arith.addi %add3A_523, %add3A_571 : vector<16xi32>
        %gather3A_573 = tpu.vector_load_idx %arg16[%add3A_572] : memref<8192xi32, #tpu.memory_space<vmem>>[vector<16xi32>], vector<16xi32>,
        %le3A_574 = arith.cmpi sle, %add3A_572, %scan3A_225#3 : vector<16xi32>
        %select_n3A_575 = arith.select %le3A_574, %gather3A_573, %gather3A_524 : vector<16xi1>, vector<16xi32>
        %gather3A_576 = tpu.vector_load_idx %arg9[%select_n3A_575] : memref<2048xf32, #tpu.memory_space<vmem>>[vector<16xi32>], vector<16xf32>,
        %sub3A_577 = arith.subf %gather3A_576, %gather3A_108 : vector<16xf32>
        %gather3A_578 = tpu.vector_load_idx %arg10[%select_n3A_575] : memref<2048xf32, #tpu.memory_space<vmem>>[vector<16xi32>], vector<16xf32>,
        %sub3A_579 = arith.subf %gather3A_578, %gather3A_109 : vector<16xf32>
        %gather3A_580 = tpu.vector_load_idx %arg11[%select_n3A_575] : memref<2048xf32, #tpu.memory_space<vmem>>[vector<16xi32>], vector<16xf32>,
        %sub3A_581 = arith.subf %gather3A_580, %gather3A_110 : vector<16xf32>
        %mul3A_582 = arith.constant 8 : i32
        %mul3A_583 = vector.broadcast %mul3A_582 : i32 to vector<16xi32>
        %mul3A_584 = arith.muli %add3A_572, %mul3A_583 : vector<16xi32>
        tpu.vector_store_idx %arg15[%mul3A_584], %sub3A_577 : memref<65536xf32, #tpu.memory_space<vmem>>[vector<16xi32>], vector<16xf32>,
        %add3A_585 = arith.constant 1 : i32
        %add3A_586 = vector.broadcast %add3A_585 : i32 to vector<16xi32>
        %add3A_587 = arith.addi %mul3A_584, %add3A_586 : vector<16xi32>
        tpu.vector_store_idx %arg15[%add3A_587], %sub3A_579 : memref<65536xf32, #tpu.memory_space<vmem>>[vector<16xi32>], vector<16xf32>,
        %add3A_588 = arith.constant 2 : i32
        %add3A_589 = vector.broadcast %add3A_588 : i32 to vector<16xi32>
        %add3A_590 = arith.addi %mul3A_584, %add3A_589 : vector<16xi32>
        tpu.vector_store_idx %arg15[%add3A_590], %sub3A_581 : memref<65536xf32, #tpu.memory_space<vmem>>[vector<16xi32>], vector<16xf32>,
        %add3A_591 = arith.constant 48 : i32
        %add3A_592 = vector.broadcast %add3A_591 : i32 to vector<16xi32>
        %add3A_593 = arith.addi %add3A_592, %iota3A : vector<16xi32>
        %add3A_594 = arith.addi %add3A_523, %add3A_593 : vector<16xi32>
        %gather3A_595 = tpu.vector_load_idx %arg16[%add3A_594] : memref<8192xi32, #tpu.memory_space<vmem>>[vector<16xi32>], vector<16xi32>,
        %le3A_596 = arith.cmpi sle, %add3A_594, %scan3A_225#3 : vector<16xi32>
        %select_n3A_597 = arith.select %le3A_596, %gather3A_595, %gather3A_524 : vector<16xi1>, vector<16xi32>
        %gather3A_598 = tpu.vector_load_idx %arg9[%select_n3A_597] : memref<2048xf32, #tpu.memory_space<vmem>>[vector<16xi32>], vector<16xf32>,
        %sub3A_599 = arith.subf %gather3A_598, %gather3A_108 : vector<16xf32>
        %gather3A_600 = tpu.vector_load_idx %arg10[%select_n3A_597] : memref<2048xf32, #tpu.memory_space<vmem>>[vector<16xi32>], vector<16xf32>,
        %sub3A_601 = arith.subf %gather3A_600, %gather3A_109 : vector<16xf32>
        %gather3A_602 = tpu.vector_load_idx %arg11[%select_n3A_597] : memref<2048xf32, #tpu.memory_space<vmem>>[vector<16xi32>], vector<16xf32>,
        %sub3A_603 = arith.subf %gather3A_602, %gather3A_110 : vector<16xf32>
        %mul3A_604 = arith.constant 8 : i32
        %mul3A_605 = vector.broadcast %mul3A_604 : i32 to vector<16xi32>
        %mul3A_606 = arith.muli %add3A_594, %mul3A_605 : vector<16xi32>
        tpu.vector_store_idx %arg15[%mul3A_606], %sub3A_599 : memref<65536xf32, #tpu.memory_space<vmem>>[vector<16xi32>], vector<16xf32>,
        %add3A_607 = arith.constant 1 : i32
        %add3A_608 = vector.broadcast %add3A_607 : i32 to vector<16xi32>
        %add3A_609 = arith.addi %mul3A_606, %add3A_608 : vector<16xi32>
        tpu.vector_store_idx %arg15[%add3A_609], %sub3A_601 : memref<65536xf32, #tpu.memory_space<vmem>>[vector<16xi32>], vector<16xf32>,
        %add3A_610 = arith.constant 2 : i32
        %add3A_611 = vector.broadcast %add3A_610 : i32 to vector<16xi32>
        %add3A_612 = arith.addi %mul3A_606, %add3A_611 : vector<16xi32>
        tpu.vector_store_idx %arg15[%add3A_612], %sub3A_603 : memref<65536xf32, #tpu.memory_space<vmem>>[vector<16xi32>], vector<16xf32>,
        %broadcast_in_dim3A_613 = arith.constant 0 : i32
        %broadcast_in_dim3A_614 = vector.broadcast %broadcast_in_dim3A_613 : i32 to vector<16xi32>
        %add3A_615 = arith.constant 4 : i32
        %add3A_616 = arith.addi %mul3A_30, %add3A_615 : i32
        %mul3A_617 = arith.constant 64 : i32
        %mul3A_618 = arith.muli %add3A_616, %mul3A_617 : i32
        %add3A_619 = vector.broadcast %mul3A_618 : i32 to vector<16xi32>
        %add3A_620 = arith.addi %broadcast_in_dim3A_614, %add3A_619 : vector<16xi32>
        %gather3A_621 = tpu.vector_load_idx %arg16[%add3A_620] : memref<8192xi32, #tpu.memory_space<vmem>>[vector<16xi32>], vector<16xi32>,
        %add3A_622 = arith.constant 0 : i32
        %add3A_623 = vector.broadcast %add3A_622 : i32 to vector<16xi32>
        %add3A_624 = arith.addi %add3A_623, %iota3A : vector<16xi32>
        %add3A_625 = arith.addi %add3A_620, %add3A_624 : vector<16xi32>
        %gather3A_626 = tpu.vector_load_idx %arg16[%add3A_625] : memref<8192xi32, #tpu.memory_space<vmem>>[vector<16xi32>], vector<16xi32>,
        %le3A_627 = arith.cmpi sle, %add3A_625, %scan3A_225#4 : vector<16xi32>
        %select_n3A_628 = arith.select %le3A_627, %gather3A_626, %gather3A_621 : vector<16xi1>, vector<16xi32>
        %gather3A_629 = tpu.vector_load_idx %arg9[%select_n3A_628] : memref<2048xf32, #tpu.memory_space<vmem>>[vector<16xi32>], vector<16xf32>,
        %sub3A_630 = arith.subf %gather3A_629, %gather3A_132 : vector<16xf32>
        %gather3A_631 = tpu.vector_load_idx %arg10[%select_n3A_628] : memref<2048xf32, #tpu.memory_space<vmem>>[vector<16xi32>], vector<16xf32>,
        %sub3A_632 = arith.subf %gather3A_631, %gather3A_133 : vector<16xf32>
        %gather3A_633 = tpu.vector_load_idx %arg11[%select_n3A_628] : memref<2048xf32, #tpu.memory_space<vmem>>[vector<16xi32>], vector<16xf32>,
        %sub3A_634 = arith.subf %gather3A_633, %gather3A_134 : vector<16xf32>
        %mul3A_635 = arith.constant 8 : i32
        %mul3A_636 = vector.broadcast %mul3A_635 : i32 to vector<16xi32>
        %mul3A_637 = arith.muli %add3A_625, %mul3A_636 : vector<16xi32>
        tpu.vector_store_idx %arg15[%mul3A_637], %sub3A_630 : memref<65536xf32, #tpu.memory_space<vmem>>[vector<16xi32>], vector<16xf32>,
        %add3A_638 = arith.constant 1 : i32
        %add3A_639 = vector.broadcast %add3A_638 : i32 to vector<16xi32>
        %add3A_640 = arith.addi %mul3A_637, %add3A_639 : vector<16xi32>
        tpu.vector_store_idx %arg15[%add3A_640], %sub3A_632 : memref<65536xf32, #tpu.memory_space<vmem>>[vector<16xi32>], vector<16xf32>,
        %add3A_641 = arith.constant 2 : i32
        %add3A_642 = vector.broadcast %add3A_641 : i32 to vector<16xi32>
        %add3A_643 = arith.addi %mul3A_637, %add3A_642 : vector<16xi32>
        tpu.vector_store_idx %arg15[%add3A_643], %sub3A_634 : memref<65536xf32, #tpu.memory_space<vmem>>[vector<16xi32>], vector<16xf32>,
        %add3A_644 = arith.constant 16 : i32
        %add3A_645 = vector.broadcast %add3A_644 : i32 to vector<16xi32>
        %add3A_646 = arith.addi %add3A_645, %iota3A : vector<16xi32>
        %add3A_647 = arith.addi %add3A_620, %add3A_646 : vector<16xi32>
        %gather3A_648 = tpu.vector_load_idx %arg16[%add3A_647] : memref<8192xi32, #tpu.memory_space<vmem>>[vector<16xi32>], vector<16xi32>,
        %le3A_649 = arith.cmpi sle, %add3A_647, %scan3A_225#4 : vector<16xi32>
        %select_n3A_650 = arith.select %le3A_649, %gather3A_648, %gather3A_621 : vector<16xi1>, vector<16xi32>
        %gather3A_651 = tpu.vector_load_idx %arg9[%select_n3A_650] : memref<2048xf32, #tpu.memory_space<vmem>>[vector<16xi32>], vector<16xf32>,
        %sub3A_652 = arith.subf %gather3A_651, %gather3A_132 : vector<16xf32>
        %gather3A_653 = tpu.vector_load_idx %arg10[%select_n3A_650] : memref<2048xf32, #tpu.memory_space<vmem>>[vector<16xi32>], vector<16xf32>,
        %sub3A_654 = arith.subf %gather3A_653, %gather3A_133 : vector<16xf32>
        %gather3A_655 = tpu.vector_load_idx %arg11[%select_n3A_650] : memref<2048xf32, #tpu.memory_space<vmem>>[vector<16xi32>], vector<16xf32>,
        %sub3A_656 = arith.subf %gather3A_655, %gather3A_134 : vector<16xf32>
        %mul3A_657 = arith.constant 8 : i32
        %mul3A_658 = vector.broadcast %mul3A_657 : i32 to vector<16xi32>
        %mul3A_659 = arith.muli %add3A_647, %mul3A_658 : vector<16xi32>
        tpu.vector_store_idx %arg15[%mul3A_659], %sub3A_652 : memref<65536xf32, #tpu.memory_space<vmem>>[vector<16xi32>], vector<16xf32>,
        %add3A_660 = arith.constant 1 : i32
        %add3A_661 = vector.broadcast %add3A_660 : i32 to vector<16xi32>
        %add3A_662 = arith.addi %mul3A_659, %add3A_661 : vector<16xi32>
        tpu.vector_store_idx %arg15[%add3A_662], %sub3A_654 : memref<65536xf32, #tpu.memory_space<vmem>>[vector<16xi32>], vector<16xf32>,
        %add3A_663 = arith.constant 2 : i32
        %add3A_664 = vector.broadcast %add3A_663 : i32 to vector<16xi32>
        %add3A_665 = arith.addi %mul3A_659, %add3A_664 : vector<16xi32>
        tpu.vector_store_idx %arg15[%add3A_665], %sub3A_656 : memref<65536xf32, #tpu.memory_space<vmem>>[vector<16xi32>], vector<16xf32>,
        %add3A_666 = arith.constant 32 : i32
        %add3A_667 = vector.broadcast %add3A_666 : i32 to vector<16xi32>
        %add3A_668 = arith.addi %add3A_667, %iota3A : vector<16xi32>
        %add3A_669 = arith.addi %add3A_620, %add3A_668 : vector<16xi32>
        %gather3A_670 = tpu.vector_load_idx %arg16[%add3A_669] : memref<8192xi32, #tpu.memory_space<vmem>>[vector<16xi32>], vector<16xi32>,
        %le3A_671 = arith.cmpi sle, %add3A_669, %scan3A_225#4 : vector<16xi32>
        %select_n3A_672 = arith.select %le3A_671, %gather3A_670, %gather3A_621 : vector<16xi1>, vector<16xi32>
        %gather3A_673 = tpu.vector_load_idx %arg9[%select_n3A_672] : memref<2048xf32, #tpu.memory_space<vmem>>[vector<16xi32>], vector<16xf32>,
        %sub3A_674 = arith.subf %gather3A_673, %gather3A_132 : vector<16xf32>
        %gather3A_675 = tpu.vector_load_idx %arg10[%select_n3A_672] : memref<2048xf32, #tpu.memory_space<vmem>>[vector<16xi32>], vector<16xf32>,
        %sub3A_676 = arith.subf %gather3A_675, %gather3A_133 : vector<16xf32>
        %gather3A_677 = tpu.vector_load_idx %arg11[%select_n3A_672] : memref<2048xf32, #tpu.memory_space<vmem>>[vector<16xi32>], vector<16xf32>,
        %sub3A_678 = arith.subf %gather3A_677, %gather3A_134 : vector<16xf32>
        %mul3A_679 = arith.constant 8 : i32
        %mul3A_680 = vector.broadcast %mul3A_679 : i32 to vector<16xi32>
        %mul3A_681 = arith.muli %add3A_669, %mul3A_680 : vector<16xi32>
        tpu.vector_store_idx %arg15[%mul3A_681], %sub3A_674 : memref<65536xf32, #tpu.memory_space<vmem>>[vector<16xi32>], vector<16xf32>,
        %add3A_682 = arith.constant 1 : i32
        %add3A_683 = vector.broadcast %add3A_682 : i32 to vector<16xi32>
        %add3A_684 = arith.addi %mul3A_681, %add3A_683 : vector<16xi32>
        tpu.vector_store_idx %arg15[%add3A_684], %sub3A_676 : memref<65536xf32, #tpu.memory_space<vmem>>[vector<16xi32>], vector<16xf32>,
        %add3A_685 = arith.constant 2 : i32
        %add3A_686 = vector.broadcast %add3A_685 : i32 to vector<16xi32>
        %add3A_687 = arith.addi %mul3A_681, %add3A_686 : vector<16xi32>
        tpu.vector_store_idx %arg15[%add3A_687], %sub3A_678 : memref<65536xf32, #tpu.memory_space<vmem>>[vector<16xi32>], vector<16xf32>,
        %add3A_688 = arith.constant 48 : i32
        %add3A_689 = vector.broadcast %add3A_688 : i32 to vector<16xi32>
        %add3A_690 = arith.addi %add3A_689, %iota3A : vector<16xi32>
        %add3A_691 = arith.addi %add3A_620, %add3A_690 : vector<16xi32>
        %gather3A_692 = tpu.vector_load_idx %arg16[%add3A_691] : memref<8192xi32, #tpu.memory_space<vmem>>[vector<16xi32>], vector<16xi32>,
        %le3A_693 = arith.cmpi sle, %add3A_691, %scan3A_225#4 : vector<16xi32>
        %select_n3A_694 = arith.select %le3A_693, %gather3A_692, %gather3A_621 : vector<16xi1>, vector<16xi32>
        %gather3A_695 = tpu.vector_load_idx %arg9[%select_n3A_694] : memref<2048xf32, #tpu.memory_space<vmem>>[vector<16xi32>], vector<16xf32>,
        %sub3A_696 = arith.subf %gather3A_695, %gather3A_132 : vector<16xf32>
        %gather3A_697 = tpu.vector_load_idx %arg10[%select_n3A_694] : memref<2048xf32, #tpu.memory_space<vmem>>[vector<16xi32>], vector<16xf32>,
        %sub3A_698 = arith.subf %gather3A_697, %gather3A_133 : vector<16xf32>
        %gather3A_699 = tpu.vector_load_idx %arg11[%select_n3A_694] : memref<2048xf32, #tpu.memory_space<vmem>>[vector<16xi32>], vector<16xf32>,
        %sub3A_700 = arith.subf %gather3A_699, %gather3A_134 : vector<16xf32>
        %mul3A_701 = arith.constant 8 : i32
        %mul3A_702 = vector.broadcast %mul3A_701 : i32 to vector<16xi32>
        %mul3A_703 = arith.muli %add3A_691, %mul3A_702 : vector<16xi32>
        tpu.vector_store_idx %arg15[%mul3A_703], %sub3A_696 : memref<65536xf32, #tpu.memory_space<vmem>>[vector<16xi32>], vector<16xf32>,
        %add3A_704 = arith.constant 1 : i32
        %add3A_705 = vector.broadcast %add3A_704 : i32 to vector<16xi32>
        %add3A_706 = arith.addi %mul3A_703, %add3A_705 : vector<16xi32>
        tpu.vector_store_idx %arg15[%add3A_706], %sub3A_698 : memref<65536xf32, #tpu.memory_space<vmem>>[vector<16xi32>], vector<16xf32>,
        %add3A_707 = arith.constant 2 : i32
        %add3A_708 = vector.broadcast %add3A_707 : i32 to vector<16xi32>
        %add3A_709 = arith.addi %mul3A_703, %add3A_708 : vector<16xi32>
        tpu.vector_store_idx %arg15[%add3A_709], %sub3A_700 : memref<65536xf32, #tpu.memory_space<vmem>>[vector<16xi32>], vector<16xf32>,
        %broadcast_in_dim3A_710 = arith.constant 0 : i32
        %broadcast_in_dim3A_711 = vector.broadcast %broadcast_in_dim3A_710 : i32 to vector<16xi32>
        %add3A_712 = arith.constant 5 : i32
        %add3A_713 = arith.addi %mul3A_30, %add3A_712 : i32
        %mul3A_714 = arith.constant 64 : i32
        %mul3A_715 = arith.muli %add3A_713, %mul3A_714 : i32
        %add3A_716 = vector.broadcast %mul3A_715 : i32 to vector<16xi32>
        %add3A_717 = arith.addi %broadcast_in_dim3A_711, %add3A_716 : vector<16xi32>
        %gather3A_718 = tpu.vector_load_idx %arg16[%add3A_717] : memref<8192xi32, #tpu.memory_space<vmem>>[vector<16xi32>], vector<16xi32>,
        %add3A_719 = arith.constant 0 : i32
        %add3A_720 = vector.broadcast %add3A_719 : i32 to vector<16xi32>
        %add3A_721 = arith.addi %add3A_720, %iota3A : vector<16xi32>
        %add3A_722 = arith.addi %add3A_717, %add3A_721 : vector<16xi32>
        %gather3A_723 = tpu.vector_load_idx %arg16[%add3A_722] : memref<8192xi32, #tpu.memory_space<vmem>>[vector<16xi32>], vector<16xi32>,
        %le3A_724 = arith.cmpi sle, %add3A_722, %scan3A_225#5 : vector<16xi32>
        %select_n3A_725 = arith.select %le3A_724, %gather3A_723, %gather3A_718 : vector<16xi1>, vector<16xi32>
        %gather3A_726 = tpu.vector_load_idx %arg9[%select_n3A_725] : memref<2048xf32, #tpu.memory_space<vmem>>[vector<16xi32>], vector<16xf32>,
        %sub3A_727 = arith.subf %gather3A_726, %gather3A_156 : vector<16xf32>
        %gather3A_728 = tpu.vector_load_idx %arg10[%select_n3A_725] : memref<2048xf32, #tpu.memory_space<vmem>>[vector<16xi32>], vector<16xf32>,
        %sub3A_729 = arith.subf %gather3A_728, %gather3A_157 : vector<16xf32>
        %gather3A_730 = tpu.vector_load_idx %arg11[%select_n3A_725] : memref<2048xf32, #tpu.memory_space<vmem>>[vector<16xi32>], vector<16xf32>,
        %sub3A_731 = arith.subf %gather3A_730, %gather3A_158 : vector<16xf32>
        %mul3A_732 = arith.constant 8 : i32
        %mul3A_733 = vector.broadcast %mul3A_732 : i32 to vector<16xi32>
        %mul3A_734 = arith.muli %add3A_722, %mul3A_733 : vector<16xi32>
        tpu.vector_store_idx %arg15[%mul3A_734], %sub3A_727 : memref<65536xf32, #tpu.memory_space<vmem>>[vector<16xi32>], vector<16xf32>,
        %add3A_735 = arith.constant 1 : i32
        %add3A_736 = vector.broadcast %add3A_735 : i32 to vector<16xi32>
        %add3A_737 = arith.addi %mul3A_734, %add3A_736 : vector<16xi32>
        tpu.vector_store_idx %arg15[%add3A_737], %sub3A_729 : memref<65536xf32, #tpu.memory_space<vmem>>[vector<16xi32>], vector<16xf32>,
        %add3A_738 = arith.constant 2 : i32
        %add3A_739 = vector.broadcast %add3A_738 : i32 to vector<16xi32>
        %add3A_740 = arith.addi %mul3A_734, %add3A_739 : vector<16xi32>
        tpu.vector_store_idx %arg15[%add3A_740], %sub3A_731 : memref<65536xf32, #tpu.memory_space<vmem>>[vector<16xi32>], vector<16xf32>,
        %add3A_741 = arith.constant 16 : i32
        %add3A_742 = vector.broadcast %add3A_741 : i32 to vector<16xi32>
        %add3A_743 = arith.addi %add3A_742, %iota3A : vector<16xi32>
        %add3A_744 = arith.addi %add3A_717, %add3A_743 : vector<16xi32>
        %gather3A_745 = tpu.vector_load_idx %arg16[%add3A_744] : memref<8192xi32, #tpu.memory_space<vmem>>[vector<16xi32>], vector<16xi32>,
        %le3A_746 = arith.cmpi sle, %add3A_744, %scan3A_225#5 : vector<16xi32>
        %select_n3A_747 = arith.select %le3A_746, %gather3A_745, %gather3A_718 : vector<16xi1>, vector<16xi32>
        %gather3A_748 = tpu.vector_load_idx %arg9[%select_n3A_747] : memref<2048xf32, #tpu.memory_space<vmem>>[vector<16xi32>], vector<16xf32>,
        %sub3A_749 = arith.subf %gather3A_748, %gather3A_156 : vector<16xf32>
        %gather3A_750 = tpu.vector_load_idx %arg10[%select_n3A_747] : memref<2048xf32, #tpu.memory_space<vmem>>[vector<16xi32>], vector<16xf32>,
        %sub3A_751 = arith.subf %gather3A_750, %gather3A_157 : vector<16xf32>
        %gather3A_752 = tpu.vector_load_idx %arg11[%select_n3A_747] : memref<2048xf32, #tpu.memory_space<vmem>>[vector<16xi32>], vector<16xf32>,
        %sub3A_753 = arith.subf %gather3A_752, %gather3A_158 : vector<16xf32>
        %mul3A_754 = arith.constant 8 : i32
        %mul3A_755 = vector.broadcast %mul3A_754 : i32 to vector<16xi32>
        %mul3A_756 = arith.muli %add3A_744, %mul3A_755 : vector<16xi32>
        tpu.vector_store_idx %arg15[%mul3A_756], %sub3A_749 : memref<65536xf32, #tpu.memory_space<vmem>>[vector<16xi32>], vector<16xf32>,
        %add3A_757 = arith.constant 1 : i32
        %add3A_758 = vector.broadcast %add3A_757 : i32 to vector<16xi32>
        %add3A_759 = arith.addi %mul3A_756, %add3A_758 : vector<16xi32>
        tpu.vector_store_idx %arg15[%add3A_759], %sub3A_751 : memref<65536xf32, #tpu.memory_space<vmem>>[vector<16xi32>], vector<16xf32>,
        %add3A_760 = arith.constant 2 : i32
        %add3A_761 = vector.broadcast %add3A_760 : i32 to vector<16xi32>
        %add3A_762 = arith.addi %mul3A_756, %add3A_761 : vector<16xi32>
        tpu.vector_store_idx %arg15[%add3A_762], %sub3A_753 : memref<65536xf32, #tpu.memory_space<vmem>>[vector<16xi32>], vector<16xf32>,
        %add3A_763 = arith.constant 32 : i32
        %add3A_764 = vector.broadcast %add3A_763 : i32 to vector<16xi32>
        %add3A_765 = arith.addi %add3A_764, %iota3A : vector<16xi32>
        %add3A_766 = arith.addi %add3A_717, %add3A_765 : vector<16xi32>
        %gather3A_767 = tpu.vector_load_idx %arg16[%add3A_766] : memref<8192xi32, #tpu.memory_space<vmem>>[vector<16xi32>], vector<16xi32>,
        %le3A_768 = arith.cmpi sle, %add3A_766, %scan3A_225#5 : vector<16xi32>
        %select_n3A_769 = arith.select %le3A_768, %gather3A_767, %gather3A_718 : vector<16xi1>, vector<16xi32>
        %gather3A_770 = tpu.vector_load_idx %arg9[%select_n3A_769] : memref<2048xf32, #tpu.memory_space<vmem>>[vector<16xi32>], vector<16xf32>,
        %sub3A_771 = arith.subf %gather3A_770, %gather3A_156 : vector<16xf32>
        %gather3A_772 = tpu.vector_load_idx %arg10[%select_n3A_769] : memref<2048xf32, #tpu.memory_space<vmem>>[vector<16xi32>], vector<16xf32>,
        %sub3A_773 = arith.subf %gather3A_772, %gather3A_157 : vector<16xf32>
        %gather3A_774 = tpu.vector_load_idx %arg11[%select_n3A_769] : memref<2048xf32, #tpu.memory_space<vmem>>[vector<16xi32>], vector<16xf32>,
        %sub3A_775 = arith.subf %gather3A_774, %gather3A_158 : vector<16xf32>
        %mul3A_776 = arith.constant 8 : i32
        %mul3A_777 = vector.broadcast %mul3A_776 : i32 to vector<16xi32>
        %mul3A_778 = arith.muli %add3A_766, %mul3A_777 : vector<16xi32>
        tpu.vector_store_idx %arg15[%mul3A_778], %sub3A_771 : memref<65536xf32, #tpu.memory_space<vmem>>[vector<16xi32>], vector<16xf32>,
        %add3A_779 = arith.constant 1 : i32
        %add3A_780 = vector.broadcast %add3A_779 : i32 to vector<16xi32>
        %add3A_781 = arith.addi %mul3A_778, %add3A_780 : vector<16xi32>
        tpu.vector_store_idx %arg15[%add3A_781], %sub3A_773 : memref<65536xf32, #tpu.memory_space<vmem>>[vector<16xi32>], vector<16xf32>,
        %add3A_782 = arith.constant 2 : i32
        %add3A_783 = vector.broadcast %add3A_782 : i32 to vector<16xi32>
        %add3A_784 = arith.addi %mul3A_778, %add3A_783 : vector<16xi32>
        tpu.vector_store_idx %arg15[%add3A_784], %sub3A_775 : memref<65536xf32, #tpu.memory_space<vmem>>[vector<16xi32>], vector<16xf32>,
        %add3A_785 = arith.constant 48 : i32
        %add3A_786 = vector.broadcast %add3A_785 : i32 to vector<16xi32>
        %add3A_787 = arith.addi %add3A_786, %iota3A : vector<16xi32>
        %add3A_788 = arith.addi %add3A_717, %add3A_787 : vector<16xi32>
        %gather3A_789 = tpu.vector_load_idx %arg16[%add3A_788] : memref<8192xi32, #tpu.memory_space<vmem>>[vector<16xi32>], vector<16xi32>,
        %le3A_790 = arith.cmpi sle, %add3A_788, %scan3A_225#5 : vector<16xi32>
        %select_n3A_791 = arith.select %le3A_790, %gather3A_789, %gather3A_718 : vector<16xi1>, vector<16xi32>
        %gather3A_792 = tpu.vector_load_idx %arg9[%select_n3A_791] : memref<2048xf32, #tpu.memory_space<vmem>>[vector<16xi32>], vector<16xf32>,
        %sub3A_793 = arith.subf %gather3A_792, %gather3A_156 : vector<16xf32>
        %gather3A_794 = tpu.vector_load_idx %arg10[%select_n3A_791] : memref<2048xf32, #tpu.memory_space<vmem>>[vector<16xi32>], vector<16xf32>,
        %sub3A_795 = arith.subf %gather3A_794, %gather3A_157 : vector<16xf32>
        %gather3A_796 = tpu.vector_load_idx %arg11[%select_n3A_791] : memref<2048xf32, #tpu.memory_space<vmem>>[vector<16xi32>], vector<16xf32>,
        %sub3A_797 = arith.subf %gather3A_796, %gather3A_158 : vector<16xf32>
        %mul3A_798 = arith.constant 8 : i32
        %mul3A_799 = vector.broadcast %mul3A_798 : i32 to vector<16xi32>
        %mul3A_800 = arith.muli %add3A_788, %mul3A_799 : vector<16xi32>
        tpu.vector_store_idx %arg15[%mul3A_800], %sub3A_793 : memref<65536xf32, #tpu.memory_space<vmem>>[vector<16xi32>], vector<16xf32>,
        %add3A_801 = arith.constant 1 : i32
        %add3A_802 = vector.broadcast %add3A_801 : i32 to vector<16xi32>
        %add3A_803 = arith.addi %mul3A_800, %add3A_802 : vector<16xi32>
        tpu.vector_store_idx %arg15[%add3A_803], %sub3A_795 : memref<65536xf32, #tpu.memory_space<vmem>>[vector<16xi32>], vector<16xf32>,
        %add3A_804 = arith.constant 2 : i32
        %add3A_805 = vector.broadcast %add3A_804 : i32 to vector<16xi32>
        %add3A_806 = arith.addi %mul3A_800, %add3A_805 : vector<16xi32>
        tpu.vector_store_idx %arg15[%add3A_806], %sub3A_797 : memref<65536xf32, #tpu.memory_space<vmem>>[vector<16xi32>], vector<16xf32>,
        %broadcast_in_dim3A_807 = arith.constant 0 : i32
        %broadcast_in_dim3A_808 = vector.broadcast %broadcast_in_dim3A_807 : i32 to vector<16xi32>
        %add3A_809 = arith.constant 6 : i32
        %add3A_810 = arith.addi %mul3A_30, %add3A_809 : i32
        %mul3A_811 = arith.constant 64 : i32
        %mul3A_812 = arith.muli %add3A_810, %mul3A_811 : i32
        %add3A_813 = vector.broadcast %mul3A_812 : i32 to vector<16xi32>
        %add3A_814 = arith.addi %broadcast_in_dim3A_808, %add3A_813 : vector<16xi32>
        %gather3A_815 = tpu.vector_load_idx %arg16[%add3A_814] : memref<8192xi32, #tpu.memory_space<vmem>>[vector<16xi32>], vector<16xi32>,
        %add3A_816 = arith.constant 0 : i32
        %add3A_817 = vector.broadcast %add3A_816 : i32 to vector<16xi32>
        %add3A_818 = arith.addi %add3A_817, %iota3A : vector<16xi32>
        %add3A_819 = arith.addi %add3A_814, %add3A_818 : vector<16xi32>
        %gather3A_820 = tpu.vector_load_idx %arg16[%add3A_819] : memref<8192xi32, #tpu.memory_space<vmem>>[vector<16xi32>], vector<16xi32>,
        %le3A_821 = arith.cmpi sle, %add3A_819, %scan3A_225#6 : vector<16xi32>
        %select_n3A_822 = arith.select %le3A_821, %gather3A_820, %gather3A_815 : vector<16xi1>, vector<16xi32>
        %gather3A_823 = tpu.vector_load_idx %arg9[%select_n3A_822] : memref<2048xf32, #tpu.memory_space<vmem>>[vector<16xi32>], vector<16xf32>,
        %sub3A_824 = arith.subf %gather3A_823, %gather3A_180 : vector<16xf32>
        %gather3A_825 = tpu.vector_load_idx %arg10[%select_n3A_822] : memref<2048xf32, #tpu.memory_space<vmem>>[vector<16xi32>], vector<16xf32>,
        %sub3A_826 = arith.subf %gather3A_825, %gather3A_181 : vector<16xf32>
        %gather3A_827 = tpu.vector_load_idx %arg11[%select_n3A_822] : memref<2048xf32, #tpu.memory_space<vmem>>[vector<16xi32>], vector<16xf32>,
        %sub3A_828 = arith.subf %gather3A_827, %gather3A_182 : vector<16xf32>
        %mul3A_829 = arith.constant 8 : i32
        %mul3A_830 = vector.broadcast %mul3A_829 : i32 to vector<16xi32>
        %mul3A_831 = arith.muli %add3A_819, %mul3A_830 : vector<16xi32>
        tpu.vector_store_idx %arg15[%mul3A_831], %sub3A_824 : memref<65536xf32, #tpu.memory_space<vmem>>[vector<16xi32>], vector<16xf32>,
        %add3A_832 = arith.constant 1 : i32
        %add3A_833 = vector.broadcast %add3A_832 : i32 to vector<16xi32>
        %add3A_834 = arith.addi %mul3A_831, %add3A_833 : vector<16xi32>
        tpu.vector_store_idx %arg15[%add3A_834], %sub3A_826 : memref<65536xf32, #tpu.memory_space<vmem>>[vector<16xi32>], vector<16xf32>,
        %add3A_835 = arith.constant 2 : i32
        %add3A_836 = vector.broadcast %add3A_835 : i32 to vector<16xi32>
        %add3A_837 = arith.addi %mul3A_831, %add3A_836 : vector<16xi32>
        tpu.vector_store_idx %arg15[%add3A_837], %sub3A_828 : memref<65536xf32, #tpu.memory_space<vmem>>[vector<16xi32>], vector<16xf32>,
        %add3A_838 = arith.constant 16 : i32
        %add3A_839 = vector.broadcast %add3A_838 : i32 to vector<16xi32>
        %add3A_840 = arith.addi %add3A_839, %iota3A : vector<16xi32>
        %add3A_841 = arith.addi %add3A_814, %add3A_840 : vector<16xi32>
        %gather3A_842 = tpu.vector_load_idx %arg16[%add3A_841] : memref<8192xi32, #tpu.memory_space<vmem>>[vector<16xi32>], vector<16xi32>,
        %le3A_843 = arith.cmpi sle, %add3A_841, %scan3A_225#6 : vector<16xi32>
        %select_n3A_844 = arith.select %le3A_843, %gather3A_842, %gather3A_815 : vector<16xi1>, vector<16xi32>
        %gather3A_845 = tpu.vector_load_idx %arg9[%select_n3A_844] : memref<2048xf32, #tpu.memory_space<vmem>>[vector<16xi32>], vector<16xf32>,
        %sub3A_846 = arith.subf %gather3A_845, %gather3A_180 : vector<16xf32>
        %gather3A_847 = tpu.vector_load_idx %arg10[%select_n3A_844] : memref<2048xf32, #tpu.memory_space<vmem>>[vector<16xi32>], vector<16xf32>,
        %sub3A_848 = arith.subf %gather3A_847, %gather3A_181 : vector<16xf32>
        %gather3A_849 = tpu.vector_load_idx %arg11[%select_n3A_844] : memref<2048xf32, #tpu.memory_space<vmem>>[vector<16xi32>], vector<16xf32>,
        %sub3A_850 = arith.subf %gather3A_849, %gather3A_182 : vector<16xf32>
        %mul3A_851 = arith.constant 8 : i32
        %mul3A_852 = vector.broadcast %mul3A_851 : i32 to vector<16xi32>
        %mul3A_853 = arith.muli %add3A_841, %mul3A_852 : vector<16xi32>
        tpu.vector_store_idx %arg15[%mul3A_853], %sub3A_846 : memref<65536xf32, #tpu.memory_space<vmem>>[vector<16xi32>], vector<16xf32>,
        %add3A_854 = arith.constant 1 : i32
        %add3A_855 = vector.broadcast %add3A_854 : i32 to vector<16xi32>
        %add3A_856 = arith.addi %mul3A_853, %add3A_855 : vector<16xi32>
        tpu.vector_store_idx %arg15[%add3A_856], %sub3A_848 : memref<65536xf32, #tpu.memory_space<vmem>>[vector<16xi32>], vector<16xf32>,
        %add3A_857 = arith.constant 2 : i32
        %add3A_858 = vector.broadcast %add3A_857 : i32 to vector<16xi32>
        %add3A_859 = arith.addi %mul3A_853, %add3A_858 : vector<16xi32>
        tpu.vector_store_idx %arg15[%add3A_859], %sub3A_850 : memref<65536xf32, #tpu.memory_space<vmem>>[vector<16xi32>], vector<16xf32>,
        %add3A_860 = arith.constant 32 : i32
        %add3A_861 = vector.broadcast %add3A_860 : i32 to vector<16xi32>
        %add3A_862 = arith.addi %add3A_861, %iota3A : vector<16xi32>
        %add3A_863 = arith.addi %add3A_814, %add3A_862 : vector<16xi32>
        %gather3A_864 = tpu.vector_load_idx %arg16[%add3A_863] : memref<8192xi32, #tpu.memory_space<vmem>>[vector<16xi32>], vector<16xi32>,
        %le3A_865 = arith.cmpi sle, %add3A_863, %scan3A_225#6 : vector<16xi32>
        %select_n3A_866 = arith.select %le3A_865, %gather3A_864, %gather3A_815 : vector<16xi1>, vector<16xi32>
        %gather3A_867 = tpu.vector_load_idx %arg9[%select_n3A_866] : memref<2048xf32, #tpu.memory_space<vmem>>[vector<16xi32>], vector<16xf32>,
        %sub3A_868 = arith.subf %gather3A_867, %gather3A_180 : vector<16xf32>
        %gather3A_869 = tpu.vector_load_idx %arg10[%select_n3A_866] : memref<2048xf32, #tpu.memory_space<vmem>>[vector<16xi32>], vector<16xf32>,
        %sub3A_870 = arith.subf %gather3A_869, %gather3A_181 : vector<16xf32>
        %gather3A_871 = tpu.vector_load_idx %arg11[%select_n3A_866] : memref<2048xf32, #tpu.memory_space<vmem>>[vector<16xi32>], vector<16xf32>,
        %sub3A_872 = arith.subf %gather3A_871, %gather3A_182 : vector<16xf32>
        %mul3A_873 = arith.constant 8 : i32
        %mul3A_874 = vector.broadcast %mul3A_873 : i32 to vector<16xi32>
        %mul3A_875 = arith.muli %add3A_863, %mul3A_874 : vector<16xi32>
        tpu.vector_store_idx %arg15[%mul3A_875], %sub3A_868 : memref<65536xf32, #tpu.memory_space<vmem>>[vector<16xi32>], vector<16xf32>,
        %add3A_876 = arith.constant 1 : i32
        %add3A_877 = vector.broadcast %add3A_876 : i32 to vector<16xi32>
        %add3A_878 = arith.addi %mul3A_875, %add3A_877 : vector<16xi32>
        tpu.vector_store_idx %arg15[%add3A_878], %sub3A_870 : memref<65536xf32, #tpu.memory_space<vmem>>[vector<16xi32>], vector<16xf32>,
        %add3A_879 = arith.constant 2 : i32
        %add3A_880 = vector.broadcast %add3A_879 : i32 to vector<16xi32>
        %add3A_881 = arith.addi %mul3A_875, %add3A_880 : vector<16xi32>
        tpu.vector_store_idx %arg15[%add3A_881], %sub3A_872 : memref<65536xf32, #tpu.memory_space<vmem>>[vector<16xi32>], vector<16xf32>,
        %add3A_882 = arith.constant 48 : i32
        %add3A_883 = vector.broadcast %add3A_882 : i32 to vector<16xi32>
        %add3A_884 = arith.addi %add3A_883, %iota3A : vector<16xi32>
        %add3A_885 = arith.addi %add3A_814, %add3A_884 : vector<16xi32>
        %gather3A_886 = tpu.vector_load_idx %arg16[%add3A_885] : memref<8192xi32, #tpu.memory_space<vmem>>[vector<16xi32>], vector<16xi32>,
        %le3A_887 = arith.cmpi sle, %add3A_885, %scan3A_225#6 : vector<16xi32>
        %select_n3A_888 = arith.select %le3A_887, %gather3A_886, %gather3A_815 : vector<16xi1>, vector<16xi32>
        %gather3A_889 = tpu.vector_load_idx %arg9[%select_n3A_888] : memref<2048xf32, #tpu.memory_space<vmem>>[vector<16xi32>], vector<16xf32>,
        %sub3A_890 = arith.subf %gather3A_889, %gather3A_180 : vector<16xf32>
        %gather3A_891 = tpu.vector_load_idx %arg10[%select_n3A_888] : memref<2048xf32, #tpu.memory_space<vmem>>[vector<16xi32>], vector<16xf32>,
        %sub3A_892 = arith.subf %gather3A_891, %gather3A_181 : vector<16xf32>
        %gather3A_893 = tpu.vector_load_idx %arg11[%select_n3A_888] : memref<2048xf32, #tpu.memory_space<vmem>>[vector<16xi32>], vector<16xf32>,
        %sub3A_894 = arith.subf %gather3A_893, %gather3A_182 : vector<16xf32>
        %mul3A_895 = arith.constant 8 : i32
        %mul3A_896 = vector.broadcast %mul3A_895 : i32 to vector<16xi32>
        %mul3A_897 = arith.muli %add3A_885, %mul3A_896 : vector<16xi32>
        tpu.vector_store_idx %arg15[%mul3A_897], %sub3A_890 : memref<65536xf32, #tpu.memory_space<vmem>>[vector<16xi32>], vector<16xf32>,
        %add3A_898 = arith.constant 1 : i32
        %add3A_899 = vector.broadcast %add3A_898 : i32 to vector<16xi32>
        %add3A_900 = arith.addi %mul3A_897, %add3A_899 : vector<16xi32>
        tpu.vector_store_idx %arg15[%add3A_900], %sub3A_892 : memref<65536xf32, #tpu.memory_space<vmem>>[vector<16xi32>], vector<16xf32>,
        %add3A_901 = arith.constant 2 : i32
        %add3A_902 = vector.broadcast %add3A_901 : i32 to vector<16xi32>
        %add3A_903 = arith.addi %mul3A_897, %add3A_902 : vector<16xi32>
        tpu.vector_store_idx %arg15[%add3A_903], %sub3A_894 : memref<65536xf32, #tpu.memory_space<vmem>>[vector<16xi32>], vector<16xf32>,
        %broadcast_in_dim3A_904 = arith.constant 0 : i32
        %broadcast_in_dim3A_905 = vector.broadcast %broadcast_in_dim3A_904 : i32 to vector<16xi32>
        %add3A_906 = arith.constant 7 : i32
        %add3A_907 = arith.addi %mul3A_30, %add3A_906 : i32
        %mul3A_908 = arith.constant 64 : i32
        %mul3A_909 = arith.muli %add3A_907, %mul3A_908 : i32
        %add3A_910 = vector.broadcast %mul3A_909 : i32 to vector<16xi32>
        %add3A_911 = arith.addi %broadcast_in_dim3A_905, %add3A_910 : vector<16xi32>
        %gather3A_912 = tpu.vector_load_idx %arg16[%add3A_911] : memref<8192xi32, #tpu.memory_space<vmem>>[vector<16xi32>], vector<16xi32>,
        %add3A_913 = arith.constant 0 : i32
        %add3A_914 = vector.broadcast %add3A_913 : i32 to vector<16xi32>
        %add3A_915 = arith.addi %add3A_914, %iota3A : vector<16xi32>
        %add3A_916 = arith.addi %add3A_911, %add3A_915 : vector<16xi32>
        %gather3A_917 = tpu.vector_load_idx %arg16[%add3A_916] : memref<8192xi32, #tpu.memory_space<vmem>>[vector<16xi32>], vector<16xi32>,
        %le3A_918 = arith.cmpi sle, %add3A_916, %scan3A_225#7 : vector<16xi32>
        %select_n3A_919 = arith.select %le3A_918, %gather3A_917, %gather3A_912 : vector<16xi1>, vector<16xi32>
        %gather3A_920 = tpu.vector_load_idx %arg9[%select_n3A_919] : memref<2048xf32, #tpu.memory_space<vmem>>[vector<16xi32>], vector<16xf32>,
        %sub3A_921 = arith.subf %gather3A_920, %gather3A_204 : vector<16xf32>
        %gather3A_922 = tpu.vector_load_idx %arg10[%select_n3A_919] : memref<2048xf32, #tpu.memory_space<vmem>>[vector<16xi32>], vector<16xf32>,
        %sub3A_923 = arith.subf %gather3A_922, %gather3A_205 : vector<16xf32>
        %gather3A_924 = tpu.vector_load_idx %arg11[%select_n3A_919] : memref<2048xf32, #tpu.memory_space<vmem>>[vector<16xi32>], vector<16xf32>,
        %sub3A_925 = arith.subf %gather3A_924, %gather3A_206 : vector<16xf32>
        %mul3A_926 = arith.constant 8 : i32
        %mul3A_927 = vector.broadcast %mul3A_926 : i32 to vector<16xi32>
        %mul3A_928 = arith.muli %add3A_916, %mul3A_927 : vector<16xi32>
        tpu.vector_store_idx %arg15[%mul3A_928], %sub3A_921 : memref<65536xf32, #tpu.memory_space<vmem>>[vector<16xi32>], vector<16xf32>,
        %add3A_929 = arith.constant 1 : i32
        %add3A_930 = vector.broadcast %add3A_929 : i32 to vector<16xi32>
        %add3A_931 = arith.addi %mul3A_928, %add3A_930 : vector<16xi32>
        tpu.vector_store_idx %arg15[%add3A_931], %sub3A_923 : memref<65536xf32, #tpu.memory_space<vmem>>[vector<16xi32>], vector<16xf32>,
        %add3A_932 = arith.constant 2 : i32
        %add3A_933 = vector.broadcast %add3A_932 : i32 to vector<16xi32>
        %add3A_934 = arith.addi %mul3A_928, %add3A_933 : vector<16xi32>
        tpu.vector_store_idx %arg15[%add3A_934], %sub3A_925 : memref<65536xf32, #tpu.memory_space<vmem>>[vector<16xi32>], vector<16xf32>,
        %add3A_935 = arith.constant 16 : i32
        %add3A_936 = vector.broadcast %add3A_935 : i32 to vector<16xi32>
        %add3A_937 = arith.addi %add3A_936, %iota3A : vector<16xi32>
        %add3A_938 = arith.addi %add3A_911, %add3A_937 : vector<16xi32>
        %gather3A_939 = tpu.vector_load_idx %arg16[%add3A_938] : memref<8192xi32, #tpu.memory_space<vmem>>[vector<16xi32>], vector<16xi32>,
        %le3A_940 = arith.cmpi sle, %add3A_938, %scan3A_225#7 : vector<16xi32>
        %select_n3A_941 = arith.select %le3A_940, %gather3A_939, %gather3A_912 : vector<16xi1>, vector<16xi32>
        %gather3A_942 = tpu.vector_load_idx %arg9[%select_n3A_941] : memref<2048xf32, #tpu.memory_space<vmem>>[vector<16xi32>], vector<16xf32>,
        %sub3A_943 = arith.subf %gather3A_942, %gather3A_204 : vector<16xf32>
        %gather3A_944 = tpu.vector_load_idx %arg10[%select_n3A_941] : memref<2048xf32, #tpu.memory_space<vmem>>[vector<16xi32>], vector<16xf32>,
        %sub3A_945 = arith.subf %gather3A_944, %gather3A_205 : vector<16xf32>
        %gather3A_946 = tpu.vector_load_idx %arg11[%select_n3A_941] : memref<2048xf32, #tpu.memory_space<vmem>>[vector<16xi32>], vector<16xf32>,
        %sub3A_947 = arith.subf %gather3A_946, %gather3A_206 : vector<16xf32>
        %mul3A_948 = arith.constant 8 : i32
        %mul3A_949 = vector.broadcast %mul3A_948 : i32 to vector<16xi32>
        %mul3A_950 = arith.muli %add3A_938, %mul3A_949 : vector<16xi32>
        tpu.vector_store_idx %arg15[%mul3A_950], %sub3A_943 : memref<65536xf32, #tpu.memory_space<vmem>>[vector<16xi32>], vector<16xf32>,
        %add3A_951 = arith.constant 1 : i32
        %add3A_952 = vector.broadcast %add3A_951 : i32 to vector<16xi32>
        %add3A_953 = arith.addi %mul3A_950, %add3A_952 : vector<16xi32>
        tpu.vector_store_idx %arg15[%add3A_953], %sub3A_945 : memref<65536xf32, #tpu.memory_space<vmem>>[vector<16xi32>], vector<16xf32>,
        %add3A_954 = arith.constant 2 : i32
        %add3A_955 = vector.broadcast %add3A_954 : i32 to vector<16xi32>
        %add3A_956 = arith.addi %mul3A_950, %add3A_955 : vector<16xi32>
        tpu.vector_store_idx %arg15[%add3A_956], %sub3A_947 : memref<65536xf32, #tpu.memory_space<vmem>>[vector<16xi32>], vector<16xf32>,
        %add3A_957 = arith.constant 32 : i32
        %add3A_958 = vector.broadcast %add3A_957 : i32 to vector<16xi32>
        %add3A_959 = arith.addi %add3A_958, %iota3A : vector<16xi32>
        %add3A_960 = arith.addi %add3A_911, %add3A_959 : vector<16xi32>
        %gather3A_961 = tpu.vector_load_idx %arg16[%add3A_960] : memref<8192xi32, #tpu.memory_space<vmem>>[vector<16xi32>], vector<16xi32>,
        %le3A_962 = arith.cmpi sle, %add3A_960, %scan3A_225#7 : vector<16xi32>
        %select_n3A_963 = arith.select %le3A_962, %gather3A_961, %gather3A_912 : vector<16xi1>, vector<16xi32>
        %gather3A_964 = tpu.vector_load_idx %arg9[%select_n3A_963] : memref<2048xf32, #tpu.memory_space<vmem>>[vector<16xi32>], vector<16xf32>,
        %sub3A_965 = arith.subf %gather3A_964, %gather3A_204 : vector<16xf32>
        %gather3A_966 = tpu.vector_load_idx %arg10[%select_n3A_963] : memref<2048xf32, #tpu.memory_space<vmem>>[vector<16xi32>], vector<16xf32>,
        %sub3A_967 = arith.subf %gather3A_966, %gather3A_205 : vector<16xf32>
        %gather3A_968 = tpu.vector_load_idx %arg11[%select_n3A_963] : memref<2048xf32, #tpu.memory_space<vmem>>[vector<16xi32>], vector<16xf32>,
        %sub3A_969 = arith.subf %gather3A_968, %gather3A_206 : vector<16xf32>
        %mul3A_970 = arith.constant 8 : i32
        %mul3A_971 = vector.broadcast %mul3A_970 : i32 to vector<16xi32>
        %mul3A_972 = arith.muli %add3A_960, %mul3A_971 : vector<16xi32>
        tpu.vector_store_idx %arg15[%mul3A_972], %sub3A_965 : memref<65536xf32, #tpu.memory_space<vmem>>[vector<16xi32>], vector<16xf32>,
        %add3A_973 = arith.constant 1 : i32
        %add3A_974 = vector.broadcast %add3A_973 : i32 to vector<16xi32>
        %add3A_975 = arith.addi %mul3A_972, %add3A_974 : vector<16xi32>
        tpu.vector_store_idx %arg15[%add3A_975], %sub3A_967 : memref<65536xf32, #tpu.memory_space<vmem>>[vector<16xi32>], vector<16xf32>,
        %add3A_976 = arith.constant 2 : i32
        %add3A_977 = vector.broadcast %add3A_976 : i32 to vector<16xi32>
        %add3A_978 = arith.addi %mul3A_972, %add3A_977 : vector<16xi32>
        tpu.vector_store_idx %arg15[%add3A_978], %sub3A_969 : memref<65536xf32, #tpu.memory_space<vmem>>[vector<16xi32>], vector<16xf32>,
        %add3A_979 = arith.constant 48 : i32
        %add3A_980 = vector.broadcast %add3A_979 : i32 to vector<16xi32>
        %add3A_981 = arith.addi %add3A_980, %iota3A : vector<16xi32>
        %add3A_982 = arith.addi %add3A_911, %add3A_981 : vector<16xi32>
        %gather3A_983 = tpu.vector_load_idx %arg16[%add3A_982] : memref<8192xi32, #tpu.memory_space<vmem>>[vector<16xi32>], vector<16xi32>,
        %le3A_984 = arith.cmpi sle, %add3A_982, %scan3A_225#7 : vector<16xi32>
        %select_n3A_985 = arith.select %le3A_984, %gather3A_983, %gather3A_912 : vector<16xi1>, vector<16xi32>
        %gather3A_986 = tpu.vector_load_idx %arg9[%select_n3A_985] : memref<2048xf32, #tpu.memory_space<vmem>>[vector<16xi32>], vector<16xf32>,
        %sub3A_987 = arith.subf %gather3A_986, %gather3A_204 : vector<16xf32>
        %gather3A_988 = tpu.vector_load_idx %arg10[%select_n3A_985] : memref<2048xf32, #tpu.memory_space<vmem>>[vector<16xi32>], vector<16xf32>,
        %sub3A_989 = arith.subf %gather3A_988, %gather3A_205 : vector<16xf32>
        %gather3A_990 = tpu.vector_load_idx %arg11[%select_n3A_985] : memref<2048xf32, #tpu.memory_space<vmem>>[vector<16xi32>], vector<16xf32>,
        %sub3A_991 = arith.subf %gather3A_990, %gather3A_206 : vector<16xf32>
        %mul3A_992 = arith.constant 8 : i32
        %mul3A_993 = vector.broadcast %mul3A_992 : i32 to vector<16xi32>
        %mul3A_994 = arith.muli %add3A_982, %mul3A_993 : vector<16xi32>
        tpu.vector_store_idx %arg15[%mul3A_994], %sub3A_987 : memref<65536xf32, #tpu.memory_space<vmem>>[vector<16xi32>], vector<16xf32>,
        %add3A_995 = arith.constant 1 : i32
        %add3A_996 = vector.broadcast %add3A_995 : i32 to vector<16xi32>
        %add3A_997 = arith.addi %mul3A_994, %add3A_996 : vector<16xi32>
        tpu.vector_store_idx %arg15[%add3A_997], %sub3A_989 : memref<65536xf32, #tpu.memory_space<vmem>>[vector<16xi32>], vector<16xf32>,
        %add3A_998 = arith.constant 2 : i32
        %add3A_999 = vector.broadcast %add3A_998 : i32 to vector<16xi32>
        %add3A_1000 = arith.addi %mul3A_994, %add3A_999 : vector<16xi32>
        tpu.vector_store_idx %arg15[%add3A_1000], %sub3A_991 : memref<65536xf32, #tpu.memory_space<vmem>>[vector<16xi32>], vector<16xf32>,
      }
      %scan3A_23 = arith.constant 16 : i32
      %mul3A_24 = arith.constant 64 : i32
      %mul3A_25 = arith.muli %mul3A_17, %mul3A_24 : i32
      %mul3A_26 = arith.constant 8 : i32
      %mul3A_27 = arith.muli %mul3A_25, %mul3A_26 : i32
      "tpu.region"() ({
        %run_scoped3A = tpu.sem_alloc : memref<!tpu.dma_semaphore, #tpu.memory_space<semaphore_mem>>
        %dma_start3A = tpu.memref_slice %arg8[%add3A, %mul3A_27] : memref<32x262144xf32, #tpu.memory_space<hbm>> -> memref<1x65536xf32, #tpu.memory_space<hbm>>
        %dma_start3A_28 = tpu.memref_squeeze %dma_start3A : memref<1x65536xf32, #tpu.memory_space<hbm>> -> memref<65536xf32, #tpu.memory_space<hbm>>
        %dma_start3A_29 = tpu.memref_slice %arg8[%add3A, %mul3A_27] : memref<32x262144xf32, #tpu.memory_space<hbm>> -> memref<1x65536xf32, #tpu.memory_space<hbm>>
        %dma_start3A_30 = tpu.memref_squeeze %dma_start3A_29 : memref<1x65536xf32, #tpu.memory_space<hbm>> -> memref<65536xf32, #tpu.memory_space<hbm>>
        tpu.enqueue_dma source(%arg15 : memref<65536xf32, #tpu.memory_space<vmem>>) target(%dma_start3A_30 : memref<65536xf32, #tpu.memory_space<hbm>>) target_semaphore(%run_scoped3A : memref<!tpu.dma_semaphore, #tpu.memory_space<semaphore_mem>>)
        %dma_wait3A = tpu.memref_slice %arg8[%add3A, %mul3A_27] : memref<32x262144xf32, #tpu.memory_space<hbm>> -> memref<1x65536xf32, #tpu.memory_space<hbm>>
        %dma_wait3A_31 = tpu.memref_squeeze %dma_wait3A : memref<1x65536xf32, #tpu.memory_space<hbm>> -> memref<65536xf32, #tpu.memory_space<hbm>>
        %dma_wait3A_32 = tpu.memref_slice %arg8[%add3A, %mul3A_27] : memref<32x262144xf32, #tpu.memory_space<hbm>> -> memref<1x65536xf32, #tpu.memory_space<hbm>>
        %dma_wait3A_33 = tpu.memref_squeeze %dma_wait3A_32 : memref<1x65536xf32, #tpu.memory_space<hbm>> -> memref<65536xf32, #tpu.memory_space<hbm>>
        tpu.wait_dma2 semaphore(%run_scoped3A : memref<!tpu.dma_semaphore, #tpu.memory_space<semaphore_mem>>) src(%arg15 : memref<65536xf32, #tpu.memory_space<vmem>>) dst(%dma_wait3A_33 : memref<65536xf32, #tpu.memory_space<hbm>>)
        tpu.yield
      }) : () -> ()
    }
    %scan3A_14 = arith.constant 4 : i32
    return
  }
}

#map = affine_map<(d0, d1) -> (0, 0)>
#map1 = affine_map<(d0, d1) -> (0, 0, 0)>
module attributes {stable_mosaic.version = 14 : i64} {
  func.func @body(%arg0: i32, %arg1: i32, %arg2: memref<32x512xf32, #tpu.memory_space<hbm>>, %arg3: memref<32x512xf32, #tpu.memory_space<hbm>>, %arg4: memref<32x512xf32, #tpu.memory_space<hbm>>, %arg5: memref<32x128xf32, #tpu.memory_space<hbm>>, %arg6: memref<32x128xf32, #tpu.memory_space<hbm>>, %arg7: memref<32x128xf32, #tpu.memory_space<hbm>>, %arg8: memref<32x512x128xf32, #tpu.memory_space<hbm>>, %arg9: memref<32x65536xf32, #tpu.memory_space<hbm>>, %arg10: memref<32x8192x128xf32, #tpu.memory_space<hbm>>, %arg11: memref<512xf32, #tpu.memory_space<vmem>>, %arg12: memref<512xf32, #tpu.memory_space<vmem>>, %arg13: memref<512xf32, #tpu.memory_space<vmem>>, %arg14: memref<128xf32, #tpu.memory_space<vmem>>, %arg15: memref<128xf32, #tpu.memory_space<vmem>>, %arg16: memref<128xf32, #tpu.memory_space<vmem>>, %arg17: memref<65536xf32, #tpu.memory_space<vmem>>, %arg18: memref<8192xi32, #tpu.memory_space<vmem>>, %arg19: memref<128x128xf32, #tpu.memory_space<vmem>>, %arg20: memref<128x128xf32, #tpu.memory_space<vmem>>, %arg21: memref<!tpu.dma_semaphore, #tpu.memory_space<semaphore_mem>>, %arg22: memref<!tpu.dma_semaphore, #tpu.memory_space<semaphore_mem>>, %arg23: memref<!tpu.dma_semaphore, #tpu.memory_space<semaphore_mem>>, %arg24: memref<!tpu.dma_semaphore, #tpu.memory_space<semaphore_mem>>) attributes {dimension_semantics = [#tpu.dimension_semantics<core_parallel>, #tpu.dimension_semantics<subcore_parallel>], iteration_bounds = array<i64: 2, 16>, scalar_prefetch = 0 : i64, scratch_operands = 14 : i64, tpu.core_type = #tpu.core_type<sc_vector_subcore>, window_params = [{transform_indices = #map}, {transform_indices = #map}, {transform_indices = #map}, {transform_indices = #map}, {transform_indices = #map}, {transform_indices = #map}, {transform_indices = #map1}, {transform_indices = #map}, {transform_indices = #map1}]} {
    %mul3A = arith.constant 2 : i32
    %mul3A_0 = arith.muli %arg1, %mul3A : i32
    %add3A = arith.addi %mul3A_0, %arg0 : i32
    "tpu.region"() ({
      %run_scoped3A = tpu.sem_alloc : memref<!tpu.dma_semaphore, #tpu.memory_space<semaphore_mem>>
      %dma_start3A = arith.constant 0 : i32
      %dma_start3A_30 = tpu.memref_slice %arg2[%add3A, %dma_start3A] : memref<32x512xf32, #tpu.memory_space<hbm>> -> memref<1x512xf32, #tpu.memory_space<hbm>>
      %dma_start3A_31 = tpu.memref_squeeze %dma_start3A_30 : memref<1x512xf32, #tpu.memory_space<hbm>> -> memref<512xf32, #tpu.memory_space<hbm>>
      %dma_start3A_32 = arith.constant 0 : i32
      %dma_start3A_33 = tpu.memref_slice %arg2[%add3A, %dma_start3A_32] : memref<32x512xf32, #tpu.memory_space<hbm>> -> memref<1x512xf32, #tpu.memory_space<hbm>>
      %dma_start3A_34 = tpu.memref_squeeze %dma_start3A_33 : memref<1x512xf32, #tpu.memory_space<hbm>> -> memref<512xf32, #tpu.memory_space<hbm>>
      tpu.enqueue_dma source(%dma_start3A_34 : memref<512xf32, #tpu.memory_space<hbm>>) target(%arg11 : memref<512xf32, #tpu.memory_space<vmem>>) target_semaphore(%run_scoped3A : memref<!tpu.dma_semaphore, #tpu.memory_space<semaphore_mem>>)
      %dma_wait3A = arith.constant 0 : i32
      %dma_wait3A_35 = tpu.memref_slice %arg2[%add3A, %dma_wait3A] : memref<32x512xf32, #tpu.memory_space<hbm>> -> memref<1x512xf32, #tpu.memory_space<hbm>>
      %dma_wait3A_36 = tpu.memref_squeeze %dma_wait3A_35 : memref<1x512xf32, #tpu.memory_space<hbm>> -> memref<512xf32, #tpu.memory_space<hbm>>
      %dma_wait3A_37 = arith.constant 0 : i32
      %dma_wait3A_38 = tpu.memref_slice %arg2[%add3A, %dma_wait3A_37] : memref<32x512xf32, #tpu.memory_space<hbm>> -> memref<1x512xf32, #tpu.memory_space<hbm>>
      %dma_wait3A_39 = tpu.memref_squeeze %dma_wait3A_38 : memref<1x512xf32, #tpu.memory_space<hbm>> -> memref<512xf32, #tpu.memory_space<hbm>>
      tpu.wait_dma2 semaphore(%run_scoped3A : memref<!tpu.dma_semaphore, #tpu.memory_space<semaphore_mem>>) src(%dma_wait3A_39 : memref<512xf32, #tpu.memory_space<hbm>>) dst(%arg11 : memref<512xf32, #tpu.memory_space<vmem>>)
      tpu.yield
    }) : () -> ()
    "tpu.region"() ({
      %run_scoped3A = tpu.sem_alloc : memref<!tpu.dma_semaphore, #tpu.memory_space<semaphore_mem>>
      %dma_start3A = arith.constant 0 : i32
      %dma_start3A_30 = tpu.memref_slice %arg3[%add3A, %dma_start3A] : memref<32x512xf32, #tpu.memory_space<hbm>> -> memref<1x512xf32, #tpu.memory_space<hbm>>
      %dma_start3A_31 = tpu.memref_squeeze %dma_start3A_30 : memref<1x512xf32, #tpu.memory_space<hbm>> -> memref<512xf32, #tpu.memory_space<hbm>>
      %dma_start3A_32 = arith.constant 0 : i32
      %dma_start3A_33 = tpu.memref_slice %arg3[%add3A, %dma_start3A_32] : memref<32x512xf32, #tpu.memory_space<hbm>> -> memref<1x512xf32, #tpu.memory_space<hbm>>
      %dma_start3A_34 = tpu.memref_squeeze %dma_start3A_33 : memref<1x512xf32, #tpu.memory_space<hbm>> -> memref<512xf32, #tpu.memory_space<hbm>>
      tpu.enqueue_dma source(%dma_start3A_34 : memref<512xf32, #tpu.memory_space<hbm>>) target(%arg12 : memref<512xf32, #tpu.memory_space<vmem>>) target_semaphore(%run_scoped3A : memref<!tpu.dma_semaphore, #tpu.memory_space<semaphore_mem>>)
      %dma_wait3A = arith.constant 0 : i32
      %dma_wait3A_35 = tpu.memref_slice %arg3[%add3A, %dma_wait3A] : memref<32x512xf32, #tpu.memory_space<hbm>> -> memref<1x512xf32, #tpu.memory_space<hbm>>
      %dma_wait3A_36 = tpu.memref_squeeze %dma_wait3A_35 : memref<1x512xf32, #tpu.memory_space<hbm>> -> memref<512xf32, #tpu.memory_space<hbm>>
      %dma_wait3A_37 = arith.constant 0 : i32
      %dma_wait3A_38 = tpu.memref_slice %arg3[%add3A, %dma_wait3A_37] : memref<32x512xf32, #tpu.memory_space<hbm>> -> memref<1x512xf32, #tpu.memory_space<hbm>>
      %dma_wait3A_39 = tpu.memref_squeeze %dma_wait3A_38 : memref<1x512xf32, #tpu.memory_space<hbm>> -> memref<512xf32, #tpu.memory_space<hbm>>
      tpu.wait_dma2 semaphore(%run_scoped3A : memref<!tpu.dma_semaphore, #tpu.memory_space<semaphore_mem>>) src(%dma_wait3A_39 : memref<512xf32, #tpu.memory_space<hbm>>) dst(%arg12 : memref<512xf32, #tpu.memory_space<vmem>>)
      tpu.yield
    }) : () -> ()
    "tpu.region"() ({
      %run_scoped3A = tpu.sem_alloc : memref<!tpu.dma_semaphore, #tpu.memory_space<semaphore_mem>>
      %dma_start3A = arith.constant 0 : i32
      %dma_start3A_30 = tpu.memref_slice %arg4[%add3A, %dma_start3A] : memref<32x512xf32, #tpu.memory_space<hbm>> -> memref<1x512xf32, #tpu.memory_space<hbm>>
      %dma_start3A_31 = tpu.memref_squeeze %dma_start3A_30 : memref<1x512xf32, #tpu.memory_space<hbm>> -> memref<512xf32, #tpu.memory_space<hbm>>
      %dma_start3A_32 = arith.constant 0 : i32
      %dma_start3A_33 = tpu.memref_slice %arg4[%add3A, %dma_start3A_32] : memref<32x512xf32, #tpu.memory_space<hbm>> -> memref<1x512xf32, #tpu.memory_space<hbm>>
      %dma_start3A_34 = tpu.memref_squeeze %dma_start3A_33 : memref<1x512xf32, #tpu.memory_space<hbm>> -> memref<512xf32, #tpu.memory_space<hbm>>
      tpu.enqueue_dma source(%dma_start3A_34 : memref<512xf32, #tpu.memory_space<hbm>>) target(%arg13 : memref<512xf32, #tpu.memory_space<vmem>>) target_semaphore(%run_scoped3A : memref<!tpu.dma_semaphore, #tpu.memory_space<semaphore_mem>>)
      %dma_wait3A = arith.constant 0 : i32
      %dma_wait3A_35 = tpu.memref_slice %arg4[%add3A, %dma_wait3A] : memref<32x512xf32, #tpu.memory_space<hbm>> -> memref<1x512xf32, #tpu.memory_space<hbm>>
      %dma_wait3A_36 = tpu.memref_squeeze %dma_wait3A_35 : memref<1x512xf32, #tpu.memory_space<hbm>> -> memref<512xf32, #tpu.memory_space<hbm>>
      %dma_wait3A_37 = arith.constant 0 : i32
      %dma_wait3A_38 = tpu.memref_slice %arg4[%add3A, %dma_wait3A_37] : memref<32x512xf32, #tpu.memory_space<hbm>> -> memref<1x512xf32, #tpu.memory_space<hbm>>
      %dma_wait3A_39 = tpu.memref_squeeze %dma_wait3A_38 : memref<1x512xf32, #tpu.memory_space<hbm>> -> memref<512xf32, #tpu.memory_space<hbm>>
      tpu.wait_dma2 semaphore(%run_scoped3A : memref<!tpu.dma_semaphore, #tpu.memory_space<semaphore_mem>>) src(%dma_wait3A_39 : memref<512xf32, #tpu.memory_space<hbm>>) dst(%arg13 : memref<512xf32, #tpu.memory_space<vmem>>)
      tpu.yield
    }) : () -> ()
    "tpu.region"() ({
      %run_scoped3A = tpu.sem_alloc : memref<!tpu.dma_semaphore, #tpu.memory_space<semaphore_mem>>
      %dma_start3A = arith.constant 0 : i32
      %dma_start3A_30 = tpu.memref_slice %arg5[%add3A, %dma_start3A] : memref<32x128xf32, #tpu.memory_space<hbm>> -> memref<1x128xf32, #tpu.memory_space<hbm>>
      %dma_start3A_31 = tpu.memref_squeeze %dma_start3A_30 : memref<1x128xf32, #tpu.memory_space<hbm>> -> memref<128xf32, #tpu.memory_space<hbm>>
      %dma_start3A_32 = arith.constant 0 : i32
      %dma_start3A_33 = tpu.memref_slice %arg5[%add3A, %dma_start3A_32] : memref<32x128xf32, #tpu.memory_space<hbm>> -> memref<1x128xf32, #tpu.memory_space<hbm>>
      %dma_start3A_34 = tpu.memref_squeeze %dma_start3A_33 : memref<1x128xf32, #tpu.memory_space<hbm>> -> memref<128xf32, #tpu.memory_space<hbm>>
      tpu.enqueue_dma source(%dma_start3A_34 : memref<128xf32, #tpu.memory_space<hbm>>) target(%arg14 : memref<128xf32, #tpu.memory_space<vmem>>) target_semaphore(%run_scoped3A : memref<!tpu.dma_semaphore, #tpu.memory_space<semaphore_mem>>)
      %dma_wait3A = arith.constant 0 : i32
      %dma_wait3A_35 = tpu.memref_slice %arg5[%add3A, %dma_wait3A] : memref<32x128xf32, #tpu.memory_space<hbm>> -> memref<1x128xf32, #tpu.memory_space<hbm>>
      %dma_wait3A_36 = tpu.memref_squeeze %dma_wait3A_35 : memref<1x128xf32, #tpu.memory_space<hbm>> -> memref<128xf32, #tpu.memory_space<hbm>>
      %dma_wait3A_37 = arith.constant 0 : i32
      %dma_wait3A_38 = tpu.memref_slice %arg5[%add3A, %dma_wait3A_37] : memref<32x128xf32, #tpu.memory_space<hbm>> -> memref<1x128xf32, #tpu.memory_space<hbm>>
      %dma_wait3A_39 = tpu.memref_squeeze %dma_wait3A_38 : memref<1x128xf32, #tpu.memory_space<hbm>> -> memref<128xf32, #tpu.memory_space<hbm>>
      tpu.wait_dma2 semaphore(%run_scoped3A : memref<!tpu.dma_semaphore, #tpu.memory_space<semaphore_mem>>) src(%dma_wait3A_39 : memref<128xf32, #tpu.memory_space<hbm>>) dst(%arg14 : memref<128xf32, #tpu.memory_space<vmem>>)
      tpu.yield
    }) : () -> ()
    "tpu.region"() ({
      %run_scoped3A = tpu.sem_alloc : memref<!tpu.dma_semaphore, #tpu.memory_space<semaphore_mem>>
      %dma_start3A = arith.constant 0 : i32
      %dma_start3A_30 = tpu.memref_slice %arg6[%add3A, %dma_start3A] : memref<32x128xf32, #tpu.memory_space<hbm>> -> memref<1x128xf32, #tpu.memory_space<hbm>>
      %dma_start3A_31 = tpu.memref_squeeze %dma_start3A_30 : memref<1x128xf32, #tpu.memory_space<hbm>> -> memref<128xf32, #tpu.memory_space<hbm>>
      %dma_start3A_32 = arith.constant 0 : i32
      %dma_start3A_33 = tpu.memref_slice %arg6[%add3A, %dma_start3A_32] : memref<32x128xf32, #tpu.memory_space<hbm>> -> memref<1x128xf32, #tpu.memory_space<hbm>>
      %dma_start3A_34 = tpu.memref_squeeze %dma_start3A_33 : memref<1x128xf32, #tpu.memory_space<hbm>> -> memref<128xf32, #tpu.memory_space<hbm>>
      tpu.enqueue_dma source(%dma_start3A_34 : memref<128xf32, #tpu.memory_space<hbm>>) target(%arg15 : memref<128xf32, #tpu.memory_space<vmem>>) target_semaphore(%run_scoped3A : memref<!tpu.dma_semaphore, #tpu.memory_space<semaphore_mem>>)
      %dma_wait3A = arith.constant 0 : i32
      %dma_wait3A_35 = tpu.memref_slice %arg6[%add3A, %dma_wait3A] : memref<32x128xf32, #tpu.memory_space<hbm>> -> memref<1x128xf32, #tpu.memory_space<hbm>>
      %dma_wait3A_36 = tpu.memref_squeeze %dma_wait3A_35 : memref<1x128xf32, #tpu.memory_space<hbm>> -> memref<128xf32, #tpu.memory_space<hbm>>
      %dma_wait3A_37 = arith.constant 0 : i32
      %dma_wait3A_38 = tpu.memref_slice %arg6[%add3A, %dma_wait3A_37] : memref<32x128xf32, #tpu.memory_space<hbm>> -> memref<1x128xf32, #tpu.memory_space<hbm>>
      %dma_wait3A_39 = tpu.memref_squeeze %dma_wait3A_38 : memref<1x128xf32, #tpu.memory_space<hbm>> -> memref<128xf32, #tpu.memory_space<hbm>>
      tpu.wait_dma2 semaphore(%run_scoped3A : memref<!tpu.dma_semaphore, #tpu.memory_space<semaphore_mem>>) src(%dma_wait3A_39 : memref<128xf32, #tpu.memory_space<hbm>>) dst(%arg15 : memref<128xf32, #tpu.memory_space<vmem>>)
      tpu.yield
    }) : () -> ()
    "tpu.region"() ({
      %run_scoped3A = tpu.sem_alloc : memref<!tpu.dma_semaphore, #tpu.memory_space<semaphore_mem>>
      %dma_start3A = arith.constant 0 : i32
      %dma_start3A_30 = tpu.memref_slice %arg7[%add3A, %dma_start3A] : memref<32x128xf32, #tpu.memory_space<hbm>> -> memref<1x128xf32, #tpu.memory_space<hbm>>
      %dma_start3A_31 = tpu.memref_squeeze %dma_start3A_30 : memref<1x128xf32, #tpu.memory_space<hbm>> -> memref<128xf32, #tpu.memory_space<hbm>>
      %dma_start3A_32 = arith.constant 0 : i32
      %dma_start3A_33 = tpu.memref_slice %arg7[%add3A, %dma_start3A_32] : memref<32x128xf32, #tpu.memory_space<hbm>> -> memref<1x128xf32, #tpu.memory_space<hbm>>
      %dma_start3A_34 = tpu.memref_squeeze %dma_start3A_33 : memref<1x128xf32, #tpu.memory_space<hbm>> -> memref<128xf32, #tpu.memory_space<hbm>>
      tpu.enqueue_dma source(%dma_start3A_34 : memref<128xf32, #tpu.memory_space<hbm>>) target(%arg16 : memref<128xf32, #tpu.memory_space<vmem>>) target_semaphore(%run_scoped3A : memref<!tpu.dma_semaphore, #tpu.memory_space<semaphore_mem>>)
      %dma_wait3A = arith.constant 0 : i32
      %dma_wait3A_35 = tpu.memref_slice %arg7[%add3A, %dma_wait3A] : memref<32x128xf32, #tpu.memory_space<hbm>> -> memref<1x128xf32, #tpu.memory_space<hbm>>
      %dma_wait3A_36 = tpu.memref_squeeze %dma_wait3A_35 : memref<1x128xf32, #tpu.memory_space<hbm>> -> memref<128xf32, #tpu.memory_space<hbm>>
      %dma_wait3A_37 = arith.constant 0 : i32
      %dma_wait3A_38 = tpu.memref_slice %arg7[%add3A, %dma_wait3A_37] : memref<32x128xf32, #tpu.memory_space<hbm>> -> memref<1x128xf32, #tpu.memory_space<hbm>>
      %dma_wait3A_39 = tpu.memref_squeeze %dma_wait3A_38 : memref<1x128xf32, #tpu.memory_space<hbm>> -> memref<128xf32, #tpu.memory_space<hbm>>
      tpu.wait_dma2 semaphore(%run_scoped3A : memref<!tpu.dma_semaphore, #tpu.memory_space<semaphore_mem>>) src(%dma_wait3A_39 : memref<128xf32, #tpu.memory_space<hbm>>) dst(%arg16 : memref<128xf32, #tpu.memory_space<vmem>>)
      tpu.yield
    }) : () -> ()
    %iota3A = tpu.iota {dimensions = array<i32: 0>} : vector<16xi32>
    %broadcast_in_dim3A = arith.constant 0.000000e+00 : f32
    %broadcast_in_dim3A_1 = vector.broadcast %broadcast_in_dim3A : f32 to vector<16xf32>
    %broadcast_in_dim3A_2 = arith.constant 1 : i32
    %broadcast_in_dim3A_3 = vector.broadcast %broadcast_in_dim3A_2 : i32 to vector<16xi32>
    %scan3A = arith.constant 0 : i32
    %scan3A_4 = arith.constant 0 : i32
    %scan3A_5 = arith.constant 4096 : i32
    %scan3A_6 = arith.addi %scan3A_4, %scan3A_5 : i32
    %scan3A_7 = arith.constant 1 : i32
    scf.for %scan3A_30 = %scan3A_4 to %scan3A_6 step %scan3A_7  : i32 {
      %mul3A_31 = arith.constant 16 : i32
      %mul3A_32 = arith.muli %scan3A_30, %mul3A_31 : i32
      %swap3A = arith.index_cast %mul3A_32 : i32 to index
      %swap3A_33 = tpu.vector_load %arg17[%swap3A] {strides = array<i32>} : memref<65536xf32, #tpu.memory_space<vmem>>, vector<16xf32>,
      tpu.vector_store %arg17[%swap3A], %broadcast_in_dim3A_1 {strides = array<i32>} : memref<65536xf32, #tpu.memory_space<vmem>>, vector<16xf32>,
    }
    %scan3A_8 = arith.constant 4096 : i32
    %scan3A_9 = arith.constant 0 : i32
    %scan3A_10 = arith.constant 0 : i32
    %mul3A_11 = arith.constant 128 : i32
    %mul3A_12 = arith.muli %scan3A_10, %mul3A_11 : i32
    %scan3A_13 = arith.constant 0 : i32
    %scan3A_14 = arith.constant 0 : i32
    %scan3A_15 = arith.constant 16 : i32
    %scan3A_16 = arith.addi %scan3A_14, %scan3A_15 : i32
    %scan3A_17 = arith.constant 1 : i32
    scf.for %scan3A_30 = %scan3A_14 to %scan3A_16 step %scan3A_17  : i32 {
      %mul3A_31 = arith.constant 8 : i32
      %mul3A_32 = arith.muli %scan3A_30, %mul3A_31 : i32
      %broadcast_in_dim3A_33 = arith.constant 0 : i32
      %broadcast_in_dim3A_34 = vector.broadcast %broadcast_in_dim3A_33 : i32 to vector<16xi32>
      %add3A_35 = arith.addi %mul3A_12, %mul3A_32 : i32
      %add3A_36 = arith.constant 0 : i32
      %add3A_37 = arith.addi %add3A_35, %add3A_36 : i32
      %add3A_38 = vector.broadcast %add3A_37 : i32 to vector<16xi32>
      %add3A_39 = arith.addi %broadcast_in_dim3A_34, %add3A_38 : vector<16xi32>
      %gather3A = tpu.vector_load_idx %arg14[%add3A_39] : memref<128xf32, #tpu.memory_space<vmem>>[vector<16xi32>], vector<16xf32>,
      %gather3A_40 = tpu.vector_load_idx %arg15[%add3A_39] : memref<128xf32, #tpu.memory_space<vmem>>[vector<16xi32>], vector<16xf32>,
      %gather3A_41 = tpu.vector_load_idx %arg16[%add3A_39] : memref<128xf32, #tpu.memory_space<vmem>>[vector<16xi32>], vector<16xf32>,
      %broadcast_in_dim3A_42 = arith.constant 0 : i32
      %broadcast_in_dim3A_43 = vector.broadcast %broadcast_in_dim3A_42 : i32 to vector<16xi32>
      %add3A_44 = arith.constant 0 : i32
      %add3A_45 = arith.addi %mul3A_32, %add3A_44 : i32
      %mul3A_46 = arith.constant 64 : i32
      %mul3A_47 = arith.muli %add3A_45, %mul3A_46 : i32
      %add3A_48 = vector.broadcast %mul3A_47 : i32 to vector<16xi32>
      %add3A_49 = arith.addi %broadcast_in_dim3A_43, %add3A_48 : vector<16xi32>
      %sub3A = arith.constant 1 : i32
      %sub3A_50 = vector.broadcast %sub3A : i32 to vector<16xi32>
      %sub3A_51 = arith.subi %add3A_49, %sub3A_50 : vector<16xi32>
      %add3A_52 = arith.constant 64 : i32
      %add3A_53 = vector.broadcast %add3A_52 : i32 to vector<16xi32>
      %add3A_54 = arith.addi %add3A_49, %add3A_53 : vector<16xi32>
      %broadcast_in_dim3A_55 = arith.constant 0 : i32
      %broadcast_in_dim3A_56 = vector.broadcast %broadcast_in_dim3A_55 : i32 to vector<16xi32>
      %add3A_57 = arith.addi %mul3A_12, %mul3A_32 : i32
      %add3A_58 = arith.constant 1 : i32
      %add3A_59 = arith.addi %add3A_57, %add3A_58 : i32
      %add3A_60 = vector.broadcast %add3A_59 : i32 to vector<16xi32>
      %add3A_61 = arith.addi %broadcast_in_dim3A_56, %add3A_60 : vector<16xi32>
      %gather3A_62 = tpu.vector_load_idx %arg14[%add3A_61] : memref<128xf32, #tpu.memory_space<vmem>>[vector<16xi32>], vector<16xf32>,
      %gather3A_63 = tpu.vector_load_idx %arg15[%add3A_61] : memref<128xf32, #tpu.memory_space<vmem>>[vector<16xi32>], vector<16xf32>,
      %gather3A_64 = tpu.vector_load_idx %arg16[%add3A_61] : memref<128xf32, #tpu.memory_space<vmem>>[vector<16xi32>], vector<16xf32>,
      %broadcast_in_dim3A_65 = arith.constant 0 : i32
      %broadcast_in_dim3A_66 = vector.broadcast %broadcast_in_dim3A_65 : i32 to vector<16xi32>
      %add3A_67 = arith.constant 1 : i32
      %add3A_68 = arith.addi %mul3A_32, %add3A_67 : i32
      %mul3A_69 = arith.constant 64 : i32
      %mul3A_70 = arith.muli %add3A_68, %mul3A_69 : i32
      %add3A_71 = vector.broadcast %mul3A_70 : i32 to vector<16xi32>
      %add3A_72 = arith.addi %broadcast_in_dim3A_66, %add3A_71 : vector<16xi32>
      %sub3A_73 = arith.constant 1 : i32
      %sub3A_74 = vector.broadcast %sub3A_73 : i32 to vector<16xi32>
      %sub3A_75 = arith.subi %add3A_72, %sub3A_74 : vector<16xi32>
      %add3A_76 = arith.constant 64 : i32
      %add3A_77 = vector.broadcast %add3A_76 : i32 to vector<16xi32>
      %add3A_78 = arith.addi %add3A_72, %add3A_77 : vector<16xi32>
      %broadcast_in_dim3A_79 = arith.constant 0 : i32
      %broadcast_in_dim3A_80 = vector.broadcast %broadcast_in_dim3A_79 : i32 to vector<16xi32>
      %add3A_81 = arith.addi %mul3A_12, %mul3A_32 : i32
      %add3A_82 = arith.constant 2 : i32
      %add3A_83 = arith.addi %add3A_81, %add3A_82 : i32
      %add3A_84 = vector.broadcast %add3A_83 : i32 to vector<16xi32>
      %add3A_85 = arith.addi %broadcast_in_dim3A_80, %add3A_84 : vector<16xi32>
      %gather3A_86 = tpu.vector_load_idx %arg14[%add3A_85] : memref<128xf32, #tpu.memory_space<vmem>>[vector<16xi32>], vector<16xf32>,
      %gather3A_87 = tpu.vector_load_idx %arg15[%add3A_85] : memref<128xf32, #tpu.memory_space<vmem>>[vector<16xi32>], vector<16xf32>,
      %gather3A_88 = tpu.vector_load_idx %arg16[%add3A_85] : memref<128xf32, #tpu.memory_space<vmem>>[vector<16xi32>], vector<16xf32>,
      %broadcast_in_dim3A_89 = arith.constant 0 : i32
      %broadcast_in_dim3A_90 = vector.broadcast %broadcast_in_dim3A_89 : i32 to vector<16xi32>
      %add3A_91 = arith.constant 2 : i32
      %add3A_92 = arith.addi %mul3A_32, %add3A_91 : i32
      %mul3A_93 = arith.constant 64 : i32
      %mul3A_94 = arith.muli %add3A_92, %mul3A_93 : i32
      %add3A_95 = vector.broadcast %mul3A_94 : i32 to vector<16xi32>
      %add3A_96 = arith.addi %broadcast_in_dim3A_90, %add3A_95 : vector<16xi32>
      %sub3A_97 = arith.constant 1 : i32
      %sub3A_98 = vector.broadcast %sub3A_97 : i32 to vector<16xi32>
      %sub3A_99 = arith.subi %add3A_96, %sub3A_98 : vector<16xi32>
      %add3A_100 = arith.constant 64 : i32
      %add3A_101 = vector.broadcast %add3A_100 : i32 to vector<16xi32>
      %add3A_102 = arith.addi %add3A_96, %add3A_101 : vector<16xi32>
      %broadcast_in_dim3A_103 = arith.constant 0 : i32
      %broadcast_in_dim3A_104 = vector.broadcast %broadcast_in_dim3A_103 : i32 to vector<16xi32>
      %add3A_105 = arith.addi %mul3A_12, %mul3A_32 : i32
      %add3A_106 = arith.constant 3 : i32
      %add3A_107 = arith.addi %add3A_105, %add3A_106 : i32
      %add3A_108 = vector.broadcast %add3A_107 : i32 to vector<16xi32>
      %add3A_109 = arith.addi %broadcast_in_dim3A_104, %add3A_108 : vector<16xi32>
      %gather3A_110 = tpu.vector_load_idx %arg14[%add3A_109] : memref<128xf32, #tpu.memory_space<vmem>>[vector<16xi32>], vector<16xf32>,
      %gather3A_111 = tpu.vector_load_idx %arg15[%add3A_109] : memref<128xf32, #tpu.memory_space<vmem>>[vector<16xi32>], vector<16xf32>,
      %gather3A_112 = tpu.vector_load_idx %arg16[%add3A_109] : memref<128xf32, #tpu.memory_space<vmem>>[vector<16xi32>], vector<16xf32>,
      %broadcast_in_dim3A_113 = arith.constant 0 : i32
      %broadcast_in_dim3A_114 = vector.broadcast %broadcast_in_dim3A_113 : i32 to vector<16xi32>
      %add3A_115 = arith.constant 3 : i32
      %add3A_116 = arith.addi %mul3A_32, %add3A_115 : i32
      %mul3A_117 = arith.constant 64 : i32
      %mul3A_118 = arith.muli %add3A_116, %mul3A_117 : i32
      %add3A_119 = vector.broadcast %mul3A_118 : i32 to vector<16xi32>
      %add3A_120 = arith.addi %broadcast_in_dim3A_114, %add3A_119 : vector<16xi32>
      %sub3A_121 = arith.constant 1 : i32
      %sub3A_122 = vector.broadcast %sub3A_121 : i32 to vector<16xi32>
      %sub3A_123 = arith.subi %add3A_120, %sub3A_122 : vector<16xi32>
      %add3A_124 = arith.constant 64 : i32
      %add3A_125 = vector.broadcast %add3A_124 : i32 to vector<16xi32>
      %add3A_126 = arith.addi %add3A_120, %add3A_125 : vector<16xi32>
      %broadcast_in_dim3A_127 = arith.constant 0 : i32
      %broadcast_in_dim3A_128 = vector.broadcast %broadcast_in_dim3A_127 : i32 to vector<16xi32>
      %add3A_129 = arith.addi %mul3A_12, %mul3A_32 : i32
      %add3A_130 = arith.constant 4 : i32
      %add3A_131 = arith.addi %add3A_129, %add3A_130 : i32
      %add3A_132 = vector.broadcast %add3A_131 : i32 to vector<16xi32>
      %add3A_133 = arith.addi %broadcast_in_dim3A_128, %add3A_132 : vector<16xi32>
      %gather3A_134 = tpu.vector_load_idx %arg14[%add3A_133] : memref<128xf32, #tpu.memory_space<vmem>>[vector<16xi32>], vector<16xf32>,
      %gather3A_135 = tpu.vector_load_idx %arg15[%add3A_133] : memref<128xf32, #tpu.memory_space<vmem>>[vector<16xi32>], vector<16xf32>,
      %gather3A_136 = tpu.vector_load_idx %arg16[%add3A_133] : memref<128xf32, #tpu.memory_space<vmem>>[vector<16xi32>], vector<16xf32>,
      %broadcast_in_dim3A_137 = arith.constant 0 : i32
      %broadcast_in_dim3A_138 = vector.broadcast %broadcast_in_dim3A_137 : i32 to vector<16xi32>
      %add3A_139 = arith.constant 4 : i32
      %add3A_140 = arith.addi %mul3A_32, %add3A_139 : i32
      %mul3A_141 = arith.constant 64 : i32
      %mul3A_142 = arith.muli %add3A_140, %mul3A_141 : i32
      %add3A_143 = vector.broadcast %mul3A_142 : i32 to vector<16xi32>
      %add3A_144 = arith.addi %broadcast_in_dim3A_138, %add3A_143 : vector<16xi32>
      %sub3A_145 = arith.constant 1 : i32
      %sub3A_146 = vector.broadcast %sub3A_145 : i32 to vector<16xi32>
      %sub3A_147 = arith.subi %add3A_144, %sub3A_146 : vector<16xi32>
      %add3A_148 = arith.constant 64 : i32
      %add3A_149 = vector.broadcast %add3A_148 : i32 to vector<16xi32>
      %add3A_150 = arith.addi %add3A_144, %add3A_149 : vector<16xi32>
      %broadcast_in_dim3A_151 = arith.constant 0 : i32
      %broadcast_in_dim3A_152 = vector.broadcast %broadcast_in_dim3A_151 : i32 to vector<16xi32>
      %add3A_153 = arith.addi %mul3A_12, %mul3A_32 : i32
      %add3A_154 = arith.constant 5 : i32
      %add3A_155 = arith.addi %add3A_153, %add3A_154 : i32
      %add3A_156 = vector.broadcast %add3A_155 : i32 to vector<16xi32>
      %add3A_157 = arith.addi %broadcast_in_dim3A_152, %add3A_156 : vector<16xi32>
      %gather3A_158 = tpu.vector_load_idx %arg14[%add3A_157] : memref<128xf32, #tpu.memory_space<vmem>>[vector<16xi32>], vector<16xf32>,
      %gather3A_159 = tpu.vector_load_idx %arg15[%add3A_157] : memref<128xf32, #tpu.memory_space<vmem>>[vector<16xi32>], vector<16xf32>,
      %gather3A_160 = tpu.vector_load_idx %arg16[%add3A_157] : memref<128xf32, #tpu.memory_space<vmem>>[vector<16xi32>], vector<16xf32>,
      %broadcast_in_dim3A_161 = arith.constant 0 : i32
      %broadcast_in_dim3A_162 = vector.broadcast %broadcast_in_dim3A_161 : i32 to vector<16xi32>
      %add3A_163 = arith.constant 5 : i32
      %add3A_164 = arith.addi %mul3A_32, %add3A_163 : i32
      %mul3A_165 = arith.constant 64 : i32
      %mul3A_166 = arith.muli %add3A_164, %mul3A_165 : i32
      %add3A_167 = vector.broadcast %mul3A_166 : i32 to vector<16xi32>
      %add3A_168 = arith.addi %broadcast_in_dim3A_162, %add3A_167 : vector<16xi32>
      %sub3A_169 = arith.constant 1 : i32
      %sub3A_170 = vector.broadcast %sub3A_169 : i32 to vector<16xi32>
      %sub3A_171 = arith.subi %add3A_168, %sub3A_170 : vector<16xi32>
      %add3A_172 = arith.constant 64 : i32
      %add3A_173 = vector.broadcast %add3A_172 : i32 to vector<16xi32>
      %add3A_174 = arith.addi %add3A_168, %add3A_173 : vector<16xi32>
      %broadcast_in_dim3A_175 = arith.constant 0 : i32
      %broadcast_in_dim3A_176 = vector.broadcast %broadcast_in_dim3A_175 : i32 to vector<16xi32>
      %add3A_177 = arith.addi %mul3A_12, %mul3A_32 : i32
      %add3A_178 = arith.constant 6 : i32
      %add3A_179 = arith.addi %add3A_177, %add3A_178 : i32
      %add3A_180 = vector.broadcast %add3A_179 : i32 to vector<16xi32>
      %add3A_181 = arith.addi %broadcast_in_dim3A_176, %add3A_180 : vector<16xi32>
      %gather3A_182 = tpu.vector_load_idx %arg14[%add3A_181] : memref<128xf32, #tpu.memory_space<vmem>>[vector<16xi32>], vector<16xf32>,
      %gather3A_183 = tpu.vector_load_idx %arg15[%add3A_181] : memref<128xf32, #tpu.memory_space<vmem>>[vector<16xi32>], vector<16xf32>,
      %gather3A_184 = tpu.vector_load_idx %arg16[%add3A_181] : memref<128xf32, #tpu.memory_space<vmem>>[vector<16xi32>], vector<16xf32>,
      %broadcast_in_dim3A_185 = arith.constant 0 : i32
      %broadcast_in_dim3A_186 = vector.broadcast %broadcast_in_dim3A_185 : i32 to vector<16xi32>
      %add3A_187 = arith.constant 6 : i32
      %add3A_188 = arith.addi %mul3A_32, %add3A_187 : i32
      %mul3A_189 = arith.constant 64 : i32
      %mul3A_190 = arith.muli %add3A_188, %mul3A_189 : i32
      %add3A_191 = vector.broadcast %mul3A_190 : i32 to vector<16xi32>
      %add3A_192 = arith.addi %broadcast_in_dim3A_186, %add3A_191 : vector<16xi32>
      %sub3A_193 = arith.constant 1 : i32
      %sub3A_194 = vector.broadcast %sub3A_193 : i32 to vector<16xi32>
      %sub3A_195 = arith.subi %add3A_192, %sub3A_194 : vector<16xi32>
      %add3A_196 = arith.constant 64 : i32
      %add3A_197 = vector.broadcast %add3A_196 : i32 to vector<16xi32>
      %add3A_198 = arith.addi %add3A_192, %add3A_197 : vector<16xi32>
      %broadcast_in_dim3A_199 = arith.constant 0 : i32
      %broadcast_in_dim3A_200 = vector.broadcast %broadcast_in_dim3A_199 : i32 to vector<16xi32>
      %add3A_201 = arith.addi %mul3A_12, %mul3A_32 : i32
      %add3A_202 = arith.constant 7 : i32
      %add3A_203 = arith.addi %add3A_201, %add3A_202 : i32
      %add3A_204 = vector.broadcast %add3A_203 : i32 to vector<16xi32>
      %add3A_205 = arith.addi %broadcast_in_dim3A_200, %add3A_204 : vector<16xi32>
      %gather3A_206 = tpu.vector_load_idx %arg14[%add3A_205] : memref<128xf32, #tpu.memory_space<vmem>>[vector<16xi32>], vector<16xf32>,
      %gather3A_207 = tpu.vector_load_idx %arg15[%add3A_205] : memref<128xf32, #tpu.memory_space<vmem>>[vector<16xi32>], vector<16xf32>,
      %gather3A_208 = tpu.vector_load_idx %arg16[%add3A_205] : memref<128xf32, #tpu.memory_space<vmem>>[vector<16xi32>], vector<16xf32>,
      %broadcast_in_dim3A_209 = arith.constant 0 : i32
      %broadcast_in_dim3A_210 = vector.broadcast %broadcast_in_dim3A_209 : i32 to vector<16xi32>
      %add3A_211 = arith.constant 7 : i32
      %add3A_212 = arith.addi %mul3A_32, %add3A_211 : i32
      %mul3A_213 = arith.constant 64 : i32
      %mul3A_214 = arith.muli %add3A_212, %mul3A_213 : i32
      %add3A_215 = vector.broadcast %mul3A_214 : i32 to vector<16xi32>
      %add3A_216 = arith.addi %broadcast_in_dim3A_210, %add3A_215 : vector<16xi32>
      %sub3A_217 = arith.constant 1 : i32
      %sub3A_218 = vector.broadcast %sub3A_217 : i32 to vector<16xi32>
      %sub3A_219 = arith.subi %add3A_216, %sub3A_218 : vector<16xi32>
      %add3A_220 = arith.constant 64 : i32
      %add3A_221 = vector.broadcast %add3A_220 : i32 to vector<16xi32>
      %add3A_222 = arith.addi %add3A_216, %add3A_221 : vector<16xi32>
      %scan3A_223 = arith.constant 0 : i32
      %scan3A_224 = arith.constant 32 : i32
      %scan3A_225 = arith.addi %scan3A_223, %scan3A_224 : i32
      %scan3A_226 = arith.constant 1 : i32
      %scan3A_227:8 = scf.for %scan3A_1003 = %scan3A_223 to %scan3A_225 step %scan3A_226 iter_args(%scan3A_1004 = %sub3A_51, %scan3A_1005 = %sub3A_75, %scan3A_1006 = %sub3A_99, %scan3A_1007 = %sub3A_123, %scan3A_1008 = %sub3A_147, %scan3A_1009 = %sub3A_171, %scan3A_1010 = %sub3A_195, %scan3A_1011 = %sub3A_219) -> (vector<16xi32>, vector<16xi32>, vector<16xi32>, vector<16xi32>, vector<16xi32>, vector<16xi32>, vector<16xi32>, vector<16xi32>)  : i32 {
        %mul3A_1012 = arith.constant 16 : i32
        %mul3A_1013 = arith.muli %scan3A_1003, %mul3A_1012 : i32
        %get3A = arith.index_cast %mul3A_1013 : i32 to index
        %get3A_1014 = tpu.vector_load %arg11[%get3A] {strides = array<i32>} : memref<512xf32, #tpu.memory_space<vmem>>, vector<16xf32>,
        %get3A_1015 = arith.index_cast %mul3A_1013 : i32 to index
        %get3A_1016 = tpu.vector_load %arg12[%get3A_1015] {strides = array<i32>} : memref<512xf32, #tpu.memory_space<vmem>>, vector<16xf32>,
        %get3A_1017 = arith.index_cast %mul3A_1013 : i32 to index
        %get3A_1018 = tpu.vector_load %arg13[%get3A_1017] {strides = array<i32>} : memref<512xf32, #tpu.memory_space<vmem>>, vector<16xf32>,
        %add3A_1019 = vector.broadcast %mul3A_1013 : i32 to vector<16xi32>
        %add3A_1020 = arith.addi %add3A_1019, %iota3A : vector<16xi32>
        %sub3A_1021 = arith.subf %get3A_1014, %gather3A : vector<16xf32>
        %sub3A_1022 = arith.subf %get3A_1016, %gather3A_40 : vector<16xf32>
        %sub3A_1023 = arith.subf %get3A_1018, %gather3A_41 : vector<16xf32>
        %mul3A_1024 = arith.mulf %sub3A_1021, %sub3A_1021 : vector<16xf32>
        %mul3A_1025 = arith.mulf %sub3A_1022, %sub3A_1022 : vector<16xf32>
        %add3A_1026 = arith.addf %mul3A_1024, %mul3A_1025 : vector<16xf32>
        %mul3A_1027 = arith.mulf %sub3A_1023, %sub3A_1023 : vector<16xf32>
        %add3A_1028 = arith.addf %add3A_1026, %mul3A_1027 : vector<16xf32>
        %le3A_1029 = arith.constant 1.600000e-01 : f32
        %le3A_1030 = vector.broadcast %le3A_1029 : f32 to vector<16xf32>
        %le3A_1031 = arith.cmpf ole, %add3A_1028, %le3A_1030 : vector<16xf32>
        %masked_cumsum3A = tpu.scan <sum>, %broadcast_in_dim3A_3 masked %le3A_1031 : vector<16xi32>, vector<16xi1> -> vector<16xi32>
        %add3A_1032 = arith.addi %scan3A_1004, %masked_cumsum3A : vector<16xi32>
        %lt3A = arith.cmpi slt, %add3A_1032, %add3A_54 : vector<16xi32>
        %and3A = arith.andi %le3A_1031, %lt3A : vector<16xi1>
        tpu.vector_store_idx %arg18[%add3A_1032], %add3A_1020 masked %and3A : memref<8192xi32, #tpu.memory_space<vmem>>[vector<16xi32>], vector<16xi32>, vector<16xi1>
        %all_reduce_population_count3A = tpu.all_reduce %le3A_1031 {dim = 0 : i64, kind = #tpu.reduction_kind<sum>} : vector<16xi1> -> vector<16xi32>
        %add3A_1033 = arith.addi %scan3A_1004, %all_reduce_population_count3A : vector<16xi32>
        %sub3A_1034 = arith.subf %get3A_1014, %gather3A_62 : vector<16xf32>
        %sub3A_1035 = arith.subf %get3A_1016, %gather3A_63 : vector<16xf32>
        %sub3A_1036 = arith.subf %get3A_1018, %gather3A_64 : vector<16xf32>
        %mul3A_1037 = arith.mulf %sub3A_1034, %sub3A_1034 : vector<16xf32>
        %mul3A_1038 = arith.mulf %sub3A_1035, %sub3A_1035 : vector<16xf32>
        %add3A_1039 = arith.addf %mul3A_1037, %mul3A_1038 : vector<16xf32>
        %mul3A_1040 = arith.mulf %sub3A_1036, %sub3A_1036 : vector<16xf32>
        %add3A_1041 = arith.addf %add3A_1039, %mul3A_1040 : vector<16xf32>
        %le3A_1042 = arith.constant 1.600000e-01 : f32
        %le3A_1043 = vector.broadcast %le3A_1042 : f32 to vector<16xf32>
        %le3A_1044 = arith.cmpf ole, %add3A_1041, %le3A_1043 : vector<16xf32>
        %masked_cumsum3A_1045 = tpu.scan <sum>, %broadcast_in_dim3A_3 masked %le3A_1044 : vector<16xi32>, vector<16xi1> -> vector<16xi32>
        %add3A_1046 = arith.addi %scan3A_1005, %masked_cumsum3A_1045 : vector<16xi32>
        %lt3A_1047 = arith.cmpi slt, %add3A_1046, %add3A_78 : vector<16xi32>
        %and3A_1048 = arith.andi %le3A_1044, %lt3A_1047 : vector<16xi1>
        tpu.vector_store_idx %arg18[%add3A_1046], %add3A_1020 masked %and3A_1048 : memref<8192xi32, #tpu.memory_space<vmem>>[vector<16xi32>], vector<16xi32>, vector<16xi1>
        %all_reduce_population_count3A_1049 = tpu.all_reduce %le3A_1044 {dim = 0 : i64, kind = #tpu.reduction_kind<sum>} : vector<16xi1> -> vector<16xi32>
        %add3A_1050 = arith.addi %scan3A_1005, %all_reduce_population_count3A_1049 : vector<16xi32>
        %sub3A_1051 = arith.subf %get3A_1014, %gather3A_86 : vector<16xf32>
        %sub3A_1052 = arith.subf %get3A_1016, %gather3A_87 : vector<16xf32>
        %sub3A_1053 = arith.subf %get3A_1018, %gather3A_88 : vector<16xf32>
        %mul3A_1054 = arith.mulf %sub3A_1051, %sub3A_1051 : vector<16xf32>
        %mul3A_1055 = arith.mulf %sub3A_1052, %sub3A_1052 : vector<16xf32>
        %add3A_1056 = arith.addf %mul3A_1054, %mul3A_1055 : vector<16xf32>
        %mul3A_1057 = arith.mulf %sub3A_1053, %sub3A_1053 : vector<16xf32>
        %add3A_1058 = arith.addf %add3A_1056, %mul3A_1057 : vector<16xf32>
        %le3A_1059 = arith.constant 1.600000e-01 : f32
        %le3A_1060 = vector.broadcast %le3A_1059 : f32 to vector<16xf32>
        %le3A_1061 = arith.cmpf ole, %add3A_1058, %le3A_1060 : vector<16xf32>
        %masked_cumsum3A_1062 = tpu.scan <sum>, %broadcast_in_dim3A_3 masked %le3A_1061 : vector<16xi32>, vector<16xi1> -> vector<16xi32>
        %add3A_1063 = arith.addi %scan3A_1006, %masked_cumsum3A_1062 : vector<16xi32>
        %lt3A_1064 = arith.cmpi slt, %add3A_1063, %add3A_102 : vector<16xi32>
        %and3A_1065 = arith.andi %le3A_1061, %lt3A_1064 : vector<16xi1>
        tpu.vector_store_idx %arg18[%add3A_1063], %add3A_1020 masked %and3A_1065 : memref<8192xi32, #tpu.memory_space<vmem>>[vector<16xi32>], vector<16xi32>, vector<16xi1>
        %all_reduce_population_count3A_1066 = tpu.all_reduce %le3A_1061 {dim = 0 : i64, kind = #tpu.reduction_kind<sum>} : vector<16xi1> -> vector<16xi32>
        %add3A_1067 = arith.addi %scan3A_1006, %all_reduce_population_count3A_1066 : vector<16xi32>
        %sub3A_1068 = arith.subf %get3A_1014, %gather3A_110 : vector<16xf32>
        %sub3A_1069 = arith.subf %get3A_1016, %gather3A_111 : vector<16xf32>
        %sub3A_1070 = arith.subf %get3A_1018, %gather3A_112 : vector<16xf32>
        %mul3A_1071 = arith.mulf %sub3A_1068, %sub3A_1068 : vector<16xf32>
        %mul3A_1072 = arith.mulf %sub3A_1069, %sub3A_1069 : vector<16xf32>
        %add3A_1073 = arith.addf %mul3A_1071, %mul3A_1072 : vector<16xf32>
        %mul3A_1074 = arith.mulf %sub3A_1070, %sub3A_1070 : vector<16xf32>
        %add3A_1075 = arith.addf %add3A_1073, %mul3A_1074 : vector<16xf32>
        %le3A_1076 = arith.constant 1.600000e-01 : f32
        %le3A_1077 = vector.broadcast %le3A_1076 : f32 to vector<16xf32>
        %le3A_1078 = arith.cmpf ole, %add3A_1075, %le3A_1077 : vector<16xf32>
        %masked_cumsum3A_1079 = tpu.scan <sum>, %broadcast_in_dim3A_3 masked %le3A_1078 : vector<16xi32>, vector<16xi1> -> vector<16xi32>
        %add3A_1080 = arith.addi %scan3A_1007, %masked_cumsum3A_1079 : vector<16xi32>
        %lt3A_1081 = arith.cmpi slt, %add3A_1080, %add3A_126 : vector<16xi32>
        %and3A_1082 = arith.andi %le3A_1078, %lt3A_1081 : vector<16xi1>
        tpu.vector_store_idx %arg18[%add3A_1080], %add3A_1020 masked %and3A_1082 : memref<8192xi32, #tpu.memory_space<vmem>>[vector<16xi32>], vector<16xi32>, vector<16xi1>
        %all_reduce_population_count3A_1083 = tpu.all_reduce %le3A_1078 {dim = 0 : i64, kind = #tpu.reduction_kind<sum>} : vector<16xi1> -> vector<16xi32>
        %add3A_1084 = arith.addi %scan3A_1007, %all_reduce_population_count3A_1083 : vector<16xi32>
        %sub3A_1085 = arith.subf %get3A_1014, %gather3A_134 : vector<16xf32>
        %sub3A_1086 = arith.subf %get3A_1016, %gather3A_135 : vector<16xf32>
        %sub3A_1087 = arith.subf %get3A_1018, %gather3A_136 : vector<16xf32>
        %mul3A_1088 = arith.mulf %sub3A_1085, %sub3A_1085 : vector<16xf32>
        %mul3A_1089 = arith.mulf %sub3A_1086, %sub3A_1086 : vector<16xf32>
        %add3A_1090 = arith.addf %mul3A_1088, %mul3A_1089 : vector<16xf32>
        %mul3A_1091 = arith.mulf %sub3A_1087, %sub3A_1087 : vector<16xf32>
        %add3A_1092 = arith.addf %add3A_1090, %mul3A_1091 : vector<16xf32>
        %le3A_1093 = arith.constant 1.600000e-01 : f32
        %le3A_1094 = vector.broadcast %le3A_1093 : f32 to vector<16xf32>
        %le3A_1095 = arith.cmpf ole, %add3A_1092, %le3A_1094 : vector<16xf32>
        %masked_cumsum3A_1096 = tpu.scan <sum>, %broadcast_in_dim3A_3 masked %le3A_1095 : vector<16xi32>, vector<16xi1> -> vector<16xi32>
        %add3A_1097 = arith.addi %scan3A_1008, %masked_cumsum3A_1096 : vector<16xi32>
        %lt3A_1098 = arith.cmpi slt, %add3A_1097, %add3A_150 : vector<16xi32>
        %and3A_1099 = arith.andi %le3A_1095, %lt3A_1098 : vector<16xi1>
        tpu.vector_store_idx %arg18[%add3A_1097], %add3A_1020 masked %and3A_1099 : memref<8192xi32, #tpu.memory_space<vmem>>[vector<16xi32>], vector<16xi32>, vector<16xi1>
        %all_reduce_population_count3A_1100 = tpu.all_reduce %le3A_1095 {dim = 0 : i64, kind = #tpu.reduction_kind<sum>} : vector<16xi1> -> vector<16xi32>
        %add3A_1101 = arith.addi %scan3A_1008, %all_reduce_population_count3A_1100 : vector<16xi32>
        %sub3A_1102 = arith.subf %get3A_1014, %gather3A_158 : vector<16xf32>
        %sub3A_1103 = arith.subf %get3A_1016, %gather3A_159 : vector<16xf32>
        %sub3A_1104 = arith.subf %get3A_1018, %gather3A_160 : vector<16xf32>
        %mul3A_1105 = arith.mulf %sub3A_1102, %sub3A_1102 : vector<16xf32>
        %mul3A_1106 = arith.mulf %sub3A_1103, %sub3A_1103 : vector<16xf32>
        %add3A_1107 = arith.addf %mul3A_1105, %mul3A_1106 : vector<16xf32>
        %mul3A_1108 = arith.mulf %sub3A_1104, %sub3A_1104 : vector<16xf32>
        %add3A_1109 = arith.addf %add3A_1107, %mul3A_1108 : vector<16xf32>
        %le3A_1110 = arith.constant 1.600000e-01 : f32
        %le3A_1111 = vector.broadcast %le3A_1110 : f32 to vector<16xf32>
        %le3A_1112 = arith.cmpf ole, %add3A_1109, %le3A_1111 : vector<16xf32>
        %masked_cumsum3A_1113 = tpu.scan <sum>, %broadcast_in_dim3A_3 masked %le3A_1112 : vector<16xi32>, vector<16xi1> -> vector<16xi32>
        %add3A_1114 = arith.addi %scan3A_1009, %masked_cumsum3A_1113 : vector<16xi32>
        %lt3A_1115 = arith.cmpi slt, %add3A_1114, %add3A_174 : vector<16xi32>
        %and3A_1116 = arith.andi %le3A_1112, %lt3A_1115 : vector<16xi1>
        tpu.vector_store_idx %arg18[%add3A_1114], %add3A_1020 masked %and3A_1116 : memref<8192xi32, #tpu.memory_space<vmem>>[vector<16xi32>], vector<16xi32>, vector<16xi1>
        %all_reduce_population_count3A_1117 = tpu.all_reduce %le3A_1112 {dim = 0 : i64, kind = #tpu.reduction_kind<sum>} : vector<16xi1> -> vector<16xi32>
        %add3A_1118 = arith.addi %scan3A_1009, %all_reduce_population_count3A_1117 : vector<16xi32>
        %sub3A_1119 = arith.subf %get3A_1014, %gather3A_182 : vector<16xf32>
        %sub3A_1120 = arith.subf %get3A_1016, %gather3A_183 : vector<16xf32>
        %sub3A_1121 = arith.subf %get3A_1018, %gather3A_184 : vector<16xf32>
        %mul3A_1122 = arith.mulf %sub3A_1119, %sub3A_1119 : vector<16xf32>
        %mul3A_1123 = arith.mulf %sub3A_1120, %sub3A_1120 : vector<16xf32>
        %add3A_1124 = arith.addf %mul3A_1122, %mul3A_1123 : vector<16xf32>
        %mul3A_1125 = arith.mulf %sub3A_1121, %sub3A_1121 : vector<16xf32>
        %add3A_1126 = arith.addf %add3A_1124, %mul3A_1125 : vector<16xf32>
        %le3A_1127 = arith.constant 1.600000e-01 : f32
        %le3A_1128 = vector.broadcast %le3A_1127 : f32 to vector<16xf32>
        %le3A_1129 = arith.cmpf ole, %add3A_1126, %le3A_1128 : vector<16xf32>
        %masked_cumsum3A_1130 = tpu.scan <sum>, %broadcast_in_dim3A_3 masked %le3A_1129 : vector<16xi32>, vector<16xi1> -> vector<16xi32>
        %add3A_1131 = arith.addi %scan3A_1010, %masked_cumsum3A_1130 : vector<16xi32>
        %lt3A_1132 = arith.cmpi slt, %add3A_1131, %add3A_198 : vector<16xi32>
        %and3A_1133 = arith.andi %le3A_1129, %lt3A_1132 : vector<16xi1>
        tpu.vector_store_idx %arg18[%add3A_1131], %add3A_1020 masked %and3A_1133 : memref<8192xi32, #tpu.memory_space<vmem>>[vector<16xi32>], vector<16xi32>, vector<16xi1>
        %all_reduce_population_count3A_1134 = tpu.all_reduce %le3A_1129 {dim = 0 : i64, kind = #tpu.reduction_kind<sum>} : vector<16xi1> -> vector<16xi32>
        %add3A_1135 = arith.addi %scan3A_1010, %all_reduce_population_count3A_1134 : vector<16xi32>
        %sub3A_1136 = arith.subf %get3A_1014, %gather3A_206 : vector<16xf32>
        %sub3A_1137 = arith.subf %get3A_1016, %gather3A_207 : vector<16xf32>
        %sub3A_1138 = arith.subf %get3A_1018, %gather3A_208 : vector<16xf32>
        %mul3A_1139 = arith.mulf %sub3A_1136, %sub3A_1136 : vector<16xf32>
        %mul3A_1140 = arith.mulf %sub3A_1137, %sub3A_1137 : vector<16xf32>
        %add3A_1141 = arith.addf %mul3A_1139, %mul3A_1140 : vector<16xf32>
        %mul3A_1142 = arith.mulf %sub3A_1138, %sub3A_1138 : vector<16xf32>
        %add3A_1143 = arith.addf %add3A_1141, %mul3A_1142 : vector<16xf32>
        %le3A_1144 = arith.constant 1.600000e-01 : f32
        %le3A_1145 = vector.broadcast %le3A_1144 : f32 to vector<16xf32>
        %le3A_1146 = arith.cmpf ole, %add3A_1143, %le3A_1145 : vector<16xf32>
        %masked_cumsum3A_1147 = tpu.scan <sum>, %broadcast_in_dim3A_3 masked %le3A_1146 : vector<16xi32>, vector<16xi1> -> vector<16xi32>
        %add3A_1148 = arith.addi %scan3A_1011, %masked_cumsum3A_1147 : vector<16xi32>
        %lt3A_1149 = arith.cmpi slt, %add3A_1148, %add3A_222 : vector<16xi32>
        %and3A_1150 = arith.andi %le3A_1146, %lt3A_1149 : vector<16xi1>
        tpu.vector_store_idx %arg18[%add3A_1148], %add3A_1020 masked %and3A_1150 : memref<8192xi32, #tpu.memory_space<vmem>>[vector<16xi32>], vector<16xi32>, vector<16xi1>
        %all_reduce_population_count3A_1151 = tpu.all_reduce %le3A_1146 {dim = 0 : i64, kind = #tpu.reduction_kind<sum>} : vector<16xi1> -> vector<16xi32>
        %add3A_1152 = arith.addi %scan3A_1011, %all_reduce_population_count3A_1151 : vector<16xi32>
        scf.yield %add3A_1033, %add3A_1050, %add3A_1067, %add3A_1084, %add3A_1101, %add3A_1118, %add3A_1135, %add3A_1152 : vector<16xi32>, vector<16xi32>, vector<16xi32>, vector<16xi32>, vector<16xi32>, vector<16xi32>, vector<16xi32>, vector<16xi32>
      }
      %scan3A_228 = arith.constant 32 : i32
      %broadcast_in_dim3A_229 = arith.constant 0 : i32
      %broadcast_in_dim3A_230 = vector.broadcast %broadcast_in_dim3A_229 : i32 to vector<16xi32>
      %add3A_231 = arith.constant 0 : i32
      %add3A_232 = arith.addi %mul3A_32, %add3A_231 : i32
      %mul3A_233 = arith.constant 64 : i32
      %mul3A_234 = arith.muli %add3A_232, %mul3A_233 : i32
      %add3A_235 = vector.broadcast %mul3A_234 : i32 to vector<16xi32>
      %add3A_236 = arith.addi %broadcast_in_dim3A_230, %add3A_235 : vector<16xi32>
      %gather3A_237 = tpu.vector_load_idx %arg18[%add3A_236] : memref<8192xi32, #tpu.memory_space<vmem>>[vector<16xi32>], vector<16xi32>,
      %add3A_238 = arith.constant 0 : i32
      %add3A_239 = vector.broadcast %add3A_238 : i32 to vector<16xi32>
      %add3A_240 = arith.addi %add3A_239, %iota3A : vector<16xi32>
      %add3A_241 = arith.addi %add3A_236, %add3A_240 : vector<16xi32>
      %gather3A_242 = tpu.vector_load_idx %arg18[%add3A_241] : memref<8192xi32, #tpu.memory_space<vmem>>[vector<16xi32>], vector<16xi32>,
      %le3A = arith.cmpi sle, %add3A_241, %scan3A_227#0 : vector<16xi32>
      %select_n3A = arith.select %le3A, %gather3A_242, %gather3A_237 : vector<16xi1>, vector<16xi32>
      tpu.vector_store_idx %arg18[%add3A_241], %select_n3A : memref<8192xi32, #tpu.memory_space<vmem>>[vector<16xi32>], vector<16xi32>,
      %gather3A_243 = tpu.vector_load_idx %arg11[%select_n3A] : memref<512xf32, #tpu.memory_space<vmem>>[vector<16xi32>], vector<16xf32>,
      %sub3A_244 = arith.subf %gather3A_243, %gather3A : vector<16xf32>
      %gather3A_245 = tpu.vector_load_idx %arg12[%select_n3A] : memref<512xf32, #tpu.memory_space<vmem>>[vector<16xi32>], vector<16xf32>,
      %sub3A_246 = arith.subf %gather3A_245, %gather3A_40 : vector<16xf32>
      %gather3A_247 = tpu.vector_load_idx %arg13[%select_n3A] : memref<512xf32, #tpu.memory_space<vmem>>[vector<16xi32>], vector<16xf32>,
      %sub3A_248 = arith.subf %gather3A_247, %gather3A_41 : vector<16xf32>
      %mul3A_249 = arith.constant 8 : i32
      %mul3A_250 = vector.broadcast %mul3A_249 : i32 to vector<16xi32>
      %mul3A_251 = arith.muli %add3A_241, %mul3A_250 : vector<16xi32>
      tpu.vector_store_idx %arg17[%mul3A_251], %sub3A_244 : memref<65536xf32, #tpu.memory_space<vmem>>[vector<16xi32>], vector<16xf32>,
      %add3A_252 = arith.constant 1 : i32
      %add3A_253 = vector.broadcast %add3A_252 : i32 to vector<16xi32>
      %add3A_254 = arith.addi %mul3A_251, %add3A_253 : vector<16xi32>
      tpu.vector_store_idx %arg17[%add3A_254], %sub3A_246 : memref<65536xf32, #tpu.memory_space<vmem>>[vector<16xi32>], vector<16xf32>,
      %add3A_255 = arith.constant 2 : i32
      %add3A_256 = vector.broadcast %add3A_255 : i32 to vector<16xi32>
      %add3A_257 = arith.addi %mul3A_251, %add3A_256 : vector<16xi32>
      tpu.vector_store_idx %arg17[%add3A_257], %sub3A_248 : memref<65536xf32, #tpu.memory_space<vmem>>[vector<16xi32>], vector<16xf32>,
      %add3A_258 = arith.constant 16 : i32
      %add3A_259 = vector.broadcast %add3A_258 : i32 to vector<16xi32>
      %add3A_260 = arith.addi %add3A_259, %iota3A : vector<16xi32>
      %add3A_261 = arith.addi %add3A_236, %add3A_260 : vector<16xi32>
      %gather3A_262 = tpu.vector_load_idx %arg18[%add3A_261] : memref<8192xi32, #tpu.memory_space<vmem>>[vector<16xi32>], vector<16xi32>,
      %le3A_263 = arith.cmpi sle, %add3A_261, %scan3A_227#0 : vector<16xi32>
      %select_n3A_264 = arith.select %le3A_263, %gather3A_262, %gather3A_237 : vector<16xi1>, vector<16xi32>
      tpu.vector_store_idx %arg18[%add3A_261], %select_n3A_264 : memref<8192xi32, #tpu.memory_space<vmem>>[vector<16xi32>], vector<16xi32>,
      %gather3A_265 = tpu.vector_load_idx %arg11[%select_n3A_264] : memref<512xf32, #tpu.memory_space<vmem>>[vector<16xi32>], vector<16xf32>,
      %sub3A_266 = arith.subf %gather3A_265, %gather3A : vector<16xf32>
      %gather3A_267 = tpu.vector_load_idx %arg12[%select_n3A_264] : memref<512xf32, #tpu.memory_space<vmem>>[vector<16xi32>], vector<16xf32>,
      %sub3A_268 = arith.subf %gather3A_267, %gather3A_40 : vector<16xf32>
      %gather3A_269 = tpu.vector_load_idx %arg13[%select_n3A_264] : memref<512xf32, #tpu.memory_space<vmem>>[vector<16xi32>], vector<16xf32>,
      %sub3A_270 = arith.subf %gather3A_269, %gather3A_41 : vector<16xf32>
      %mul3A_271 = arith.constant 8 : i32
      %mul3A_272 = vector.broadcast %mul3A_271 : i32 to vector<16xi32>
      %mul3A_273 = arith.muli %add3A_261, %mul3A_272 : vector<16xi32>
      tpu.vector_store_idx %arg17[%mul3A_273], %sub3A_266 : memref<65536xf32, #tpu.memory_space<vmem>>[vector<16xi32>], vector<16xf32>,
      %add3A_274 = arith.constant 1 : i32
      %add3A_275 = vector.broadcast %add3A_274 : i32 to vector<16xi32>
      %add3A_276 = arith.addi %mul3A_273, %add3A_275 : vector<16xi32>
      tpu.vector_store_idx %arg17[%add3A_276], %sub3A_268 : memref<65536xf32, #tpu.memory_space<vmem>>[vector<16xi32>], vector<16xf32>,
      %add3A_277 = arith.constant 2 : i32
      %add3A_278 = vector.broadcast %add3A_277 : i32 to vector<16xi32>
      %add3A_279 = arith.addi %mul3A_273, %add3A_278 : vector<16xi32>
      tpu.vector_store_idx %arg17[%add3A_279], %sub3A_270 : memref<65536xf32, #tpu.memory_space<vmem>>[vector<16xi32>], vector<16xf32>,
      %add3A_280 = arith.constant 32 : i32
      %add3A_281 = vector.broadcast %add3A_280 : i32 to vector<16xi32>
      %add3A_282 = arith.addi %add3A_281, %iota3A : vector<16xi32>
      %add3A_283 = arith.addi %add3A_236, %add3A_282 : vector<16xi32>
      %gather3A_284 = tpu.vector_load_idx %arg18[%add3A_283] : memref<8192xi32, #tpu.memory_space<vmem>>[vector<16xi32>], vector<16xi32>,
      %le3A_285 = arith.cmpi sle, %add3A_283, %scan3A_227#0 : vector<16xi32>
      %select_n3A_286 = arith.select %le3A_285, %gather3A_284, %gather3A_237 : vector<16xi1>, vector<16xi32>
      tpu.vector_store_idx %arg18[%add3A_283], %select_n3A_286 : memref<8192xi32, #tpu.memory_space<vmem>>[vector<16xi32>], vector<16xi32>,
      %gather3A_287 = tpu.vector_load_idx %arg11[%select_n3A_286] : memref<512xf32, #tpu.memory_space<vmem>>[vector<16xi32>], vector<16xf32>,
      %sub3A_288 = arith.subf %gather3A_287, %gather3A : vector<16xf32>
      %gather3A_289 = tpu.vector_load_idx %arg12[%select_n3A_286] : memref<512xf32, #tpu.memory_space<vmem>>[vector<16xi32>], vector<16xf32>,
      %sub3A_290 = arith.subf %gather3A_289, %gather3A_40 : vector<16xf32>
      %gather3A_291 = tpu.vector_load_idx %arg13[%select_n3A_286] : memref<512xf32, #tpu.memory_space<vmem>>[vector<16xi32>], vector<16xf32>,
      %sub3A_292 = arith.subf %gather3A_291, %gather3A_41 : vector<16xf32>
      %mul3A_293 = arith.constant 8 : i32
      %mul3A_294 = vector.broadcast %mul3A_293 : i32 to vector<16xi32>
      %mul3A_295 = arith.muli %add3A_283, %mul3A_294 : vector<16xi32>
      tpu.vector_store_idx %arg17[%mul3A_295], %sub3A_288 : memref<65536xf32, #tpu.memory_space<vmem>>[vector<16xi32>], vector<16xf32>,
      %add3A_296 = arith.constant 1 : i32
      %add3A_297 = vector.broadcast %add3A_296 : i32 to vector<16xi32>
      %add3A_298 = arith.addi %mul3A_295, %add3A_297 : vector<16xi32>
      tpu.vector_store_idx %arg17[%add3A_298], %sub3A_290 : memref<65536xf32, #tpu.memory_space<vmem>>[vector<16xi32>], vector<16xf32>,
      %add3A_299 = arith.constant 2 : i32
      %add3A_300 = vector.broadcast %add3A_299 : i32 to vector<16xi32>
      %add3A_301 = arith.addi %mul3A_295, %add3A_300 : vector<16xi32>
      tpu.vector_store_idx %arg17[%add3A_301], %sub3A_292 : memref<65536xf32, #tpu.memory_space<vmem>>[vector<16xi32>], vector<16xf32>,
      %add3A_302 = arith.constant 48 : i32
      %add3A_303 = vector.broadcast %add3A_302 : i32 to vector<16xi32>
      %add3A_304 = arith.addi %add3A_303, %iota3A : vector<16xi32>
      %add3A_305 = arith.addi %add3A_236, %add3A_304 : vector<16xi32>
      %gather3A_306 = tpu.vector_load_idx %arg18[%add3A_305] : memref<8192xi32, #tpu.memory_space<vmem>>[vector<16xi32>], vector<16xi32>,
      %le3A_307 = arith.cmpi sle, %add3A_305, %scan3A_227#0 : vector<16xi32>
      %select_n3A_308 = arith.select %le3A_307, %gather3A_306, %gather3A_237 : vector<16xi1>, vector<16xi32>
      tpu.vector_store_idx %arg18[%add3A_305], %select_n3A_308 : memref<8192xi32, #tpu.memory_space<vmem>>[vector<16xi32>], vector<16xi32>,
      %gather3A_309 = tpu.vector_load_idx %arg11[%select_n3A_308] : memref<512xf32, #tpu.memory_space<vmem>>[vector<16xi32>], vector<16xf32>,
      %sub3A_310 = arith.subf %gather3A_309, %gather3A : vector<16xf32>
      %gather3A_311 = tpu.vector_load_idx %arg12[%select_n3A_308] : memref<512xf32, #tpu.memory_space<vmem>>[vector<16xi32>], vector<16xf32>,
      %sub3A_312 = arith.subf %gather3A_311, %gather3A_40 : vector<16xf32>
      %gather3A_313 = tpu.vector_load_idx %arg13[%select_n3A_308] : memref<512xf32, #tpu.memory_space<vmem>>[vector<16xi32>], vector<16xf32>,
      %sub3A_314 = arith.subf %gather3A_313, %gather3A_41 : vector<16xf32>
      %mul3A_315 = arith.constant 8 : i32
      %mul3A_316 = vector.broadcast %mul3A_315 : i32 to vector<16xi32>
      %mul3A_317 = arith.muli %add3A_305, %mul3A_316 : vector<16xi32>
      tpu.vector_store_idx %arg17[%mul3A_317], %sub3A_310 : memref<65536xf32, #tpu.memory_space<vmem>>[vector<16xi32>], vector<16xf32>,
      %add3A_318 = arith.constant 1 : i32
      %add3A_319 = vector.broadcast %add3A_318 : i32 to vector<16xi32>
      %add3A_320 = arith.addi %mul3A_317, %add3A_319 : vector<16xi32>
      tpu.vector_store_idx %arg17[%add3A_320], %sub3A_312 : memref<65536xf32, #tpu.memory_space<vmem>>[vector<16xi32>], vector<16xf32>,
      %add3A_321 = arith.constant 2 : i32
      %add3A_322 = vector.broadcast %add3A_321 : i32 to vector<16xi32>
      %add3A_323 = arith.addi %mul3A_317, %add3A_322 : vector<16xi32>
      tpu.vector_store_idx %arg17[%add3A_323], %sub3A_314 : memref<65536xf32, #tpu.memory_space<vmem>>[vector<16xi32>], vector<16xf32>,
      %broadcast_in_dim3A_324 = arith.constant 0 : i32
      %broadcast_in_dim3A_325 = vector.broadcast %broadcast_in_dim3A_324 : i32 to vector<16xi32>
      %add3A_326 = arith.constant 1 : i32
      %add3A_327 = arith.addi %mul3A_32, %add3A_326 : i32
      %mul3A_328 = arith.constant 64 : i32
      %mul3A_329 = arith.muli %add3A_327, %mul3A_328 : i32
      %add3A_330 = vector.broadcast %mul3A_329 : i32 to vector<16xi32>
      %add3A_331 = arith.addi %broadcast_in_dim3A_325, %add3A_330 : vector<16xi32>
      %gather3A_332 = tpu.vector_load_idx %arg18[%add3A_331] : memref<8192xi32, #tpu.memory_space<vmem>>[vector<16xi32>], vector<16xi32>,
      %add3A_333 = arith.constant 0 : i32
      %add3A_334 = vector.broadcast %add3A_333 : i32 to vector<16xi32>
      %add3A_335 = arith.addi %add3A_334, %iota3A : vector<16xi32>
      %add3A_336 = arith.addi %add3A_331, %add3A_335 : vector<16xi32>
      %gather3A_337 = tpu.vector_load_idx %arg18[%add3A_336] : memref<8192xi32, #tpu.memory_space<vmem>>[vector<16xi32>], vector<16xi32>,
      %le3A_338 = arith.cmpi sle, %add3A_336, %scan3A_227#1 : vector<16xi32>
      %select_n3A_339 = arith.select %le3A_338, %gather3A_337, %gather3A_332 : vector<16xi1>, vector<16xi32>
      tpu.vector_store_idx %arg18[%add3A_336], %select_n3A_339 : memref<8192xi32, #tpu.memory_space<vmem>>[vector<16xi32>], vector<16xi32>,
      %gather3A_340 = tpu.vector_load_idx %arg11[%select_n3A_339] : memref<512xf32, #tpu.memory_space<vmem>>[vector<16xi32>], vector<16xf32>,
      %sub3A_341 = arith.subf %gather3A_340, %gather3A_62 : vector<16xf32>
      %gather3A_342 = tpu.vector_load_idx %arg12[%select_n3A_339] : memref<512xf32, #tpu.memory_space<vmem>>[vector<16xi32>], vector<16xf32>,
      %sub3A_343 = arith.subf %gather3A_342, %gather3A_63 : vector<16xf32>
      %gather3A_344 = tpu.vector_load_idx %arg13[%select_n3A_339] : memref<512xf32, #tpu.memory_space<vmem>>[vector<16xi32>], vector<16xf32>,
      %sub3A_345 = arith.subf %gather3A_344, %gather3A_64 : vector<16xf32>
      %mul3A_346 = arith.constant 8 : i32
      %mul3A_347 = vector.broadcast %mul3A_346 : i32 to vector<16xi32>
      %mul3A_348 = arith.muli %add3A_336, %mul3A_347 : vector<16xi32>
      tpu.vector_store_idx %arg17[%mul3A_348], %sub3A_341 : memref<65536xf32, #tpu.memory_space<vmem>>[vector<16xi32>], vector<16xf32>,
      %add3A_349 = arith.constant 1 : i32
      %add3A_350 = vector.broadcast %add3A_349 : i32 to vector<16xi32>
      %add3A_351 = arith.addi %mul3A_348, %add3A_350 : vector<16xi32>
      tpu.vector_store_idx %arg17[%add3A_351], %sub3A_343 : memref<65536xf32, #tpu.memory_space<vmem>>[vector<16xi32>], vector<16xf32>,
      %add3A_352 = arith.constant 2 : i32
      %add3A_353 = vector.broadcast %add3A_352 : i32 to vector<16xi32>
      %add3A_354 = arith.addi %mul3A_348, %add3A_353 : vector<16xi32>
      tpu.vector_store_idx %arg17[%add3A_354], %sub3A_345 : memref<65536xf32, #tpu.memory_space<vmem>>[vector<16xi32>], vector<16xf32>,
      %add3A_355 = arith.constant 16 : i32
      %add3A_356 = vector.broadcast %add3A_355 : i32 to vector<16xi32>
      %add3A_357 = arith.addi %add3A_356, %iota3A : vector<16xi32>
      %add3A_358 = arith.addi %add3A_331, %add3A_357 : vector<16xi32>
      %gather3A_359 = tpu.vector_load_idx %arg18[%add3A_358] : memref<8192xi32, #tpu.memory_space<vmem>>[vector<16xi32>], vector<16xi32>,
      %le3A_360 = arith.cmpi sle, %add3A_358, %scan3A_227#1 : vector<16xi32>
      %select_n3A_361 = arith.select %le3A_360, %gather3A_359, %gather3A_332 : vector<16xi1>, vector<16xi32>
      tpu.vector_store_idx %arg18[%add3A_358], %select_n3A_361 : memref<8192xi32, #tpu.memory_space<vmem>>[vector<16xi32>], vector<16xi32>,
      %gather3A_362 = tpu.vector_load_idx %arg11[%select_n3A_361] : memref<512xf32, #tpu.memory_space<vmem>>[vector<16xi32>], vector<16xf32>,
      %sub3A_363 = arith.subf %gather3A_362, %gather3A_62 : vector<16xf32>
      %gather3A_364 = tpu.vector_load_idx %arg12[%select_n3A_361] : memref<512xf32, #tpu.memory_space<vmem>>[vector<16xi32>], vector<16xf32>,
      %sub3A_365 = arith.subf %gather3A_364, %gather3A_63 : vector<16xf32>
      %gather3A_366 = tpu.vector_load_idx %arg13[%select_n3A_361] : memref<512xf32, #tpu.memory_space<vmem>>[vector<16xi32>], vector<16xf32>,
      %sub3A_367 = arith.subf %gather3A_366, %gather3A_64 : vector<16xf32>
      %mul3A_368 = arith.constant 8 : i32
      %mul3A_369 = vector.broadcast %mul3A_368 : i32 to vector<16xi32>
      %mul3A_370 = arith.muli %add3A_358, %mul3A_369 : vector<16xi32>
      tpu.vector_store_idx %arg17[%mul3A_370], %sub3A_363 : memref<65536xf32, #tpu.memory_space<vmem>>[vector<16xi32>], vector<16xf32>,
      %add3A_371 = arith.constant 1 : i32
      %add3A_372 = vector.broadcast %add3A_371 : i32 to vector<16xi32>
      %add3A_373 = arith.addi %mul3A_370, %add3A_372 : vector<16xi32>
      tpu.vector_store_idx %arg17[%add3A_373], %sub3A_365 : memref<65536xf32, #tpu.memory_space<vmem>>[vector<16xi32>], vector<16xf32>,
      %add3A_374 = arith.constant 2 : i32
      %add3A_375 = vector.broadcast %add3A_374 : i32 to vector<16xi32>
      %add3A_376 = arith.addi %mul3A_370, %add3A_375 : vector<16xi32>
      tpu.vector_store_idx %arg17[%add3A_376], %sub3A_367 : memref<65536xf32, #tpu.memory_space<vmem>>[vector<16xi32>], vector<16xf32>,
      %add3A_377 = arith.constant 32 : i32
      %add3A_378 = vector.broadcast %add3A_377 : i32 to vector<16xi32>
      %add3A_379 = arith.addi %add3A_378, %iota3A : vector<16xi32>
      %add3A_380 = arith.addi %add3A_331, %add3A_379 : vector<16xi32>
      %gather3A_381 = tpu.vector_load_idx %arg18[%add3A_380] : memref<8192xi32, #tpu.memory_space<vmem>>[vector<16xi32>], vector<16xi32>,
      %le3A_382 = arith.cmpi sle, %add3A_380, %scan3A_227#1 : vector<16xi32>
      %select_n3A_383 = arith.select %le3A_382, %gather3A_381, %gather3A_332 : vector<16xi1>, vector<16xi32>
      tpu.vector_store_idx %arg18[%add3A_380], %select_n3A_383 : memref<8192xi32, #tpu.memory_space<vmem>>[vector<16xi32>], vector<16xi32>,
      %gather3A_384 = tpu.vector_load_idx %arg11[%select_n3A_383] : memref<512xf32, #tpu.memory_space<vmem>>[vector<16xi32>], vector<16xf32>,
      %sub3A_385 = arith.subf %gather3A_384, %gather3A_62 : vector<16xf32>
      %gather3A_386 = tpu.vector_load_idx %arg12[%select_n3A_383] : memref<512xf32, #tpu.memory_space<vmem>>[vector<16xi32>], vector<16xf32>,
      %sub3A_387 = arith.subf %gather3A_386, %gather3A_63 : vector<16xf32>
      %gather3A_388 = tpu.vector_load_idx %arg13[%select_n3A_383] : memref<512xf32, #tpu.memory_space<vmem>>[vector<16xi32>], vector<16xf32>,
      %sub3A_389 = arith.subf %gather3A_388, %gather3A_64 : vector<16xf32>
      %mul3A_390 = arith.constant 8 : i32
      %mul3A_391 = vector.broadcast %mul3A_390 : i32 to vector<16xi32>
      %mul3A_392 = arith.muli %add3A_380, %mul3A_391 : vector<16xi32>
      tpu.vector_store_idx %arg17[%mul3A_392], %sub3A_385 : memref<65536xf32, #tpu.memory_space<vmem>>[vector<16xi32>], vector<16xf32>,
      %add3A_393 = arith.constant 1 : i32
      %add3A_394 = vector.broadcast %add3A_393 : i32 to vector<16xi32>
      %add3A_395 = arith.addi %mul3A_392, %add3A_394 : vector<16xi32>
      tpu.vector_store_idx %arg17[%add3A_395], %sub3A_387 : memref<65536xf32, #tpu.memory_space<vmem>>[vector<16xi32>], vector<16xf32>,
      %add3A_396 = arith.constant 2 : i32
      %add3A_397 = vector.broadcast %add3A_396 : i32 to vector<16xi32>
      %add3A_398 = arith.addi %mul3A_392, %add3A_397 : vector<16xi32>
      tpu.vector_store_idx %arg17[%add3A_398], %sub3A_389 : memref<65536xf32, #tpu.memory_space<vmem>>[vector<16xi32>], vector<16xf32>,
      %add3A_399 = arith.constant 48 : i32
      %add3A_400 = vector.broadcast %add3A_399 : i32 to vector<16xi32>
      %add3A_401 = arith.addi %add3A_400, %iota3A : vector<16xi32>
      %add3A_402 = arith.addi %add3A_331, %add3A_401 : vector<16xi32>
      %gather3A_403 = tpu.vector_load_idx %arg18[%add3A_402] : memref<8192xi32, #tpu.memory_space<vmem>>[vector<16xi32>], vector<16xi32>,
      %le3A_404 = arith.cmpi sle, %add3A_402, %scan3A_227#1 : vector<16xi32>
      %select_n3A_405 = arith.select %le3A_404, %gather3A_403, %gather3A_332 : vector<16xi1>, vector<16xi32>
      tpu.vector_store_idx %arg18[%add3A_402], %select_n3A_405 : memref<8192xi32, #tpu.memory_space<vmem>>[vector<16xi32>], vector<16xi32>,
      %gather3A_406 = tpu.vector_load_idx %arg11[%select_n3A_405] : memref<512xf32, #tpu.memory_space<vmem>>[vector<16xi32>], vector<16xf32>,
      %sub3A_407 = arith.subf %gather3A_406, %gather3A_62 : vector<16xf32>
      %gather3A_408 = tpu.vector_load_idx %arg12[%select_n3A_405] : memref<512xf32, #tpu.memory_space<vmem>>[vector<16xi32>], vector<16xf32>,
      %sub3A_409 = arith.subf %gather3A_408, %gather3A_63 : vector<16xf32>
      %gather3A_410 = tpu.vector_load_idx %arg13[%select_n3A_405] : memref<512xf32, #tpu.memory_space<vmem>>[vector<16xi32>], vector<16xf32>,
      %sub3A_411 = arith.subf %gather3A_410, %gather3A_64 : vector<16xf32>
      %mul3A_412 = arith.constant 8 : i32
      %mul3A_413 = vector.broadcast %mul3A_412 : i32 to vector<16xi32>
      %mul3A_414 = arith.muli %add3A_402, %mul3A_413 : vector<16xi32>
      tpu.vector_store_idx %arg17[%mul3A_414], %sub3A_407 : memref<65536xf32, #tpu.memory_space<vmem>>[vector<16xi32>], vector<16xf32>,
      %add3A_415 = arith.constant 1 : i32
      %add3A_416 = vector.broadcast %add3A_415 : i32 to vector<16xi32>
      %add3A_417 = arith.addi %mul3A_414, %add3A_416 : vector<16xi32>
      tpu.vector_store_idx %arg17[%add3A_417], %sub3A_409 : memref<65536xf32, #tpu.memory_space<vmem>>[vector<16xi32>], vector<16xf32>,
      %add3A_418 = arith.constant 2 : i32
      %add3A_419 = vector.broadcast %add3A_418 : i32 to vector<16xi32>
      %add3A_420 = arith.addi %mul3A_414, %add3A_419 : vector<16xi32>
      tpu.vector_store_idx %arg17[%add3A_420], %sub3A_411 : memref<65536xf32, #tpu.memory_space<vmem>>[vector<16xi32>], vector<16xf32>,
      %broadcast_in_dim3A_421 = arith.constant 0 : i32
      %broadcast_in_dim3A_422 = vector.broadcast %broadcast_in_dim3A_421 : i32 to vector<16xi32>
      %add3A_423 = arith.constant 2 : i32
      %add3A_424 = arith.addi %mul3A_32, %add3A_423 : i32
      %mul3A_425 = arith.constant 64 : i32
      %mul3A_426 = arith.muli %add3A_424, %mul3A_425 : i32
      %add3A_427 = vector.broadcast %mul3A_426 : i32 to vector<16xi32>
      %add3A_428 = arith.addi %broadcast_in_dim3A_422, %add3A_427 : vector<16xi32>
      %gather3A_429 = tpu.vector_load_idx %arg18[%add3A_428] : memref<8192xi32, #tpu.memory_space<vmem>>[vector<16xi32>], vector<16xi32>,
      %add3A_430 = arith.constant 0 : i32
      %add3A_431 = vector.broadcast %add3A_430 : i32 to vector<16xi32>
      %add3A_432 = arith.addi %add3A_431, %iota3A : vector<16xi32>
      %add3A_433 = arith.addi %add3A_428, %add3A_432 : vector<16xi32>
      %gather3A_434 = tpu.vector_load_idx %arg18[%add3A_433] : memref<8192xi32, #tpu.memory_space<vmem>>[vector<16xi32>], vector<16xi32>,
      %le3A_435 = arith.cmpi sle, %add3A_433, %scan3A_227#2 : vector<16xi32>
      %select_n3A_436 = arith.select %le3A_435, %gather3A_434, %gather3A_429 : vector<16xi1>, vector<16xi32>
      tpu.vector_store_idx %arg18[%add3A_433], %select_n3A_436 : memref<8192xi32, #tpu.memory_space<vmem>>[vector<16xi32>], vector<16xi32>,
      %gather3A_437 = tpu.vector_load_idx %arg11[%select_n3A_436] : memref<512xf32, #tpu.memory_space<vmem>>[vector<16xi32>], vector<16xf32>,
      %sub3A_438 = arith.subf %gather3A_437, %gather3A_86 : vector<16xf32>
      %gather3A_439 = tpu.vector_load_idx %arg12[%select_n3A_436] : memref<512xf32, #tpu.memory_space<vmem>>[vector<16xi32>], vector<16xf32>,
      %sub3A_440 = arith.subf %gather3A_439, %gather3A_87 : vector<16xf32>
      %gather3A_441 = tpu.vector_load_idx %arg13[%select_n3A_436] : memref<512xf32, #tpu.memory_space<vmem>>[vector<16xi32>], vector<16xf32>,
      %sub3A_442 = arith.subf %gather3A_441, %gather3A_88 : vector<16xf32>
      %mul3A_443 = arith.constant 8 : i32
      %mul3A_444 = vector.broadcast %mul3A_443 : i32 to vector<16xi32>
      %mul3A_445 = arith.muli %add3A_433, %mul3A_444 : vector<16xi32>
      tpu.vector_store_idx %arg17[%mul3A_445], %sub3A_438 : memref<65536xf32, #tpu.memory_space<vmem>>[vector<16xi32>], vector<16xf32>,
      %add3A_446 = arith.constant 1 : i32
      %add3A_447 = vector.broadcast %add3A_446 : i32 to vector<16xi32>
      %add3A_448 = arith.addi %mul3A_445, %add3A_447 : vector<16xi32>
      tpu.vector_store_idx %arg17[%add3A_448], %sub3A_440 : memref<65536xf32, #tpu.memory_space<vmem>>[vector<16xi32>], vector<16xf32>,
      %add3A_449 = arith.constant 2 : i32
      %add3A_450 = vector.broadcast %add3A_449 : i32 to vector<16xi32>
      %add3A_451 = arith.addi %mul3A_445, %add3A_450 : vector<16xi32>
      tpu.vector_store_idx %arg17[%add3A_451], %sub3A_442 : memref<65536xf32, #tpu.memory_space<vmem>>[vector<16xi32>], vector<16xf32>,
      %add3A_452 = arith.constant 16 : i32
      %add3A_453 = vector.broadcast %add3A_452 : i32 to vector<16xi32>
      %add3A_454 = arith.addi %add3A_453, %iota3A : vector<16xi32>
      %add3A_455 = arith.addi %add3A_428, %add3A_454 : vector<16xi32>
      %gather3A_456 = tpu.vector_load_idx %arg18[%add3A_455] : memref<8192xi32, #tpu.memory_space<vmem>>[vector<16xi32>], vector<16xi32>,
      %le3A_457 = arith.cmpi sle, %add3A_455, %scan3A_227#2 : vector<16xi32>
      %select_n3A_458 = arith.select %le3A_457, %gather3A_456, %gather3A_429 : vector<16xi1>, vector<16xi32>
      tpu.vector_store_idx %arg18[%add3A_455], %select_n3A_458 : memref<8192xi32, #tpu.memory_space<vmem>>[vector<16xi32>], vector<16xi32>,
      %gather3A_459 = tpu.vector_load_idx %arg11[%select_n3A_458] : memref<512xf32, #tpu.memory_space<vmem>>[vector<16xi32>], vector<16xf32>,
      %sub3A_460 = arith.subf %gather3A_459, %gather3A_86 : vector<16xf32>
      %gather3A_461 = tpu.vector_load_idx %arg12[%select_n3A_458] : memref<512xf32, #tpu.memory_space<vmem>>[vector<16xi32>], vector<16xf32>,
      %sub3A_462 = arith.subf %gather3A_461, %gather3A_87 : vector<16xf32>
      %gather3A_463 = tpu.vector_load_idx %arg13[%select_n3A_458] : memref<512xf32, #tpu.memory_space<vmem>>[vector<16xi32>], vector<16xf32>,
      %sub3A_464 = arith.subf %gather3A_463, %gather3A_88 : vector<16xf32>
      %mul3A_465 = arith.constant 8 : i32
      %mul3A_466 = vector.broadcast %mul3A_465 : i32 to vector<16xi32>
      %mul3A_467 = arith.muli %add3A_455, %mul3A_466 : vector<16xi32>
      tpu.vector_store_idx %arg17[%mul3A_467], %sub3A_460 : memref<65536xf32, #tpu.memory_space<vmem>>[vector<16xi32>], vector<16xf32>,
      %add3A_468 = arith.constant 1 : i32
      %add3A_469 = vector.broadcast %add3A_468 : i32 to vector<16xi32>
      %add3A_470 = arith.addi %mul3A_467, %add3A_469 : vector<16xi32>
      tpu.vector_store_idx %arg17[%add3A_470], %sub3A_462 : memref<65536xf32, #tpu.memory_space<vmem>>[vector<16xi32>], vector<16xf32>,
      %add3A_471 = arith.constant 2 : i32
      %add3A_472 = vector.broadcast %add3A_471 : i32 to vector<16xi32>
      %add3A_473 = arith.addi %mul3A_467, %add3A_472 : vector<16xi32>
      tpu.vector_store_idx %arg17[%add3A_473], %sub3A_464 : memref<65536xf32, #tpu.memory_space<vmem>>[vector<16xi32>], vector<16xf32>,
      %add3A_474 = arith.constant 32 : i32
      %add3A_475 = vector.broadcast %add3A_474 : i32 to vector<16xi32>
      %add3A_476 = arith.addi %add3A_475, %iota3A : vector<16xi32>
      %add3A_477 = arith.addi %add3A_428, %add3A_476 : vector<16xi32>
      %gather3A_478 = tpu.vector_load_idx %arg18[%add3A_477] : memref<8192xi32, #tpu.memory_space<vmem>>[vector<16xi32>], vector<16xi32>,
      %le3A_479 = arith.cmpi sle, %add3A_477, %scan3A_227#2 : vector<16xi32>
      %select_n3A_480 = arith.select %le3A_479, %gather3A_478, %gather3A_429 : vector<16xi1>, vector<16xi32>
      tpu.vector_store_idx %arg18[%add3A_477], %select_n3A_480 : memref<8192xi32, #tpu.memory_space<vmem>>[vector<16xi32>], vector<16xi32>,
      %gather3A_481 = tpu.vector_load_idx %arg11[%select_n3A_480] : memref<512xf32, #tpu.memory_space<vmem>>[vector<16xi32>], vector<16xf32>,
      %sub3A_482 = arith.subf %gather3A_481, %gather3A_86 : vector<16xf32>
      %gather3A_483 = tpu.vector_load_idx %arg12[%select_n3A_480] : memref<512xf32, #tpu.memory_space<vmem>>[vector<16xi32>], vector<16xf32>,
      %sub3A_484 = arith.subf %gather3A_483, %gather3A_87 : vector<16xf32>
      %gather3A_485 = tpu.vector_load_idx %arg13[%select_n3A_480] : memref<512xf32, #tpu.memory_space<vmem>>[vector<16xi32>], vector<16xf32>,
      %sub3A_486 = arith.subf %gather3A_485, %gather3A_88 : vector<16xf32>
      %mul3A_487 = arith.constant 8 : i32
      %mul3A_488 = vector.broadcast %mul3A_487 : i32 to vector<16xi32>
      %mul3A_489 = arith.muli %add3A_477, %mul3A_488 : vector<16xi32>
      tpu.vector_store_idx %arg17[%mul3A_489], %sub3A_482 : memref<65536xf32, #tpu.memory_space<vmem>>[vector<16xi32>], vector<16xf32>,
      %add3A_490 = arith.constant 1 : i32
      %add3A_491 = vector.broadcast %add3A_490 : i32 to vector<16xi32>
      %add3A_492 = arith.addi %mul3A_489, %add3A_491 : vector<16xi32>
      tpu.vector_store_idx %arg17[%add3A_492], %sub3A_484 : memref<65536xf32, #tpu.memory_space<vmem>>[vector<16xi32>], vector<16xf32>,
      %add3A_493 = arith.constant 2 : i32
      %add3A_494 = vector.broadcast %add3A_493 : i32 to vector<16xi32>
      %add3A_495 = arith.addi %mul3A_489, %add3A_494 : vector<16xi32>
      tpu.vector_store_idx %arg17[%add3A_495], %sub3A_486 : memref<65536xf32, #tpu.memory_space<vmem>>[vector<16xi32>], vector<16xf32>,
      %add3A_496 = arith.constant 48 : i32
      %add3A_497 = vector.broadcast %add3A_496 : i32 to vector<16xi32>
      %add3A_498 = arith.addi %add3A_497, %iota3A : vector<16xi32>
      %add3A_499 = arith.addi %add3A_428, %add3A_498 : vector<16xi32>
      %gather3A_500 = tpu.vector_load_idx %arg18[%add3A_499] : memref<8192xi32, #tpu.memory_space<vmem>>[vector<16xi32>], vector<16xi32>,
      %le3A_501 = arith.cmpi sle, %add3A_499, %scan3A_227#2 : vector<16xi32>
      %select_n3A_502 = arith.select %le3A_501, %gather3A_500, %gather3A_429 : vector<16xi1>, vector<16xi32>
      tpu.vector_store_idx %arg18[%add3A_499], %select_n3A_502 : memref<8192xi32, #tpu.memory_space<vmem>>[vector<16xi32>], vector<16xi32>,
      %gather3A_503 = tpu.vector_load_idx %arg11[%select_n3A_502] : memref<512xf32, #tpu.memory_space<vmem>>[vector<16xi32>], vector<16xf32>,
      %sub3A_504 = arith.subf %gather3A_503, %gather3A_86 : vector<16xf32>
      %gather3A_505 = tpu.vector_load_idx %arg12[%select_n3A_502] : memref<512xf32, #tpu.memory_space<vmem>>[vector<16xi32>], vector<16xf32>,
      %sub3A_506 = arith.subf %gather3A_505, %gather3A_87 : vector<16xf32>
      %gather3A_507 = tpu.vector_load_idx %arg13[%select_n3A_502] : memref<512xf32, #tpu.memory_space<vmem>>[vector<16xi32>], vector<16xf32>,
      %sub3A_508 = arith.subf %gather3A_507, %gather3A_88 : vector<16xf32>
      %mul3A_509 = arith.constant 8 : i32
      %mul3A_510 = vector.broadcast %mul3A_509 : i32 to vector<16xi32>
      %mul3A_511 = arith.muli %add3A_499, %mul3A_510 : vector<16xi32>
      tpu.vector_store_idx %arg17[%mul3A_511], %sub3A_504 : memref<65536xf32, #tpu.memory_space<vmem>>[vector<16xi32>], vector<16xf32>,
      %add3A_512 = arith.constant 1 : i32
      %add3A_513 = vector.broadcast %add3A_512 : i32 to vector<16xi32>
      %add3A_514 = arith.addi %mul3A_511, %add3A_513 : vector<16xi32>
      tpu.vector_store_idx %arg17[%add3A_514], %sub3A_506 : memref<65536xf32, #tpu.memory_space<vmem>>[vector<16xi32>], vector<16xf32>,
      %add3A_515 = arith.constant 2 : i32
      %add3A_516 = vector.broadcast %add3A_515 : i32 to vector<16xi32>
      %add3A_517 = arith.addi %mul3A_511, %add3A_516 : vector<16xi32>
      tpu.vector_store_idx %arg17[%add3A_517], %sub3A_508 : memref<65536xf32, #tpu.memory_space<vmem>>[vector<16xi32>], vector<16xf32>,
      %broadcast_in_dim3A_518 = arith.constant 0 : i32
      %broadcast_in_dim3A_519 = vector.broadcast %broadcast_in_dim3A_518 : i32 to vector<16xi32>
      %add3A_520 = arith.constant 3 : i32
      %add3A_521 = arith.addi %mul3A_32, %add3A_520 : i32
      %mul3A_522 = arith.constant 64 : i32
      %mul3A_523 = arith.muli %add3A_521, %mul3A_522 : i32
      %add3A_524 = vector.broadcast %mul3A_523 : i32 to vector<16xi32>
      %add3A_525 = arith.addi %broadcast_in_dim3A_519, %add3A_524 : vector<16xi32>
      %gather3A_526 = tpu.vector_load_idx %arg18[%add3A_525] : memref<8192xi32, #tpu.memory_space<vmem>>[vector<16xi32>], vector<16xi32>,
      %add3A_527 = arith.constant 0 : i32
      %add3A_528 = vector.broadcast %add3A_527 : i32 to vector<16xi32>
      %add3A_529 = arith.addi %add3A_528, %iota3A : vector<16xi32>
      %add3A_530 = arith.addi %add3A_525, %add3A_529 : vector<16xi32>
      %gather3A_531 = tpu.vector_load_idx %arg18[%add3A_530] : memref<8192xi32, #tpu.memory_space<vmem>>[vector<16xi32>], vector<16xi32>,
      %le3A_532 = arith.cmpi sle, %add3A_530, %scan3A_227#3 : vector<16xi32>
      %select_n3A_533 = arith.select %le3A_532, %gather3A_531, %gather3A_526 : vector<16xi1>, vector<16xi32>
      tpu.vector_store_idx %arg18[%add3A_530], %select_n3A_533 : memref<8192xi32, #tpu.memory_space<vmem>>[vector<16xi32>], vector<16xi32>,
      %gather3A_534 = tpu.vector_load_idx %arg11[%select_n3A_533] : memref<512xf32, #tpu.memory_space<vmem>>[vector<16xi32>], vector<16xf32>,
      %sub3A_535 = arith.subf %gather3A_534, %gather3A_110 : vector<16xf32>
      %gather3A_536 = tpu.vector_load_idx %arg12[%select_n3A_533] : memref<512xf32, #tpu.memory_space<vmem>>[vector<16xi32>], vector<16xf32>,
      %sub3A_537 = arith.subf %gather3A_536, %gather3A_111 : vector<16xf32>
      %gather3A_538 = tpu.vector_load_idx %arg13[%select_n3A_533] : memref<512xf32, #tpu.memory_space<vmem>>[vector<16xi32>], vector<16xf32>,
      %sub3A_539 = arith.subf %gather3A_538, %gather3A_112 : vector<16xf32>
      %mul3A_540 = arith.constant 8 : i32
      %mul3A_541 = vector.broadcast %mul3A_540 : i32 to vector<16xi32>
      %mul3A_542 = arith.muli %add3A_530, %mul3A_541 : vector<16xi32>
      tpu.vector_store_idx %arg17[%mul3A_542], %sub3A_535 : memref<65536xf32, #tpu.memory_space<vmem>>[vector<16xi32>], vector<16xf32>,
      %add3A_543 = arith.constant 1 : i32
      %add3A_544 = vector.broadcast %add3A_543 : i32 to vector<16xi32>
      %add3A_545 = arith.addi %mul3A_542, %add3A_544 : vector<16xi32>
      tpu.vector_store_idx %arg17[%add3A_545], %sub3A_537 : memref<65536xf32, #tpu.memory_space<vmem>>[vector<16xi32>], vector<16xf32>,
      %add3A_546 = arith.constant 2 : i32
      %add3A_547 = vector.broadcast %add3A_546 : i32 to vector<16xi32>
      %add3A_548 = arith.addi %mul3A_542, %add3A_547 : vector<16xi32>
      tpu.vector_store_idx %arg17[%add3A_548], %sub3A_539 : memref<65536xf32, #tpu.memory_space<vmem>>[vector<16xi32>], vector<16xf32>,
      %add3A_549 = arith.constant 16 : i32
      %add3A_550 = vector.broadcast %add3A_549 : i32 to vector<16xi32>
      %add3A_551 = arith.addi %add3A_550, %iota3A : vector<16xi32>
      %add3A_552 = arith.addi %add3A_525, %add3A_551 : vector<16xi32>
      %gather3A_553 = tpu.vector_load_idx %arg18[%add3A_552] : memref<8192xi32, #tpu.memory_space<vmem>>[vector<16xi32>], vector<16xi32>,
      %le3A_554 = arith.cmpi sle, %add3A_552, %scan3A_227#3 : vector<16xi32>
      %select_n3A_555 = arith.select %le3A_554, %gather3A_553, %gather3A_526 : vector<16xi1>, vector<16xi32>
      tpu.vector_store_idx %arg18[%add3A_552], %select_n3A_555 : memref<8192xi32, #tpu.memory_space<vmem>>[vector<16xi32>], vector<16xi32>,
      %gather3A_556 = tpu.vector_load_idx %arg11[%select_n3A_555] : memref<512xf32, #tpu.memory_space<vmem>>[vector<16xi32>], vector<16xf32>,
      %sub3A_557 = arith.subf %gather3A_556, %gather3A_110 : vector<16xf32>
      %gather3A_558 = tpu.vector_load_idx %arg12[%select_n3A_555] : memref<512xf32, #tpu.memory_space<vmem>>[vector<16xi32>], vector<16xf32>,
      %sub3A_559 = arith.subf %gather3A_558, %gather3A_111 : vector<16xf32>
      %gather3A_560 = tpu.vector_load_idx %arg13[%select_n3A_555] : memref<512xf32, #tpu.memory_space<vmem>>[vector<16xi32>], vector<16xf32>,
      %sub3A_561 = arith.subf %gather3A_560, %gather3A_112 : vector<16xf32>
      %mul3A_562 = arith.constant 8 : i32
      %mul3A_563 = vector.broadcast %mul3A_562 : i32 to vector<16xi32>
      %mul3A_564 = arith.muli %add3A_552, %mul3A_563 : vector<16xi32>
      tpu.vector_store_idx %arg17[%mul3A_564], %sub3A_557 : memref<65536xf32, #tpu.memory_space<vmem>>[vector<16xi32>], vector<16xf32>,
      %add3A_565 = arith.constant 1 : i32
      %add3A_566 = vector.broadcast %add3A_565 : i32 to vector<16xi32>
      %add3A_567 = arith.addi %mul3A_564, %add3A_566 : vector<16xi32>
      tpu.vector_store_idx %arg17[%add3A_567], %sub3A_559 : memref<65536xf32, #tpu.memory_space<vmem>>[vector<16xi32>], vector<16xf32>,
      %add3A_568 = arith.constant 2 : i32
      %add3A_569 = vector.broadcast %add3A_568 : i32 to vector<16xi32>
      %add3A_570 = arith.addi %mul3A_564, %add3A_569 : vector<16xi32>
      tpu.vector_store_idx %arg17[%add3A_570], %sub3A_561 : memref<65536xf32, #tpu.memory_space<vmem>>[vector<16xi32>], vector<16xf32>,
      %add3A_571 = arith.constant 32 : i32
      %add3A_572 = vector.broadcast %add3A_571 : i32 to vector<16xi32>
      %add3A_573 = arith.addi %add3A_572, %iota3A : vector<16xi32>
      %add3A_574 = arith.addi %add3A_525, %add3A_573 : vector<16xi32>
      %gather3A_575 = tpu.vector_load_idx %arg18[%add3A_574] : memref<8192xi32, #tpu.memory_space<vmem>>[vector<16xi32>], vector<16xi32>,
      %le3A_576 = arith.cmpi sle, %add3A_574, %scan3A_227#3 : vector<16xi32>
      %select_n3A_577 = arith.select %le3A_576, %gather3A_575, %gather3A_526 : vector<16xi1>, vector<16xi32>
      tpu.vector_store_idx %arg18[%add3A_574], %select_n3A_577 : memref<8192xi32, #tpu.memory_space<vmem>>[vector<16xi32>], vector<16xi32>,
      %gather3A_578 = tpu.vector_load_idx %arg11[%select_n3A_577] : memref<512xf32, #tpu.memory_space<vmem>>[vector<16xi32>], vector<16xf32>,
      %sub3A_579 = arith.subf %gather3A_578, %gather3A_110 : vector<16xf32>
      %gather3A_580 = tpu.vector_load_idx %arg12[%select_n3A_577] : memref<512xf32, #tpu.memory_space<vmem>>[vector<16xi32>], vector<16xf32>,
      %sub3A_581 = arith.subf %gather3A_580, %gather3A_111 : vector<16xf32>
      %gather3A_582 = tpu.vector_load_idx %arg13[%select_n3A_577] : memref<512xf32, #tpu.memory_space<vmem>>[vector<16xi32>], vector<16xf32>,
      %sub3A_583 = arith.subf %gather3A_582, %gather3A_112 : vector<16xf32>
      %mul3A_584 = arith.constant 8 : i32
      %mul3A_585 = vector.broadcast %mul3A_584 : i32 to vector<16xi32>
      %mul3A_586 = arith.muli %add3A_574, %mul3A_585 : vector<16xi32>
      tpu.vector_store_idx %arg17[%mul3A_586], %sub3A_579 : memref<65536xf32, #tpu.memory_space<vmem>>[vector<16xi32>], vector<16xf32>,
      %add3A_587 = arith.constant 1 : i32
      %add3A_588 = vector.broadcast %add3A_587 : i32 to vector<16xi32>
      %add3A_589 = arith.addi %mul3A_586, %add3A_588 : vector<16xi32>
      tpu.vector_store_idx %arg17[%add3A_589], %sub3A_581 : memref<65536xf32, #tpu.memory_space<vmem>>[vector<16xi32>], vector<16xf32>,
      %add3A_590 = arith.constant 2 : i32
      %add3A_591 = vector.broadcast %add3A_590 : i32 to vector<16xi32>
      %add3A_592 = arith.addi %mul3A_586, %add3A_591 : vector<16xi32>
      tpu.vector_store_idx %arg17[%add3A_592], %sub3A_583 : memref<65536xf32, #tpu.memory_space<vmem>>[vector<16xi32>], vector<16xf32>,
      %add3A_593 = arith.constant 48 : i32
      %add3A_594 = vector.broadcast %add3A_593 : i32 to vector<16xi32>
      %add3A_595 = arith.addi %add3A_594, %iota3A : vector<16xi32>
      %add3A_596 = arith.addi %add3A_525, %add3A_595 : vector<16xi32>
      %gather3A_597 = tpu.vector_load_idx %arg18[%add3A_596] : memref<8192xi32, #tpu.memory_space<vmem>>[vector<16xi32>], vector<16xi32>,
      %le3A_598 = arith.cmpi sle, %add3A_596, %scan3A_227#3 : vector<16xi32>
      %select_n3A_599 = arith.select %le3A_598, %gather3A_597, %gather3A_526 : vector<16xi1>, vector<16xi32>
      tpu.vector_store_idx %arg18[%add3A_596], %select_n3A_599 : memref<8192xi32, #tpu.memory_space<vmem>>[vector<16xi32>], vector<16xi32>,
      %gather3A_600 = tpu.vector_load_idx %arg11[%select_n3A_599] : memref<512xf32, #tpu.memory_space<vmem>>[vector<16xi32>], vector<16xf32>,
      %sub3A_601 = arith.subf %gather3A_600, %gather3A_110 : vector<16xf32>
      %gather3A_602 = tpu.vector_load_idx %arg12[%select_n3A_599] : memref<512xf32, #tpu.memory_space<vmem>>[vector<16xi32>], vector<16xf32>,
      %sub3A_603 = arith.subf %gather3A_602, %gather3A_111 : vector<16xf32>
      %gather3A_604 = tpu.vector_load_idx %arg13[%select_n3A_599] : memref<512xf32, #tpu.memory_space<vmem>>[vector<16xi32>], vector<16xf32>,
      %sub3A_605 = arith.subf %gather3A_604, %gather3A_112 : vector<16xf32>
      %mul3A_606 = arith.constant 8 : i32
      %mul3A_607 = vector.broadcast %mul3A_606 : i32 to vector<16xi32>
      %mul3A_608 = arith.muli %add3A_596, %mul3A_607 : vector<16xi32>
      tpu.vector_store_idx %arg17[%mul3A_608], %sub3A_601 : memref<65536xf32, #tpu.memory_space<vmem>>[vector<16xi32>], vector<16xf32>,
      %add3A_609 = arith.constant 1 : i32
      %add3A_610 = vector.broadcast %add3A_609 : i32 to vector<16xi32>
      %add3A_611 = arith.addi %mul3A_608, %add3A_610 : vector<16xi32>
      tpu.vector_store_idx %arg17[%add3A_611], %sub3A_603 : memref<65536xf32, #tpu.memory_space<vmem>>[vector<16xi32>], vector<16xf32>,
      %add3A_612 = arith.constant 2 : i32
      %add3A_613 = vector.broadcast %add3A_612 : i32 to vector<16xi32>
      %add3A_614 = arith.addi %mul3A_608, %add3A_613 : vector<16xi32>
      tpu.vector_store_idx %arg17[%add3A_614], %sub3A_605 : memref<65536xf32, #tpu.memory_space<vmem>>[vector<16xi32>], vector<16xf32>,
      %broadcast_in_dim3A_615 = arith.constant 0 : i32
      %broadcast_in_dim3A_616 = vector.broadcast %broadcast_in_dim3A_615 : i32 to vector<16xi32>
      %add3A_617 = arith.constant 4 : i32
      %add3A_618 = arith.addi %mul3A_32, %add3A_617 : i32
      %mul3A_619 = arith.constant 64 : i32
      %mul3A_620 = arith.muli %add3A_618, %mul3A_619 : i32
      %add3A_621 = vector.broadcast %mul3A_620 : i32 to vector<16xi32>
      %add3A_622 = arith.addi %broadcast_in_dim3A_616, %add3A_621 : vector<16xi32>
      %gather3A_623 = tpu.vector_load_idx %arg18[%add3A_622] : memref<8192xi32, #tpu.memory_space<vmem>>[vector<16xi32>], vector<16xi32>,
      %add3A_624 = arith.constant 0 : i32
      %add3A_625 = vector.broadcast %add3A_624 : i32 to vector<16xi32>
      %add3A_626 = arith.addi %add3A_625, %iota3A : vector<16xi32>
      %add3A_627 = arith.addi %add3A_622, %add3A_626 : vector<16xi32>
      %gather3A_628 = tpu.vector_load_idx %arg18[%add3A_627] : memref<8192xi32, #tpu.memory_space<vmem>>[vector<16xi32>], vector<16xi32>,
      %le3A_629 = arith.cmpi sle, %add3A_627, %scan3A_227#4 : vector<16xi32>
      %select_n3A_630 = arith.select %le3A_629, %gather3A_628, %gather3A_623 : vector<16xi1>, vector<16xi32>
      tpu.vector_store_idx %arg18[%add3A_627], %select_n3A_630 : memref<8192xi32, #tpu.memory_space<vmem>>[vector<16xi32>], vector<16xi32>,
      %gather3A_631 = tpu.vector_load_idx %arg11[%select_n3A_630] : memref<512xf32, #tpu.memory_space<vmem>>[vector<16xi32>], vector<16xf32>,
      %sub3A_632 = arith.subf %gather3A_631, %gather3A_134 : vector<16xf32>
      %gather3A_633 = tpu.vector_load_idx %arg12[%select_n3A_630] : memref<512xf32, #tpu.memory_space<vmem>>[vector<16xi32>], vector<16xf32>,
      %sub3A_634 = arith.subf %gather3A_633, %gather3A_135 : vector<16xf32>
      %gather3A_635 = tpu.vector_load_idx %arg13[%select_n3A_630] : memref<512xf32, #tpu.memory_space<vmem>>[vector<16xi32>], vector<16xf32>,
      %sub3A_636 = arith.subf %gather3A_635, %gather3A_136 : vector<16xf32>
      %mul3A_637 = arith.constant 8 : i32
      %mul3A_638 = vector.broadcast %mul3A_637 : i32 to vector<16xi32>
      %mul3A_639 = arith.muli %add3A_627, %mul3A_638 : vector<16xi32>
      tpu.vector_store_idx %arg17[%mul3A_639], %sub3A_632 : memref<65536xf32, #tpu.memory_space<vmem>>[vector<16xi32>], vector<16xf32>,
      %add3A_640 = arith.constant 1 : i32
      %add3A_641 = vector.broadcast %add3A_640 : i32 to vector<16xi32>
      %add3A_642 = arith.addi %mul3A_639, %add3A_641 : vector<16xi32>
      tpu.vector_store_idx %arg17[%add3A_642], %sub3A_634 : memref<65536xf32, #tpu.memory_space<vmem>>[vector<16xi32>], vector<16xf32>,
      %add3A_643 = arith.constant 2 : i32
      %add3A_644 = vector.broadcast %add3A_643 : i32 to vector<16xi32>
      %add3A_645 = arith.addi %mul3A_639, %add3A_644 : vector<16xi32>
      tpu.vector_store_idx %arg17[%add3A_645], %sub3A_636 : memref<65536xf32, #tpu.memory_space<vmem>>[vector<16xi32>], vector<16xf32>,
      %add3A_646 = arith.constant 16 : i32
      %add3A_647 = vector.broadcast %add3A_646 : i32 to vector<16xi32>
      %add3A_648 = arith.addi %add3A_647, %iota3A : vector<16xi32>
      %add3A_649 = arith.addi %add3A_622, %add3A_648 : vector<16xi32>
      %gather3A_650 = tpu.vector_load_idx %arg18[%add3A_649] : memref<8192xi32, #tpu.memory_space<vmem>>[vector<16xi32>], vector<16xi32>,
      %le3A_651 = arith.cmpi sle, %add3A_649, %scan3A_227#4 : vector<16xi32>
      %select_n3A_652 = arith.select %le3A_651, %gather3A_650, %gather3A_623 : vector<16xi1>, vector<16xi32>
      tpu.vector_store_idx %arg18[%add3A_649], %select_n3A_652 : memref<8192xi32, #tpu.memory_space<vmem>>[vector<16xi32>], vector<16xi32>,
      %gather3A_653 = tpu.vector_load_idx %arg11[%select_n3A_652] : memref<512xf32, #tpu.memory_space<vmem>>[vector<16xi32>], vector<16xf32>,
      %sub3A_654 = arith.subf %gather3A_653, %gather3A_134 : vector<16xf32>
      %gather3A_655 = tpu.vector_load_idx %arg12[%select_n3A_652] : memref<512xf32, #tpu.memory_space<vmem>>[vector<16xi32>], vector<16xf32>,
      %sub3A_656 = arith.subf %gather3A_655, %gather3A_135 : vector<16xf32>
      %gather3A_657 = tpu.vector_load_idx %arg13[%select_n3A_652] : memref<512xf32, #tpu.memory_space<vmem>>[vector<16xi32>], vector<16xf32>,
      %sub3A_658 = arith.subf %gather3A_657, %gather3A_136 : vector<16xf32>
      %mul3A_659 = arith.constant 8 : i32
      %mul3A_660 = vector.broadcast %mul3A_659 : i32 to vector<16xi32>
      %mul3A_661 = arith.muli %add3A_649, %mul3A_660 : vector<16xi32>
      tpu.vector_store_idx %arg17[%mul3A_661], %sub3A_654 : memref<65536xf32, #tpu.memory_space<vmem>>[vector<16xi32>], vector<16xf32>,
      %add3A_662 = arith.constant 1 : i32
      %add3A_663 = vector.broadcast %add3A_662 : i32 to vector<16xi32>
      %add3A_664 = arith.addi %mul3A_661, %add3A_663 : vector<16xi32>
      tpu.vector_store_idx %arg17[%add3A_664], %sub3A_656 : memref<65536xf32, #tpu.memory_space<vmem>>[vector<16xi32>], vector<16xf32>,
      %add3A_665 = arith.constant 2 : i32
      %add3A_666 = vector.broadcast %add3A_665 : i32 to vector<16xi32>
      %add3A_667 = arith.addi %mul3A_661, %add3A_666 : vector<16xi32>
      tpu.vector_store_idx %arg17[%add3A_667], %sub3A_658 : memref<65536xf32, #tpu.memory_space<vmem>>[vector<16xi32>], vector<16xf32>,
      %add3A_668 = arith.constant 32 : i32
      %add3A_669 = vector.broadcast %add3A_668 : i32 to vector<16xi32>
      %add3A_670 = arith.addi %add3A_669, %iota3A : vector<16xi32>
      %add3A_671 = arith.addi %add3A_622, %add3A_670 : vector<16xi32>
      %gather3A_672 = tpu.vector_load_idx %arg18[%add3A_671] : memref<8192xi32, #tpu.memory_space<vmem>>[vector<16xi32>], vector<16xi32>,
      %le3A_673 = arith.cmpi sle, %add3A_671, %scan3A_227#4 : vector<16xi32>
      %select_n3A_674 = arith.select %le3A_673, %gather3A_672, %gather3A_623 : vector<16xi1>, vector<16xi32>
      tpu.vector_store_idx %arg18[%add3A_671], %select_n3A_674 : memref<8192xi32, #tpu.memory_space<vmem>>[vector<16xi32>], vector<16xi32>,
      %gather3A_675 = tpu.vector_load_idx %arg11[%select_n3A_674] : memref<512xf32, #tpu.memory_space<vmem>>[vector<16xi32>], vector<16xf32>,
      %sub3A_676 = arith.subf %gather3A_675, %gather3A_134 : vector<16xf32>
      %gather3A_677 = tpu.vector_load_idx %arg12[%select_n3A_674] : memref<512xf32, #tpu.memory_space<vmem>>[vector<16xi32>], vector<16xf32>,
      %sub3A_678 = arith.subf %gather3A_677, %gather3A_135 : vector<16xf32>
      %gather3A_679 = tpu.vector_load_idx %arg13[%select_n3A_674] : memref<512xf32, #tpu.memory_space<vmem>>[vector<16xi32>], vector<16xf32>,
      %sub3A_680 = arith.subf %gather3A_679, %gather3A_136 : vector<16xf32>
      %mul3A_681 = arith.constant 8 : i32
      %mul3A_682 = vector.broadcast %mul3A_681 : i32 to vector<16xi32>
      %mul3A_683 = arith.muli %add3A_671, %mul3A_682 : vector<16xi32>
      tpu.vector_store_idx %arg17[%mul3A_683], %sub3A_676 : memref<65536xf32, #tpu.memory_space<vmem>>[vector<16xi32>], vector<16xf32>,
      %add3A_684 = arith.constant 1 : i32
      %add3A_685 = vector.broadcast %add3A_684 : i32 to vector<16xi32>
      %add3A_686 = arith.addi %mul3A_683, %add3A_685 : vector<16xi32>
      tpu.vector_store_idx %arg17[%add3A_686], %sub3A_678 : memref<65536xf32, #tpu.memory_space<vmem>>[vector<16xi32>], vector<16xf32>,
      %add3A_687 = arith.constant 2 : i32
      %add3A_688 = vector.broadcast %add3A_687 : i32 to vector<16xi32>
      %add3A_689 = arith.addi %mul3A_683, %add3A_688 : vector<16xi32>
      tpu.vector_store_idx %arg17[%add3A_689], %sub3A_680 : memref<65536xf32, #tpu.memory_space<vmem>>[vector<16xi32>], vector<16xf32>,
      %add3A_690 = arith.constant 48 : i32
      %add3A_691 = vector.broadcast %add3A_690 : i32 to vector<16xi32>
      %add3A_692 = arith.addi %add3A_691, %iota3A : vector<16xi32>
      %add3A_693 = arith.addi %add3A_622, %add3A_692 : vector<16xi32>
      %gather3A_694 = tpu.vector_load_idx %arg18[%add3A_693] : memref<8192xi32, #tpu.memory_space<vmem>>[vector<16xi32>], vector<16xi32>,
      %le3A_695 = arith.cmpi sle, %add3A_693, %scan3A_227#4 : vector<16xi32>
      %select_n3A_696 = arith.select %le3A_695, %gather3A_694, %gather3A_623 : vector<16xi1>, vector<16xi32>
      tpu.vector_store_idx %arg18[%add3A_693], %select_n3A_696 : memref<8192xi32, #tpu.memory_space<vmem>>[vector<16xi32>], vector<16xi32>,
      %gather3A_697 = tpu.vector_load_idx %arg11[%select_n3A_696] : memref<512xf32, #tpu.memory_space<vmem>>[vector<16xi32>], vector<16xf32>,
      %sub3A_698 = arith.subf %gather3A_697, %gather3A_134 : vector<16xf32>
      %gather3A_699 = tpu.vector_load_idx %arg12[%select_n3A_696] : memref<512xf32, #tpu.memory_space<vmem>>[vector<16xi32>], vector<16xf32>,
      %sub3A_700 = arith.subf %gather3A_699, %gather3A_135 : vector<16xf32>
      %gather3A_701 = tpu.vector_load_idx %arg13[%select_n3A_696] : memref<512xf32, #tpu.memory_space<vmem>>[vector<16xi32>], vector<16xf32>,
      %sub3A_702 = arith.subf %gather3A_701, %gather3A_136 : vector<16xf32>
      %mul3A_703 = arith.constant 8 : i32
      %mul3A_704 = vector.broadcast %mul3A_703 : i32 to vector<16xi32>
      %mul3A_705 = arith.muli %add3A_693, %mul3A_704 : vector<16xi32>
      tpu.vector_store_idx %arg17[%mul3A_705], %sub3A_698 : memref<65536xf32, #tpu.memory_space<vmem>>[vector<16xi32>], vector<16xf32>,
      %add3A_706 = arith.constant 1 : i32
      %add3A_707 = vector.broadcast %add3A_706 : i32 to vector<16xi32>
      %add3A_708 = arith.addi %mul3A_705, %add3A_707 : vector<16xi32>
      tpu.vector_store_idx %arg17[%add3A_708], %sub3A_700 : memref<65536xf32, #tpu.memory_space<vmem>>[vector<16xi32>], vector<16xf32>,
      %add3A_709 = arith.constant 2 : i32
      %add3A_710 = vector.broadcast %add3A_709 : i32 to vector<16xi32>
      %add3A_711 = arith.addi %mul3A_705, %add3A_710 : vector<16xi32>
      tpu.vector_store_idx %arg17[%add3A_711], %sub3A_702 : memref<65536xf32, #tpu.memory_space<vmem>>[vector<16xi32>], vector<16xf32>,
      %broadcast_in_dim3A_712 = arith.constant 0 : i32
      %broadcast_in_dim3A_713 = vector.broadcast %broadcast_in_dim3A_712 : i32 to vector<16xi32>
      %add3A_714 = arith.constant 5 : i32
      %add3A_715 = arith.addi %mul3A_32, %add3A_714 : i32
      %mul3A_716 = arith.constant 64 : i32
      %mul3A_717 = arith.muli %add3A_715, %mul3A_716 : i32
      %add3A_718 = vector.broadcast %mul3A_717 : i32 to vector<16xi32>
      %add3A_719 = arith.addi %broadcast_in_dim3A_713, %add3A_718 : vector<16xi32>
      %gather3A_720 = tpu.vector_load_idx %arg18[%add3A_719] : memref<8192xi32, #tpu.memory_space<vmem>>[vector<16xi32>], vector<16xi32>,
      %add3A_721 = arith.constant 0 : i32
      %add3A_722 = vector.broadcast %add3A_721 : i32 to vector<16xi32>
      %add3A_723 = arith.addi %add3A_722, %iota3A : vector<16xi32>
      %add3A_724 = arith.addi %add3A_719, %add3A_723 : vector<16xi32>
      %gather3A_725 = tpu.vector_load_idx %arg18[%add3A_724] : memref<8192xi32, #tpu.memory_space<vmem>>[vector<16xi32>], vector<16xi32>,
      %le3A_726 = arith.cmpi sle, %add3A_724, %scan3A_227#5 : vector<16xi32>
      %select_n3A_727 = arith.select %le3A_726, %gather3A_725, %gather3A_720 : vector<16xi1>, vector<16xi32>
      tpu.vector_store_idx %arg18[%add3A_724], %select_n3A_727 : memref<8192xi32, #tpu.memory_space<vmem>>[vector<16xi32>], vector<16xi32>,
      %gather3A_728 = tpu.vector_load_idx %arg11[%select_n3A_727] : memref<512xf32, #tpu.memory_space<vmem>>[vector<16xi32>], vector<16xf32>,
      %sub3A_729 = arith.subf %gather3A_728, %gather3A_158 : vector<16xf32>
      %gather3A_730 = tpu.vector_load_idx %arg12[%select_n3A_727] : memref<512xf32, #tpu.memory_space<vmem>>[vector<16xi32>], vector<16xf32>,
      %sub3A_731 = arith.subf %gather3A_730, %gather3A_159 : vector<16xf32>
      %gather3A_732 = tpu.vector_load_idx %arg13[%select_n3A_727] : memref<512xf32, #tpu.memory_space<vmem>>[vector<16xi32>], vector<16xf32>,
      %sub3A_733 = arith.subf %gather3A_732, %gather3A_160 : vector<16xf32>
      %mul3A_734 = arith.constant 8 : i32
      %mul3A_735 = vector.broadcast %mul3A_734 : i32 to vector<16xi32>
      %mul3A_736 = arith.muli %add3A_724, %mul3A_735 : vector<16xi32>
      tpu.vector_store_idx %arg17[%mul3A_736], %sub3A_729 : memref<65536xf32, #tpu.memory_space<vmem>>[vector<16xi32>], vector<16xf32>,
      %add3A_737 = arith.constant 1 : i32
      %add3A_738 = vector.broadcast %add3A_737 : i32 to vector<16xi32>
      %add3A_739 = arith.addi %mul3A_736, %add3A_738 : vector<16xi32>
      tpu.vector_store_idx %arg17[%add3A_739], %sub3A_731 : memref<65536xf32, #tpu.memory_space<vmem>>[vector<16xi32>], vector<16xf32>,
      %add3A_740 = arith.constant 2 : i32
      %add3A_741 = vector.broadcast %add3A_740 : i32 to vector<16xi32>
      %add3A_742 = arith.addi %mul3A_736, %add3A_741 : vector<16xi32>
      tpu.vector_store_idx %arg17[%add3A_742], %sub3A_733 : memref<65536xf32, #tpu.memory_space<vmem>>[vector<16xi32>], vector<16xf32>,
      %add3A_743 = arith.constant 16 : i32
      %add3A_744 = vector.broadcast %add3A_743 : i32 to vector<16xi32>
      %add3A_745 = arith.addi %add3A_744, %iota3A : vector<16xi32>
      %add3A_746 = arith.addi %add3A_719, %add3A_745 : vector<16xi32>
      %gather3A_747 = tpu.vector_load_idx %arg18[%add3A_746] : memref<8192xi32, #tpu.memory_space<vmem>>[vector<16xi32>], vector<16xi32>,
      %le3A_748 = arith.cmpi sle, %add3A_746, %scan3A_227#5 : vector<16xi32>
      %select_n3A_749 = arith.select %le3A_748, %gather3A_747, %gather3A_720 : vector<16xi1>, vector<16xi32>
      tpu.vector_store_idx %arg18[%add3A_746], %select_n3A_749 : memref<8192xi32, #tpu.memory_space<vmem>>[vector<16xi32>], vector<16xi32>,
      %gather3A_750 = tpu.vector_load_idx %arg11[%select_n3A_749] : memref<512xf32, #tpu.memory_space<vmem>>[vector<16xi32>], vector<16xf32>,
      %sub3A_751 = arith.subf %gather3A_750, %gather3A_158 : vector<16xf32>
      %gather3A_752 = tpu.vector_load_idx %arg12[%select_n3A_749] : memref<512xf32, #tpu.memory_space<vmem>>[vector<16xi32>], vector<16xf32>,
      %sub3A_753 = arith.subf %gather3A_752, %gather3A_159 : vector<16xf32>
      %gather3A_754 = tpu.vector_load_idx %arg13[%select_n3A_749] : memref<512xf32, #tpu.memory_space<vmem>>[vector<16xi32>], vector<16xf32>,
      %sub3A_755 = arith.subf %gather3A_754, %gather3A_160 : vector<16xf32>
      %mul3A_756 = arith.constant 8 : i32
      %mul3A_757 = vector.broadcast %mul3A_756 : i32 to vector<16xi32>
      %mul3A_758 = arith.muli %add3A_746, %mul3A_757 : vector<16xi32>
      tpu.vector_store_idx %arg17[%mul3A_758], %sub3A_751 : memref<65536xf32, #tpu.memory_space<vmem>>[vector<16xi32>], vector<16xf32>,
      %add3A_759 = arith.constant 1 : i32
      %add3A_760 = vector.broadcast %add3A_759 : i32 to vector<16xi32>
      %add3A_761 = arith.addi %mul3A_758, %add3A_760 : vector<16xi32>
      tpu.vector_store_idx %arg17[%add3A_761], %sub3A_753 : memref<65536xf32, #tpu.memory_space<vmem>>[vector<16xi32>], vector<16xf32>,
      %add3A_762 = arith.constant 2 : i32
      %add3A_763 = vector.broadcast %add3A_762 : i32 to vector<16xi32>
      %add3A_764 = arith.addi %mul3A_758, %add3A_763 : vector<16xi32>
      tpu.vector_store_idx %arg17[%add3A_764], %sub3A_755 : memref<65536xf32, #tpu.memory_space<vmem>>[vector<16xi32>], vector<16xf32>,
      %add3A_765 = arith.constant 32 : i32
      %add3A_766 = vector.broadcast %add3A_765 : i32 to vector<16xi32>
      %add3A_767 = arith.addi %add3A_766, %iota3A : vector<16xi32>
      %add3A_768 = arith.addi %add3A_719, %add3A_767 : vector<16xi32>
      %gather3A_769 = tpu.vector_load_idx %arg18[%add3A_768] : memref<8192xi32, #tpu.memory_space<vmem>>[vector<16xi32>], vector<16xi32>,
      %le3A_770 = arith.cmpi sle, %add3A_768, %scan3A_227#5 : vector<16xi32>
      %select_n3A_771 = arith.select %le3A_770, %gather3A_769, %gather3A_720 : vector<16xi1>, vector<16xi32>
      tpu.vector_store_idx %arg18[%add3A_768], %select_n3A_771 : memref<8192xi32, #tpu.memory_space<vmem>>[vector<16xi32>], vector<16xi32>,
      %gather3A_772 = tpu.vector_load_idx %arg11[%select_n3A_771] : memref<512xf32, #tpu.memory_space<vmem>>[vector<16xi32>], vector<16xf32>,
      %sub3A_773 = arith.subf %gather3A_772, %gather3A_158 : vector<16xf32>
      %gather3A_774 = tpu.vector_load_idx %arg12[%select_n3A_771] : memref<512xf32, #tpu.memory_space<vmem>>[vector<16xi32>], vector<16xf32>,
      %sub3A_775 = arith.subf %gather3A_774, %gather3A_159 : vector<16xf32>
      %gather3A_776 = tpu.vector_load_idx %arg13[%select_n3A_771] : memref<512xf32, #tpu.memory_space<vmem>>[vector<16xi32>], vector<16xf32>,
      %sub3A_777 = arith.subf %gather3A_776, %gather3A_160 : vector<16xf32>
      %mul3A_778 = arith.constant 8 : i32
      %mul3A_779 = vector.broadcast %mul3A_778 : i32 to vector<16xi32>
      %mul3A_780 = arith.muli %add3A_768, %mul3A_779 : vector<16xi32>
      tpu.vector_store_idx %arg17[%mul3A_780], %sub3A_773 : memref<65536xf32, #tpu.memory_space<vmem>>[vector<16xi32>], vector<16xf32>,
      %add3A_781 = arith.constant 1 : i32
      %add3A_782 = vector.broadcast %add3A_781 : i32 to vector<16xi32>
      %add3A_783 = arith.addi %mul3A_780, %add3A_782 : vector<16xi32>
      tpu.vector_store_idx %arg17[%add3A_783], %sub3A_775 : memref<65536xf32, #tpu.memory_space<vmem>>[vector<16xi32>], vector<16xf32>,
      %add3A_784 = arith.constant 2 : i32
      %add3A_785 = vector.broadcast %add3A_784 : i32 to vector<16xi32>
      %add3A_786 = arith.addi %mul3A_780, %add3A_785 : vector<16xi32>
      tpu.vector_store_idx %arg17[%add3A_786], %sub3A_777 : memref<65536xf32, #tpu.memory_space<vmem>>[vector<16xi32>], vector<16xf32>,
      %add3A_787 = arith.constant 48 : i32
      %add3A_788 = vector.broadcast %add3A_787 : i32 to vector<16xi32>
      %add3A_789 = arith.addi %add3A_788, %iota3A : vector<16xi32>
      %add3A_790 = arith.addi %add3A_719, %add3A_789 : vector<16xi32>
      %gather3A_791 = tpu.vector_load_idx %arg18[%add3A_790] : memref<8192xi32, #tpu.memory_space<vmem>>[vector<16xi32>], vector<16xi32>,
      %le3A_792 = arith.cmpi sle, %add3A_790, %scan3A_227#5 : vector<16xi32>
      %select_n3A_793 = arith.select %le3A_792, %gather3A_791, %gather3A_720 : vector<16xi1>, vector<16xi32>
      tpu.vector_store_idx %arg18[%add3A_790], %select_n3A_793 : memref<8192xi32, #tpu.memory_space<vmem>>[vector<16xi32>], vector<16xi32>,
      %gather3A_794 = tpu.vector_load_idx %arg11[%select_n3A_793] : memref<512xf32, #tpu.memory_space<vmem>>[vector<16xi32>], vector<16xf32>,
      %sub3A_795 = arith.subf %gather3A_794, %gather3A_158 : vector<16xf32>
      %gather3A_796 = tpu.vector_load_idx %arg12[%select_n3A_793] : memref<512xf32, #tpu.memory_space<vmem>>[vector<16xi32>], vector<16xf32>,
      %sub3A_797 = arith.subf %gather3A_796, %gather3A_159 : vector<16xf32>
      %gather3A_798 = tpu.vector_load_idx %arg13[%select_n3A_793] : memref<512xf32, #tpu.memory_space<vmem>>[vector<16xi32>], vector<16xf32>,
      %sub3A_799 = arith.subf %gather3A_798, %gather3A_160 : vector<16xf32>
      %mul3A_800 = arith.constant 8 : i32
      %mul3A_801 = vector.broadcast %mul3A_800 : i32 to vector<16xi32>
      %mul3A_802 = arith.muli %add3A_790, %mul3A_801 : vector<16xi32>
      tpu.vector_store_idx %arg17[%mul3A_802], %sub3A_795 : memref<65536xf32, #tpu.memory_space<vmem>>[vector<16xi32>], vector<16xf32>,
      %add3A_803 = arith.constant 1 : i32
      %add3A_804 = vector.broadcast %add3A_803 : i32 to vector<16xi32>
      %add3A_805 = arith.addi %mul3A_802, %add3A_804 : vector<16xi32>
      tpu.vector_store_idx %arg17[%add3A_805], %sub3A_797 : memref<65536xf32, #tpu.memory_space<vmem>>[vector<16xi32>], vector<16xf32>,
      %add3A_806 = arith.constant 2 : i32
      %add3A_807 = vector.broadcast %add3A_806 : i32 to vector<16xi32>
      %add3A_808 = arith.addi %mul3A_802, %add3A_807 : vector<16xi32>
      tpu.vector_store_idx %arg17[%add3A_808], %sub3A_799 : memref<65536xf32, #tpu.memory_space<vmem>>[vector<16xi32>], vector<16xf32>,
      %broadcast_in_dim3A_809 = arith.constant 0 : i32
      %broadcast_in_dim3A_810 = vector.broadcast %broadcast_in_dim3A_809 : i32 to vector<16xi32>
      %add3A_811 = arith.constant 6 : i32
      %add3A_812 = arith.addi %mul3A_32, %add3A_811 : i32
      %mul3A_813 = arith.constant 64 : i32
      %mul3A_814 = arith.muli %add3A_812, %mul3A_813 : i32
      %add3A_815 = vector.broadcast %mul3A_814 : i32 to vector<16xi32>
      %add3A_816 = arith.addi %broadcast_in_dim3A_810, %add3A_815 : vector<16xi32>
      %gather3A_817 = tpu.vector_load_idx %arg18[%add3A_816] : memref<8192xi32, #tpu.memory_space<vmem>>[vector<16xi32>], vector<16xi32>,
      %add3A_818 = arith.constant 0 : i32
      %add3A_819 = vector.broadcast %add3A_818 : i32 to vector<16xi32>
      %add3A_820 = arith.addi %add3A_819, %iota3A : vector<16xi32>
      %add3A_821 = arith.addi %add3A_816, %add3A_820 : vector<16xi32>
      %gather3A_822 = tpu.vector_load_idx %arg18[%add3A_821] : memref<8192xi32, #tpu.memory_space<vmem>>[vector<16xi32>], vector<16xi32>,
      %le3A_823 = arith.cmpi sle, %add3A_821, %scan3A_227#6 : vector<16xi32>
      %select_n3A_824 = arith.select %le3A_823, %gather3A_822, %gather3A_817 : vector<16xi1>, vector<16xi32>
      tpu.vector_store_idx %arg18[%add3A_821], %select_n3A_824 : memref<8192xi32, #tpu.memory_space<vmem>>[vector<16xi32>], vector<16xi32>,
      %gather3A_825 = tpu.vector_load_idx %arg11[%select_n3A_824] : memref<512xf32, #tpu.memory_space<vmem>>[vector<16xi32>], vector<16xf32>,
      %sub3A_826 = arith.subf %gather3A_825, %gather3A_182 : vector<16xf32>
      %gather3A_827 = tpu.vector_load_idx %arg12[%select_n3A_824] : memref<512xf32, #tpu.memory_space<vmem>>[vector<16xi32>], vector<16xf32>,
      %sub3A_828 = arith.subf %gather3A_827, %gather3A_183 : vector<16xf32>
      %gather3A_829 = tpu.vector_load_idx %arg13[%select_n3A_824] : memref<512xf32, #tpu.memory_space<vmem>>[vector<16xi32>], vector<16xf32>,
      %sub3A_830 = arith.subf %gather3A_829, %gather3A_184 : vector<16xf32>
      %mul3A_831 = arith.constant 8 : i32
      %mul3A_832 = vector.broadcast %mul3A_831 : i32 to vector<16xi32>
      %mul3A_833 = arith.muli %add3A_821, %mul3A_832 : vector<16xi32>
      tpu.vector_store_idx %arg17[%mul3A_833], %sub3A_826 : memref<65536xf32, #tpu.memory_space<vmem>>[vector<16xi32>], vector<16xf32>,
      %add3A_834 = arith.constant 1 : i32
      %add3A_835 = vector.broadcast %add3A_834 : i32 to vector<16xi32>
      %add3A_836 = arith.addi %mul3A_833, %add3A_835 : vector<16xi32>
      tpu.vector_store_idx %arg17[%add3A_836], %sub3A_828 : memref<65536xf32, #tpu.memory_space<vmem>>[vector<16xi32>], vector<16xf32>,
      %add3A_837 = arith.constant 2 : i32
      %add3A_838 = vector.broadcast %add3A_837 : i32 to vector<16xi32>
      %add3A_839 = arith.addi %mul3A_833, %add3A_838 : vector<16xi32>
      tpu.vector_store_idx %arg17[%add3A_839], %sub3A_830 : memref<65536xf32, #tpu.memory_space<vmem>>[vector<16xi32>], vector<16xf32>,
      %add3A_840 = arith.constant 16 : i32
      %add3A_841 = vector.broadcast %add3A_840 : i32 to vector<16xi32>
      %add3A_842 = arith.addi %add3A_841, %iota3A : vector<16xi32>
      %add3A_843 = arith.addi %add3A_816, %add3A_842 : vector<16xi32>
      %gather3A_844 = tpu.vector_load_idx %arg18[%add3A_843] : memref<8192xi32, #tpu.memory_space<vmem>>[vector<16xi32>], vector<16xi32>,
      %le3A_845 = arith.cmpi sle, %add3A_843, %scan3A_227#6 : vector<16xi32>
      %select_n3A_846 = arith.select %le3A_845, %gather3A_844, %gather3A_817 : vector<16xi1>, vector<16xi32>
      tpu.vector_store_idx %arg18[%add3A_843], %select_n3A_846 : memref<8192xi32, #tpu.memory_space<vmem>>[vector<16xi32>], vector<16xi32>,
      %gather3A_847 = tpu.vector_load_idx %arg11[%select_n3A_846] : memref<512xf32, #tpu.memory_space<vmem>>[vector<16xi32>], vector<16xf32>,
      %sub3A_848 = arith.subf %gather3A_847, %gather3A_182 : vector<16xf32>
      %gather3A_849 = tpu.vector_load_idx %arg12[%select_n3A_846] : memref<512xf32, #tpu.memory_space<vmem>>[vector<16xi32>], vector<16xf32>,
      %sub3A_850 = arith.subf %gather3A_849, %gather3A_183 : vector<16xf32>
      %gather3A_851 = tpu.vector_load_idx %arg13[%select_n3A_846] : memref<512xf32, #tpu.memory_space<vmem>>[vector<16xi32>], vector<16xf32>,
      %sub3A_852 = arith.subf %gather3A_851, %gather3A_184 : vector<16xf32>
      %mul3A_853 = arith.constant 8 : i32
      %mul3A_854 = vector.broadcast %mul3A_853 : i32 to vector<16xi32>
      %mul3A_855 = arith.muli %add3A_843, %mul3A_854 : vector<16xi32>
      tpu.vector_store_idx %arg17[%mul3A_855], %sub3A_848 : memref<65536xf32, #tpu.memory_space<vmem>>[vector<16xi32>], vector<16xf32>,
      %add3A_856 = arith.constant 1 : i32
      %add3A_857 = vector.broadcast %add3A_856 : i32 to vector<16xi32>
      %add3A_858 = arith.addi %mul3A_855, %add3A_857 : vector<16xi32>
      tpu.vector_store_idx %arg17[%add3A_858], %sub3A_850 : memref<65536xf32, #tpu.memory_space<vmem>>[vector<16xi32>], vector<16xf32>,
      %add3A_859 = arith.constant 2 : i32
      %add3A_860 = vector.broadcast %add3A_859 : i32 to vector<16xi32>
      %add3A_861 = arith.addi %mul3A_855, %add3A_860 : vector<16xi32>
      tpu.vector_store_idx %arg17[%add3A_861], %sub3A_852 : memref<65536xf32, #tpu.memory_space<vmem>>[vector<16xi32>], vector<16xf32>,
      %add3A_862 = arith.constant 32 : i32
      %add3A_863 = vector.broadcast %add3A_862 : i32 to vector<16xi32>
      %add3A_864 = arith.addi %add3A_863, %iota3A : vector<16xi32>
      %add3A_865 = arith.addi %add3A_816, %add3A_864 : vector<16xi32>
      %gather3A_866 = tpu.vector_load_idx %arg18[%add3A_865] : memref<8192xi32, #tpu.memory_space<vmem>>[vector<16xi32>], vector<16xi32>,
      %le3A_867 = arith.cmpi sle, %add3A_865, %scan3A_227#6 : vector<16xi32>
      %select_n3A_868 = arith.select %le3A_867, %gather3A_866, %gather3A_817 : vector<16xi1>, vector<16xi32>
      tpu.vector_store_idx %arg18[%add3A_865], %select_n3A_868 : memref<8192xi32, #tpu.memory_space<vmem>>[vector<16xi32>], vector<16xi32>,
      %gather3A_869 = tpu.vector_load_idx %arg11[%select_n3A_868] : memref<512xf32, #tpu.memory_space<vmem>>[vector<16xi32>], vector<16xf32>,
      %sub3A_870 = arith.subf %gather3A_869, %gather3A_182 : vector<16xf32>
      %gather3A_871 = tpu.vector_load_idx %arg12[%select_n3A_868] : memref<512xf32, #tpu.memory_space<vmem>>[vector<16xi32>], vector<16xf32>,
      %sub3A_872 = arith.subf %gather3A_871, %gather3A_183 : vector<16xf32>
      %gather3A_873 = tpu.vector_load_idx %arg13[%select_n3A_868] : memref<512xf32, #tpu.memory_space<vmem>>[vector<16xi32>], vector<16xf32>,
      %sub3A_874 = arith.subf %gather3A_873, %gather3A_184 : vector<16xf32>
      %mul3A_875 = arith.constant 8 : i32
      %mul3A_876 = vector.broadcast %mul3A_875 : i32 to vector<16xi32>
      %mul3A_877 = arith.muli %add3A_865, %mul3A_876 : vector<16xi32>
      tpu.vector_store_idx %arg17[%mul3A_877], %sub3A_870 : memref<65536xf32, #tpu.memory_space<vmem>>[vector<16xi32>], vector<16xf32>,
      %add3A_878 = arith.constant 1 : i32
      %add3A_879 = vector.broadcast %add3A_878 : i32 to vector<16xi32>
      %add3A_880 = arith.addi %mul3A_877, %add3A_879 : vector<16xi32>
      tpu.vector_store_idx %arg17[%add3A_880], %sub3A_872 : memref<65536xf32, #tpu.memory_space<vmem>>[vector<16xi32>], vector<16xf32>,
      %add3A_881 = arith.constant 2 : i32
      %add3A_882 = vector.broadcast %add3A_881 : i32 to vector<16xi32>
      %add3A_883 = arith.addi %mul3A_877, %add3A_882 : vector<16xi32>
      tpu.vector_store_idx %arg17[%add3A_883], %sub3A_874 : memref<65536xf32, #tpu.memory_space<vmem>>[vector<16xi32>], vector<16xf32>,
      %add3A_884 = arith.constant 48 : i32
      %add3A_885 = vector.broadcast %add3A_884 : i32 to vector<16xi32>
      %add3A_886 = arith.addi %add3A_885, %iota3A : vector<16xi32>
      %add3A_887 = arith.addi %add3A_816, %add3A_886 : vector<16xi32>
      %gather3A_888 = tpu.vector_load_idx %arg18[%add3A_887] : memref<8192xi32, #tpu.memory_space<vmem>>[vector<16xi32>], vector<16xi32>,
      %le3A_889 = arith.cmpi sle, %add3A_887, %scan3A_227#6 : vector<16xi32>
      %select_n3A_890 = arith.select %le3A_889, %gather3A_888, %gather3A_817 : vector<16xi1>, vector<16xi32>
      tpu.vector_store_idx %arg18[%add3A_887], %select_n3A_890 : memref<8192xi32, #tpu.memory_space<vmem>>[vector<16xi32>], vector<16xi32>,
      %gather3A_891 = tpu.vector_load_idx %arg11[%select_n3A_890] : memref<512xf32, #tpu.memory_space<vmem>>[vector<16xi32>], vector<16xf32>,
      %sub3A_892 = arith.subf %gather3A_891, %gather3A_182 : vector<16xf32>
      %gather3A_893 = tpu.vector_load_idx %arg12[%select_n3A_890] : memref<512xf32, #tpu.memory_space<vmem>>[vector<16xi32>], vector<16xf32>,
      %sub3A_894 = arith.subf %gather3A_893, %gather3A_183 : vector<16xf32>
      %gather3A_895 = tpu.vector_load_idx %arg13[%select_n3A_890] : memref<512xf32, #tpu.memory_space<vmem>>[vector<16xi32>], vector<16xf32>,
      %sub3A_896 = arith.subf %gather3A_895, %gather3A_184 : vector<16xf32>
      %mul3A_897 = arith.constant 8 : i32
      %mul3A_898 = vector.broadcast %mul3A_897 : i32 to vector<16xi32>
      %mul3A_899 = arith.muli %add3A_887, %mul3A_898 : vector<16xi32>
      tpu.vector_store_idx %arg17[%mul3A_899], %sub3A_892 : memref<65536xf32, #tpu.memory_space<vmem>>[vector<16xi32>], vector<16xf32>,
      %add3A_900 = arith.constant 1 : i32
      %add3A_901 = vector.broadcast %add3A_900 : i32 to vector<16xi32>
      %add3A_902 = arith.addi %mul3A_899, %add3A_901 : vector<16xi32>
      tpu.vector_store_idx %arg17[%add3A_902], %sub3A_894 : memref<65536xf32, #tpu.memory_space<vmem>>[vector<16xi32>], vector<16xf32>,
      %add3A_903 = arith.constant 2 : i32
      %add3A_904 = vector.broadcast %add3A_903 : i32 to vector<16xi32>
      %add3A_905 = arith.addi %mul3A_899, %add3A_904 : vector<16xi32>
      tpu.vector_store_idx %arg17[%add3A_905], %sub3A_896 : memref<65536xf32, #tpu.memory_space<vmem>>[vector<16xi32>], vector<16xf32>,
      %broadcast_in_dim3A_906 = arith.constant 0 : i32
      %broadcast_in_dim3A_907 = vector.broadcast %broadcast_in_dim3A_906 : i32 to vector<16xi32>
      %add3A_908 = arith.constant 7 : i32
      %add3A_909 = arith.addi %mul3A_32, %add3A_908 : i32
      %mul3A_910 = arith.constant 64 : i32
      %mul3A_911 = arith.muli %add3A_909, %mul3A_910 : i32
      %add3A_912 = vector.broadcast %mul3A_911 : i32 to vector<16xi32>
      %add3A_913 = arith.addi %broadcast_in_dim3A_907, %add3A_912 : vector<16xi32>
      %gather3A_914 = tpu.vector_load_idx %arg18[%add3A_913] : memref<8192xi32, #tpu.memory_space<vmem>>[vector<16xi32>], vector<16xi32>,
      %add3A_915 = arith.constant 0 : i32
      %add3A_916 = vector.broadcast %add3A_915 : i32 to vector<16xi32>
      %add3A_917 = arith.addi %add3A_916, %iota3A : vector<16xi32>
      %add3A_918 = arith.addi %add3A_913, %add3A_917 : vector<16xi32>
      %gather3A_919 = tpu.vector_load_idx %arg18[%add3A_918] : memref<8192xi32, #tpu.memory_space<vmem>>[vector<16xi32>], vector<16xi32>,
      %le3A_920 = arith.cmpi sle, %add3A_918, %scan3A_227#7 : vector<16xi32>
      %select_n3A_921 = arith.select %le3A_920, %gather3A_919, %gather3A_914 : vector<16xi1>, vector<16xi32>
      tpu.vector_store_idx %arg18[%add3A_918], %select_n3A_921 : memref<8192xi32, #tpu.memory_space<vmem>>[vector<16xi32>], vector<16xi32>,
      %gather3A_922 = tpu.vector_load_idx %arg11[%select_n3A_921] : memref<512xf32, #tpu.memory_space<vmem>>[vector<16xi32>], vector<16xf32>,
      %sub3A_923 = arith.subf %gather3A_922, %gather3A_206 : vector<16xf32>
      %gather3A_924 = tpu.vector_load_idx %arg12[%select_n3A_921] : memref<512xf32, #tpu.memory_space<vmem>>[vector<16xi32>], vector<16xf32>,
      %sub3A_925 = arith.subf %gather3A_924, %gather3A_207 : vector<16xf32>
      %gather3A_926 = tpu.vector_load_idx %arg13[%select_n3A_921] : memref<512xf32, #tpu.memory_space<vmem>>[vector<16xi32>], vector<16xf32>,
      %sub3A_927 = arith.subf %gather3A_926, %gather3A_208 : vector<16xf32>
      %mul3A_928 = arith.constant 8 : i32
      %mul3A_929 = vector.broadcast %mul3A_928 : i32 to vector<16xi32>
      %mul3A_930 = arith.muli %add3A_918, %mul3A_929 : vector<16xi32>
      tpu.vector_store_idx %arg17[%mul3A_930], %sub3A_923 : memref<65536xf32, #tpu.memory_space<vmem>>[vector<16xi32>], vector<16xf32>,
      %add3A_931 = arith.constant 1 : i32
      %add3A_932 = vector.broadcast %add3A_931 : i32 to vector<16xi32>
      %add3A_933 = arith.addi %mul3A_930, %add3A_932 : vector<16xi32>
      tpu.vector_store_idx %arg17[%add3A_933], %sub3A_925 : memref<65536xf32, #tpu.memory_space<vmem>>[vector<16xi32>], vector<16xf32>,
      %add3A_934 = arith.constant 2 : i32
      %add3A_935 = vector.broadcast %add3A_934 : i32 to vector<16xi32>
      %add3A_936 = arith.addi %mul3A_930, %add3A_935 : vector<16xi32>
      tpu.vector_store_idx %arg17[%add3A_936], %sub3A_927 : memref<65536xf32, #tpu.memory_space<vmem>>[vector<16xi32>], vector<16xf32>,
      %add3A_937 = arith.constant 16 : i32
      %add3A_938 = vector.broadcast %add3A_937 : i32 to vector<16xi32>
      %add3A_939 = arith.addi %add3A_938, %iota3A : vector<16xi32>
      %add3A_940 = arith.addi %add3A_913, %add3A_939 : vector<16xi32>
      %gather3A_941 = tpu.vector_load_idx %arg18[%add3A_940] : memref<8192xi32, #tpu.memory_space<vmem>>[vector<16xi32>], vector<16xi32>,
      %le3A_942 = arith.cmpi sle, %add3A_940, %scan3A_227#7 : vector<16xi32>
      %select_n3A_943 = arith.select %le3A_942, %gather3A_941, %gather3A_914 : vector<16xi1>, vector<16xi32>
      tpu.vector_store_idx %arg18[%add3A_940], %select_n3A_943 : memref<8192xi32, #tpu.memory_space<vmem>>[vector<16xi32>], vector<16xi32>,
      %gather3A_944 = tpu.vector_load_idx %arg11[%select_n3A_943] : memref<512xf32, #tpu.memory_space<vmem>>[vector<16xi32>], vector<16xf32>,
      %sub3A_945 = arith.subf %gather3A_944, %gather3A_206 : vector<16xf32>
      %gather3A_946 = tpu.vector_load_idx %arg12[%select_n3A_943] : memref<512xf32, #tpu.memory_space<vmem>>[vector<16xi32>], vector<16xf32>,
      %sub3A_947 = arith.subf %gather3A_946, %gather3A_207 : vector<16xf32>
      %gather3A_948 = tpu.vector_load_idx %arg13[%select_n3A_943] : memref<512xf32, #tpu.memory_space<vmem>>[vector<16xi32>], vector<16xf32>,
      %sub3A_949 = arith.subf %gather3A_948, %gather3A_208 : vector<16xf32>
      %mul3A_950 = arith.constant 8 : i32
      %mul3A_951 = vector.broadcast %mul3A_950 : i32 to vector<16xi32>
      %mul3A_952 = arith.muli %add3A_940, %mul3A_951 : vector<16xi32>
      tpu.vector_store_idx %arg17[%mul3A_952], %sub3A_945 : memref<65536xf32, #tpu.memory_space<vmem>>[vector<16xi32>], vector<16xf32>,
      %add3A_953 = arith.constant 1 : i32
      %add3A_954 = vector.broadcast %add3A_953 : i32 to vector<16xi32>
      %add3A_955 = arith.addi %mul3A_952, %add3A_954 : vector<16xi32>
      tpu.vector_store_idx %arg17[%add3A_955], %sub3A_947 : memref<65536xf32, #tpu.memory_space<vmem>>[vector<16xi32>], vector<16xf32>,
      %add3A_956 = arith.constant 2 : i32
      %add3A_957 = vector.broadcast %add3A_956 : i32 to vector<16xi32>
      %add3A_958 = arith.addi %mul3A_952, %add3A_957 : vector<16xi32>
      tpu.vector_store_idx %arg17[%add3A_958], %sub3A_949 : memref<65536xf32, #tpu.memory_space<vmem>>[vector<16xi32>], vector<16xf32>,
      %add3A_959 = arith.constant 32 : i32
      %add3A_960 = vector.broadcast %add3A_959 : i32 to vector<16xi32>
      %add3A_961 = arith.addi %add3A_960, %iota3A : vector<16xi32>
      %add3A_962 = arith.addi %add3A_913, %add3A_961 : vector<16xi32>
      %gather3A_963 = tpu.vector_load_idx %arg18[%add3A_962] : memref<8192xi32, #tpu.memory_space<vmem>>[vector<16xi32>], vector<16xi32>,
      %le3A_964 = arith.cmpi sle, %add3A_962, %scan3A_227#7 : vector<16xi32>
      %select_n3A_965 = arith.select %le3A_964, %gather3A_963, %gather3A_914 : vector<16xi1>, vector<16xi32>
      tpu.vector_store_idx %arg18[%add3A_962], %select_n3A_965 : memref<8192xi32, #tpu.memory_space<vmem>>[vector<16xi32>], vector<16xi32>,
      %gather3A_966 = tpu.vector_load_idx %arg11[%select_n3A_965] : memref<512xf32, #tpu.memory_space<vmem>>[vector<16xi32>], vector<16xf32>,
      %sub3A_967 = arith.subf %gather3A_966, %gather3A_206 : vector<16xf32>
      %gather3A_968 = tpu.vector_load_idx %arg12[%select_n3A_965] : memref<512xf32, #tpu.memory_space<vmem>>[vector<16xi32>], vector<16xf32>,
      %sub3A_969 = arith.subf %gather3A_968, %gather3A_207 : vector<16xf32>
      %gather3A_970 = tpu.vector_load_idx %arg13[%select_n3A_965] : memref<512xf32, #tpu.memory_space<vmem>>[vector<16xi32>], vector<16xf32>,
      %sub3A_971 = arith.subf %gather3A_970, %gather3A_208 : vector<16xf32>
      %mul3A_972 = arith.constant 8 : i32
      %mul3A_973 = vector.broadcast %mul3A_972 : i32 to vector<16xi32>
      %mul3A_974 = arith.muli %add3A_962, %mul3A_973 : vector<16xi32>
      tpu.vector_store_idx %arg17[%mul3A_974], %sub3A_967 : memref<65536xf32, #tpu.memory_space<vmem>>[vector<16xi32>], vector<16xf32>,
      %add3A_975 = arith.constant 1 : i32
      %add3A_976 = vector.broadcast %add3A_975 : i32 to vector<16xi32>
      %add3A_977 = arith.addi %mul3A_974, %add3A_976 : vector<16xi32>
      tpu.vector_store_idx %arg17[%add3A_977], %sub3A_969 : memref<65536xf32, #tpu.memory_space<vmem>>[vector<16xi32>], vector<16xf32>,
      %add3A_978 = arith.constant 2 : i32
      %add3A_979 = vector.broadcast %add3A_978 : i32 to vector<16xi32>
      %add3A_980 = arith.addi %mul3A_974, %add3A_979 : vector<16xi32>
      tpu.vector_store_idx %arg17[%add3A_980], %sub3A_971 : memref<65536xf32, #tpu.memory_space<vmem>>[vector<16xi32>], vector<16xf32>,
      %add3A_981 = arith.constant 48 : i32
      %add3A_982 = vector.broadcast %add3A_981 : i32 to vector<16xi32>
      %add3A_983 = arith.addi %add3A_982, %iota3A : vector<16xi32>
      %add3A_984 = arith.addi %add3A_913, %add3A_983 : vector<16xi32>
      %gather3A_985 = tpu.vector_load_idx %arg18[%add3A_984] : memref<8192xi32, #tpu.memory_space<vmem>>[vector<16xi32>], vector<16xi32>,
      %le3A_986 = arith.cmpi sle, %add3A_984, %scan3A_227#7 : vector<16xi32>
      %select_n3A_987 = arith.select %le3A_986, %gather3A_985, %gather3A_914 : vector<16xi1>, vector<16xi32>
      tpu.vector_store_idx %arg18[%add3A_984], %select_n3A_987 : memref<8192xi32, #tpu.memory_space<vmem>>[vector<16xi32>], vector<16xi32>,
      %gather3A_988 = tpu.vector_load_idx %arg11[%select_n3A_987] : memref<512xf32, #tpu.memory_space<vmem>>[vector<16xi32>], vector<16xf32>,
      %sub3A_989 = arith.subf %gather3A_988, %gather3A_206 : vector<16xf32>
      %gather3A_990 = tpu.vector_load_idx %arg12[%select_n3A_987] : memref<512xf32, #tpu.memory_space<vmem>>[vector<16xi32>], vector<16xf32>,
      %sub3A_991 = arith.subf %gather3A_990, %gather3A_207 : vector<16xf32>
      %gather3A_992 = tpu.vector_load_idx %arg13[%select_n3A_987] : memref<512xf32, #tpu.memory_space<vmem>>[vector<16xi32>], vector<16xf32>,
      %sub3A_993 = arith.subf %gather3A_992, %gather3A_208 : vector<16xf32>
      %mul3A_994 = arith.constant 8 : i32
      %mul3A_995 = vector.broadcast %mul3A_994 : i32 to vector<16xi32>
      %mul3A_996 = arith.muli %add3A_984, %mul3A_995 : vector<16xi32>
      tpu.vector_store_idx %arg17[%mul3A_996], %sub3A_989 : memref<65536xf32, #tpu.memory_space<vmem>>[vector<16xi32>], vector<16xf32>,
      %add3A_997 = arith.constant 1 : i32
      %add3A_998 = vector.broadcast %add3A_997 : i32 to vector<16xi32>
      %add3A_999 = arith.addi %mul3A_996, %add3A_998 : vector<16xi32>
      tpu.vector_store_idx %arg17[%add3A_999], %sub3A_991 : memref<65536xf32, #tpu.memory_space<vmem>>[vector<16xi32>], vector<16xf32>,
      %add3A_1000 = arith.constant 2 : i32
      %add3A_1001 = vector.broadcast %add3A_1000 : i32 to vector<16xi32>
      %add3A_1002 = arith.addi %mul3A_996, %add3A_1001 : vector<16xi32>
      tpu.vector_store_idx %arg17[%add3A_1002], %sub3A_993 : memref<65536xf32, #tpu.memory_space<vmem>>[vector<16xi32>], vector<16xf32>,
    }
    %scan3A_18 = arith.constant 16 : i32
    %mul3A_19 = arith.constant 64 : i32
    %mul3A_20 = arith.muli %mul3A_12, %mul3A_19 : i32
    %mul3A_21 = arith.constant 8 : i32
    %mul3A_22 = arith.muli %mul3A_20, %mul3A_21 : i32
    "tpu.region"() ({
      %run_scoped3A = tpu.sem_alloc : memref<!tpu.dma_semaphore, #tpu.memory_space<semaphore_mem>>
      %dma_start3A = tpu.memref_slice %arg9[%add3A, %mul3A_22] : memref<32x65536xf32, #tpu.memory_space<hbm>> -> memref<1x65536xf32, #tpu.memory_space<hbm>>
      %dma_start3A_30 = tpu.memref_squeeze %dma_start3A : memref<1x65536xf32, #tpu.memory_space<hbm>> -> memref<65536xf32, #tpu.memory_space<hbm>>
      %dma_start3A_31 = tpu.memref_slice %arg9[%add3A, %mul3A_22] : memref<32x65536xf32, #tpu.memory_space<hbm>> -> memref<1x65536xf32, #tpu.memory_space<hbm>>
      %dma_start3A_32 = tpu.memref_squeeze %dma_start3A_31 : memref<1x65536xf32, #tpu.memory_space<hbm>> -> memref<65536xf32, #tpu.memory_space<hbm>>
      tpu.enqueue_dma source(%arg17 : memref<65536xf32, #tpu.memory_space<vmem>>) target(%dma_start3A_32 : memref<65536xf32, #tpu.memory_space<hbm>>) target_semaphore(%run_scoped3A : memref<!tpu.dma_semaphore, #tpu.memory_space<semaphore_mem>>)
      %dma_wait3A = tpu.memref_slice %arg9[%add3A, %mul3A_22] : memref<32x65536xf32, #tpu.memory_space<hbm>> -> memref<1x65536xf32, #tpu.memory_space<hbm>>
      %dma_wait3A_33 = tpu.memref_squeeze %dma_wait3A : memref<1x65536xf32, #tpu.memory_space<hbm>> -> memref<65536xf32, #tpu.memory_space<hbm>>
      %dma_wait3A_34 = tpu.memref_slice %arg9[%add3A, %mul3A_22] : memref<32x65536xf32, #tpu.memory_space<hbm>> -> memref<1x65536xf32, #tpu.memory_space<hbm>>
      %dma_wait3A_35 = tpu.memref_squeeze %dma_wait3A_34 : memref<1x65536xf32, #tpu.memory_space<hbm>> -> memref<65536xf32, #tpu.memory_space<hbm>>
      tpu.wait_dma2 semaphore(%run_scoped3A : memref<!tpu.dma_semaphore, #tpu.memory_space<semaphore_mem>>) src(%arg17 : memref<65536xf32, #tpu.memory_space<vmem>>) dst(%dma_wait3A_35 : memref<65536xf32, #tpu.memory_space<hbm>>)
      tpu.yield
    }) : () -> ()
    %scan3A_23 = arith.constant 0 : i32
    %scan3A_24 = arith.constant 0 : i32
    %scan3A_25 = arith.constant 32 : i32
    %scan3A_26 = arith.addi %scan3A_24, %scan3A_25 : i32
    %scan3A_27 = arith.constant 1 : i32
    scf.for %scan3A_30 = %scan3A_24 to %scan3A_26 step %scan3A_27  : i32 {
      %mul3A_31 = arith.constant 256 : i32
      %mul3A_32 = arith.muli %scan3A_30, %mul3A_31 : i32
      %dma_start3A = tpu.memref_slice %arg18[%mul3A_32] : memref<8192xi32, #tpu.memory_space<vmem>> -> memref<128xi32, #tpu.memory_space<vmem>>
      %dma_start3A_33 = arith.constant 0 : i32
      %dma_start3A_34 = arith.constant 0 : i32
      %dma_start3A_35 = tpu.memref_slice %arg8[%add3A, %dma_start3A_33, %dma_start3A_34] : memref<32x512x128xf32, #tpu.memory_space<hbm>> -> memref<1x512x128xf32, #tpu.memory_space<hbm>>
      %dma_start3A_36 = tpu.memref_squeeze %dma_start3A_35 : memref<1x512x128xf32, #tpu.memory_space<hbm>> -> memref<512x128xf32, #tpu.memory_space<hbm>>
      %dma_start3A_37 = arith.constant 0 : i32
      %dma_start3A_38 = arith.constant 0 : i32
      %dma_start3A_39 = tpu.memref_slice %dma_start3A_36[%dma_start3A_37, %dma_start3A_38] : memref<512x128xf32, #tpu.memory_space<hbm>> -> memref<512x128xf32, #tpu.memory_space<hbm>>
      tpu.enqueue_indirect_dma source(%dma_start3A_39 : memref<512x128xf32, #tpu.memory_space<hbm>>) target(%arg19 : memref<128x128xf32, #tpu.memory_space<vmem>>) offsets(%dma_start3A : memref<128xi32, #tpu.memory_space<vmem>>) semaphore(%arg21 : memref<!tpu.dma_semaphore, #tpu.memory_space<semaphore_mem>>)
      %add3A_40 = arith.constant 128 : i32
      %add3A_41 = arith.addi %mul3A_32, %add3A_40 : i32
      %dma_start3A_42 = tpu.memref_slice %arg18[%add3A_41] : memref<8192xi32, #tpu.memory_space<vmem>> -> memref<128xi32, #tpu.memory_space<vmem>>
      %dma_start3A_43 = arith.constant 0 : i32
      %dma_start3A_44 = arith.constant 0 : i32
      %dma_start3A_45 = tpu.memref_slice %arg8[%add3A, %dma_start3A_43, %dma_start3A_44] : memref<32x512x128xf32, #tpu.memory_space<hbm>> -> memref<1x512x128xf32, #tpu.memory_space<hbm>>
      %dma_start3A_46 = tpu.memref_squeeze %dma_start3A_45 : memref<1x512x128xf32, #tpu.memory_space<hbm>> -> memref<512x128xf32, #tpu.memory_space<hbm>>
      %dma_start3A_47 = arith.constant 0 : i32
      %dma_start3A_48 = arith.constant 0 : i32
      %dma_start3A_49 = tpu.memref_slice %dma_start3A_46[%dma_start3A_47, %dma_start3A_48] : memref<512x128xf32, #tpu.memory_space<hbm>> -> memref<512x128xf32, #tpu.memory_space<hbm>>
      tpu.enqueue_indirect_dma source(%dma_start3A_49 : memref<512x128xf32, #tpu.memory_space<hbm>>) target(%arg20 : memref<128x128xf32, #tpu.memory_space<vmem>>) offsets(%dma_start3A_42 : memref<128xi32, #tpu.memory_space<vmem>>) semaphore(%arg22 : memref<!tpu.dma_semaphore, #tpu.memory_space<semaphore_mem>>)
      %dma_wait3A = tpu.memref_slice %arg18[%mul3A_32] : memref<8192xi32, #tpu.memory_space<vmem>> -> memref<128xi32, #tpu.memory_space<vmem>>
      %dma_wait3A_50 = arith.constant 0 : i32
      %dma_wait3A_51 = arith.constant 0 : i32
      %dma_wait3A_52 = tpu.memref_slice %arg8[%add3A, %dma_wait3A_50, %dma_wait3A_51] : memref<32x512x128xf32, #tpu.memory_space<hbm>> -> memref<1x512x128xf32, #tpu.memory_space<hbm>>
      %dma_wait3A_53 = tpu.memref_squeeze %dma_wait3A_52 : memref<1x512x128xf32, #tpu.memory_space<hbm>> -> memref<512x128xf32, #tpu.memory_space<hbm>>
      %dma_wait3A_54 = arith.constant 0 : i32
      %dma_wait3A_55 = arith.constant 0 : i32
      %dma_wait3A_56 = tpu.memref_slice %dma_wait3A_53[%dma_wait3A_54, %dma_wait3A_55] : memref<512x128xf32, #tpu.memory_space<hbm>> -> memref<512x128xf32, #tpu.memory_space<hbm>>
      tpu.wait_indirect_dma semaphore(%arg21 : memref<!tpu.dma_semaphore, #tpu.memory_space<semaphore_mem>>) src(%dma_wait3A_56 : memref<512x128xf32, #tpu.memory_space<hbm>>) dst(%arg19 : memref<128x128xf32, #tpu.memory_space<vmem>>)
      %dma_start3A_57 = arith.constant 0 : i32
      %dma_start3A_58 = tpu.memref_slice %arg10[%add3A, %mul3A_32, %dma_start3A_57] : memref<32x8192x128xf32, #tpu.memory_space<hbm>> -> memref<1x128x128xf32, #tpu.memory_space<hbm>>
      %dma_start3A_59 = tpu.memref_squeeze %dma_start3A_58 : memref<1x128x128xf32, #tpu.memory_space<hbm>> -> memref<128x128xf32, #tpu.memory_space<hbm>>
      %dma_start3A_60 = arith.constant 0 : i32
      %dma_start3A_61 = tpu.memref_slice %arg10[%add3A, %mul3A_32, %dma_start3A_60] : memref<32x8192x128xf32, #tpu.memory_space<hbm>> -> memref<1x128x128xf32, #tpu.memory_space<hbm>>
      %dma_start3A_62 = tpu.memref_squeeze %dma_start3A_61 : memref<1x128x128xf32, #tpu.memory_space<hbm>> -> memref<128x128xf32, #tpu.memory_space<hbm>>
      tpu.enqueue_dma source(%arg19 : memref<128x128xf32, #tpu.memory_space<vmem>>) target(%dma_start3A_62 : memref<128x128xf32, #tpu.memory_space<hbm>>) target_semaphore(%arg23 : memref<!tpu.dma_semaphore, #tpu.memory_space<semaphore_mem>>)
      %dma_wait3A_63 = tpu.memref_slice %arg18[%add3A_41] : memref<8192xi32, #tpu.memory_space<vmem>> -> memref<128xi32, #tpu.memory_space<vmem>>
      %dma_wait3A_64 = arith.constant 0 : i32
      %dma_wait3A_65 = arith.constant 0 : i32
      %dma_wait3A_66 = tpu.memref_slice %arg8[%add3A, %dma_wait3A_64, %dma_wait3A_65] : memref<32x512x128xf32, #tpu.memory_space<hbm>> -> memref<1x512x128xf32, #tpu.memory_space<hbm>>
      %dma_wait3A_67 = tpu.memref_squeeze %dma_wait3A_66 : memref<1x512x128xf32, #tpu.memory_space<hbm>> -> memref<512x128xf32, #tpu.memory_space<hbm>>
      %dma_wait3A_68 = arith.constant 0 : i32
      %dma_wait3A_69 = arith.constant 0 : i32
      %dma_wait3A_70 = tpu.memref_slice %dma_wait3A_67[%dma_wait3A_68, %dma_wait3A_69] : memref<512x128xf32, #tpu.memory_space<hbm>> -> memref<512x128xf32, #tpu.memory_space<hbm>>
      tpu.wait_indirect_dma semaphore(%arg22 : memref<!tpu.dma_semaphore, #tpu.memory_space<semaphore_mem>>) src(%dma_wait3A_70 : memref<512x128xf32, #tpu.memory_space<hbm>>) dst(%arg20 : memref<128x128xf32, #tpu.memory_space<vmem>>)
      %add3A_71 = arith.constant 128 : i32
      %add3A_72 = arith.addi %mul3A_32, %add3A_71 : i32
      %dma_start3A_73 = arith.constant 0 : i32
      %dma_start3A_74 = tpu.memref_slice %arg10[%add3A, %add3A_72, %dma_start3A_73] : memref<32x8192x128xf32, #tpu.memory_space<hbm>> -> memref<1x128x128xf32, #tpu.memory_space<hbm>>
      %dma_start3A_75 = tpu.memref_squeeze %dma_start3A_74 : memref<1x128x128xf32, #tpu.memory_space<hbm>> -> memref<128x128xf32, #tpu.memory_space<hbm>>
      %dma_start3A_76 = arith.constant 0 : i32
      %dma_start3A_77 = tpu.memref_slice %arg10[%add3A, %add3A_72, %dma_start3A_76] : memref<32x8192x128xf32, #tpu.memory_space<hbm>> -> memref<1x128x128xf32, #tpu.memory_space<hbm>>
      %dma_start3A_78 = tpu.memref_squeeze %dma_start3A_77 : memref<1x128x128xf32, #tpu.memory_space<hbm>> -> memref<128x128xf32, #tpu.memory_space<hbm>>
      tpu.enqueue_dma source(%arg20 : memref<128x128xf32, #tpu.memory_space<vmem>>) target(%dma_start3A_78 : memref<128x128xf32, #tpu.memory_space<hbm>>) target_semaphore(%arg24 : memref<!tpu.dma_semaphore, #tpu.memory_space<semaphore_mem>>)
      %dma_wait3A_79 = arith.constant 0 : i32
      %dma_wait3A_80 = tpu.memref_slice %arg10[%add3A, %mul3A_32, %dma_wait3A_79] : memref<32x8192x128xf32, #tpu.memory_space<hbm>> -> memref<1x128x128xf32, #tpu.memory_space<hbm>>
      %dma_wait3A_81 = tpu.memref_squeeze %dma_wait3A_80 : memref<1x128x128xf32, #tpu.memory_space<hbm>> -> memref<128x128xf32, #tpu.memory_space<hbm>>
      %dma_wait3A_82 = arith.constant 0 : i32
      %dma_wait3A_83 = tpu.memref_slice %arg10[%add3A, %mul3A_32, %dma_wait3A_82] : memref<32x8192x128xf32, #tpu.memory_space<hbm>> -> memref<1x128x128xf32, #tpu.memory_space<hbm>>
      %dma_wait3A_84 = tpu.memref_squeeze %dma_wait3A_83 : memref<1x128x128xf32, #tpu.memory_space<hbm>> -> memref<128x128xf32, #tpu.memory_space<hbm>>
      tpu.wait_dma2 semaphore(%arg23 : memref<!tpu.dma_semaphore, #tpu.memory_space<semaphore_mem>>) src(%arg19 : memref<128x128xf32, #tpu.memory_space<vmem>>) dst(%dma_wait3A_84 : memref<128x128xf32, #tpu.memory_space<hbm>>)
      %dma_wait3A_85 = arith.constant 0 : i32
      %dma_wait3A_86 = tpu.memref_slice %arg10[%add3A, %add3A_72, %dma_wait3A_85] : memref<32x8192x128xf32, #tpu.memory_space<hbm>> -> memref<1x128x128xf32, #tpu.memory_space<hbm>>
      %dma_wait3A_87 = tpu.memref_squeeze %dma_wait3A_86 : memref<1x128x128xf32, #tpu.memory_space<hbm>> -> memref<128x128xf32, #tpu.memory_space<hbm>>
      %dma_wait3A_88 = arith.constant 0 : i32
      %dma_wait3A_89 = tpu.memref_slice %arg10[%add3A, %add3A_72, %dma_wait3A_88] : memref<32x8192x128xf32, #tpu.memory_space<hbm>> -> memref<1x128x128xf32, #tpu.memory_space<hbm>>
      %dma_wait3A_90 = tpu.memref_squeeze %dma_wait3A_89 : memref<1x128x128xf32, #tpu.memory_space<hbm>> -> memref<128x128xf32, #tpu.memory_space<hbm>>
      tpu.wait_dma2 semaphore(%arg24 : memref<!tpu.dma_semaphore, #tpu.memory_space<semaphore_mem>>) src(%arg20 : memref<128x128xf32, #tpu.memory_space<vmem>>) dst(%dma_wait3A_90 : memref<128x128xf32, #tpu.memory_space<hbm>>)
    }
    %scan3A_28 = arith.constant 32 : i32
    %scan3A_29 = arith.constant 1 : i32
    return
  }
}

module attributes {stable_mosaic.version = 14 : i64} {
  func.func @body(%arg0: memref<32x2048xf32, #tpu.memory_space<vmem>>, %arg1: memref<32x2048xf32, #tpu.memory_space<vmem>>, %arg2: memref<32x2048xf32, #tpu.memory_space<vmem>>, %arg3: memref<32x512xf32, #tpu.memory_space<vmem>>, %arg4: memref<32x512xf32, #tpu.memory_space<vmem>>, %arg5: memref<32x512xf32, #tpu.memory_space<vmem>>) attributes {dimension_semantics = [], scalar_prefetch = 0 : i64, scratch_operands = 0 : i64, tpu.core_type = #tpu.core_type<tc>} {
    %get3A = arith.constant 0 : index
    %get3A_0 = arith.constant 0 : index
    %get3A_1 = vector.load %arg0[%get3A, %get3A_0] : memref<32x2048xf32, #tpu.memory_space<vmem>>, vector<32x2048xf32>
    %get3A_2 = arith.constant 0 : index
    %get3A_3 = arith.constant 0 : index
    %get3A_4 = vector.load %arg1[%get3A_2, %get3A_3] : memref<32x2048xf32, #tpu.memory_space<vmem>>, vector<32x2048xf32>
    %get3A_5 = arith.constant 0 : index
    %get3A_6 = arith.constant 0 : index
    %get3A_7 = vector.load %arg2[%get3A_5, %get3A_6] : memref<32x2048xf32, #tpu.memory_space<vmem>>, vector<32x2048xf32>
    %iota3A = tpu.iota {dimensions = array<i32: 1>} : vector<32x2048xi32>
    %iota3A_8 = tpu.iota {dimensions = array<i32: 1>} : vector<32x512xi32>
    %broadcast_in_dim3A = arith.constant 1.000000e+10 : f32
    %broadcast_in_dim3A_9 = vector.broadcast %broadcast_in_dim3A : f32 to vector<32x2048xf32>
    %broadcast_in_dim3A_10 = arith.constant 0 : i32
    %broadcast_in_dim3A_11 = vector.broadcast %broadcast_in_dim3A_10 : i32 to vector<32x1xi32>
    %broadcast_in_dim3A_12 = arith.constant 0.000000e+00 : f32
    %broadcast_in_dim3A_13 = vector.broadcast %broadcast_in_dim3A_12 : f32 to vector<32x512xf32>
    %broadcast_in_dim3A_14 = arith.constant 0.000000e+00 : f32
    %broadcast_in_dim3A_15 = vector.broadcast %broadcast_in_dim3A_14 : f32 to vector<32x512xf32>
    %broadcast_in_dim3A_16 = arith.constant 0.000000e+00 : f32
    %broadcast_in_dim3A_17 = vector.broadcast %broadcast_in_dim3A_16 : f32 to vector<32x512xf32>
    %scan3A = arith.constant 0 : i32
    %scan3A_18 = arith.constant 512 : i32
    %scan3A_19 = arith.addi %scan3A, %scan3A_18 : i32
    %scan3A_20 = arith.constant 1 : i32
    %scan3A_21:5 = scf.for %scan3A_31 = %scan3A to %scan3A_19 step %scan3A_20 iter_args(%scan3A_32 = %broadcast_in_dim3A_9, %scan3A_33 = %broadcast_in_dim3A_11, %scan3A_34 = %broadcast_in_dim3A_13, %scan3A_35 = %broadcast_in_dim3A_15, %scan3A_36 = %broadcast_in_dim3A_17) -> (vector<32x2048xf32>, vector<32x1xi32>, vector<32x512xf32>, vector<32x512xf32>, vector<32x512xf32>)  : i32 {
      %eq3A = vector.broadcast %scan3A_33 : vector<32x1xi32> to vector<32x2048xi32>
      %eq3A_37 = arith.cmpi eq, %iota3A, %eq3A : vector<32x2048xi32>
      %jit3A = arith.constant 0.000000e+00 : f32
      %broadcast_in_dim3A_38 = vector.broadcast %jit3A : f32 to vector<32x2048xf32>
      %select_n3A = arith.select %eq3A_37, %get3A_1, %broadcast_in_dim3A_38 : vector<32x2048xi1>, vector<32x2048xf32>
      %reduce_sum3A = arith.constant dense<0.000000e+00> : vector<32xf32>
      %reduce_sum3A_39 = vector.multi_reduction <add>, %select_n3A, %reduce_sum3A [1] : vector<32x2048xf32> to vector<32xf32>
      %broadcast_in_dim3A_40 = vector.shape_cast %reduce_sum3A_39 : vector<32xf32> to vector<32x1xf32>
      %jit3A_41 = arith.constant 0.000000e+00 : f32
      %broadcast_in_dim3A_42 = vector.broadcast %jit3A_41 : f32 to vector<32x2048xf32>
      %select_n3A_43 = arith.select %eq3A_37, %get3A_4, %broadcast_in_dim3A_42 : vector<32x2048xi1>, vector<32x2048xf32>
      %reduce_sum3A_44 = arith.constant dense<0.000000e+00> : vector<32xf32>
      %reduce_sum3A_45 = vector.multi_reduction <add>, %select_n3A_43, %reduce_sum3A_44 [1] : vector<32x2048xf32> to vector<32xf32>
      %broadcast_in_dim3A_46 = vector.shape_cast %reduce_sum3A_45 : vector<32xf32> to vector<32x1xf32>
      %jit3A_47 = arith.constant 0.000000e+00 : f32
      %broadcast_in_dim3A_48 = vector.broadcast %jit3A_47 : f32 to vector<32x2048xf32>
      %select_n3A_49 = arith.select %eq3A_37, %get3A_7, %broadcast_in_dim3A_48 : vector<32x2048xi1>, vector<32x2048xf32>
      %reduce_sum3A_50 = arith.constant dense<0.000000e+00> : vector<32xf32>
      %reduce_sum3A_51 = vector.multi_reduction <add>, %select_n3A_49, %reduce_sum3A_50 [1] : vector<32x2048xf32> to vector<32xf32>
      %broadcast_in_dim3A_52 = vector.shape_cast %reduce_sum3A_51 : vector<32xf32> to vector<32x1xf32>
      %eq3A_53 = vector.broadcast %scan3A_31 : i32 to vector<32x512xi32>
      %eq3A_54 = arith.cmpi eq, %iota3A_8, %eq3A_53 : vector<32x512xi32>
      %broadcast_in_dim3A_55 = vector.shape_cast %broadcast_in_dim3A_40 : vector<32x1xf32> to vector<32x1xf32>
      %broadcast_in_dim3A_56 = vector.broadcast %broadcast_in_dim3A_55 : vector<32x1xf32> to vector<32x512xf32>
      %select_n3A_57 = arith.select %eq3A_54, %broadcast_in_dim3A_56, %scan3A_34 : vector<32x512xi1>, vector<32x512xf32>
      %broadcast_in_dim3A_58 = vector.shape_cast %broadcast_in_dim3A_46 : vector<32x1xf32> to vector<32x1xf32>
      %broadcast_in_dim3A_59 = vector.broadcast %broadcast_in_dim3A_58 : vector<32x1xf32> to vector<32x512xf32>
      %select_n3A_60 = arith.select %eq3A_54, %broadcast_in_dim3A_59, %scan3A_35 : vector<32x512xi1>, vector<32x512xf32>
      %broadcast_in_dim3A_61 = vector.shape_cast %broadcast_in_dim3A_52 : vector<32x1xf32> to vector<32x1xf32>
      %broadcast_in_dim3A_62 = vector.broadcast %broadcast_in_dim3A_61 : vector<32x1xf32> to vector<32x512xf32>
      %select_n3A_63 = arith.select %eq3A_54, %broadcast_in_dim3A_62, %scan3A_36 : vector<32x512xi1>, vector<32x512xf32>
      %sub3A = vector.broadcast %broadcast_in_dim3A_40 : vector<32x1xf32> to vector<32x2048xf32>
      %sub3A_64 = arith.subf %get3A_1, %sub3A : vector<32x2048xf32>
      %sub3A_65 = vector.broadcast %broadcast_in_dim3A_46 : vector<32x1xf32> to vector<32x2048xf32>
      %sub3A_66 = arith.subf %get3A_4, %sub3A_65 : vector<32x2048xf32>
      %sub3A_67 = vector.broadcast %broadcast_in_dim3A_52 : vector<32x1xf32> to vector<32x2048xf32>
      %sub3A_68 = arith.subf %get3A_7, %sub3A_67 : vector<32x2048xf32>
      %mul3A = arith.mulf %sub3A_64, %sub3A_64 : vector<32x2048xf32>
      %mul3A_69 = arith.mulf %sub3A_66, %sub3A_66 : vector<32x2048xf32>
      %add3A = arith.addf %mul3A, %mul3A_69 : vector<32x2048xf32>
      %mul3A_70 = arith.mulf %sub3A_68, %sub3A_68 : vector<32x2048xf32>
      %add3A_71 = arith.addf %add3A, %mul3A_70 : vector<32x2048xf32>
      %min3A = arith.minimumf %scan3A_32, %add3A_71 : vector<32x2048xf32>
      %reduce_max3A = arith.constant dense<0xFF800000> : vector<32xf32>
      %reduce_max3A_72 = vector.multi_reduction <maximumf>, %min3A, %reduce_max3A [1] : vector<32x2048xf32> to vector<32xf32>
      %broadcast_in_dim3A_73 = vector.shape_cast %reduce_max3A_72 : vector<32xf32> to vector<32x1xf32>
      %eq3A_74 = vector.broadcast %broadcast_in_dim3A_73 : vector<32x1xf32> to vector<32x2048xf32>
      %eq3A_75 = arith.cmpf oeq, %min3A, %eq3A_74 : vector<32x2048xf32>
      %jit3A_76 = arith.constant 2048 : i32
      %broadcast_in_dim3A_77 = vector.broadcast %jit3A_76 : i32 to vector<32x2048xi32>
      %select_n3A_78 = arith.select %eq3A_75, %iota3A, %broadcast_in_dim3A_77 : vector<32x2048xi1>, vector<32x2048xi32>
      %reduce_min3A = arith.constant dense<2147483647> : vector<32xi32>
      %reduce_min3A_79 = vector.multi_reduction <minsi>, %select_n3A_78, %reduce_min3A [1] : vector<32x2048xi32> to vector<32xi32>
      %broadcast_in_dim3A_80 = vector.shape_cast %reduce_min3A_79 : vector<32xi32> to vector<32x1xi32>
      scf.yield %min3A, %broadcast_in_dim3A_80, %select_n3A_57, %select_n3A_60, %select_n3A_63 : vector<32x2048xf32>, vector<32x1xi32>, vector<32x512xf32>, vector<32x512xf32>, vector<32x512xf32>
    }
    %scan3A_22 = arith.constant 512 : i32
    %swap3A = arith.constant 0 : index
    %swap3A_23 = arith.constant 0 : index
    %swap3A_24 = vector.load %arg3[%swap3A, %swap3A_23] : memref<32x512xf32, #tpu.memory_space<vmem>>, vector<32x512xf32>
    tpu.vector_store %arg3[%swap3A, %swap3A_23], %scan3A_21#2 {strides = array<i32>} : memref<32x512xf32, #tpu.memory_space<vmem>>, vector<32x512xf32>,
    %swap3A_25 = arith.constant 0 : index
    %swap3A_26 = arith.constant 0 : index
    %swap3A_27 = vector.load %arg4[%swap3A_25, %swap3A_26] : memref<32x512xf32, #tpu.memory_space<vmem>>, vector<32x512xf32>
    tpu.vector_store %arg4[%swap3A_25, %swap3A_26], %scan3A_21#3 {strides = array<i32>} : memref<32x512xf32, #tpu.memory_space<vmem>>, vector<32x512xf32>,
    %swap3A_28 = arith.constant 0 : index
    %swap3A_29 = arith.constant 0 : index
    %swap3A_30 = vector.load %arg5[%swap3A_28, %swap3A_29] : memref<32x512xf32, #tpu.memory_space<vmem>>, vector<32x512xf32>
    tpu.vector_store %arg5[%swap3A_28, %swap3A_29], %scan3A_21#4 {strides = array<i32>} : memref<32x512xf32, #tpu.memory_space<vmem>>, vector<32x512xf32>,
    return
  }
}

module attributes {stable_mosaic.version = 14 : i64} {
  func.func @body(%arg0: memref<32x512xf32, #tpu.memory_space<vmem>>, %arg1: memref<32x512xf32, #tpu.memory_space<vmem>>, %arg2: memref<32x512xf32, #tpu.memory_space<vmem>>, %arg3: memref<32x128xf32, #tpu.memory_space<vmem>>, %arg4: memref<32x128xf32, #tpu.memory_space<vmem>>, %arg5: memref<32x128xf32, #tpu.memory_space<vmem>>) attributes {dimension_semantics = [], scalar_prefetch = 0 : i64, scratch_operands = 0 : i64, tpu.core_type = #tpu.core_type<tc>} {
    %get3A = arith.constant 0 : index
    %get3A_0 = arith.constant 0 : index
    %get3A_1 = vector.load %arg0[%get3A, %get3A_0] : memref<32x512xf32, #tpu.memory_space<vmem>>, vector<32x512xf32>
    %get3A_2 = arith.constant 0 : index
    %get3A_3 = arith.constant 0 : index
    %get3A_4 = vector.load %arg1[%get3A_2, %get3A_3] : memref<32x512xf32, #tpu.memory_space<vmem>>, vector<32x512xf32>
    %get3A_5 = arith.constant 0 : index
    %get3A_6 = arith.constant 0 : index
    %get3A_7 = vector.load %arg2[%get3A_5, %get3A_6] : memref<32x512xf32, #tpu.memory_space<vmem>>, vector<32x512xf32>
    %iota3A = tpu.iota {dimensions = array<i32: 1>} : vector<32x512xi32>
    %iota3A_8 = tpu.iota {dimensions = array<i32: 1>} : vector<32x128xi32>
    %broadcast_in_dim3A = arith.constant 1.000000e+10 : f32
    %broadcast_in_dim3A_9 = vector.broadcast %broadcast_in_dim3A : f32 to vector<32x512xf32>
    %broadcast_in_dim3A_10 = arith.constant 0 : i32
    %broadcast_in_dim3A_11 = vector.broadcast %broadcast_in_dim3A_10 : i32 to vector<32x1xi32>
    %broadcast_in_dim3A_12 = arith.constant 0.000000e+00 : f32
    %broadcast_in_dim3A_13 = vector.broadcast %broadcast_in_dim3A_12 : f32 to vector<32x128xf32>
    %broadcast_in_dim3A_14 = arith.constant 0.000000e+00 : f32
    %broadcast_in_dim3A_15 = vector.broadcast %broadcast_in_dim3A_14 : f32 to vector<32x128xf32>
    %broadcast_in_dim3A_16 = arith.constant 0.000000e+00 : f32
    %broadcast_in_dim3A_17 = vector.broadcast %broadcast_in_dim3A_16 : f32 to vector<32x128xf32>
    %scan3A = arith.constant 0 : i32
    %scan3A_18 = arith.constant 128 : i32
    %scan3A_19 = arith.addi %scan3A, %scan3A_18 : i32
    %scan3A_20 = arith.constant 1 : i32
    %scan3A_21:5 = scf.for %scan3A_31 = %scan3A to %scan3A_19 step %scan3A_20 iter_args(%scan3A_32 = %broadcast_in_dim3A_9, %scan3A_33 = %broadcast_in_dim3A_11, %scan3A_34 = %broadcast_in_dim3A_13, %scan3A_35 = %broadcast_in_dim3A_15, %scan3A_36 = %broadcast_in_dim3A_17) -> (vector<32x512xf32>, vector<32x1xi32>, vector<32x128xf32>, vector<32x128xf32>, vector<32x128xf32>)  : i32 {
      %eq3A = vector.broadcast %scan3A_33 : vector<32x1xi32> to vector<32x512xi32>
      %eq3A_37 = arith.cmpi eq, %iota3A, %eq3A : vector<32x512xi32>
      %jit3A = arith.constant 0.000000e+00 : f32
      %broadcast_in_dim3A_38 = vector.broadcast %jit3A : f32 to vector<32x512xf32>
      %select_n3A = arith.select %eq3A_37, %get3A_1, %broadcast_in_dim3A_38 : vector<32x512xi1>, vector<32x512xf32>
      %reduce_sum3A = arith.constant dense<0.000000e+00> : vector<32xf32>
      %reduce_sum3A_39 = vector.multi_reduction <add>, %select_n3A, %reduce_sum3A [1] : vector<32x512xf32> to vector<32xf32>
      %broadcast_in_dim3A_40 = vector.shape_cast %reduce_sum3A_39 : vector<32xf32> to vector<32x1xf32>
      %jit3A_41 = arith.constant 0.000000e+00 : f32
      %broadcast_in_dim3A_42 = vector.broadcast %jit3A_41 : f32 to vector<32x512xf32>
      %select_n3A_43 = arith.select %eq3A_37, %get3A_4, %broadcast_in_dim3A_42 : vector<32x512xi1>, vector<32x512xf32>
      %reduce_sum3A_44 = arith.constant dense<0.000000e+00> : vector<32xf32>
      %reduce_sum3A_45 = vector.multi_reduction <add>, %select_n3A_43, %reduce_sum3A_44 [1] : vector<32x512xf32> to vector<32xf32>
      %broadcast_in_dim3A_46 = vector.shape_cast %reduce_sum3A_45 : vector<32xf32> to vector<32x1xf32>
      %jit3A_47 = arith.constant 0.000000e+00 : f32
      %broadcast_in_dim3A_48 = vector.broadcast %jit3A_47 : f32 to vector<32x512xf32>
      %select_n3A_49 = arith.select %eq3A_37, %get3A_7, %broadcast_in_dim3A_48 : vector<32x512xi1>, vector<32x512xf32>
      %reduce_sum3A_50 = arith.constant dense<0.000000e+00> : vector<32xf32>
      %reduce_sum3A_51 = vector.multi_reduction <add>, %select_n3A_49, %reduce_sum3A_50 [1] : vector<32x512xf32> to vector<32xf32>
      %broadcast_in_dim3A_52 = vector.shape_cast %reduce_sum3A_51 : vector<32xf32> to vector<32x1xf32>
      %eq3A_53 = vector.broadcast %scan3A_31 : i32 to vector<32x128xi32>
      %eq3A_54 = arith.cmpi eq, %iota3A_8, %eq3A_53 : vector<32x128xi32>
      %broadcast_in_dim3A_55 = vector.shape_cast %broadcast_in_dim3A_40 : vector<32x1xf32> to vector<32x1xf32>
      %broadcast_in_dim3A_56 = vector.broadcast %broadcast_in_dim3A_55 : vector<32x1xf32> to vector<32x128xf32>
      %select_n3A_57 = arith.select %eq3A_54, %broadcast_in_dim3A_56, %scan3A_34 : vector<32x128xi1>, vector<32x128xf32>
      %broadcast_in_dim3A_58 = vector.shape_cast %broadcast_in_dim3A_46 : vector<32x1xf32> to vector<32x1xf32>
      %broadcast_in_dim3A_59 = vector.broadcast %broadcast_in_dim3A_58 : vector<32x1xf32> to vector<32x128xf32>
      %select_n3A_60 = arith.select %eq3A_54, %broadcast_in_dim3A_59, %scan3A_35 : vector<32x128xi1>, vector<32x128xf32>
      %broadcast_in_dim3A_61 = vector.shape_cast %broadcast_in_dim3A_52 : vector<32x1xf32> to vector<32x1xf32>
      %broadcast_in_dim3A_62 = vector.broadcast %broadcast_in_dim3A_61 : vector<32x1xf32> to vector<32x128xf32>
      %select_n3A_63 = arith.select %eq3A_54, %broadcast_in_dim3A_62, %scan3A_36 : vector<32x128xi1>, vector<32x128xf32>
      %sub3A = vector.broadcast %broadcast_in_dim3A_40 : vector<32x1xf32> to vector<32x512xf32>
      %sub3A_64 = arith.subf %get3A_1, %sub3A : vector<32x512xf32>
      %sub3A_65 = vector.broadcast %broadcast_in_dim3A_46 : vector<32x1xf32> to vector<32x512xf32>
      %sub3A_66 = arith.subf %get3A_4, %sub3A_65 : vector<32x512xf32>
      %sub3A_67 = vector.broadcast %broadcast_in_dim3A_52 : vector<32x1xf32> to vector<32x512xf32>
      %sub3A_68 = arith.subf %get3A_7, %sub3A_67 : vector<32x512xf32>
      %mul3A = arith.mulf %sub3A_64, %sub3A_64 : vector<32x512xf32>
      %mul3A_69 = arith.mulf %sub3A_66, %sub3A_66 : vector<32x512xf32>
      %add3A = arith.addf %mul3A, %mul3A_69 : vector<32x512xf32>
      %mul3A_70 = arith.mulf %sub3A_68, %sub3A_68 : vector<32x512xf32>
      %add3A_71 = arith.addf %add3A, %mul3A_70 : vector<32x512xf32>
      %min3A = arith.minimumf %scan3A_32, %add3A_71 : vector<32x512xf32>
      %reduce_max3A = arith.constant dense<0xFF800000> : vector<32xf32>
      %reduce_max3A_72 = vector.multi_reduction <maximumf>, %min3A, %reduce_max3A [1] : vector<32x512xf32> to vector<32xf32>
      %broadcast_in_dim3A_73 = vector.shape_cast %reduce_max3A_72 : vector<32xf32> to vector<32x1xf32>
      %eq3A_74 = vector.broadcast %broadcast_in_dim3A_73 : vector<32x1xf32> to vector<32x512xf32>
      %eq3A_75 = arith.cmpf oeq, %min3A, %eq3A_74 : vector<32x512xf32>
      %jit3A_76 = arith.constant 512 : i32
      %broadcast_in_dim3A_77 = vector.broadcast %jit3A_76 : i32 to vector<32x512xi32>
      %select_n3A_78 = arith.select %eq3A_75, %iota3A, %broadcast_in_dim3A_77 : vector<32x512xi1>, vector<32x512xi32>
      %reduce_min3A = arith.constant dense<2147483647> : vector<32xi32>
      %reduce_min3A_79 = vector.multi_reduction <minsi>, %select_n3A_78, %reduce_min3A [1] : vector<32x512xi32> to vector<32xi32>
      %broadcast_in_dim3A_80 = vector.shape_cast %reduce_min3A_79 : vector<32xi32> to vector<32x1xi32>
      scf.yield %min3A, %broadcast_in_dim3A_80, %select_n3A_57, %select_n3A_60, %select_n3A_63 : vector<32x512xf32>, vector<32x1xi32>, vector<32x128xf32>, vector<32x128xf32>, vector<32x128xf32>
    }
    %scan3A_22 = arith.constant 128 : i32
    %swap3A = arith.constant 0 : index
    %swap3A_23 = arith.constant 0 : index
    %swap3A_24 = vector.load %arg3[%swap3A, %swap3A_23] : memref<32x128xf32, #tpu.memory_space<vmem>>, vector<32x128xf32>
    tpu.vector_store %arg3[%swap3A, %swap3A_23], %scan3A_21#2 {strides = array<i32>} : memref<32x128xf32, #tpu.memory_space<vmem>>, vector<32x128xf32>,
    %swap3A_25 = arith.constant 0 : index
    %swap3A_26 = arith.constant 0 : index
    %swap3A_27 = vector.load %arg4[%swap3A_25, %swap3A_26] : memref<32x128xf32, #tpu.memory_space<vmem>>, vector<32x128xf32>
    tpu.vector_store %arg4[%swap3A_25, %swap3A_26], %scan3A_21#3 {strides = array<i32>} : memref<32x128xf32, #tpu.memory_space<vmem>>, vector<32x128xf32>,
    %swap3A_28 = arith.constant 0 : index
    %swap3A_29 = arith.constant 0 : index
    %swap3A_30 = vector.load %arg5[%swap3A_28, %swap3A_29] : memref<32x128xf32, #tpu.memory_space<vmem>>, vector<32x128xf32>
    tpu.vector_store %arg5[%swap3A_28, %swap3A_29], %scan3A_21#4 {strides = array<i32>} : memref<32x128xf32, #tpu.memory_space<vmem>>, vector<32x128xf32>,
    return
  }
}

module attributes {stable_mosaic.version = 14 : i64} {
  func.func @body(%arg0: i32, %arg1: memref<8192x8xf32, #tpu.memory_space<vmem>>, %arg2: memref<3x64xf32, #tpu.memory_space<vmem>>, %arg3: memref<1x64xf32, #tpu.memory_space<vmem>>, %arg4: memref<1x64xf32, #tpu.memory_space<vmem>>, %arg5: memref<64x64xf32, #tpu.memory_space<vmem>>, %arg6: memref<1x64xf32, #tpu.memory_space<vmem>>, %arg7: memref<1x64xf32, #tpu.memory_space<vmem>>, %arg8: memref<64x128xf32, #tpu.memory_space<vmem>>, %arg9: memref<1x128xf32, #tpu.memory_space<vmem>>, %arg10: memref<1x128xf32, #tpu.memory_space<vmem>>, %arg11: memref<128x128xf32, #tpu.memory_space<vmem>>) attributes {dimension_semantics = [#tpu.dimension_semantics<arbitrary>], iteration_bounds = array<i64: 128>, scalar_prefetch = 0 : i64, scratch_operands = 0 : i64, tpu.core_type = #tpu.core_type<tc>, window_params = [{transform_indices = @transform_0, window_bounds = array<i64: 8192, 8>}, {pipeline_mode = #tpu.pipeline_mode<synchronous>, transform_indices = @transform_1, window_bounds = array<i64: 3, 64>}, {pipeline_mode = #tpu.pipeline_mode<synchronous>, transform_indices = @transform_2, window_bounds = array<i64: 1, 64>}, {pipeline_mode = #tpu.pipeline_mode<synchronous>, transform_indices = @transform_3, window_bounds = array<i64: 1, 64>}, {pipeline_mode = #tpu.pipeline_mode<synchronous>, transform_indices = @transform_4, window_bounds = array<i64: 64, 64>}, {pipeline_mode = #tpu.pipeline_mode<synchronous>, transform_indices = @transform_5, window_bounds = array<i64: 1, 64>}, {pipeline_mode = #tpu.pipeline_mode<synchronous>, transform_indices = @transform_6, window_bounds = array<i64: 1, 64>}, {pipeline_mode = #tpu.pipeline_mode<synchronous>, transform_indices = @transform_7, window_bounds = array<i64: 64, 128>}, {pipeline_mode = #tpu.pipeline_mode<synchronous>, transform_indices = @transform_8, window_bounds = array<i64: 1, 128>}, {pipeline_mode = #tpu.pipeline_mode<synchronous>, transform_indices = @transform_9, window_bounds = array<i64: 1, 128>}, {transform_indices = @transform_10, window_bounds = array<i64: 128, 128>}]} {
    %get3A = arith.constant 0 : index
    %get3A_0 = arith.constant 0 : index
    %get3A_1 = vector.load %arg1[%get3A, %get3A_0] : memref<8192x8xf32, #tpu.memory_space<vmem>>, vector<8192x8xf32>
    %convert_element_type3A = arith.truncf %get3A_1 : vector<8192x8xf32> to vector<8192x8xbf16>
    %get3A_2 = arith.constant 0 : index
    %get3A_3 = arith.constant 0 : index
    %get3A_4 = vector.load %arg2[%get3A_2, %get3A_3] : memref<3x64xf32, #tpu.memory_space<vmem>>, vector<3x64xf32>
    %broadcast_in_dim3A = arith.constant 0.000000e+00 : f32
    %broadcast_in_dim3A_5 = vector.broadcast %broadcast_in_dim3A : f32 to vector<5x64xf32>
    %concatenate3A = tpu.concatenate %get3A_4, %broadcast_in_dim3A_5 in 0 : vector<3x64xf32>, vector<5x64xf32> -> vector<8x64xf32>
    %get3A_6 = arith.constant 0 : index
    %get3A_7 = arith.constant 0 : index
    %get3A_8 = vector.load %arg3[%get3A_6, %get3A_7] : memref<1x64xf32, #tpu.memory_space<vmem>>, vector<1x64xf32>
    %div3A = arith.constant 1.00000501 : f32
    %div3A_9 = vector.broadcast %div3A : f32 to vector<1x64xf32>
    %div3A_10 = arith.divf %get3A_8, %div3A_9 : vector<1x64xf32>
    %mul3A = vector.broadcast %div3A_10 : vector<1x64xf32> to vector<8x64xf32>
    %mul3A_11 = arith.mulf %concatenate3A, %mul3A : vector<8x64xf32>
    %convert_element_type3A_12 = arith.truncf %mul3A_11 : vector<8x64xf32> to vector<8x64xbf16>
    %dot_general3A = arith.constant dense<0.000000e+00> : vector<8192x64xf32>
    %dot_general3A_13 = tpu.matmul %convert_element_type3A, %convert_element_type3A_12, %dot_general3A {dimension_numbers = #tpu.dot_dimension_numbers<[1], [0], [0], [1], [0, 0, 1, 1], [], []>, transpose_lhs_hint = false} : vector<8192x8xbf16>, vector<8x64xbf16>, vector<8192x64xf32> -> vector<8192x64xf32>
    %get3A_14 = arith.constant 0 : index
    %get3A_15 = arith.constant 0 : index
    %get3A_16 = vector.load %arg4[%get3A_14, %get3A_15] : memref<1x64xf32, #tpu.memory_space<vmem>>, vector<1x64xf32>
    %add3A = vector.broadcast %get3A_16 : vector<1x64xf32> to vector<8192x64xf32>
    %add3A_17 = arith.addf %dot_general3A_13, %add3A : vector<8192x64xf32>
    %max3A = arith.constant 0.000000e+00 : f32
    %max3A_18 = vector.broadcast %max3A : f32 to vector<8192x64xf32>
    %max3A_19 = arith.maximumf %add3A_17, %max3A_18 : vector<8192x64xf32>
    %get3A_20 = arith.constant 0 : index
    %get3A_21 = arith.constant 0 : index
    %get3A_22 = vector.load %arg5[%get3A_20, %get3A_21] : memref<64x64xf32, #tpu.memory_space<vmem>>, vector<64x64xf32>
    %get3A_23 = arith.constant 0 : index
    %get3A_24 = arith.constant 0 : index
    %get3A_25 = vector.load %arg6[%get3A_23, %get3A_24] : memref<1x64xf32, #tpu.memory_space<vmem>>, vector<1x64xf32>
    %div3A_26 = arith.constant 1.00000501 : f32
    %div3A_27 = vector.broadcast %div3A_26 : f32 to vector<1x64xf32>
    %div3A_28 = arith.divf %get3A_25, %div3A_27 : vector<1x64xf32>
    %mul3A_29 = vector.broadcast %div3A_28 : vector<1x64xf32> to vector<64x64xf32>
    %mul3A_30 = arith.mulf %get3A_22, %mul3A_29 : vector<64x64xf32>
    %convert_element_type3A_31 = arith.truncf %max3A_19 : vector<8192x64xf32> to vector<8192x64xbf16>
    %convert_element_type3A_32 = arith.truncf %mul3A_30 : vector<64x64xf32> to vector<64x64xbf16>
    %dot_general3A_33 = arith.constant dense<0.000000e+00> : vector<8192x64xf32>
    %dot_general3A_34 = tpu.matmul %convert_element_type3A_31, %convert_element_type3A_32, %dot_general3A_33 {dimension_numbers = #tpu.dot_dimension_numbers<[1], [0], [0], [1], [0, 0, 1, 1], [], []>, transpose_lhs_hint = false} : vector<8192x64xbf16>, vector<64x64xbf16>, vector<8192x64xf32> -> vector<8192x64xf32>
    %get3A_35 = arith.constant 0 : index
    %get3A_36 = arith.constant 0 : index
    %get3A_37 = vector.load %arg7[%get3A_35, %get3A_36] : memref<1x64xf32, #tpu.memory_space<vmem>>, vector<1x64xf32>
    %add3A_38 = vector.broadcast %get3A_37 : vector<1x64xf32> to vector<8192x64xf32>
    %add3A_39 = arith.addf %dot_general3A_34, %add3A_38 : vector<8192x64xf32>
    %max3A_40 = arith.constant 0.000000e+00 : f32
    %max3A_41 = vector.broadcast %max3A_40 : f32 to vector<8192x64xf32>
    %max3A_42 = arith.maximumf %add3A_39, %max3A_41 : vector<8192x64xf32>
    %convert_element_type3A_43 = arith.truncf %max3A_42 : vector<8192x64xf32> to vector<8192x64xbf16>
    %get3A_44 = arith.constant 0 : index
    %get3A_45 = arith.constant 0 : index
    %get3A_46 = vector.load %arg8[%get3A_44, %get3A_45] : memref<64x128xf32, #tpu.memory_space<vmem>>, vector<64x128xf32>
    %convert_element_type3A_47 = arith.truncf %get3A_46 : vector<64x128xf32> to vector<64x128xbf16>
    %dot_general3A_48 = arith.constant dense<0.000000e+00> : vector<8192x128xf32>
    %dot_general3A_49 = tpu.matmul %convert_element_type3A_43, %convert_element_type3A_47, %dot_general3A_48 {dimension_numbers = #tpu.dot_dimension_numbers<[1], [0], [0], [1], [0, 0, 1, 1], [], []>, transpose_lhs_hint = false} : vector<8192x64xbf16>, vector<64x128xbf16>, vector<8192x128xf32> -> vector<8192x128xf32>
    %reshape3A = vector.shape_cast %dot_general3A_49 : vector<8192x128xf32> to vector<128x64x128xf32>
    %reduce_max3A = arith.constant dense<0xFF800000> : vector<128x128xf32>
    %reduce_max3A_50 = vector.multi_reduction <maximumf>, %reshape3A, %reduce_max3A [1] : vector<128x64x128xf32> to vector<128x128xf32>
    %get3A_51 = arith.constant 0 : index
    %get3A_52 = arith.constant 0 : index
    %get3A_53 = vector.load %arg9[%get3A_51, %get3A_52] : memref<1x128xf32, #tpu.memory_space<vmem>>, vector<1x128xf32>
    %div3A_54 = arith.constant 1.00000501 : f32
    %div3A_55 = vector.broadcast %div3A_54 : f32 to vector<1x128xf32>
    %div3A_56 = arith.divf %get3A_53, %div3A_55 : vector<1x128xf32>
    %mul3A_57 = vector.broadcast %div3A_56 : vector<1x128xf32> to vector<128x128xf32>
    %mul3A_58 = arith.mulf %reduce_max3A_50, %mul3A_57 : vector<128x128xf32>
    %get3A_59 = arith.constant 0 : index
    %get3A_60 = arith.constant 0 : index
    %get3A_61 = vector.load %arg10[%get3A_59, %get3A_60] : memref<1x128xf32, #tpu.memory_space<vmem>>, vector<1x128xf32>
    %add3A_62 = vector.broadcast %get3A_61 : vector<1x128xf32> to vector<128x128xf32>
    %add3A_63 = arith.addf %mul3A_58, %add3A_62 : vector<128x128xf32>
    %max3A_64 = arith.constant 0.000000e+00 : f32
    %max3A_65 = vector.broadcast %max3A_64 : f32 to vector<128x128xf32>
    %max3A_66 = arith.maximumf %add3A_63, %max3A_65 : vector<128x128xf32>
    %swap3A = arith.constant 0 : index
    %swap3A_67 = arith.constant 0 : index
    %swap3A_68 = vector.load %arg11[%swap3A, %swap3A_67] : memref<128x128xf32, #tpu.memory_space<vmem>>, vector<128x128xf32>
    tpu.vector_store %arg11[%swap3A, %swap3A_67], %max3A_66 {strides = array<i32>} : memref<128x128xf32, #tpu.memory_space<vmem>>, vector<128x128xf32>,
    return
  }
  func.func @transform_0(%arg0: i32) -> (i32, i32) {
    %c0_i32 = arith.constant 0 : i32
    %c0_i32_0 = arith.constant 0 : i32
    return %arg0, %c0_i32 : i32, i32
  }
  func.func @transform_1(%arg0: i32) -> (i32, i32) {
    %c0_i32 = arith.constant 0 : i32
    %c0_i32_0 = arith.constant 0 : i32
    %c0_i32_1 = arith.constant 0 : i32
    return %c0_i32, %c0_i32_0 : i32, i32
  }
  func.func @transform_2(%arg0: i32) -> (i32, i32) {
    %c0_i32 = arith.constant 0 : i32
    %c0_i32_0 = arith.constant 0 : i32
    %c0_i32_1 = arith.constant 0 : i32
    return %c0_i32, %c0_i32_0 : i32, i32
  }
  func.func @transform_3(%arg0: i32) -> (i32, i32) {
    %c0_i32 = arith.constant 0 : i32
    %c0_i32_0 = arith.constant 0 : i32
    %c0_i32_1 = arith.constant 0 : i32
    return %c0_i32, %c0_i32_0 : i32, i32
  }
  func.func @transform_4(%arg0: i32) -> (i32, i32) {
    %c0_i32 = arith.constant 0 : i32
    %c0_i32_0 = arith.constant 0 : i32
    %c0_i32_1 = arith.constant 0 : i32
    return %c0_i32, %c0_i32_0 : i32, i32
  }
  func.func @transform_5(%arg0: i32) -> (i32, i32) {
    %c0_i32 = arith.constant 0 : i32
    %c0_i32_0 = arith.constant 0 : i32
    %c0_i32_1 = arith.constant 0 : i32
    return %c0_i32, %c0_i32_0 : i32, i32
  }
  func.func @transform_6(%arg0: i32) -> (i32, i32) {
    %c0_i32 = arith.constant 0 : i32
    %c0_i32_0 = arith.constant 0 : i32
    %c0_i32_1 = arith.constant 0 : i32
    return %c0_i32, %c0_i32_0 : i32, i32
  }
  func.func @transform_7(%arg0: i32) -> (i32, i32) {
    %c0_i32 = arith.constant 0 : i32
    %c0_i32_0 = arith.constant 0 : i32
    %c0_i32_1 = arith.constant 0 : i32
    return %c0_i32, %c0_i32_0 : i32, i32
  }
  func.func @transform_8(%arg0: i32) -> (i32, i32) {
    %c0_i32 = arith.constant 0 : i32
    %c0_i32_0 = arith.constant 0 : i32
    %c0_i32_1 = arith.constant 0 : i32
    return %c0_i32, %c0_i32_0 : i32, i32
  }
  func.func @transform_9(%arg0: i32) -> (i32, i32) {
    %c0_i32 = arith.constant 0 : i32
    %c0_i32_0 = arith.constant 0 : i32
    %c0_i32_1 = arith.constant 0 : i32
    return %c0_i32, %c0_i32_0 : i32, i32
  }
  func.func @transform_10(%arg0: i32) -> (i32, i32) {
    %c0_i32 = arith.constant 0 : i32
    %c0_i32_0 = arith.constant 0 : i32
    return %arg0, %c0_i32 : i32, i32
  }
}

module attributes {stable_mosaic.version = 14 : i64} {
  func.func @body(%arg0: i32, %arg1: memref<8192x8xf32, #tpu.memory_space<vmem>>, %arg2: memref<8192x128xf32, #tpu.memory_space<vmem>>, %arg3: memref<131x128xf32, #tpu.memory_space<vmem>>, %arg4: memref<1x128xf32, #tpu.memory_space<vmem>>, %arg5: memref<1x128xf32, #tpu.memory_space<vmem>>, %arg6: memref<128x128xf32, #tpu.memory_space<vmem>>, %arg7: memref<1x128xf32, #tpu.memory_space<vmem>>, %arg8: memref<1x128xf32, #tpu.memory_space<vmem>>, %arg9: memref<128x256xf32, #tpu.memory_space<vmem>>, %arg10: memref<1x256xf32, #tpu.memory_space<vmem>>, %arg11: memref<1x256xf32, #tpu.memory_space<vmem>>, %arg12: memref<128x256xf32, #tpu.memory_space<vmem>>) attributes {dimension_semantics = [#tpu.dimension_semantics<arbitrary>], iteration_bounds = array<i64: 32>, scalar_prefetch = 0 : i64, scratch_operands = 0 : i64, tpu.core_type = #tpu.core_type<tc>, window_params = [{transform_indices = @transform_0, window_bounds = array<i64: 8192, 8>}, {transform_indices = @transform_1, window_bounds = array<i64: 8192, 128>}, {pipeline_mode = #tpu.pipeline_mode<synchronous>, transform_indices = @transform_2, window_bounds = array<i64: 131, 128>}, {pipeline_mode = #tpu.pipeline_mode<synchronous>, transform_indices = @transform_3, window_bounds = array<i64: 1, 128>}, {pipeline_mode = #tpu.pipeline_mode<synchronous>, transform_indices = @transform_4, window_bounds = array<i64: 1, 128>}, {pipeline_mode = #tpu.pipeline_mode<synchronous>, transform_indices = @transform_5, window_bounds = array<i64: 128, 128>}, {pipeline_mode = #tpu.pipeline_mode<synchronous>, transform_indices = @transform_6, window_bounds = array<i64: 1, 128>}, {pipeline_mode = #tpu.pipeline_mode<synchronous>, transform_indices = @transform_7, window_bounds = array<i64: 1, 128>}, {pipeline_mode = #tpu.pipeline_mode<synchronous>, transform_indices = @transform_8, window_bounds = array<i64: 128, 256>}, {pipeline_mode = #tpu.pipeline_mode<synchronous>, transform_indices = @transform_9, window_bounds = array<i64: 1, 256>}, {pipeline_mode = #tpu.pipeline_mode<synchronous>, transform_indices = @transform_10, window_bounds = array<i64: 1, 256>}, {transform_indices = @transform_11, window_bounds = array<i64: 128, 256>}]} {
    %get3A = arith.constant 0 : index
    %get3A_0 = arith.constant 0 : index
    %get3A_1 = vector.load %arg1[%get3A, %get3A_0] : memref<8192x8xf32, #tpu.memory_space<vmem>>, vector<8192x8xf32>
    %convert_element_type3A = arith.truncf %get3A_1 : vector<8192x8xf32> to vector<8192x8xbf16>
    %get3A_2 = arith.constant 0 : index
    %get3A_3 = arith.constant 0 : index
    %get3A_4 = vector.load %arg2[%get3A_2, %get3A_3] : memref<8192x128xf32, #tpu.memory_space<vmem>>, vector<8192x128xf32>
    %convert_element_type3A_5 = arith.truncf %get3A_4 : vector<8192x128xf32> to vector<8192x128xbf16>
    %get3A_6 = arith.constant 0 : index
    %get3A_7 = arith.constant 0 : index
    %get3A_8 = vector.load %arg3[%get3A_6, %get3A_7] : memref<131x128xf32, #tpu.memory_space<vmem>>, vector<131x128xf32>
    %get3A_9 = arith.constant 0 : index
    %get3A_10 = arith.constant 0 : index
    %get3A_11 = vector.load %arg4[%get3A_9, %get3A_10] : memref<1x128xf32, #tpu.memory_space<vmem>>, vector<1x128xf32>
    %div3A = arith.constant 1.00000501 : f32
    %div3A_12 = vector.broadcast %div3A : f32 to vector<1x128xf32>
    %div3A_13 = arith.divf %get3A_11, %div3A_12 : vector<1x128xf32>
    %slice3A = vector.extract_strided_slice %get3A_8 {offsets = [0, 0], sizes = [3, 128], strides = [1, 1]} : vector<131x128xf32> to vector<3x128xf32>
    %broadcast_in_dim3A = arith.constant 0.000000e+00 : f32
    %broadcast_in_dim3A_14 = vector.broadcast %broadcast_in_dim3A : f32 to vector<5x128xf32>
    %concatenate3A = tpu.concatenate %slice3A, %broadcast_in_dim3A_14 in 0 : vector<3x128xf32>, vector<5x128xf32> -> vector<8x128xf32>
    %mul3A = vector.broadcast %div3A_13 : vector<1x128xf32> to vector<8x128xf32>
    %mul3A_15 = arith.mulf %concatenate3A, %mul3A : vector<8x128xf32>
    %slice3A_16 = vector.extract_strided_slice %get3A_8 {offsets = [3, 0], sizes = [128, 128], strides = [1, 1]} : vector<131x128xf32> to vector<128x128xf32>
    %mul3A_17 = vector.broadcast %div3A_13 : vector<1x128xf32> to vector<128x128xf32>
    %mul3A_18 = arith.mulf %slice3A_16, %mul3A_17 : vector<128x128xf32>
    %convert_element_type3A_19 = arith.truncf %mul3A_15 : vector<8x128xf32> to vector<8x128xbf16>
    %dot_general3A = arith.constant dense<0.000000e+00> : vector<8192x128xf32>
    %dot_general3A_20 = tpu.matmul %convert_element_type3A, %convert_element_type3A_19, %dot_general3A {dimension_numbers = #tpu.dot_dimension_numbers<[1], [0], [0], [1], [0, 0, 1, 1], [], []>, transpose_lhs_hint = false} : vector<8192x8xbf16>, vector<8x128xbf16>, vector<8192x128xf32> -> vector<8192x128xf32>
    %convert_element_type3A_21 = arith.truncf %mul3A_18 : vector<128x128xf32> to vector<128x128xbf16>
    %dot_general3A_22 = arith.constant dense<0.000000e+00> : vector<8192x128xf32>
    %dot_general3A_23 = tpu.matmul %convert_element_type3A_5, %convert_element_type3A_21, %dot_general3A_22 {dimension_numbers = #tpu.dot_dimension_numbers<[1], [0], [0], [1], [0, 0, 1, 1], [], []>, transpose_lhs_hint = false} : vector<8192x128xbf16>, vector<128x128xbf16>, vector<8192x128xf32> -> vector<8192x128xf32>
    %add3A = arith.addf %dot_general3A_20, %dot_general3A_23 : vector<8192x128xf32>
    %get3A_24 = arith.constant 0 : index
    %get3A_25 = arith.constant 0 : index
    %get3A_26 = vector.load %arg5[%get3A_24, %get3A_25] : memref<1x128xf32, #tpu.memory_space<vmem>>, vector<1x128xf32>
    %add3A_27 = vector.broadcast %get3A_26 : vector<1x128xf32> to vector<8192x128xf32>
    %add3A_28 = arith.addf %add3A, %add3A_27 : vector<8192x128xf32>
    %max3A = arith.constant 0.000000e+00 : f32
    %max3A_29 = vector.broadcast %max3A : f32 to vector<8192x128xf32>
    %max3A_30 = arith.maximumf %add3A_28, %max3A_29 : vector<8192x128xf32>
    %get3A_31 = arith.constant 0 : index
    %get3A_32 = arith.constant 0 : index
    %get3A_33 = vector.load %arg6[%get3A_31, %get3A_32] : memref<128x128xf32, #tpu.memory_space<vmem>>, vector<128x128xf32>
    %get3A_34 = arith.constant 0 : index
    %get3A_35 = arith.constant 0 : index
    %get3A_36 = vector.load %arg7[%get3A_34, %get3A_35] : memref<1x128xf32, #tpu.memory_space<vmem>>, vector<1x128xf32>
    %div3A_37 = arith.constant 1.00000501 : f32
    %div3A_38 = vector.broadcast %div3A_37 : f32 to vector<1x128xf32>
    %div3A_39 = arith.divf %get3A_36, %div3A_38 : vector<1x128xf32>
    %mul3A_40 = vector.broadcast %div3A_39 : vector<1x128xf32> to vector<128x128xf32>
    %mul3A_41 = arith.mulf %get3A_33, %mul3A_40 : vector<128x128xf32>
    %convert_element_type3A_42 = arith.truncf %max3A_30 : vector<8192x128xf32> to vector<8192x128xbf16>
    %convert_element_type3A_43 = arith.truncf %mul3A_41 : vector<128x128xf32> to vector<128x128xbf16>
    %dot_general3A_44 = arith.constant dense<0.000000e+00> : vector<8192x128xf32>
    %dot_general3A_45 = tpu.matmul %convert_element_type3A_42, %convert_element_type3A_43, %dot_general3A_44 {dimension_numbers = #tpu.dot_dimension_numbers<[1], [0], [0], [1], [0, 0, 1, 1], [], []>, transpose_lhs_hint = false} : vector<8192x128xbf16>, vector<128x128xbf16>, vector<8192x128xf32> -> vector<8192x128xf32>
    %get3A_46 = arith.constant 0 : index
    %get3A_47 = arith.constant 0 : index
    %get3A_48 = vector.load %arg8[%get3A_46, %get3A_47] : memref<1x128xf32, #tpu.memory_space<vmem>>, vector<1x128xf32>
    %add3A_49 = vector.broadcast %get3A_48 : vector<1x128xf32> to vector<8192x128xf32>
    %add3A_50 = arith.addf %dot_general3A_45, %add3A_49 : vector<8192x128xf32>
    %max3A_51 = arith.constant 0.000000e+00 : f32
    %max3A_52 = vector.broadcast %max3A_51 : f32 to vector<8192x128xf32>
    %max3A_53 = arith.maximumf %add3A_50, %max3A_52 : vector<8192x128xf32>
    %convert_element_type3A_54 = arith.truncf %max3A_53 : vector<8192x128xf32> to vector<8192x128xbf16>
    %get3A_55 = arith.constant 0 : index
    %get3A_56 = arith.constant 0 : index
    %get3A_57 = vector.load %arg9[%get3A_55, %get3A_56] : memref<128x256xf32, #tpu.memory_space<vmem>>, vector<128x256xf32>
    %convert_element_type3A_58 = arith.truncf %get3A_57 : vector<128x256xf32> to vector<128x256xbf16>
    %dot_general3A_59 = arith.constant dense<0.000000e+00> : vector<8192x256xf32>
    %dot_general3A_60 = tpu.matmul %convert_element_type3A_54, %convert_element_type3A_58, %dot_general3A_59 {dimension_numbers = #tpu.dot_dimension_numbers<[1], [0], [0], [1], [0, 0, 1, 1], [], []>, transpose_lhs_hint = false} : vector<8192x128xbf16>, vector<128x256xbf16>, vector<8192x256xf32> -> vector<8192x256xf32>
    %reshape3A = vector.shape_cast %dot_general3A_60 : vector<8192x256xf32> to vector<128x64x256xf32>
    %reduce_max3A = arith.constant dense<0xFF800000> : vector<128x256xf32>
    %reduce_max3A_61 = vector.multi_reduction <maximumf>, %reshape3A, %reduce_max3A [1] : vector<128x64x256xf32> to vector<128x256xf32>
    %get3A_62 = arith.constant 0 : index
    %get3A_63 = arith.constant 0 : index
    %get3A_64 = vector.load %arg10[%get3A_62, %get3A_63] : memref<1x256xf32, #tpu.memory_space<vmem>>, vector<1x256xf32>
    %div3A_65 = arith.constant 1.00000501 : f32
    %div3A_66 = vector.broadcast %div3A_65 : f32 to vector<1x256xf32>
    %div3A_67 = arith.divf %get3A_64, %div3A_66 : vector<1x256xf32>
    %mul3A_68 = vector.broadcast %div3A_67 : vector<1x256xf32> to vector<128x256xf32>
    %mul3A_69 = arith.mulf %reduce_max3A_61, %mul3A_68 : vector<128x256xf32>
    %get3A_70 = arith.constant 0 : index
    %get3A_71 = arith.constant 0 : index
    %get3A_72 = vector.load %arg11[%get3A_70, %get3A_71] : memref<1x256xf32, #tpu.memory_space<vmem>>, vector<1x256xf32>
    %add3A_73 = vector.broadcast %get3A_72 : vector<1x256xf32> to vector<128x256xf32>
    %add3A_74 = arith.addf %mul3A_69, %add3A_73 : vector<128x256xf32>
    %max3A_75 = arith.constant 0.000000e+00 : f32
    %max3A_76 = vector.broadcast %max3A_75 : f32 to vector<128x256xf32>
    %max3A_77 = arith.maximumf %add3A_74, %max3A_76 : vector<128x256xf32>
    %swap3A = arith.constant 0 : index
    %swap3A_78 = arith.constant 0 : index
    %swap3A_79 = vector.load %arg12[%swap3A, %swap3A_78] : memref<128x256xf32, #tpu.memory_space<vmem>>, vector<128x256xf32>
    tpu.vector_store %arg12[%swap3A, %swap3A_78], %max3A_77 {strides = array<i32>} : memref<128x256xf32, #tpu.memory_space<vmem>>, vector<128x256xf32>,
    return
  }
  func.func @transform_0(%arg0: i32) -> (i32, i32) {
    %c0_i32 = arith.constant 0 : i32
    %c0_i32_0 = arith.constant 0 : i32
    return %arg0, %c0_i32 : i32, i32
  }
  func.func @transform_1(%arg0: i32) -> (i32, i32) {
    %c0_i32 = arith.constant 0 : i32
    %c0_i32_0 = arith.constant 0 : i32
    return %arg0, %c0_i32 : i32, i32
  }
  func.func @transform_2(%arg0: i32) -> (i32, i32) {
    %c0_i32 = arith.constant 0 : i32
    %c0_i32_0 = arith.constant 0 : i32
    %c0_i32_1 = arith.constant 0 : i32
    return %c0_i32, %c0_i32_0 : i32, i32
  }
  func.func @transform_3(%arg0: i32) -> (i32, i32) {
    %c0_i32 = arith.constant 0 : i32
    %c0_i32_0 = arith.constant 0 : i32
    %c0_i32_1 = arith.constant 0 : i32
    return %c0_i32, %c0_i32_0 : i32, i32
  }
  func.func @transform_4(%arg0: i32) -> (i32, i32) {
    %c0_i32 = arith.constant 0 : i32
    %c0_i32_0 = arith.constant 0 : i32
    %c0_i32_1 = arith.constant 0 : i32
    return %c0_i32, %c0_i32_0 : i32, i32
  }
  func.func @transform_5(%arg0: i32) -> (i32, i32) {
    %c0_i32 = arith.constant 0 : i32
    %c0_i32_0 = arith.constant 0 : i32
    %c0_i32_1 = arith.constant 0 : i32
    return %c0_i32, %c0_i32_0 : i32, i32
  }
  func.func @transform_6(%arg0: i32) -> (i32, i32) {
    %c0_i32 = arith.constant 0 : i32
    %c0_i32_0 = arith.constant 0 : i32
    %c0_i32_1 = arith.constant 0 : i32
    return %c0_i32, %c0_i32_0 : i32, i32
  }
  func.func @transform_7(%arg0: i32) -> (i32, i32) {
    %c0_i32 = arith.constant 0 : i32
    %c0_i32_0 = arith.constant 0 : i32
    %c0_i32_1 = arith.constant 0 : i32
    return %c0_i32, %c0_i32_0 : i32, i32
  }
  func.func @transform_8(%arg0: i32) -> (i32, i32) {
    %c0_i32 = arith.constant 0 : i32
    %c0_i32_0 = arith.constant 0 : i32
    %c0_i32_1 = arith.constant 0 : i32
    return %c0_i32, %c0_i32_0 : i32, i32
  }
  func.func @transform_9(%arg0: i32) -> (i32, i32) {
    %c0_i32 = arith.constant 0 : i32
    %c0_i32_0 = arith.constant 0 : i32
    %c0_i32_1 = arith.constant 0 : i32
    return %c0_i32, %c0_i32_0 : i32, i32
  }
  func.func @transform_10(%arg0: i32) -> (i32, i32) {
    %c0_i32 = arith.constant 0 : i32
    %c0_i32_0 = arith.constant 0 : i32
    %c0_i32_1 = arith.constant 0 : i32
    return %c0_i32, %c0_i32_0 : i32, i32
  }
  func.func @transform_11(%arg0: i32) -> (i32, i32) {
    %c0_i32 = arith.constant 0 : i32
    %c0_i32_0 = arith.constant 0 : i32
    return %arg0, %c0_i32 : i32, i32
  }
}

module attributes {stable_mosaic.version = 14 : i64} {
  func.func @body(%arg0: memref<4096x8xf32, #tpu.memory_space<vmem>>, %arg1: memref<4096x256xf32, #tpu.memory_space<vmem>>, %arg2: memref<259x256xf32, #tpu.memory_space<vmem>>, %arg3: memref<1x256xf32, #tpu.memory_space<vmem>>, %arg4: memref<1x256xf32, #tpu.memory_space<vmem>>, %arg5: memref<256x512xf32, #tpu.memory_space<vmem>>, %arg6: memref<1x512xf32, #tpu.memory_space<vmem>>, %arg7: memref<1x512xf32, #tpu.memory_space<vmem>>, %arg8: memref<512x1024xf32, #tpu.memory_space<vmem>>, %arg9: memref<1x1024xf32, #tpu.memory_space<vmem>>, %arg10: memref<1x1024xf32, #tpu.memory_space<vmem>>, %arg11: memref<1024x512xf32, #tpu.memory_space<vmem>>, %arg12: memref<1x512xf32, #tpu.memory_space<vmem>>, %arg13: memref<1x512xf32, #tpu.memory_space<vmem>>, %arg14: memref<512x256xf32, #tpu.memory_space<vmem>>, %arg15: memref<1x256xf32, #tpu.memory_space<vmem>>, %arg16: memref<1x256xf32, #tpu.memory_space<vmem>>, %arg17: memref<256x40xf32, #tpu.memory_space<vmem>>, %arg18: memref<1x40xf32, #tpu.memory_space<vmem>>, %arg19: memref<32x40xf32, #tpu.memory_space<vmem>>) attributes {dimension_semantics = [], scalar_prefetch = 0 : i64, scratch_operands = 0 : i64, tpu.core_type = #tpu.core_type<tc>} {
    %get3A = arith.constant 0 : index
    %get3A_0 = arith.constant 0 : index
    %get3A_1 = vector.load %arg0[%get3A, %get3A_0] : memref<4096x8xf32, #tpu.memory_space<vmem>>, vector<4096x8xf32>
    %get3A_2 = arith.constant 0 : index
    %get3A_3 = arith.constant 0 : index
    %get3A_4 = vector.load %arg1[%get3A_2, %get3A_3] : memref<4096x256xf32, #tpu.memory_space<vmem>>, vector<4096x256xf32>
    %get3A_5 = arith.constant 0 : index
    %get3A_6 = arith.constant 0 : index
    %get3A_7 = vector.load %arg2[%get3A_5, %get3A_6] : memref<259x256xf32, #tpu.memory_space<vmem>>, vector<259x256xf32>
    %slice3A = vector.extract_strided_slice %get3A_7 {offsets = [0, 0], sizes = [3, 256], strides = [1, 1]} : vector<259x256xf32> to vector<3x256xf32>
    %broadcast_in_dim3A = arith.constant 0.000000e+00 : f32
    %broadcast_in_dim3A_8 = vector.broadcast %broadcast_in_dim3A : f32 to vector<5x256xf32>
    %concatenate3A = tpu.concatenate %slice3A, %broadcast_in_dim3A_8 in 0 : vector<3x256xf32>, vector<5x256xf32> -> vector<8x256xf32>
    %slice3A_9 = vector.extract_strided_slice %get3A_7 {offsets = [3, 0], sizes = [256, 256], strides = [1, 1]} : vector<259x256xf32> to vector<256x256xf32>
    %dot_general3A = arith.constant dense<0.000000e+00> : vector<4096x256xf32>
    %dot_general3A_10 = tpu.matmul %get3A_1, %concatenate3A, %dot_general3A {dimension_numbers = #tpu.dot_dimension_numbers<[1], [0], [0], [1], [0, 0, 1, 1], [], []>, transpose_lhs_hint = false} : vector<4096x8xf32>, vector<8x256xf32>, vector<4096x256xf32> -> vector<4096x256xf32>
    %dot_general3A_11 = arith.constant dense<0.000000e+00> : vector<4096x256xf32>
    %dot_general3A_12 = tpu.matmul %get3A_4, %slice3A_9, %dot_general3A_11 {dimension_numbers = #tpu.dot_dimension_numbers<[1], [0], [0], [1], [0, 0, 1, 1], [], []>, transpose_lhs_hint = false} : vector<4096x256xf32>, vector<256x256xf32>, vector<4096x256xf32> -> vector<4096x256xf32>
    %add3A = arith.addf %dot_general3A_10, %dot_general3A_12 : vector<4096x256xf32>
    %get3A_13 = arith.constant 0 : index
    %get3A_14 = arith.constant 0 : index
    %get3A_15 = vector.load %arg3[%get3A_13, %get3A_14] : memref<1x256xf32, #tpu.memory_space<vmem>>, vector<1x256xf32>
    %div3A = arith.constant 1.00000501 : f32
    %div3A_16 = vector.broadcast %div3A : f32 to vector<1x256xf32>
    %div3A_17 = arith.divf %get3A_15, %div3A_16 : vector<1x256xf32>
    %mul3A = vector.broadcast %div3A_17 : vector<1x256xf32> to vector<4096x256xf32>
    %mul3A_18 = arith.mulf %add3A, %mul3A : vector<4096x256xf32>
    %get3A_19 = arith.constant 0 : index
    %get3A_20 = arith.constant 0 : index
    %get3A_21 = vector.load %arg4[%get3A_19, %get3A_20] : memref<1x256xf32, #tpu.memory_space<vmem>>, vector<1x256xf32>
    %add3A_22 = vector.broadcast %get3A_21 : vector<1x256xf32> to vector<4096x256xf32>
    %add3A_23 = arith.addf %mul3A_18, %add3A_22 : vector<4096x256xf32>
    %max3A = arith.constant 0.000000e+00 : f32
    %max3A_24 = vector.broadcast %max3A : f32 to vector<4096x256xf32>
    %max3A_25 = arith.maximumf %add3A_23, %max3A_24 : vector<4096x256xf32>
    %get3A_26 = arith.constant 0 : index
    %get3A_27 = arith.constant 0 : index
    %get3A_28 = vector.load %arg5[%get3A_26, %get3A_27] : memref<256x512xf32, #tpu.memory_space<vmem>>, vector<256x512xf32>
    %dot_general3A_29 = arith.constant dense<0.000000e+00> : vector<4096x512xf32>
    %dot_general3A_30 = tpu.matmul %max3A_25, %get3A_28, %dot_general3A_29 {dimension_numbers = #tpu.dot_dimension_numbers<[1], [0], [0], [1], [0, 0, 1, 1], [], []>, transpose_lhs_hint = false} : vector<4096x256xf32>, vector<256x512xf32>, vector<4096x512xf32> -> vector<4096x512xf32>
    %get3A_31 = arith.constant 0 : index
    %get3A_32 = arith.constant 0 : index
    %get3A_33 = vector.load %arg6[%get3A_31, %get3A_32] : memref<1x512xf32, #tpu.memory_space<vmem>>, vector<1x512xf32>
    %div3A_34 = arith.constant 1.00000501 : f32
    %div3A_35 = vector.broadcast %div3A_34 : f32 to vector<1x512xf32>
    %div3A_36 = arith.divf %get3A_33, %div3A_35 : vector<1x512xf32>
    %mul3A_37 = vector.broadcast %div3A_36 : vector<1x512xf32> to vector<4096x512xf32>
    %mul3A_38 = arith.mulf %dot_general3A_30, %mul3A_37 : vector<4096x512xf32>
    %get3A_39 = arith.constant 0 : index
    %get3A_40 = arith.constant 0 : index
    %get3A_41 = vector.load %arg7[%get3A_39, %get3A_40] : memref<1x512xf32, #tpu.memory_space<vmem>>, vector<1x512xf32>
    %add3A_42 = vector.broadcast %get3A_41 : vector<1x512xf32> to vector<4096x512xf32>
    %add3A_43 = arith.addf %mul3A_38, %add3A_42 : vector<4096x512xf32>
    %max3A_44 = arith.constant 0.000000e+00 : f32
    %max3A_45 = vector.broadcast %max3A_44 : f32 to vector<4096x512xf32>
    %max3A_46 = arith.maximumf %add3A_43, %max3A_45 : vector<4096x512xf32>
    %get3A_47 = arith.constant 0 : index
    %get3A_48 = arith.constant 0 : index
    %get3A_49 = vector.load %arg8[%get3A_47, %get3A_48] : memref<512x1024xf32, #tpu.memory_space<vmem>>, vector<512x1024xf32>
    %dot_general3A_50 = arith.constant dense<0.000000e+00> : vector<4096x1024xf32>
    %dot_general3A_51 = tpu.matmul %max3A_46, %get3A_49, %dot_general3A_50 {dimension_numbers = #tpu.dot_dimension_numbers<[1], [0], [0], [1], [0, 0, 1, 1], [], []>, transpose_lhs_hint = false} : vector<4096x512xf32>, vector<512x1024xf32>, vector<4096x1024xf32> -> vector<4096x1024xf32>
    %get3A_52 = arith.constant 0 : index
    %get3A_53 = arith.constant 0 : index
    %get3A_54 = vector.load %arg9[%get3A_52, %get3A_53] : memref<1x1024xf32, #tpu.memory_space<vmem>>, vector<1x1024xf32>
    %div3A_55 = arith.constant 1.00000501 : f32
    %div3A_56 = vector.broadcast %div3A_55 : f32 to vector<1x1024xf32>
    %div3A_57 = arith.divf %get3A_54, %div3A_56 : vector<1x1024xf32>
    %mul3A_58 = vector.broadcast %div3A_57 : vector<1x1024xf32> to vector<4096x1024xf32>
    %mul3A_59 = arith.mulf %dot_general3A_51, %mul3A_58 : vector<4096x1024xf32>
    %get3A_60 = arith.constant 0 : index
    %get3A_61 = arith.constant 0 : index
    %get3A_62 = vector.load %arg10[%get3A_60, %get3A_61] : memref<1x1024xf32, #tpu.memory_space<vmem>>, vector<1x1024xf32>
    %add3A_63 = vector.broadcast %get3A_62 : vector<1x1024xf32> to vector<4096x1024xf32>
    %add3A_64 = arith.addf %mul3A_59, %add3A_63 : vector<4096x1024xf32>
    %max3A_65 = arith.constant 0.000000e+00 : f32
    %max3A_66 = vector.broadcast %max3A_65 : f32 to vector<4096x1024xf32>
    %max3A_67 = arith.maximumf %add3A_64, %max3A_66 : vector<4096x1024xf32>
    %reshape3A = vector.shape_cast %max3A_67 : vector<4096x1024xf32> to vector<32x128x1024xf32>
    %reduce_max3A = arith.constant dense<0xFF800000> : vector<32x1024xf32>
    %reduce_max3A_68 = vector.multi_reduction <maximumf>, %reshape3A, %reduce_max3A [1] : vector<32x128x1024xf32> to vector<32x1024xf32>
    %get3A_69 = arith.constant 0 : index
    %get3A_70 = arith.constant 0 : index
    %get3A_71 = vector.load %arg11[%get3A_69, %get3A_70] : memref<1024x512xf32, #tpu.memory_space<vmem>>, vector<1024x512xf32>
    %dot_general3A_72 = arith.constant dense<0.000000e+00> : vector<32x512xf32>
    %dot_general3A_73 = tpu.matmul %reduce_max3A_68, %get3A_71, %dot_general3A_72 {dimension_numbers = #tpu.dot_dimension_numbers<[1], [0], [0], [1], [0, 0, 1, 1], [], []>, transpose_lhs_hint = false} : vector<32x1024xf32>, vector<1024x512xf32>, vector<32x512xf32> -> vector<32x512xf32>
    %get3A_74 = arith.constant 0 : index
    %get3A_75 = arith.constant 0 : index
    %get3A_76 = vector.load %arg12[%get3A_74, %get3A_75] : memref<1x512xf32, #tpu.memory_space<vmem>>, vector<1x512xf32>
    %div3A_77 = arith.constant 1.00000501 : f32
    %div3A_78 = vector.broadcast %div3A_77 : f32 to vector<1x512xf32>
    %div3A_79 = arith.divf %get3A_76, %div3A_78 : vector<1x512xf32>
    %mul3A_80 = vector.broadcast %div3A_79 : vector<1x512xf32> to vector<32x512xf32>
    %mul3A_81 = arith.mulf %dot_general3A_73, %mul3A_80 : vector<32x512xf32>
    %get3A_82 = arith.constant 0 : index
    %get3A_83 = arith.constant 0 : index
    %get3A_84 = vector.load %arg13[%get3A_82, %get3A_83] : memref<1x512xf32, #tpu.memory_space<vmem>>, vector<1x512xf32>
    %add3A_85 = vector.broadcast %get3A_84 : vector<1x512xf32> to vector<32x512xf32>
    %add3A_86 = arith.addf %mul3A_81, %add3A_85 : vector<32x512xf32>
    %max3A_87 = arith.constant 0.000000e+00 : f32
    %max3A_88 = vector.broadcast %max3A_87 : f32 to vector<32x512xf32>
    %max3A_89 = arith.maximumf %add3A_86, %max3A_88 : vector<32x512xf32>
    %get3A_90 = arith.constant 0 : index
    %get3A_91 = arith.constant 0 : index
    %get3A_92 = vector.load %arg14[%get3A_90, %get3A_91] : memref<512x256xf32, #tpu.memory_space<vmem>>, vector<512x256xf32>
    %dot_general3A_93 = arith.constant dense<0.000000e+00> : vector<32x256xf32>
    %dot_general3A_94 = tpu.matmul %max3A_89, %get3A_92, %dot_general3A_93 {dimension_numbers = #tpu.dot_dimension_numbers<[1], [0], [0], [1], [0, 0, 1, 1], [], []>, transpose_lhs_hint = false} : vector<32x512xf32>, vector<512x256xf32>, vector<32x256xf32> -> vector<32x256xf32>
    %get3A_95 = arith.constant 0 : index
    %get3A_96 = arith.constant 0 : index
    %get3A_97 = vector.load %arg15[%get3A_95, %get3A_96] : memref<1x256xf32, #tpu.memory_space<vmem>>, vector<1x256xf32>
    %div3A_98 = arith.constant 1.00000501 : f32
    %div3A_99 = vector.broadcast %div3A_98 : f32 to vector<1x256xf32>
    %div3A_100 = arith.divf %get3A_97, %div3A_99 : vector<1x256xf32>
    %mul3A_101 = vector.broadcast %div3A_100 : vector<1x256xf32> to vector<32x256xf32>
    %mul3A_102 = arith.mulf %dot_general3A_94, %mul3A_101 : vector<32x256xf32>
    %get3A_103 = arith.constant 0 : index
    %get3A_104 = arith.constant 0 : index
    %get3A_105 = vector.load %arg16[%get3A_103, %get3A_104] : memref<1x256xf32, #tpu.memory_space<vmem>>, vector<1x256xf32>
    %add3A_106 = vector.broadcast %get3A_105 : vector<1x256xf32> to vector<32x256xf32>
    %add3A_107 = arith.addf %mul3A_102, %add3A_106 : vector<32x256xf32>
    %max3A_108 = arith.constant 0.000000e+00 : f32
    %max3A_109 = vector.broadcast %max3A_108 : f32 to vector<32x256xf32>
    %max3A_110 = arith.maximumf %add3A_107, %max3A_109 : vector<32x256xf32>
    %get3A_111 = arith.constant 0 : index
    %get3A_112 = arith.constant 0 : index
    %get3A_113 = vector.load %arg17[%get3A_111, %get3A_112] : memref<256x40xf32, #tpu.memory_space<vmem>>, vector<256x40xf32>
    %dot_general3A_114 = arith.constant dense<0.000000e+00> : vector<32x40xf32>
    %dot_general3A_115 = tpu.matmul %max3A_110, %get3A_113, %dot_general3A_114 {dimension_numbers = #tpu.dot_dimension_numbers<[1], [0], [0], [1], [0, 0, 1, 1], [], []>, transpose_lhs_hint = false} : vector<32x256xf32>, vector<256x40xf32>, vector<32x40xf32> -> vector<32x40xf32>
    %get3A_116 = arith.constant 0 : index
    %get3A_117 = arith.constant 0 : index
    %get3A_118 = vector.load %arg18[%get3A_116, %get3A_117] : memref<1x40xf32, #tpu.memory_space<vmem>>, vector<1x40xf32>
    %add3A_119 = vector.broadcast %get3A_118 : vector<1x40xf32> to vector<32x40xf32>
    %add3A_120 = arith.addf %dot_general3A_115, %add3A_119 : vector<32x40xf32>
    %swap3A = arith.constant 0 : index
    %swap3A_121 = arith.constant 0 : index
    %swap3A_122 = vector.load %arg19[%swap3A, %swap3A_121] : memref<32x40xf32, #tpu.memory_space<vmem>>, vector<32x40xf32>
    tpu.vector_store %arg19[%swap3A, %swap3A_121], %add3A_120 {strides = array<i32>} : memref<32x40xf32, #tpu.memory_space<vmem>>, vector<32x40xf32>,
    return
  }
}

</mosaic_0001>

<sc_bundles>
// kernel: kernel.12.cloned.1.call-start
scs
__scs_entry_jumppad:
0x0: {  	(pc) =	sbr.rel $0x88, $3  }
0x1: {  	(tag) =	ssettag $0x0;
	lr =	simm.s32 $0x1  }
0x2: {  	[smem:$0x3F7D] =	sst lr;
	_ =	strace $0xD0000000  }
0x3: {  	_ = 	snop  }
0x4: {  	_ = 	snop  }
0x5: {  	_ = 	snop  }
0x6: {  	_ = 	snop  }
0x7: {  	_ = 	snop  }
__scs_overlays_trampoline_lowered:
0x8: {  	[smem:$0x3F8C] =	sst s0  }
0x9: {  	[smem:$0x3F8D] =	sst s1  }
0xa: {  	[smem:$0x3F8E] =	sst s2  }
0xb: {  	[smem:$0x3F8F] =	sst s3  }
0xc: {  	[smem:$0x3F90] =	sst s4  }
0xd: {  	[smem:$0x3F91] =	sst s5  }
0xe: {  	[smem:$0x3F92] =	sst s6  }
0xf: {  	[smem:$0x3F93] =	sst s7  }
0x10: {  	[smem:$0x3F94] =	sst s8  }
0x11: {  	[smem:$0x3F95] =	sst s9;
	s0 =	simm.s32 @!p0 $0x0  }
0x12: {  	s1 =	sld [smem:$0x3F7B];
	s0 =	simm.s32 @p0 $0x1  }
0x13: {  	[smem:$0x3F96] =	sst s0;
	s0 =	simm.s32 @!p1 $0x0  }
0x14: {  	s2 =	sld [smem:$0x3F7A];
	s0 =	simm.s32 @p1 $0x1  }
0x15: {  	[smem:$0x3F97] =	sst s0;
	s0 =	simm.s32 @!p2 $0x0  }
0x16: {  	s3 =	sld [smem:$0x3FDB];
	s0 =	simm.s32 @p2 $0x1  }
0x17: {  	s4 =	simm.s32 $0x1BF5;
	[smem:$0x3F99] =	sst s0  }
0x18: {  	s0 =	sld [smem:$0x3F7C];
	_ =	swait.ge [sflag:s4], $0x0  }
0x19: {  	s7 =	sld [smem:$0x3F7D]  }
0x1a: {  	s8 =	sadd.s32 $0xFFFFE003, lr  }
0x1b: {  	s9 =	sadd.s32 $0xFFFFFEF7, lr;
	s5 =	simm.s32 $0xFFFFFFFF;
	p2 =	slt.u32 s8, $0xFFFFF086  }
0x1c: {  	p1 =	slt.u32 s9, $0xF7A;
	s5 =	simm.s32 @!p2 $0x0  }
0x1d: {  	s5 =	simm.s32 @p1 $0x1;
	p0 =	seq.s32 s7, s2  }
0x1e: {  	s7 =	smul.u32 @!p0 $0xF7A, s2;
	p2 =	seq.s32 @!p0 s5, $0x0  }
0x1f: {  	s9 =	smul.u32 $0xF7A, s1;
	s8 =	simm.s32 @!p0 $0x1BF5;
	p2 =	por !p2, p0  }
0x20: {  	[sflag:s8] =	ssyncset.s32 @!p0 $0xFFFFF086;
	s6 =	sadd.s32 @!p0 s3, s7;
	s7 =	simm.s32 @!p0 $0x108  }
0x21: {  	s3 =	sadd.s32 s3, s9;
	s6 =	sadd.s32 @!p0 $0x88, s6;
	s7 =	simm.s32 @p2 $0x1082  }
0x22: {  	[simem:s7], [sflag:s8] =	dma.local @!p0 [hbm:s6], $0xF7A  }
0x23: {  	s9 =	sor.u32 $0xD0000000, s2;
	s6 =	simm.s32 $0x108;
	_ =	swait.ge @!p0 [sflag:s8], $0x0  }
0x24: {  	s3 =	sadd.s32 $0x88, s3;
	s6 =	simm.s32 @!p1 $0x1082;
	[sflag:s4] =	ssyncset.s32 $0xFFFFF086  }
0x25: {  	[simem:s6], [sflag:s4] =	dma.local [hbm:s3], $0xF7A  }
0x26: {  	[smem:$0x3F7D] =	sst s1;
	(tag) =	ssettag s2;
	_ =	strace s9  }
0x27: {  	s1 =	sld [smem:$0x3F8D]  }
0x28: {  	s2 =	sld [smem:$0x3F8E]  }
0x29: {  	s4 =	sld [smem:$0x3F90]  }
0x2a: {  	p0 =	seq.s32 s5, $0x0;
	s5 =	sld [smem:$0x3F91]  }
0x2b: {  	s6 =	sld [smem:$0x3F92]  }
0x2c: {  	s7 =	sld [smem:$0x3F93]  }
0x2d: {  	s3 =	simm.s32 $0x108;
	s8 =	sld [smem:$0x3F94]  }
0x2e: {  	s3 =	simm.s32 @!p0 $0x1082;
	s9 =	sld [smem:$0x3F95]  }
0x2f: {  	lr =	sadd.s32 s0, s3;
	s0 =	sld [smem:$0x3F8C]  }
0x30: {  	s3 =	sld [smem:$0x3F8F]  }
0x31: {  	[smem:$0x3F98] =	sst s10  }
0x32: {  	s10 =	sld [smem:$0x3F96];
	_ =	sdelay $0x3  }
0x33: {  	p0 =	seq.s32 s10, $0x1;
	s10 =	sld [smem:$0x3F98];
	_ =	sdelay $0x3  }
0x34: {  	[smem:$0x3F98] =	sst s10  }
0x35: {  	s10 =	sld [smem:$0x3F97];
	_ =	sdelay $0x3  }
0x36: {  	p1 =	seq.s32 s10, $0x1;
	s10 =	sld [smem:$0x3F98];
	_ =	sdelay $0x3  }
0x37: {  	[smem:$0x3F98] =	sst s10  }
0x38: {  	s10 =	sld [smem:$0x3F99]  }
0x39: {  	_ = 	snop;
	(pc) =	sbr.ind lr, $3  }
0x3a: {  	_ = 	snop  }
0x3b: {  	_ = 	snop  }
0x3c: {  	p2 =	seq.s32 s10, $0x1;
	s10 =	sld [smem:$0x3F98]  }
0x3d: {  	_ =	shalt  }
0x3e: {  	_ =	shalt  }
0x3f: {  	_ =	shalt  }
0x40: {  	_ =	shalt  }
0x41: {  	_ =	shalt  }
0x42: {  	_ =	shalt  }
0x43: {  	_ =	shalt  }
0x44: {  	_ =	shalt  }
0x45: {  	_ =	shalt  }
0x46: {  	_ =	shalt  }
0x47: {  	_ =	shalt  }
0x48: {  	_ =	shalt  }
0x49: {  	_ =	shalt  }
0x4a: {  	_ =	shalt  }
0x4b: {  	_ =	shalt  }
0x4c: {  	_ =	shalt  }
0x4d: {  	_ =	shalt  }
0x4e: {  	_ =	shalt  }
0x4f: {  	_ =	shalt  }
0x50: {  	_ =	shalt  }
0x51: {  	_ =	shalt  }
0x52: {  	_ =	shalt  }
0x53: {  	_ =	shalt  }
0x54: {  	_ =	shalt  }
0x55: {  	_ =	shalt  }
0x56: {  	_ =	shalt  }
0x57: {  	_ =	shalt  }
0x58: {  	_ =	shalt  }
0x59: {  	_ =	shalt  }
0x5a: {  	_ =	shalt  }
0x5b: {  	_ =	shalt  }
0x5c: {  	_ =	shalt  }
0x5d: {  	_ =	shalt  }
0x5e: {  	_ =	shalt  }
0x5f: {  	_ =	shalt  }
0x60: {  	_ =	shalt  }
0x61: {  	_ =	shalt  }
0x62: {  	_ =	shalt  }
0x63: {  	_ =	shalt  }
0x64: {  	_ =	shalt  }
0x65: {  	_ =	shalt  }
0x66: {  	_ =	shalt  }
0x67: {  	_ =	shalt  }
0x68: {  	_ =	shalt  }
0x69: {  	_ =	shalt  }
0x6a: {  	_ =	shalt  }
0x6b: {  	_ =	shalt  }
0x6c: {  	_ =	shalt  }
0x6d: {  	_ =	shalt  }
0x6e: {  	_ =	shalt  }
0x6f: {  	_ =	shalt  }
0x70: {  	_ =	shalt  }
0x71: {  	_ =	shalt  }
0x72: {  	_ =	shalt  }
0x73: {  	_ =	shalt  }
0x74: {  	_ =	shalt  }
0x75: {  	_ =	shalt  }
0x76: {  	_ =	shalt  }
0x77: {  	_ =	shalt  }
0x78: {  	_ =	shalt  }
0x79: {  	_ =	shalt  }
0x7a: {  	_ =	shalt  }
0x7b: {  	_ =	shalt  }
0x7c: {  	_ =	shalt  }
0x7d: {  	_ =	shalt  }
0x7e: {  	_ =	shalt  }
0x7f: {  	_ =	shalt  }
0x80: {  	_ =	shalt  }
0x81: {  	_ =	shalt  }
0x82: {  	_ =	shalt  }
0x83: {  	_ =	shalt  }
0x84: {  	_ =	shalt  }
0x85: {  	_ =	shalt  }
0x86: {  	_ =	shalt  }
0x87: {  	_ =	shalt  }
.Lfunc_end0:
.L_simem_size_0:
called_computation.1_lowered:
.L_overlay_start_0:
0x88: {  	s2 =	sld [smem:$0x3FD9]  }
0x89: {  	s3 =	sld [smem:$0x3FFE];
	_ =	sdelay $0x1  }
0x8a: {  	s1 =	srdreg.scid  }
0x8b: {  	s0 =	sand.u32 $0x1, s1  }
0x8c: {  	s17 =	sshll.u32 s0, $0xA;
	s2 =	sadd.s32 s3, s2  }
0x8d: {  	s2 =	sadd.s32 s2, s17  }
0x8e: {  	[smem:$0x3FA4] =	sst s2  }
0x8f: {  	_ = 	snop  }
0x90: {  	s2 =	sld [smem:$0x3FD0];
	(tm) =	ssettm $0x1  }
0x91: {  	s18 =	sld [smem:$0x3FFB];
	_ =	sdelay $0x3  }
0x92: {  	_ =	strace s18  }
0x93: {  	s3 =	sld [smem:$0x3FFC];
	_ =	sdelay $0x3  }
0x94: {  	_ =	strace s3  }
0x95: {  	s3 =	sld [smem:$0x3FFD];
	_ =	sdelay $0x3  }
0x96: {  	_ =	strace s3  }
0x97: {  	_ =	strace $0x8FFFFFFF  }
0x98: {  	s19 =	sld [smem:$0x3FDB];
	_ =	sdelay $0x1  }
0x99: {  	s4 =	simm.s32 $_scs_section_size  }
0x9a: {  	s5 =	simm.s32 $_size__tile_overlayer_lowered;
	s6 =	simm.s32 $_tile_overlayer_lowered  }
0x9b: {  	s22 =	simm.s32 $0x1BFF;
	s21 =	sshll.u32 s6, $0x1;
	s3 =	sadd.s32 s4, s19  }
0x9c: {  	s7 =	simm.s32 $0x0;
	s20 =	sshll.u32 s5, $0x1;
	s5 =	sadd.s32 s21, s3  }
0x9d: {  	[timem:s7], [sflag:s22] =	dma.local [hbm:s5], s20  }
0x9e: {  	_ =	swait.ge [sflag:s22], s20  }
0x9f: {  	s4 =	ssub.s32 $0x0, s20;
	[sflag:s22] =	ssyncset.done $0x0  }
0xa0: {  	[sflag:s22] =	ssyncadd.s32 s4;
	_ =	sdelay $0x1  }
0xa1: {  	s23 =	simm.s32 $0x1B8B  }
0xa2: {  	_ =	swait.ge [sflag:s23], $0x1  }
0xa3: {  	[sflag:s23] =	ssyncset.done $0x0  }
0xa4: {  	s25 =	simm.s32 $0x1B8E;
	s24 =	sld [smem:$0x3FFE];
	[sflag:s23] =	ssyncadd.s32 $0xFFFFFFFF  }
0xa5: {  	s26 =	simm.s32 $execute0_lowered;
	[smem:$0x3FD2] =	sst s25  }
0xa6: {  	s5 =	sshll.u32 s26, $0x1;
	_ =	strace $0x80000049;
	[dreg:$0x1] =	wrdreg $0xFFFFFFFF  }
0xa7: {  	s28 =	simm.s32 $_size_execute0_lowered;
	s3 =	sadd.s32 s3, s5;
	[dreg:$0x0] =	wrdreg $0x0  }
0xa8: {  	s5 =	sshll.u32 s28, $0x1;
	[dreg:$0x2] =	wrdreg s3  }
0xa9: {  	[dreg:$0x3] =	wrdreg s5  }
0xaa: {  	[dreg:$0x4] =	wrdreg $0xC0  }
0xab: {  	_ =	task [dreg:s7], $0x5FFFF  }
0xac: {  	[dreg:$0x1] =	wrdreg $0xFFFFFFFF  }
0xad: {  	[dreg:$0x0] =	wrdreg $0x60  }
0xae: {  	[dreg:$0x2] =	wrdreg s24  }
0xaf: {  	[dreg:$0x3] =	wrdreg s2  }
0xb0: {  	[dreg:$0x4] =	wrdreg $0x9  }
0xb1: {  	_ =	task.clear_ibuf [dreg:s7], $0x5FFFF;
	_ =	strace $0x90000049  }
0xb2: {  	s29 =	simm.s32 $0x9;
	_ =	strace $0x8000004B  }
0xb3: {  	_ =	swait.ge [sflag:s29], $0x1  }
0xb4: {  	[sflag:s29] =	ssyncadd.s32 $0xFFFFFFFF  }
0xb5: {  	_ =	strace $0x9000004B  }
0xb6: {  	_ =	sfence  }
0xb7: {  	s30 =	sld [smem:$0x0];
	_ =	sdelay $0x2  }
0xb8: {  	s31 =	sshll.u32 s1, $0xD;
	s1 =	sshrl.u32 s1, $0x2  }
0xb9: {  	s3 =	sand.u32 $0x4000, s31;
	s1 =	sadd.s32 s1, s30  }
0xba: {  	s0 =	sor.u32 s3, s0;
	s1 =	sshll.u32 s1, $0x11  }
0xbb: {  	s0 =	sor.u32 s1, s0  }
0xbc: {  	s0 =	sadd.s32 $0x8F2B, s0  }
0xbd: {  	[sflag:s0] =	ssyncadd.remote.s32 $0x1  }
0xbe: {  	_ =	sfence.sel $0xFFFF  }
0xbf: {  	[dreg:$0x0] =	wrdreg $0xFFFFFFFF;
	(pc) =	sbr.abs _section_cstart, $3  }
0xc0: {  	[dreg:$0x1] =	wrdreg $0xFFFFFFFF  }
0xc1: {  	_ =	task.clear_ibuf [dreg:s7], $0x2FFFF;
	_ =	strace $0x9FFFFFFF  }
0xc2: {  	(tm) =	ssettm $0x7FFFFFFF  }
0xc3: {  	_ =	shalt  }
tec
execute0_lowered:
.L_overlay_start_1:
0x0: {  	(tag) =	ssettag $0x1  }
0x1: {  	s0 =	rddreg [dreg:$0x0]  }
0x2: {  	s1 =	srdreg.scid;
	s11 =	stileid.u32  }
0x3: {  	s3 =	rddreg [dreg:$0x1];
	s14 =	simm.s32 $0x80;
	s15 =	simm.s32 $0x400  }
0x4: {  	s16 =	simm.s32 $0x5;
	s17 =	simm.s32 $0x200;
	s18 =	simm.s32 $0x600  }
0x5: {  	s28 =	simm.s32 $0x3;
	s29 =	simm.s32 $0x4;
	s30 =	simm.s32 $0x0  }
0x6: {  	s31 =	simm.s32 $0x0;
	s1 =	sand.u32 $0x1, s1;
	s2 =	sshll.u32 s11, $0x1  }
0x7: {  	s5 =	sshrl.u32 s11, $0x2;
	s23 =	sshll.u32 s11, $0x15;
	s4 =	sor.u32 s1, s2  }
0x8: {  	s2 =	simm.s32 $0x0;
	s7 =	sshll.u32 s5, $0xC;
	s8 =	sshll.u32 s5, $0xA  }
0x9: {  	s5 =	sshll.u32 s5, $0x13;
	s19 =	ssub.s32 $0x2, s1;
	s1 =	sshll.u32 s1, $0x14  }
0xa: {  	s6 =	sshll.u32 s4, $0x7;
	[smem:$0x7FF] =	sst s2;
	s4 =	sshll.u32 s4, $0xD  }
0xb: {  	s10 =	sshrl.u32 s19, $0x1;
	s1 =	sor.u32 s1, s23;
	s23 =	simm.s32 $0x12780  }
0xc: {  	s6 =	sand.u32 $0x380, s6;
	_ =	strace $0x8000004A;
	s4 =	sadd.s32 s4, s0  }
0xd: {  	s26 =	sor.u32 $0x4000, s1;
	s1 =	sshrl.u32 s1, $0x3;
	s7 =	sor.u32 s7, s6  }
0xe: {  	s8 =	sor.u32 s8, s6;
	s5 =	sor.u32 s5, s6;
	s6 =	ssub.s32 s19, s10  }
0xf: {  	s10 =	sadd.s32 $0xF000, s4;
	s7 =	sshrl.u32 s7, $0x3;
	s8 =	sshrl.u32 s8, $0x3  }
0x10: {  	s19 =	simm.s32 $0x680;
	s7 =	sadd.s32 s7, s0;
	s3 =	sadd.s32 s3, s8  }
0x11: {  	s5 =	sshrl.u32 s5, $0x3;
	s20 =	sadd.s32 $0xD800, s7;
	[dreg:$0x8] =	wrdreg s3  }
0x12: {  	s11 =	smax.u32 s6, $0x1;
	s21 =	sadd.s32 $0xE000, s7;
	[dreg:$0x3] =	wrdreg s20  }
0x13: {  	s9 =	sadd.s32 s8, s0;
	s7 =	sadd.s32 $0xE800, s7;
	[dreg:$0x4] =	wrdreg s21  }
0x14: {  	s5 =	sadd.s32 s5, s0;
	s22 =	sadd.s32 $0x10F000, s9;
	[dreg:$0x5] =	wrdreg s7  }
0x15: {  	s0 =	sadd.s32 $0x10F400, s0;
	s24 =	sadd.s32 $0x10F200, s9;
	[dreg:$0x6] =	wrdreg s22  }
0x16: {  	s25 =	sadd.s32 $0x4F000, s5;
	s3 =	sshrl.u32 s26, $0x3;
	[dreg:$0x7] =	wrdreg s24  }
0x17: {  	s12 =	sadd.s32 s1, s0;
	s26 =	simm.s32 $0x2;
	[dreg:$0x9] =	wrdreg s25  }
0x18: {  	s13 =	sadd.s32 s3, s0;
	s20 =	simm.s32 $0x700;
	s21 =	simm.s32 $0x10780  }
0x19: {  	v0 =	vimm.f32 $0.0e+00;
	v11 =	vlaneseq.u32;
	v2 =	vimm.s32 $0x1;
	s22 =	simm.s32 $0x780;
	s24 =	simm.s32 $0x16780;
	s25 =	simm.s32 $0x1  }
.LBB2_1:
0x1a: {  	s0 =	rddreg [dreg:$0x3]  }
0x1b: {  	[tilespmem:s2], [sflag:$0x5] =	stream.strided.gather [hbm4b:s0+s14], $0x200, s15, s14, $0x38;
	[tilespmem:$0x1A780] =	vst v63  }
0x1c: {  	_ =	swait.ge [sflag:s16], $0x200  }
0x1d: {  	[sflag:s16] =	ssyncset.done $0x0  }
0x1e: {  	s5 =	rddreg [dreg:$0x4];
	[sflag:s16] =	ssyncadd.s32 $0xFFFFFE00  }
0x1f: {  	[tilespmem:s17], [sflag:$0x5] =	stream.strided.gather [hbm4b:s5+s14], $0x200, s15, s14, $0x38;
	[tilespmem:$0x1A780] =	vst v63  }
0x20: {  	_ =	swait.ge [sflag:s16], $0x200  }
0x21: {  	[sflag:s16] =	ssyncset.done $0x0  }
0x22: {  	s6 =	rddreg [dreg:$0x5];
	[sflag:s16] =	ssyncadd.s32 $0xFFFFFE00  }
0x23: {  	[tilespmem:s15], [sflag:$0x5] =	stream.strided.gather [hbm4b:s6+s14], $0x200, s15, s14, $0x38;
	[tilespmem:$0x1A780] =	vst v63  }
0x24: {  	_ =	swait.ge [sflag:s16], $0x200  }
0x25: {  	[sflag:s16] =	ssyncset.done $0x0  }
0x26: {  	s7 =	rddreg [dreg:$0x6];
	[sflag:s16] =	ssyncadd.s32 $0xFFFFFE00  }
0x27: {  	[tilespmem:s18], [sflag:$0x5] =	stream.linear.gather [hbm4b:s7+s2], $0x80, $0x38;
	[tilespmem:$0x1A780] =	vst v63  }
0x28: {  	_ =	swait.ge [sflag:s16], $0x80  }
0x29: {  	[sflag:s16] =	ssyncset.done $0x0  }
0x2a: {  	s8 =	rddreg [dreg:$0x7];
	[sflag:s16] =	ssyncadd.s32 $0xFFFFFF80  }
0x2b: {  	[tilespmem:s19], [sflag:$0x5] =	stream.linear.gather [hbm4b:s8+s2], $0x80, $0x38;
	[tilespmem:$0x1A780] =	vst v63  }
0x2c: {  	_ =	swait.ge [sflag:s16], $0x80  }
0x2d: {  	[sflag:s16] =	ssyncset.done $0x0  }
0x2e: {  	s9 =	rddreg [dreg:$0x8];
	[sflag:s16] =	ssyncadd.s32 $0xFFFFFF80  }
0x2f: {  	[tilespmem:s20], [sflag:$0x5] =	stream.linear.gather [hbm4b:s9+s2], $0x80, $0x38;
	[tilespmem:$0x1A780] =	vst v63  }
0x30: {  	_ =	swait.ge [sflag:s16], $0x80  }
0x31: {  	[sflag:s16] =	ssyncset.done $0x0  }
0x32: {  	s1 =	simm.s32 $0x0;
	s0 =	simm.s32 $0x40;
	[sflag:s16] =	ssyncadd.s32 $0xFFFFFF80  }
.LBB2_2:
0x33: {  	p0 =	sne.s32 s0, $0x3FFC0;
	[tilespmem:s1+$0x780] =	vst v0;
	s1 =	smov.u32 s0;
	s0 =	sadd.s32 $0x40, s0  }
.Ltmp0:
0x34: {  	(pc) =	sbr.rel @p0 .LBB2_2-.Ltmp0, $2  }
0x35: {  	_ =	sdelay $0x2  }
0x36: {  	s1 =	sshra.s32 s1, $0x2  }
0x37: {  	[tilespmem:s1+$0x780] =	vst v0;
	s1 =	simm.s32 $0x0  }
.LBB2_4:
0x38: {  	s0 =	sshll.u32 s1, $0x3  }
0x39: {  	s4 =	sshllo.u32 s1, $0x3;
	s3 =	sor.u32 $0x1, s0  }
0x3a: {  	v0 =	vmov s0;
	s5 =	sor.u32 $0x2, s0;
	s6 =	sor.u32 $0x3, s0;
	s7 =	sor.u32 $0x4, s0;
	v8 =	vmov s4  }
0x3b: {  	s8 =	sor.u32 $0x5, s0;
	s9 =	sor.u32 $0x6, s0;
	s0 =	sshll.u32 s1, $0x9;
	v0 =	vbroadcast v0, $0x0;
	v1 =	vmov s3;
	v4 =	vmov s6  }
0x3c: {  	v5 =	vmov s7;
	v13 =	vmov s0;
	s3 =	sshll.u32 s3, $0x6;
	v1 =	vbroadcast v1, $0x0  }
0x3d: {  	v9 =	vld [tilespmem:s31+$0x0];
	s6 =	sshll.u32 s6, $0x6;
	v6 =	vbroadcast v5, $0x0;
	v5 =	vmov s8;
	v14 =	vmov s3;
	s3 =	simm.s32 $0x200  }
0x3e: {  	s7 =	sshll.u32 s7, $0x6;
	v10 =	vmov s6;
	v36 =	vadd.s32 $0xFFFFFFFF, v13;
	[tilespmem:$0x1FEF0] =	vst v13;
	v46 =	vor.u32 $0x40, v13;
	v60 =	vld [tilespmem:s3+$0x0]  }
0x3f: {  	s8 =	sshll.u32 s8, $0x6;
	v28 =	vadd.s32 $0xFFFFFFFF, v10;
	[tilespmem:$0x1FF20] =	vst v10;
	v38 =	vadd.s32 $0x40, v10;
	v10 =	vmov s7;
	v13 =	vld.idx.msk [tilespmem:v8+s18+$0x0], $0xffff  }
0x40: {  	s0 =	simm.s32 $0x400;
	v22 =	vadd.s32 $0xFFFFFFFF, v10;
	[tilespmem:$0x1FF30] =	vst v10;
	v45 =	vor.u32 $0x40, v10;
	v10 =	vmov s8;
	v23 =	vld.idx.msk [tilespmem:v8+s19+$0x0], $0xffff  }
0x41: {  	v3 =	vmov s5;
	v19 =	vadd.s32 $0xFFFFFFFF, v10;
	[tilespmem:$0x1FF40] =	vst v10;
	v48 =	vadd.s32 $0x40, v10;
	v10 =	vld [tilespmem:s0+$0x0]  }
0x42: {  	v3 =	vbroadcast v3, $0x0;
	v20 =	vld.idx.msk [tilespmem:v8+s20+$0x0], $0xffff  }
0x43: {  	v4 =	vbroadcast v4, $0x0;
	v40 =	vld.idx.msk [tilespmem:v0+s18+$0x0], $0xffff  }
0x44: {  	v41 =	vld.idx.msk [tilespmem:v0+s19+$0x0], $0xffff  }
0x45: {  	v7 =	vmov s9;
	v44 =	vld.idx.msk [tilespmem:v0+s20+$0x0], $0xffff  }
0x46: {  	v7 =	vbroadcast v7, $0x0;
	v32 =	vld.idx.msk [tilespmem:v1+s18+$0x0], $0xffff  }
0x47: {  	v31 =	vld.idx.msk [tilespmem:v1+s20+$0x0], $0xffff  }
0x48: {  	v27 =	vld.idx.msk [tilespmem:v3+s18+$0x0], $0xffff  }
0x49: {  	v5 =	vbroadcast v5, $0x0;
	v15 =	vld.idx.msk [tilespmem:v4+s18+$0x0], $0xffff  }
0x4a: {  	v17 =	vld.idx.msk [tilespmem:v6+s18+$0x0], $0xffff  }
0x4b: {  	v26 =	vld.idx.msk [tilespmem:v6+s20+$0x0], $0xffff  }
0x4c: {  	v24 =	vld.idx.msk [tilespmem:v7+s18+$0x0], $0xffff  }
0x4d: {  	s5 =	sshll.u32 s5, $0x6;
	v33 =	vld.idx.msk [tilespmem:v7+s20+$0x0], $0xffff  }
0x4e: {  	v51 =	vor.u32 s31, v11;
	s9 =	sshll.u32 s9, $0x6;
	v12 =	vmov s5;
	[tilespmem:$0x1FF00] =	vst v14;
	v30 =	vld.idx.msk [tilespmem:v3+s20+$0x0], $0xffff  }
0x4f: {  	v49 =	vmov s9;
	v42 =	vadd.s32 $0xFFFFFFFF, v14;
	v47 =	vadd.s32 $0x40, v14;
	[tilespmem:$0x1FF10] =	vst v12;
	v16 =	vld.idx.msk [tilespmem:v5+s18+$0x0], $0xffff  }
0x50: {  	v34 =	vadd.s32 $0xFFFFFFFF, v12;
	v37 =	vor.u32 $0x40, v12;
	v39 =	vld.idx.msk [tilespmem:v1+s19+$0x0], $0xffff;
	v8 =	vsub.f32 v9, v13;
	[tilespmem:$0x1FF80] =	vst v20  }
0x51: {  	v50 =	vor.u32 $0x40, v49;
	v25 =	vld.idx.msk [tilespmem:v4+s19+$0x0], $0xffff;
	[tilespmem:$0x1FFA0] =	vst v23;
	v18 =	vsub.f32 v9, v40;
	v12 =	vsub.f32 v9, v32  }
0x52: {  	v8 =	vmul.f32 v8, v8;
	v14 =	vsub.f32 v9, v27;
	v21 =	vmovc v15;
	v15 =	vsub.f32 v9, v15  }
0x53: {  	v1 =	vsub.f32 v9, v17;
	[tilespmem:$0x1FF70] =	vst v24;
	v29 =	vmul.f32 v18, v18;
	v18 =	vsub.f32 v10, v31  }
0x54: {  	[tilespmem:$0x1FF60] =	vst v16;
	v61 =	vmul.f32 v12, v12;
	v12 =	vsub.f32 v9, v16;
	v63 =	vmul.f32 v15, v15  }
0x55: {  	v62 =	vmul.f32 v14, v14;
	v14 =	vsub.f32 v9, v24;
	v9 =	vsub.f32 v10, v26;
	v24 =	vld.idx.msk [tilespmem:v5+s20+$0x0], $0xffff  }
0x56: {  	v16 =	vmovc v17;
	v17 =	vmov v26;
	v26 =	vld.idx.msk [tilespmem:v4+s20+$0x0], $0xffff;
	v4 =	vsub.f32 v60, v23;
	v23 =	vsub.f32 v10, v30  }
0x57: {  	v0 =	vmul.f32 v18, v18;
	v18 =	vld.idx.msk [tilespmem:v5+s19+$0x0], $0xffff;
	v5 =	vsub.f32 v60, v25;
	v57 =	vmul.f32 v12, v12  }
0x58: {  	[tilespmem:$0x1FF90] =	vst v33;
	v12 =	vsub.f32 v10, v20;
	v20 =	vsub.f32 v10, v33;
	v59 =	vmul.f32 v9, v9  }
0x59: {  	v9 =	vmul.f32 v1, v1;
	v33 =	vld.idx.msk [tilespmem:v3+s19+$0x0], $0xffff;
	v1 =	vsub.f32 v60, v41;
	v3 =	vmul.f32 v4, v4  }
0x5a: {  	v15 =	vld.idx.msk [tilespmem:v7+s19+$0x0], $0xffff;
	v43 =	vmul.f32 v23, v23;
	v7 =	vmul.f32 v5, v5;
	v23 =	vsub.f32 v10, v24  }
0x5b: {  	[tilespmem:$0x1FF50] =	vst v13;
	v58 =	vmul.f32 v12, v12;
	v12 =	vsub.f32 v60, v39;
	v4 =	vmul.f32 v1, v1  }
0x5c: {  	s4 =	sshll.u32 s4, $0x6;
	v13 =	vadd.s32 $0xFFFFFFFF, v49;
	[tilespmem:$0x1FFB0] =	vst v24;
	v24 =	vmul.f32 v14, v14;
	v14 =	vmul.f32 v23, v23;
	v23 =	vld.idx.msk [tilespmem:v6+s19+$0x0], $0xffff  }
0x5d: {  	[tilespmem:$0x1FFC0] =	vst v49;
	v56 =	vmovc v42;
	v8 =	vadd.f32 v3, v8;
	v1 =	vsub.f32 v10, v44;
	v3 =	vmov s4  }
0x5e: {  	v55 =	vmovc v34;
	v20 =	vmul.f32 v20, v20;
	v35 =	vsub.f32 v10, v26;
	[tilespmem:$0x1FFD0] =	vst v3;
	v49 =	vadd.s32 $0x40, v3  }
0x5f: {  	v54 =	vmovc v22;
	[tilespmem:$0x1FFE0] =	vst v15;
	v10 =	vmul.f32 v12, v12;
	v12 =	vadd.s32 $0xFFFFFFFF, v3;
	v3 =	vsub.f32 v60, v15  }
0x60: {  	s5 =	simm.s32 $0x0;
	v53 =	vmovc v19;
	v52 =	vmovc v13;
	s4 =	simm.s32 $0x10;
	[tilespmem:$0x1FFF0] =	vst v18;
	v5 =	vsub.f32 v60, v33;
	v6 =	vsub.f32 v60, v18;
	v18 =	vlaneseq.u32  }
.LBB2_5:
0x61: {  	v60 =	vsub.f32 v60, v23  }
0x62: {  	v1 =	vmul.f32 v1, v1;
	v5 =	vmul.f32 v5, v5;
	v4 =	vadd.f32 v4, v29  }
0x63: {  	v7 =	vadd.f32 v7, v63;
	v10 =	vadd.f32 v10, v61;
	v3 =	vmul.f32 v3, v3  }
0x64: {  	v29 =	vmul.f32 v60, v60;
	v5 =	vadd.f32 v5, v62;
	v1 =	vadd.f32 v1, v4  }
0x65: {  	v0 =	vadd.f32 v0, v10;
	v4 =	vmul.f32 v6, v6;
	v6 =	vmul.f32 v35, v35  }
0x66: {  	v9 =	vadd.f32 v29, v9;
	v5 =	vadd.f32 v43, v5;
	vm5 =	vle.f32 v1, $1.599999960e-01  }
0x67: {  	vm3 =	vle.f32 v0, $1.599999960e-01;
	v0 =	vadd.f32 v4, v57;
	v4 =	vadd.f32 v6, v7;
	(xrf0) =	vadd.scan.msk.s32 vm5, v2  }
0x68: {  	v3 =	vadd.f32 v3, v24;
	v6 =	vadd.f32 v59, v9;
	vm6 =	vle.f32 v5, $1.599999960e-01;
	(xrf0) =	vadd.scan.msk.s32 vm3, v2  }
0x69: {  	v7 =	vmpcnt.ones.xlane vm3;
	vm0 =	vle.f32 v4, $1.599999960e-01;
	v0 =	vadd.f32 v14, v0;
	(xrf0) =	vadd.scan.msk.s32 vm6, v2  }
0x6a: {  	v3 =	vadd.f32 v20, v3;
	v1 =	vmpcnt.ones.xlane vm5;
	vm2 =	vle.f32 v6, $1.599999960e-01;
	(xrf0) =	vadd.scan.msk.s32 vm0, v2  }
0x6b: {  	v42 =	vadd.s32 v42, v7;
	v7 =	vadd.f32 v58, v8;
	vm7 =	vle.f32 v0, $1.599999960e-01;
	(xrf0) =	vadd.scan.msk.s32 vm2, v2  }
0x6c: {  	vm4 =	vle.f32 v3, $1.599999960e-01;
	v8 =	vmpcnt.ones.xlane vm6;
	v6 =	vmpcnt.ones.xlane vm2;
	(xrf0) =	vadd.scan.msk.s32 vm7, v2  }
0x6d: {  	v0 =	vmpcnt.ones.xlane vm7;
	vm1 =	vle.f32 v7, $1.599999960e-01;
	v7 =	vmpcnt.ones.xlane vm4;
	v4, _, _ =	vpop (xrf0);
	(xrf0) =	vadd.scan.msk.s32 vm4, v2  }
0x6e: {  	v34 =	vadd.s32 v34, v8;
	v22 =	vadd.s32 v22, v6;
	v4 =	vadd.s32 v36, v4;
	v5, _, _ =	vpop (xrf0);
	(xrf0) =	vadd.scan.msk.s32 vm1, v2  }
0x6f: {  	v13 =	vadd.s32 v13, v7;
	vm8 =	vlt.s32 v4, v46;
	v5 =	vadd.s32 v56, v5;
	v3, _, _ =	vpop (xrf0)  }
0x70: {  	vm5 =	vmand vm5, vm8;
	vm13 =	vlt.s32 v5, v47;
	v3 =	vadd.s32 v55, v3;
	v6, _, _ =	vpop (xrf0)  }
0x71: {  	vm3 =	vmand vm3, vm13;
	vm14 =	vlt.s32 v3, v37;
	v6 =	vadd.s32 v28, v6;
	v7, _, _ =	vpop (xrf0)  }
0x72: {  	vm6 =	vmand vm6, vm14;
	vm15 =	vlt.s32 v6, v38;
	v7 =	vadd.s32 v54, v7;
	v8, _, _ =	vpop (xrf0)  }
0x73: {  	vm8 =	vmand vm0, vm15;
	vm9 =	vlt.s32 v7, v45;
	v8 =	vadd.s32 v53, v8;
	v9, _, _ =	vpop (xrf0)  }
0x74: {  	vm2 =	vmand vm2, vm9;
	vm12 =	vlt.s32 v8, v48;
	v9 =	vadd.s32 v52, v9;
	v10, _, _ =	vpop (xrf0)  }
0x75: {  	vm7 =	vmand vm7, vm12;
	vm13 =	vlt.s32 v9, v50;
	v10 =	vadd.s32 v12, v10  }
0x76: {  	[tilespmem:v4+s21+$0x0] =	vst.idx.msk vm5, v51;
	vm4 =	vmand vm4, vm13;
	vm14 =	vlt.s32 v10, v49  }
0x77: {  	[tilespmem:v5+s21+$0x0] =	vst.idx.msk vm3, v51;
	vm15 =	vmand vm1, vm14  }
0x78: {  	[tilespmem:v3+s21+$0x0] =	vst.idx.msk vm6, v51  }
0x79: {  	[tilespmem:v6+s21+$0x0] =	vst.idx.msk vm8, v51  }
0x7a: {  	v19 =	vadd.s32 v19, v0;
	v0 =	vmpcnt.ones.xlane vm1;
	[tilespmem:v7+s21+$0x0] =	vst.idx.msk vm2, v51  }
0x7b: {  	[tilespmem:v8+s21+$0x0] =	vst.idx.msk vm7, v51  }
0x7c: {  	v12 =	vadd.s32 v12, v0;
	v0 =	vmpcnt.ones.xlane vm0;
	[tilespmem:v9+s21+$0x0] =	vst.idx.msk vm4, v51  }
0x7d: {  	s5 =	sadd.s32 $0x10, s5;
	[tilespmem:v10+s21+$0x0] =	vst.idx.msk vm15, v51  }
0x7e: {  	v28 =	vadd.s32 v28, v0;
	v0 =	vld [tilespmem:s5+$0x0];
	_ =	sdelay $0x4  }
0x7f: {  	s0 =	sadd.s32 $0x10, s0;
	v36 =	vadd.s32 v36, v1;
	v4 =	vld [tilespmem:$0x1FF50];
	v1 =	vsub.f32 v0, v32  }
0x80: {  	v3 =	vld [tilespmem:s0+$0x0];
	v5 =	vsub.f32 v0, v27  }
0x81: {  	v61 =	vmul.f32 v1, v1;
	v1 =	vld [tilespmem:$0x1FF60]  }
0x82: {  	v62 =	vmul.f32 v5, v5;
	v5 =	vld [tilespmem:$0x1FF70];
	_ =	sdelay $0x1  }
0x83: {  	v4 =	vsub.f32 v0, v4  }
0x84: {  	v6 =	vsub.f32 v0, v21;
	v7 =	vsub.f32 v0, v40  }
0x85: {  	s3 =	sadd.s32 $0x10, s3;
	v8 =	vmul.f32 v4, v4;
	v4 =	vsub.f32 v0, v16;
	v1 =	vsub.f32 v0, v1  }
0x86: {  	v60 =	vld [tilespmem:s3+$0x0];
	v63 =	vmul.f32 v6, v6;
	v6 =	vsub.f32 v0, v5;
	v0 =	vsub.f32 v3, v17  }
0x87: {  	v57 =	vmul.f32 v1, v1;
	v1 =	vld [tilespmem:$0x1FF80]  }
0x88: {  	v59 =	vmul.f32 v0, v0;
	v0 =	vld [tilespmem:$0x1FFA0]  }
0x89: {  	v5 =	vld [tilespmem:$0x1FF90]  }
0x8a: {  	v9 =	vmul.f32 v4, v4;
	v4 =	vld [tilespmem:$0x1FFB0]  }
0x8b: {  	v24 =	vsub.f32 v3, v30  }
0x8c: {  	v35 =	vsub.f32 v3, v26;
	v29 =	vmul.f32 v7, v7;
	v1 =	vsub.f32 v3, v1  }
0x8d: {  	v7 =	vsub.f32 v3, v31;
	v43 =	vmul.f32 v24, v24;
	v14 =	vsub.f32 v60, v0  }
0x8e: {  	v24 =	vmul.f32 v6, v6;
	v6 =	vld [tilespmem:$0x1FFF0];
	v20 =	vsub.f32 v3, v5;
	v58 =	vmul.f32 v1, v1  }
0x8f: {  	p0 =	sne.s32 s4, $0x1F0;
	s6 =	smov.u32 s4;
	v1 =	vsub.f32 v3, v44;
	v11 =	vmul.f32 v14, v14;
	v14 =	vsub.f32 v3, v4;
	v3 =	vld [tilespmem:$0x1FFE0]  }
.Ltmp1:
0x90: {  	v56 =	vmov v42;
	v51 =	vor.u32 s6, v18;
	v10 =	vsub.f32 v60, v41;
	(pc) =	sbr.rel @p0 .LBB2_5-.Ltmp1, $4  }
0x91: {  	v55 =	vmovc v34;
	v15 =	vsub.f32 v60, v39;
	v0 =	vmul.f32 v7, v7;
	v7 =	vsub.f32 v60, v25  }
0x92: {  	v54 =	vmovc v22;
	v5 =	vsub.f32 v60, v33;
	v20 =	vmul.f32 v20, v20;
	v4 =	vmul.f32 v10, v10  }
0x93: {  	v53 =	vmovc v19;
	v6 =	vsub.f32 v60, v6;
	v7 =	vmul.f32 v7, v7;
	v10 =	vmul.f32 v15, v15  }
0x94: {  	s4 =	sadd.s32 $0x10, s4;
	v52 =	vmovc v13;
	v14 =	vmul.f32 v14, v14;
	v8 =	vadd.f32 v11, v8;
	v3 =	vsub.f32 v60, v3  }
0x95: {  	v4 =	vadd.f32 v4, v29;
	v5 =	vmul.f32 v5, v5  }
0x96: {  	v10 =	vadd.f32 v10, v61;
	v11 =	vsub.f32 v60, v23;
	v1 =	vmul.f32 v1, v1  }
0x97: {  	v7 =	vadd.f32 v7, v63;
	v5 =	vadd.f32 v5, v62  }
0x98: {  	v6 =	vmul.f32 v6, v6;
	v1 =	vadd.f32 v1, v4;
	v29 =	vmul.f32 v11, v11  }
0x99: {  	v0 =	vadd.f32 v0, v10;
	v10 =	vmul.f32 v35, v35;
	v5 =	vadd.f32 v43, v5  }
0x9a: {  	v4 =	vadd.f32 v29, v9;
	vm7 =	vle.f32 v1, $1.599999960e-01;
	v1 =	vmul.f32 v3, v3  }
0x9b: {  	vm6 =	vle.f32 v0, $1.599999960e-01;
	v0 =	vadd.f32 v6, v57;
	v3 =	vadd.f32 v10, v7;
	(xrf0) =	vadd.scan.msk.s32 vm7, v2  }
0x9c: {  	v4 =	vadd.f32 v59, v4;
	vm5 =	vle.f32 v5, $1.599999960e-01;
	v1 =	vadd.f32 v1, v24;
	(xrf0) =	vadd.scan.msk.s32 vm6, v2  }
0x9d: {  	vm4 =	vle.f32 v3, $1.599999960e-01;
	v0 =	vadd.f32 v14, v0;
	(xrf0) =	vadd.scan.msk.s32 vm5, v2  }
0x9e: {  	vm3 =	vle.f32 v4, $1.599999960e-01;
	v1 =	vadd.f32 v20, v1;
	(xrf0) =	vadd.scan.msk.s32 vm4, v2  }
0x9f: {  	v3 =	vadd.f32 v58, v8;
	vm2 =	vle.f32 v0, $1.599999960e-01;
	(xrf0) =	vadd.scan.msk.s32 vm3, v2  }
0xa0: {  	vm1 =	vle.f32 v1, $1.599999960e-01;
	(xrf0) =	vadd.scan.msk.s32 vm2, v2  }
0xa1: {  	vm0 =	vle.f32 v3, $1.599999960e-01;
	v0, _, _ =	vpop (xrf0);
	(xrf0) =	vadd.scan.msk.s32 vm1, v2  }
0xa2: {  	v0 =	vadd.s32 v36, v0;
	v1, _, _ =	vpop (xrf0);
	(xrf0) =	vadd.scan.msk.s32 vm0, v2  }
0xa3: {  	vm8 =	vlt.s32 v0, v46;
	v1 =	vadd.s32 v56, v1;
	v3, _, _ =	vpop (xrf0)  }
0xa4: {  	vm9 =	vlt.s32 v1, v47;
	vm8 =	vmand vm7, vm8;
	v3 =	vadd.s32 v55, v3;
	v46, _, _ =	vpop (xrf0)  }
0xa5: {  	vm9 =	vmand vm6, vm9;
	vm10 =	vlt.s32 v3, v37;
	v4 =	vadd.s32 v28, v46;
	v47, _, _ =	vpop (xrf0)  }
0xa6: {  	vm11 =	vlt.s32 v4, v38;
	vm10 =	vmand vm5, vm10;
	v5 =	vadd.s32 v54, v47;
	v55, _, _ =	vpop (xrf0)  }
0xa7: {  	vm12 =	vlt.s32 v5, v45;
	vm11 =	vmand vm4, vm11;
	v6 =	vadd.s32 v53, v55;
	v56, _, _ =	vpop (xrf0)  }
0xa8: {  	vm13 =	vlt.s32 v6, v48;
	vm12 =	vmand vm3, vm12;
	v7 =	vadd.s32 v52, v56;
	v8, _, _ =	vpop (xrf0)  }
0xa9: {  	v10 =	vld [tilespmem:$0x1FEF0];
	vm14 =	vlt.s32 v7, v50;
	vm13 =	vmand vm2, vm13;
	v8 =	vadd.s32 v12, v8  }
0xaa: {  	[tilespmem:v0+s21+$0x0] =	vst.idx.msk vm8, v51;
	vm8 =	vmand vm1, vm14;
	vm14 =	vlt.s32 v8, v49  }
0xab: {  	[tilespmem:v1+s21+$0x0] =	vst.idx.msk vm9, v51;
	vm15 =	vmand vm0, vm14  }
0xac: {  	[tilespmem:v3+s21+$0x0] =	vst.idx.msk vm10, v51  }
0xad: {  	v15 =	vlaneseq.u32;
	[tilespmem:v4+s21+$0x0] =	vst.idx.msk vm11, v51  }
0xae: {  	v0 =	vor.u32 v15, v10;
	[tilespmem:v5+s21+$0x0] =	vst.idx.msk vm12, v51  }
0xaf: {  	[tilespmem:v6+s21+$0x0] =	vst.idx.msk vm13, v51  }
0xb0: {  	[tilespmem:v7+s21+$0x0] =	vst.idx.msk vm8, v51  }
0xb1: {  	[tilespmem:v8+s21+$0x0] =	vst.idx.msk vm15, v51  }
0xb2: {  	v1 =	vld.idx.msk [tilespmem:v10+s21+$0x0], $0xffff  }
0xb3: {  	v3 =	vld.idx.msk [tilespmem:v0+s21+$0x0], $0xffff  }
0xb4: {  	v57 =	vmpcnt.ones.xlane vm7;
	_ =	sdelay $0x1  }
0xb5: {  	v4 =	vadd.s32 v36, v57  }
0xb6: {  	vm11 =	vgt.s32 v0, v4  }
0xb7: {  	v3 =	vsel vm11, v1, v3;
	_ =	sdelay $0x3  }
0xb8: {  	[tilespmem:v0+s21+$0x0] =	vst.idx.msk $0xffff, v3  }
0xb9: {  	v5 =	vld.idx.msk [tilespmem:v3+s2+$0x0], $0xffff  }
0xba: {  	v6 =	vld.idx.msk [tilespmem:v3+s17+$0x0], $0xffff  }
0xbb: {  	v0 =	vshll.u32 v0, $0x3;
	v3 =	vld.idx.msk [tilespmem:v3+s15+$0x0], $0xffff  }
0xbc: {  	v58 =	vor.u32 $0x1, v0  }
0xbd: {  	v36 =	vor.u32 $0x10, v15;
	v8 =	vor.u32 $0x2, v0  }
0xbe: {  	v9 =	vor.u32 v36, v10;
	v5 =	vsub.f32 v5, v40  }
0xbf: {  	v6 =	vsub.f32 v6, v41  }
0xc0: {  	v3 =	vsub.f32 v3, v44;
	[tilespmem:v0+s22+$0x0] =	vst.idx.msk $0xffff, v5  }
0xc1: {  	[tilespmem:v58+s22+$0x0] =	vst.idx.msk $0xffff, v6  }
0xc2: {  	[tilespmem:v8+s22+$0x0] =	vst.idx.msk $0xffff, v3  }
0xc3: {  	v0 =	vld.idx.msk [tilespmem:v9+s21+$0x0], $0xffff;
	_ =	sdelay $0x3  }
0xc4: {  	vm12 =	vgt.s32 v9, v4  }
0xc5: {  	v0 =	vsel vm12, v1, v0;
	_ =	sdelay $0x3  }
0xc6: {  	[tilespmem:v9+s21+$0x0] =	vst.idx.msk $0xffff, v0  }
0xc7: {  	v3 =	vld.idx.msk [tilespmem:v0+s2+$0x0], $0xffff  }
0xc8: {  	v5 =	vld.idx.msk [tilespmem:v0+s17+$0x0], $0xffff  }
0xc9: {  	v59 =	vshll.u32 v9, $0x3;
	v0 =	vld.idx.msk [tilespmem:v0+s15+$0x0], $0xffff  }
0xca: {  	v60 =	vor.u32 $0x1, v59  }
0xcb: {  	v37 =	vor.u32 $0x20, v15;
	v8 =	vor.u32 $0x2, v59  }
0xcc: {  	v9 =	vor.u32 v37, v10;
	v3 =	vsub.f32 v3, v40  }
0xcd: {  	v5 =	vsub.f32 v5, v41  }
0xce: {  	v0 =	vsub.f32 v0, v44;
	[tilespmem:v59+s22+$0x0] =	vst.idx.msk $0xffff, v3  }
0xcf: {  	[tilespmem:v60+s22+$0x0] =	vst.idx.msk $0xffff, v5  }
0xd0: {  	[tilespmem:v8+s22+$0x0] =	vst.idx.msk $0xffff, v0  }
0xd1: {  	v0 =	vld.idx.msk [tilespmem:v9+s21+$0x0], $0xffff;
	_ =	sdelay $0x3  }
0xd2: {  	vm13 =	vgt.s32 v9, v4  }
0xd3: {  	v0 =	vsel vm13, v1, v0;
	_ =	sdelay $0x3  }
0xd4: {  	[tilespmem:v9+s21+$0x0] =	vst.idx.msk $0xffff, v0  }
0xd5: {  	v3 =	vld.idx.msk [tilespmem:v0+s2+$0x0], $0xffff  }
0xd6: {  	v5 =	vld.idx.msk [tilespmem:v0+s17+$0x0], $0xffff  }
0xd7: {  	v61 =	vshll.u32 v9, $0x3;
	v0 =	vld.idx.msk [tilespmem:v0+s15+$0x0], $0xffff  }
0xd8: {  	v62 =	vor.u32 $0x1, v61  }
0xd9: {  	v38 =	vor.u32 $0x30, v15;
	v8 =	vor.u32 $0x2, v61  }
0xda: {  	v9 =	vor.u32 v38, v10;
	v3 =	vsub.f32 v3, v40  }
0xdb: {  	v5 =	vsub.f32 v5, v41  }
0xdc: {  	v0 =	vsub.f32 v0, v44;
	[tilespmem:v61+s22+$0x0] =	vst.idx.msk $0xffff, v3  }
0xdd: {  	[tilespmem:v62+s22+$0x0] =	vst.idx.msk $0xffff, v5  }
0xde: {  	[tilespmem:v8+s22+$0x0] =	vst.idx.msk $0xffff, v0  }
0xdf: {  	v0 =	vld.idx.msk [tilespmem:v9+s21+$0x0], $0xffff;
	_ =	sdelay $0x3  }
0xe0: {  	vm14 =	vgt.s32 v9, v4  }
0xe1: {  	v0 =	vsel vm14, v1, v0;
	_ =	sdelay $0x3  }
0xe2: {  	v10 =	vld [tilespmem:$0x1FF00];
	[tilespmem:v9+s21+$0x0] =	vst.idx.msk $0xffff, v0  }
0xe3: {  	v1 =	vld.idx.msk [tilespmem:v0+s2+$0x0], $0xffff  }
0xe4: {  	v3 =	vld.idx.msk [tilespmem:v0+s17+$0x0], $0xffff  }
0xe5: {  	v63 =	vshll.u32 v9, $0x3;
	v0 =	vld.idx.msk [tilespmem:v0+s15+$0x0], $0xffff  }
0xe6: {  	v14 =	vor.u32 $0x1, v63  }
0xe7: {  	v18 =	vor.u32 $0x2, v63  }
0xe8: {  	v1 =	vsub.f32 v1, v40  }
0xe9: {  	v20 =	vor.u32 v15, v10;
	v3 =	vsub.f32 v3, v41  }
0xea: {  	v0 =	vsub.f32 v0, v44;
	[tilespmem:v63+s22+$0x0] =	vst.idx.msk $0xffff, v1  }
0xeb: {  	[tilespmem:v14+s22+$0x0] =	vst.idx.msk $0xffff, v3  }
0xec: {  	[tilespmem:v18+s22+$0x0] =	vst.idx.msk $0xffff, v0  }
0xed: {  	v0 =	vld.idx.msk [tilespmem:v10+s21+$0x0], $0xffff  }
0xee: {  	v1 =	vld.idx.msk [tilespmem:v20+s21+$0x0], $0xffff  }
0xef: {  	v3 =	vmpcnt.ones.xlane vm6;
	_ =	sdelay $0x1  }
0xf0: {  	v3 =	vadd.s32 v42, v3  }
0xf1: {  	vm15 =	vgt.s32 v20, v3  }
0xf2: {  	v1 =	vsel vm15, v0, v1;
	_ =	sdelay $0x3  }
0xf3: {  	[tilespmem:v20+s21+$0x0] =	vst.idx.msk $0xffff, v1  }
0xf4: {  	v4 =	vld.idx.msk [tilespmem:v1+s2+$0x0], $0xffff  }
0xf5: {  	v5 =	vld.idx.msk [tilespmem:v1+s17+$0x0], $0xffff  }
0xf6: {  	v24 =	vshll.u32 v20, $0x3;
	v1 =	vld.idx.msk [tilespmem:v1+s15+$0x0], $0xffff  }
0xf7: {  	v7 =	vor.u32 $0x1, v24  }
0xf8: {  	v8 =	vor.u32 $0x2, v24  }
0xf9: {  	v9 =	vor.u32 v36, v10;
	v4 =	vsub.f32 v4, v32  }
0xfa: {  	v5 =	vsub.f32 v5, v39  }
0xfb: {  	v1 =	vsub.f32 v1, v31;
	[tilespmem:v24+s22+$0x0] =	vst.idx.msk $0xffff, v4  }
0xfc: {  	[tilespmem:v7+s22+$0x0] =	vst.idx.msk $0xffff, v5  }
0xfd: {  	[tilespmem:v8+s22+$0x0] =	vst.idx.msk $0xffff, v1  }
0xfe: {  	v1 =	vld.idx.msk [tilespmem:v9+s21+$0x0], $0xffff;
	_ =	sdelay $0x3  }
0xff: {  	vm9 =	vgt.s32 v9, v3  }
0x100: {  	v1 =	vsel vm9, v0, v1;
	_ =	sdelay $0x3  }
0x101: {  	[tilespmem:v9+s21+$0x0] =	vst.idx.msk $0xffff, v1  }
0x102: {  	v4 =	vld.idx.msk [tilespmem:v1+s2+$0x0], $0xffff  }
0x103: {  	v5 =	vld.idx.msk [tilespmem:v1+s17+$0x0], $0xffff  }
0x104: {  	v29 =	vshll.u32 v9, $0x3;
	v1 =	vld.idx.msk [tilespmem:v1+s15+$0x0], $0xffff  }
0x105: {  	v35 =	vor.u32 $0x1, v29  }
0x106: {  	v8 =	vor.u32 $0x2, v29  }
0x107: {  	v9 =	vor.u32 v37, v10;
	v4 =	vsub.f32 v4, v32  }
0x108: {  	v5 =	vsub.f32 v5, v39  }
0x109: {  	v1 =	vsub.f32 v1, v31;
	[tilespmem:v29+s22+$0x0] =	vst.idx.msk $0xffff, v4  }
0x10a: {  	[tilespmem:v35+s22+$0x0] =	vst.idx.msk $0xffff, v5  }
0x10b: {  	[tilespmem:v8+s22+$0x0] =	vst.idx.msk $0xffff, v1  }
0x10c: {  	v1 =	vld.idx.msk [tilespmem:v9+s21+$0x0], $0xffff;
	_ =	sdelay $0x3  }
0x10d: {  	vm10 =	vgt.s32 v9, v3  }
0x10e: {  	v1 =	vsel vm10, v0, v1;
	_ =	sdelay $0x3  }
0x10f: {  	[tilespmem:v9+s21+$0x0] =	vst.idx.msk $0xffff, v1  }
0x110: {  	v4 =	vld.idx.msk [tilespmem:v1+s2+$0x0], $0xffff  }
0x111: {  	v5 =	vld.idx.msk [tilespmem:v1+s17+$0x0], $0xffff  }
0x112: {  	v40 =	vshll.u32 v9, $0x3;
	v1 =	vld.idx.msk [tilespmem:v1+s15+$0x0], $0xffff  }
0x113: {  	v41 =	vor.u32 $0x1, v40  }
0x114: {  	v8 =	vor.u32 $0x2, v40  }
0x115: {  	v9 =	vor.u32 v38, v10;
	v4 =	vsub.f32 v4, v32  }
0x116: {  	v5 =	vsub.f32 v5, v39  }
0x117: {  	v1 =	vsub.f32 v1, v31;
	[tilespmem:v40+s22+$0x0] =	vst.idx.msk $0xffff, v4  }
0x118: {  	[tilespmem:v41+s22+$0x0] =	vst.idx.msk $0xffff, v5  }
0x119: {  	[tilespmem:v8+s22+$0x0] =	vst.idx.msk $0xffff, v1  }
0x11a: {  	v1 =	vld.idx.msk [tilespmem:v9+s21+$0x0], $0xffff;
	_ =	sdelay $0x3  }
0x11b: {  	vm11 =	vgt.s32 v9, v3  }
0x11c: {  	v0 =	vsel vm11, v0, v1;
	_ =	sdelay $0x3  }
0x11d: {  	v10 =	vld [tilespmem:$0x1FF10];
	[tilespmem:v9+s21+$0x0] =	vst.idx.msk $0xffff, v0  }
0x11e: {  	v1 =	vld.idx.msk [tilespmem:v0+s2+$0x0], $0xffff  }
0x11f: {  	v3 =	vld.idx.msk [tilespmem:v0+s17+$0x0], $0xffff  }
0x120: {  	v42 =	vshll.u32 v9, $0x3;
	v0 =	vld.idx.msk [tilespmem:v0+s15+$0x0], $0xffff  }
0x121: {  	v43 =	vor.u32 $0x1, v42  }
0x122: {  	v44 =	vor.u32 $0x2, v42  }
0x123: {  	v1 =	vsub.f32 v1, v32  }
0x124: {  	v45 =	vor.u32 v15, v10;
	v3 =	vsub.f32 v3, v39  }
0x125: {  	v0 =	vsub.f32 v0, v31;
	[tilespmem:v42+s22+$0x0] =	vst.idx.msk $0xffff, v1  }
0x126: {  	[tilespmem:v43+s22+$0x0] =	vst.idx.msk $0xffff, v3  }
0x127: {  	[tilespmem:v44+s22+$0x0] =	vst.idx.msk $0xffff, v0  }
0x128: {  	v0 =	vld.idx.msk [tilespmem:v10+s21+$0x0], $0xffff  }
0x129: {  	v1 =	vld.idx.msk [tilespmem:v45+s21+$0x0], $0xffff  }
0x12a: {  	v3 =	vmpcnt.ones.xlane vm5;
	_ =	sdelay $0x1  }
0x12b: {  	v3 =	vadd.s32 v34, v3  }
0x12c: {  	vm12 =	vgt.s32 v45, v3  }
0x12d: {  	v1 =	vsel vm12, v0, v1;
	_ =	sdelay $0x3  }
0x12e: {  	[tilespmem:v45+s21+$0x0] =	vst.idx.msk $0xffff, v1  }
0x12f: {  	v4 =	vld.idx.msk [tilespmem:v1+s2+$0x0], $0xffff  }
0x130: {  	v5 =	vld.idx.msk [tilespmem:v1+s17+$0x0], $0xffff  }
0x131: {  	v46 =	vshll.u32 v45, $0x3;
	v1 =	vld.idx.msk [tilespmem:v1+s15+$0x0], $0xffff  }
0x132: {  	v7 =	vor.u32 $0x1, v46  }
0x133: {  	v8 =	vor.u32 $0x2, v46  }
0x134: {  	v9 =	vor.u32 v36, v10;
	v4 =	vsub.f32 v4, v27  }
0x135: {  	v5 =	vsub.f32 v5, v33  }
0x136: {  	v1 =	vsub.f32 v1, v30;
	[tilespmem:v46+s22+$0x0] =	vst.idx.msk $0xffff, v4  }
0x137: {  	[tilespmem:v7+s22+$0x0] =	vst.idx.msk $0xffff, v5  }
0x138: {  	[tilespmem:v8+s22+$0x0] =	vst.idx.msk $0xffff, v1  }
0x139: {  	v1 =	vld.idx.msk [tilespmem:v9+s21+$0x0], $0xffff;
	_ =	sdelay $0x3  }
0x13a: {  	vm13 =	vgt.s32 v9, v3  }
0x13b: {  	v1 =	vsel vm13, v0, v1;
	_ =	sdelay $0x3  }
0x13c: {  	[tilespmem:v9+s21+$0x0] =	vst.idx.msk $0xffff, v1  }
0x13d: {  	v4 =	vld.idx.msk [tilespmem:v1+s2+$0x0], $0xffff  }
0x13e: {  	v5 =	vld.idx.msk [tilespmem:v1+s17+$0x0], $0xffff  }
0x13f: {  	v47 =	vshll.u32 v9, $0x3;
	v1 =	vld.idx.msk [tilespmem:v1+s15+$0x0], $0xffff  }
0x140: {  	v48 =	vor.u32 $0x1, v47  }
0x141: {  	v8 =	vor.u32 $0x2, v47  }
0x142: {  	v9 =	vor.u32 v37, v10;
	v4 =	vsub.f32 v4, v27  }
0x143: {  	v5 =	vsub.f32 v5, v33  }
0x144: {  	v1 =	vsub.f32 v1, v30;
	[tilespmem:v47+s22+$0x0] =	vst.idx.msk $0xffff, v4  }
0x145: {  	[tilespmem:v48+s22+$0x0] =	vst.idx.msk $0xffff, v5  }
0x146: {  	[tilespmem:v8+s22+$0x0] =	vst.idx.msk $0xffff, v1  }
0x147: {  	v1 =	vld.idx.msk [tilespmem:v9+s21+$0x0], $0xffff;
	_ =	sdelay $0x3  }
0x148: {  	vm14 =	vgt.s32 v9, v3  }
0x149: {  	v1 =	vsel vm14, v0, v1;
	_ =	sdelay $0x3  }
0x14a: {  	[tilespmem:v9+s21+$0x0] =	vst.idx.msk $0xffff, v1  }
0x14b: {  	v4 =	vld.idx.msk [tilespmem:v1+s2+$0x0], $0xffff  }
0x14c: {  	v5 =	vld.idx.msk [tilespmem:v1+s17+$0x0], $0xffff  }
0x14d: {  	v49 =	vshll.u32 v9, $0x3;
	v1 =	vld.idx.msk [tilespmem:v1+s15+$0x0], $0xffff  }
0x14e: {  	v50 =	vor.u32 $0x1, v49  }
0x14f: {  	v8 =	vor.u32 $0x2, v49  }
0x150: {  	v9 =	vor.u32 v38, v10;
	v4 =	vsub.f32 v4, v27  }
0x151: {  	v5 =	vsub.f32 v5, v33  }
0x152: {  	v1 =	vsub.f32 v1, v30;
	[tilespmem:v49+s22+$0x0] =	vst.idx.msk $0xffff, v4  }
0x153: {  	[tilespmem:v50+s22+$0x0] =	vst.idx.msk $0xffff, v5  }
0x154: {  	[tilespmem:v8+s22+$0x0] =	vst.idx.msk $0xffff, v1  }
0x155: {  	v1 =	vld.idx.msk [tilespmem:v9+s21+$0x0], $0xffff;
	_ =	sdelay $0x3  }
0x156: {  	vm15 =	vgt.s32 v9, v3  }
0x157: {  	v0 =	vsel vm15, v0, v1;
	_ =	sdelay $0x3  }
0x158: {  	v10 =	vld [tilespmem:$0x1FF20];
	[tilespmem:v9+s21+$0x0] =	vst.idx.msk $0xffff, v0  }
0x159: {  	v1 =	vld.idx.msk [tilespmem:v0+s2+$0x0], $0xffff  }
0x15a: {  	v3 =	vld.idx.msk [tilespmem:v0+s17+$0x0], $0xffff  }
0x15b: {  	v51 =	vshll.u32 v9, $0x3;
	v0 =	vld.idx.msk [tilespmem:v0+s15+$0x0], $0xffff  }
0x15c: {  	v52 =	vor.u32 $0x1, v51  }
0x15d: {  	v53 =	vor.u32 $0x2, v51  }
0x15e: {  	v1 =	vsub.f32 v1, v27  }
0x15f: {  	v54 =	vor.u32 v15, v10;
	v3 =	vsub.f32 v3, v33  }
0x160: {  	v0 =	vsub.f32 v0, v30;
	[tilespmem:v51+s22+$0x0] =	vst.idx.msk $0xffff, v1  }
0x161: {  	[tilespmem:v52+s22+$0x0] =	vst.idx.msk $0xffff, v3  }
0x162: {  	[tilespmem:v53+s22+$0x0] =	vst.idx.msk $0xffff, v0  }
0x163: {  	v0 =	vld.idx.msk [tilespmem:v10+s21+$0x0], $0xffff  }
0x164: {  	v1 =	vld.idx.msk [tilespmem:v54+s21+$0x0], $0xffff  }
0x165: {  	v3 =	vmpcnt.ones.xlane vm4;
	_ =	sdelay $0x1  }
0x166: {  	v3 =	vadd.s32 v28, v3  }
0x167: {  	vm8 =	vgt.s32 v54, v3  }
0x168: {  	v1 =	vsel vm8, v0, v1;
	_ =	sdelay $0x3  }
0x169: {  	[tilespmem:v54+s21+$0x0] =	vst.idx.msk $0xffff, v1  }
0x16a: {  	v4 =	vld.idx.msk [tilespmem:v1+s2+$0x0], $0xffff  }
0x16b: {  	v5 =	vld.idx.msk [tilespmem:v1+s17+$0x0], $0xffff  }
0x16c: {  	v55 =	vshll.u32 v54, $0x3;
	v1 =	vld.idx.msk [tilespmem:v1+s15+$0x0], $0xffff  }
0x16d: {  	v7 =	vor.u32 $0x1, v55  }
0x16e: {  	v8 =	vor.u32 $0x2, v55  }
0x16f: {  	v9 =	vor.u32 v36, v10;
	v4 =	vsub.f32 v4, v21  }
0x170: {  	v5 =	vsub.f32 v5, v25  }
0x171: {  	v1 =	vsub.f32 v1, v26;
	[tilespmem:v55+s22+$0x0] =	vst.idx.msk $0xffff, v4  }
0x172: {  	[tilespmem:v7+s22+$0x0] =	vst.idx.msk $0xffff, v5  }
0x173: {  	[tilespmem:v8+s22+$0x0] =	vst.idx.msk $0xffff, v1  }
0x174: {  	v1 =	vld.idx.msk [tilespmem:v9+s21+$0x0], $0xffff;
	_ =	sdelay $0x3  }
0x175: {  	vm9 =	vgt.s32 v9, v3  }
0x176: {  	v1 =	vsel vm9, v0, v1;
	_ =	sdelay $0x3  }
0x177: {  	[tilespmem:v9+s21+$0x0] =	vst.idx.msk $0xffff, v1  }
0x178: {  	v4 =	vld.idx.msk [tilespmem:v1+s2+$0x0], $0xffff  }
0x179: {  	v5 =	vld.idx.msk [tilespmem:v1+s17+$0x0], $0xffff  }
0x17a: {  	v56 =	vshll.u32 v9, $0x3;
	v1 =	vld.idx.msk [tilespmem:v1+s15+$0x0], $0xffff  }
0x17b: {  	v57 =	vor.u32 $0x1, v56  }
0x17c: {  	v8 =	vor.u32 $0x2, v56  }
0x17d: {  	v9 =	vor.u32 v37, v10;
	v4 =	vsub.f32 v4, v21  }
0x17e: {  	v5 =	vsub.f32 v5, v25  }
0x17f: {  	v1 =	vsub.f32 v1, v26;
	[tilespmem:v56+s22+$0x0] =	vst.idx.msk $0xffff, v4  }
0x180: {  	[tilespmem:v57+s22+$0x0] =	vst.idx.msk $0xffff, v5  }
0x181: {  	[tilespmem:v8+s22+$0x0] =	vst.idx.msk $0xffff, v1  }
0x182: {  	v1 =	vld.idx.msk [tilespmem:v9+s21+$0x0], $0xffff;
	_ =	sdelay $0x3  }
0x183: {  	vm10 =	vgt.s32 v9, v3  }
0x184: {  	v1 =	vsel vm10, v0, v1;
	_ =	sdelay $0x3  }
0x185: {  	[tilespmem:v9+s21+$0x0] =	vst.idx.msk $0xffff, v1  }
0x186: {  	v4 =	vld.idx.msk [tilespmem:v1+s2+$0x0], $0xffff  }
0x187: {  	v5 =	vld.idx.msk [tilespmem:v1+s17+$0x0], $0xffff  }
0x188: {  	v58 =	vshll.u32 v9, $0x3;
	v1 =	vld.idx.msk [tilespmem:v1+s15+$0x0], $0xffff  }
0x189: {  	v59 =	vor.u32 $0x1, v58  }
0x18a: {  	v8 =	vor.u32 $0x2, v58  }
0x18b: {  	v9 =	vor.u32 v38, v10;
	v4 =	vsub.f32 v4, v21  }
0x18c: {  	v5 =	vsub.f32 v5, v25  }
0x18d: {  	v1 =	vsub.f32 v1, v26;
	[tilespmem:v58+s22+$0x0] =	vst.idx.msk $0xffff, v4  }
0x18e: {  	[tilespmem:v59+s22+$0x0] =	vst.idx.msk $0xffff, v5  }
0x18f: {  	[tilespmem:v8+s22+$0x0] =	vst.idx.msk $0xffff, v1  }
0x190: {  	v1 =	vld.idx.msk [tilespmem:v9+s21+$0x0], $0xffff;
	_ =	sdelay $0x3  }
0x191: {  	vm11 =	vgt.s32 v9, v3  }
0x192: {  	v0 =	vsel vm11, v0, v1;
	_ =	sdelay $0x3  }
0x193: {  	v10 =	vld [tilespmem:$0x1FF30];
	[tilespmem:v9+s21+$0x0] =	vst.idx.msk $0xffff, v0  }
0x194: {  	v1 =	vld.idx.msk [tilespmem:v0+s2+$0x0], $0xffff  }
0x195: {  	v3 =	vld.idx.msk [tilespmem:v0+s17+$0x0], $0xffff  }
0x196: {  	v60 =	vshll.u32 v9, $0x3;
	v0 =	vld.idx.msk [tilespmem:v0+s15+$0x0], $0xffff  }
0x197: {  	v61 =	vor.u32 $0x1, v60  }
0x198: {  	v62 =	vor.u32 $0x2, v60  }
0x199: {  	v1 =	vsub.f32 v1, v21  }
0x19a: {  	v63 =	vor.u32 v15, v10;
	v3 =	vsub.f32 v3, v25  }
0x19b: {  	v0 =	vsub.f32 v0, v26;
	[tilespmem:v60+s22+$0x0] =	vst.idx.msk $0xffff, v1  }
0x19c: {  	[tilespmem:v61+s22+$0x0] =	vst.idx.msk $0xffff, v3  }
0x19d: {  	[tilespmem:v62+s22+$0x0] =	vst.idx.msk $0xffff, v0  }
0x19e: {  	v0 =	vld.idx.msk [tilespmem:v10+s21+$0x0], $0xffff  }
0x19f: {  	v1 =	vld.idx.msk [tilespmem:v63+s21+$0x0], $0xffff  }
0x1a0: {  	v3 =	vmpcnt.ones.xlane vm3;
	_ =	sdelay $0x1  }
0x1a1: {  	v3 =	vadd.s32 v22, v3  }
0x1a2: {  	vm12 =	vgt.s32 v63, v3  }
0x1a3: {  	v1 =	vsel vm12, v0, v1;
	_ =	sdelay $0x3  }
0x1a4: {  	[tilespmem:v63+s21+$0x0] =	vst.idx.msk $0xffff, v1  }
0x1a5: {  	v4 =	vld.idx.msk [tilespmem:v1+s2+$0x0], $0xffff  }
0x1a6: {  	v5 =	vld.idx.msk [tilespmem:v1+s17+$0x0], $0xffff  }
0x1a7: {  	v14 =	vshll.u32 v63, $0x3;
	v1 =	vld.idx.msk [tilespmem:v1+s15+$0x0], $0xffff  }
0x1a8: {  	v7 =	vor.u32 $0x1, v14  }
0x1a9: {  	v8 =	vor.u32 $0x2, v14  }
0x1aa: {  	v9 =	vor.u32 v36, v10;
	v4 =	vsub.f32 v4, v16  }
0x1ab: {  	v5 =	vsub.f32 v5, v23  }
0x1ac: {  	v1 =	vsub.f32 v1, v17;
	[tilespmem:v14+s22+$0x0] =	vst.idx.msk $0xffff, v4  }
0x1ad: {  	[tilespmem:v7+s22+$0x0] =	vst.idx.msk $0xffff, v5  }
0x1ae: {  	[tilespmem:v8+s22+$0x0] =	vst.idx.msk $0xffff, v1  }
0x1af: {  	v1 =	vld.idx.msk [tilespmem:v9+s21+$0x0], $0xffff;
	_ =	sdelay $0x3  }
0x1b0: {  	vm13 =	vgt.s32 v9, v3  }
0x1b1: {  	v1 =	vsel vm13, v0, v1;
	_ =	sdelay $0x3  }
0x1b2: {  	[tilespmem:v9+s21+$0x0] =	vst.idx.msk $0xffff, v1  }
0x1b3: {  	v4 =	vld.idx.msk [tilespmem:v1+s2+$0x0], $0xffff  }
0x1b4: {  	v5 =	vld.idx.msk [tilespmem:v1+s17+$0x0], $0xffff  }
0x1b5: {  	v18 =	vshll.u32 v9, $0x3;
	v1 =	vld.idx.msk [tilespmem:v1+s15+$0x0], $0xffff  }
0x1b6: {  	v20 =	vor.u32 $0x1, v18  }
0x1b7: {  	v8 =	vor.u32 $0x2, v18  }
0x1b8: {  	v9 =	vor.u32 v37, v10;
	v4 =	vsub.f32 v4, v16  }
0x1b9: {  	v5 =	vsub.f32 v5, v23  }
0x1ba: {  	v1 =	vsub.f32 v1, v17;
	[tilespmem:v18+s22+$0x0] =	vst.idx.msk $0xffff, v4  }
0x1bb: {  	[tilespmem:v20+s22+$0x0] =	vst.idx.msk $0xffff, v5  }
0x1bc: {  	[tilespmem:v8+s22+$0x0] =	vst.idx.msk $0xffff, v1  }
0x1bd: {  	v1 =	vld.idx.msk [tilespmem:v9+s21+$0x0], $0xffff;
	_ =	sdelay $0x3  }
0x1be: {  	vm14 =	vgt.s32 v9, v3  }
0x1bf: {  	v1 =	vsel vm14, v0, v1;
	_ =	sdelay $0x3  }
0x1c0: {  	[tilespmem:v9+s21+$0x0] =	vst.idx.msk $0xffff, v1  }
0x1c1: {  	v4 =	vld.idx.msk [tilespmem:v1+s2+$0x0], $0xffff  }
0x1c2: {  	v5 =	vld.idx.msk [tilespmem:v1+s17+$0x0], $0xffff  }
0x1c3: {  	v21 =	vshll.u32 v9, $0x3;
	v1 =	vld.idx.msk [tilespmem:v1+s15+$0x0], $0xffff  }
0x1c4: {  	v22 =	vor.u32 $0x1, v21  }
0x1c5: {  	v8 =	vor.u32 $0x2, v21  }
0x1c6: {  	v9 =	vor.u32 v38, v10;
	v4 =	vsub.f32 v4, v16  }
0x1c7: {  	v5 =	vsub.f32 v5, v23  }
0x1c8: {  	v1 =	vsub.f32 v1, v17;
	[tilespmem:v21+s22+$0x0] =	vst.idx.msk $0xffff, v4  }
0x1c9: {  	[tilespmem:v22+s22+$0x0] =	vst.idx.msk $0xffff, v5  }
0x1ca: {  	[tilespmem:v8+s22+$0x0] =	vst.idx.msk $0xffff, v1  }
0x1cb: {  	v1 =	vld.idx.msk [tilespmem:v9+s21+$0x0], $0xffff;
	_ =	sdelay $0x3  }
0x1cc: {  	vm15 =	vgt.s32 v9, v3  }
0x1cd: {  	v0 =	vsel vm15, v0, v1;
	_ =	sdelay $0x3  }
0x1ce: {  	v10 =	vld [tilespmem:$0x1FF40];
	[tilespmem:v9+s21+$0x0] =	vst.idx.msk $0xffff, v0  }
0x1cf: {  	v1 =	vld.idx.msk [tilespmem:v0+s2+$0x0], $0xffff  }
0x1d0: {  	v3 =	vld.idx.msk [tilespmem:v0+s17+$0x0], $0xffff  }
0x1d1: {  	v24 =	vshll.u32 v9, $0x3;
	v0 =	vld.idx.msk [tilespmem:v0+s15+$0x0], $0xffff  }
0x1d2: {  	v25 =	vor.u32 $0x1, v24  }
0x1d3: {  	v26 =	vor.u32 $0x2, v24  }
0x1d4: {  	v1 =	vsub.f32 v1, v16  }
0x1d5: {  	v27 =	vor.u32 v15, v10;
	v3 =	vsub.f32 v3, v23  }
0x1d6: {  	v0 =	vsub.f32 v0, v17;
	[tilespmem:v24+s22+$0x0] =	vst.idx.msk $0xffff, v1  }
0x1d7: {  	[tilespmem:v25+s22+$0x0] =	vst.idx.msk $0xffff, v3  }
0x1d8: {  	[tilespmem:v26+s22+$0x0] =	vst.idx.msk $0xffff, v0  }
0x1d9: {  	v0 =	vld.idx.msk [tilespmem:v10+s21+$0x0], $0xffff  }
0x1da: {  	v1 =	vld.idx.msk [tilespmem:v27+s21+$0x0], $0xffff  }
0x1db: {  	v3 =	vmpcnt.ones.xlane vm2;
	_ =	sdelay $0x1  }
0x1dc: {  	v3 =	vadd.s32 v19, v3  }
0x1dd: {  	vm4 =	vgt.s32 v27, v3  }
0x1de: {  	v1 =	vsel vm4, v0, v1;
	_ =	sdelay $0x1  }
0x1df: {  	v29 =	vld [tilespmem:$0x1FF60]  }
0x1e0: {  	v31 =	vld [tilespmem:$0x1FFB0]  }
0x1e1: {  	v30 =	vld [tilespmem:$0x1FFF0];
	[tilespmem:v27+s21+$0x0] =	vst.idx.msk $0xffff, v1  }
0x1e2: {  	v4 =	vld.idx.msk [tilespmem:v1+s2+$0x0], $0xffff  }
0x1e3: {  	v5 =	vld.idx.msk [tilespmem:v1+s17+$0x0], $0xffff  }
0x1e4: {  	v28 =	vshll.u32 v27, $0x3;
	v1 =	vld.idx.msk [tilespmem:v1+s15+$0x0], $0xffff  }
0x1e5: {  	v7 =	vor.u32 $0x1, v28  }
0x1e6: {  	v8 =	vor.u32 $0x2, v28  }
0x1e7: {  	v9 =	vor.u32 v36, v10;
	v4 =	vsub.f32 v4, v29  }
0x1e8: {  	v5 =	vsub.f32 v5, v30  }
0x1e9: {  	v1 =	vsub.f32 v1, v31;
	[tilespmem:v28+s22+$0x0] =	vst.idx.msk $0xffff, v4  }
0x1ea: {  	[tilespmem:v7+s22+$0x0] =	vst.idx.msk $0xffff, v5  }
0x1eb: {  	[tilespmem:v8+s22+$0x0] =	vst.idx.msk $0xffff, v1  }
0x1ec: {  	v1 =	vld.idx.msk [tilespmem:v9+s21+$0x0], $0xffff;
	_ =	sdelay $0x3  }
0x1ed: {  	vm5 =	vgt.s32 v9, v3  }
0x1ee: {  	v1 =	vsel vm5, v0, v1;
	_ =	sdelay $0x3  }
0x1ef: {  	[tilespmem:v9+s21+$0x0] =	vst.idx.msk $0xffff, v1  }
0x1f0: {  	v4 =	vld.idx.msk [tilespmem:v1+s2+$0x0], $0xffff  }
0x1f1: {  	v5 =	vld.idx.msk [tilespmem:v1+s17+$0x0], $0xffff  }
0x1f2: {  	v32 =	vshll.u32 v9, $0x3;
	v1 =	vld.idx.msk [tilespmem:v1+s15+$0x0], $0xffff  }
0x1f3: {  	v33 =	vor.u32 $0x1, v32  }
0x1f4: {  	v8 =	vor.u32 $0x2, v32  }
0x1f5: {  	v9 =	vor.u32 v37, v10;
	v4 =	vsub.f32 v4, v29  }
0x1f6: {  	v5 =	vsub.f32 v5, v30  }
0x1f7: {  	v1 =	vsub.f32 v1, v31;
	[tilespmem:v32+s22+$0x0] =	vst.idx.msk $0xffff, v4  }
0x1f8: {  	[tilespmem:v33+s22+$0x0] =	vst.idx.msk $0xffff, v5  }
0x1f9: {  	[tilespmem:v8+s22+$0x0] =	vst.idx.msk $0xffff, v1  }
0x1fa: {  	v1 =	vld.idx.msk [tilespmem:v9+s21+$0x0], $0xffff;
	_ =	sdelay $0x3  }
0x1fb: {  	vm6 =	vgt.s32 v9, v3  }
0x1fc: {  	v1 =	vsel vm6, v0, v1;
	_ =	sdelay $0x3  }
0x1fd: {  	[tilespmem:v9+s21+$0x0] =	vst.idx.msk $0xffff, v1  }
0x1fe: {  	v4 =	vld.idx.msk [tilespmem:v1+s2+$0x0], $0xffff  }
0x1ff: {  	v5 =	vld.idx.msk [tilespmem:v1+s17+$0x0], $0xffff  }
0x200: {  	v34 =	vshll.u32 v9, $0x3;
	v1 =	vld.idx.msk [tilespmem:v1+s15+$0x0], $0xffff  }
0x201: {  	v35 =	vor.u32 $0x1, v34  }
0x202: {  	v8 =	vor.u32 $0x2, v34  }
0x203: {  	v9 =	vor.u32 v38, v10;
	v4 =	vsub.f32 v4, v29  }
0x204: {  	v5 =	vsub.f32 v5, v30  }
0x205: {  	v1 =	vsub.f32 v1, v31;
	[tilespmem:v34+s22+$0x0] =	vst.idx.msk $0xffff, v4  }
0x206: {  	[tilespmem:v35+s22+$0x0] =	vst.idx.msk $0xffff, v5  }
0x207: {  	[tilespmem:v8+s22+$0x0] =	vst.idx.msk $0xffff, v1  }
0x208: {  	v1 =	vld.idx.msk [tilespmem:v9+s21+$0x0], $0xffff;
	_ =	sdelay $0x3  }
0x209: {  	vm7 =	vgt.s32 v9, v3  }
0x20a: {  	v0 =	vsel vm7, v0, v1;
	_ =	sdelay $0x3  }
0x20b: {  	v42 =	vld [tilespmem:$0x1FFC0];
	[tilespmem:v9+s21+$0x0] =	vst.idx.msk $0xffff, v0  }
0x20c: {  	v1 =	vld.idx.msk [tilespmem:v0+s2+$0x0], $0xffff  }
0x20d: {  	v3 =	vld.idx.msk [tilespmem:v0+s17+$0x0], $0xffff  }
0x20e: {  	v39 =	vshll.u32 v9, $0x3;
	v0 =	vld.idx.msk [tilespmem:v0+s15+$0x0], $0xffff  }
0x20f: {  	v40 =	vor.u32 $0x1, v39  }
0x210: {  	v41 =	vor.u32 $0x2, v39  }
0x211: {  	v1 =	vsub.f32 v1, v29  }
0x212: {  	v43 =	vor.u32 v15, v42;
	v3 =	vsub.f32 v3, v30  }
0x213: {  	v0 =	vsub.f32 v0, v31;
	[tilespmem:v39+s22+$0x0] =	vst.idx.msk $0xffff, v1  }
0x214: {  	[tilespmem:v40+s22+$0x0] =	vst.idx.msk $0xffff, v3  }
0x215: {  	[tilespmem:v41+s22+$0x0] =	vst.idx.msk $0xffff, v0  }
0x216: {  	v0 =	vld.idx.msk [tilespmem:v42+s21+$0x0], $0xffff  }
0x217: {  	v1 =	vld.idx.msk [tilespmem:v43+s21+$0x0], $0xffff  }
0x218: {  	v3 =	vmpcnt.ones.xlane vm1;
	_ =	sdelay $0x1  }
0x219: {  	v3 =	vadd.s32 v13, v3  }
0x21a: {  	vm8 =	vgt.s32 v43, v3  }
0x21b: {  	v1 =	vsel vm8, v0, v1;
	_ =	sdelay $0x1  }
0x21c: {  	v11 =	vld [tilespmem:$0x1FF90]  }
0x21d: {  	v45 =	vld [tilespmem:$0x1FFE0]  }
0x21e: {  	v10 =	vld [tilespmem:$0x1FF70];
	[tilespmem:v43+s21+$0x0] =	vst.idx.msk $0xffff, v1  }
0x21f: {  	v4 =	vld.idx.msk [tilespmem:v1+s2+$0x0], $0xffff  }
0x220: {  	v5 =	vld.idx.msk [tilespmem:v1+s17+$0x0], $0xffff  }
0x221: {  	v44 =	vshll.u32 v43, $0x3;
	v1 =	vld.idx.msk [tilespmem:v1+s15+$0x0], $0xffff  }
0x222: {  	v7 =	vor.u32 $0x1, v44  }
0x223: {  	v8 =	vor.u32 $0x2, v44  }
0x224: {  	v9 =	vor.u32 v36, v42;
	v4 =	vsub.f32 v4, v10  }
0x225: {  	v5 =	vsub.f32 v5, v45  }
0x226: {  	v1 =	vsub.f32 v1, v11;
	[tilespmem:v44+s22+$0x0] =	vst.idx.msk $0xffff, v4  }
0x227: {  	[tilespmem:v7+s22+$0x0] =	vst.idx.msk $0xffff, v5  }
0x228: {  	[tilespmem:v8+s22+$0x0] =	vst.idx.msk $0xffff, v1  }
0x229: {  	v1 =	vld.idx.msk [tilespmem:v9+s21+$0x0], $0xffff;
	_ =	sdelay $0x3  }
0x22a: {  	vm9 =	vgt.s32 v9, v3  }
0x22b: {  	v1 =	vsel vm9, v0, v1;
	_ =	sdelay $0x3  }
0x22c: {  	[tilespmem:v9+s21+$0x0] =	vst.idx.msk $0xffff, v1  }
0x22d: {  	v4 =	vld.idx.msk [tilespmem:v1+s2+$0x0], $0xffff  }
0x22e: {  	v5 =	vld.idx.msk [tilespmem:v1+s17+$0x0], $0xffff  }
0x22f: {  	v46 =	vshll.u32 v9, $0x3;
	v1 =	vld.idx.msk [tilespmem:v1+s15+$0x0], $0xffff  }
0x230: {  	v47 =	vor.u32 $0x1, v46  }
0x231: {  	v8 =	vor.u32 $0x2, v46  }
0x232: {  	v9 =	vor.u32 v37, v42;
	v4 =	vsub.f32 v4, v10  }
0x233: {  	v5 =	vsub.f32 v5, v45  }
0x234: {  	v1 =	vsub.f32 v1, v11;
	[tilespmem:v46+s22+$0x0] =	vst.idx.msk $0xffff, v4  }
0x235: {  	[tilespmem:v47+s22+$0x0] =	vst.idx.msk $0xffff, v5  }
0x236: {  	[tilespmem:v8+s22+$0x0] =	vst.idx.msk $0xffff, v1  }
0x237: {  	v1 =	vld.idx.msk [tilespmem:v9+s21+$0x0], $0xffff;
	_ =	sdelay $0x3  }
0x238: {  	vm10 =	vgt.s32 v9, v3  }
0x239: {  	v1 =	vsel vm10, v0, v1;
	_ =	sdelay $0x3  }
0x23a: {  	[tilespmem:v9+s21+$0x0] =	vst.idx.msk $0xffff, v1  }
0x23b: {  	v4 =	vld.idx.msk [tilespmem:v1+s2+$0x0], $0xffff  }
0x23c: {  	v5 =	vld.idx.msk [tilespmem:v1+s17+$0x0], $0xffff  }
0x23d: {  	v48 =	vshll.u32 v9, $0x3;
	v1 =	vld.idx.msk [tilespmem:v1+s15+$0x0], $0xffff  }
0x23e: {  	v49 =	vor.u32 $0x1, v48  }
0x23f: {  	v8 =	vor.u32 $0x2, v48  }
0x240: {  	v9 =	vor.u32 v38, v42;
	v4 =	vsub.f32 v4, v10  }
0x241: {  	v5 =	vsub.f32 v5, v45  }
0x242: {  	v1 =	vsub.f32 v1, v11;
	[tilespmem:v48+s22+$0x0] =	vst.idx.msk $0xffff, v4  }
0x243: {  	[tilespmem:v49+s22+$0x0] =	vst.idx.msk $0xffff, v5  }
0x244: {  	[tilespmem:v8+s22+$0x0] =	vst.idx.msk $0xffff, v1  }
0x245: {  	v1 =	vld.idx.msk [tilespmem:v9+s21+$0x0], $0xffff;
	_ =	sdelay $0x3  }
0x246: {  	vm11 =	vgt.s32 v9, v3  }
0x247: {  	v0 =	vsel vm11, v0, v1;
	_ =	sdelay $0x3  }
0x248: {  	v53 =	vld [tilespmem:$0x1FFD0];
	[tilespmem:v9+s21+$0x0] =	vst.idx.msk $0xffff, v0  }
0x249: {  	v1 =	vld.idx.msk [tilespmem:v0+s2+$0x0], $0xffff  }
0x24a: {  	v3 =	vld.idx.msk [tilespmem:v0+s17+$0x0], $0xffff  }
0x24b: {  	v50 =	vshll.u32 v9, $0x3;
	v0 =	vld.idx.msk [tilespmem:v0+s15+$0x0], $0xffff  }
0x24c: {  	v51 =	vor.u32 $0x1, v50  }
0x24d: {  	v52 =	vor.u32 $0x2, v50  }
0x24e: {  	v1 =	vsub.f32 v1, v10  }
0x24f: {  	v54 =	vor.u32 v15, v53;
	v3 =	vsub.f32 v3, v45  }
0x250: {  	v0 =	vsub.f32 v0, v11;
	[tilespmem:v50+s22+$0x0] =	vst.idx.msk $0xffff, v1  }
0x251: {  	[tilespmem:v51+s22+$0x0] =	vst.idx.msk $0xffff, v3  }
0x252: {  	[tilespmem:v52+s22+$0x0] =	vst.idx.msk $0xffff, v0  }
0x253: {  	v0 =	vld.idx.msk [tilespmem:v53+s21+$0x0], $0xffff  }
0x254: {  	v1 =	vld.idx.msk [tilespmem:v54+s21+$0x0], $0xffff  }
0x255: {  	v3 =	vmpcnt.ones.xlane vm0;
	_ =	sdelay $0x1  }
0x256: {  	v3 =	vadd.s32 v12, v3  }
0x257: {  	vm12 =	vgt.s32 v54, v3  }
0x258: {  	v1 =	vsel vm12, v0, v1;
	_ =	sdelay $0x1  }
0x259: {  	v56 =	vld [tilespmem:$0x1FF80]  }
0x25a: {  	v10 =	vld [tilespmem:$0x1FF50]  }
0x25b: {  	v11 =	vld [tilespmem:$0x1FFA0];
	[tilespmem:v54+s21+$0x0] =	vst.idx.msk $0xffff, v1  }
0x25c: {  	v4 =	vld.idx.msk [tilespmem:v1+s2+$0x0], $0xffff  }
0x25d: {  	v5 =	vld.idx.msk [tilespmem:v1+s17+$0x0], $0xffff  }
0x25e: {  	v55 =	vshll.u32 v54, $0x3;
	v1 =	vld.idx.msk [tilespmem:v1+s15+$0x0], $0xffff  }
0x25f: {  	v7 =	vor.u32 $0x1, v55  }
0x260: {  	v8 =	vor.u32 $0x2, v55  }
0x261: {  	v9 =	vor.u32 v36, v53;
	v4 =	vsub.f32 v4, v10  }
0x262: {  	v5 =	vsub.f32 v5, v11  }
0x263: {  	v1 =	vsub.f32 v1, v56;
	[tilespmem:v55+s22+$0x0] =	vst.idx.msk $0xffff, v4  }
0x264: {  	[tilespmem:v7+s22+$0x0] =	vst.idx.msk $0xffff, v5  }
0x265: {  	[tilespmem:v8+s22+$0x0] =	vst.idx.msk $0xffff, v1  }
0x266: {  	v1 =	vld.idx.msk [tilespmem:v9+s21+$0x0], $0xffff;
	_ =	sdelay $0x3  }
0x267: {  	vm13 =	vgt.s32 v9, v3  }
0x268: {  	v1 =	vsel vm13, v0, v1;
	_ =	sdelay $0x3  }
0x269: {  	[tilespmem:v9+s21+$0x0] =	vst.idx.msk $0xffff, v1  }
0x26a: {  	v4 =	vld.idx.msk [tilespmem:v1+s2+$0x0], $0xffff  }
0x26b: {  	v5 =	vld.idx.msk [tilespmem:v1+s17+$0x0], $0xffff  }
0x26c: {  	v57 =	vshll.u32 v9, $0x3;
	v1 =	vld.idx.msk [tilespmem:v1+s15+$0x0], $0xffff  }
0x26d: {  	v58 =	vor.u32 $0x1, v57  }
0x26e: {  	v8 =	vor.u32 $0x2, v57  }
0x26f: {  	v9 =	vor.u32 v37, v53;
	v4 =	vsub.f32 v4, v10  }
0x270: {  	v5 =	vsub.f32 v5, v11  }
0x271: {  	v1 =	vsub.f32 v1, v56;
	[tilespmem:v57+s22+$0x0] =	vst.idx.msk $0xffff, v4  }
0x272: {  	[tilespmem:v58+s22+$0x0] =	vst.idx.msk $0xffff, v5  }
0x273: {  	[tilespmem:v8+s22+$0x0] =	vst.idx.msk $0xffff, v1  }
0x274: {  	v1 =	vld.idx.msk [tilespmem:v9+s21+$0x0], $0xffff;
	_ =	sdelay $0x3  }
0x275: {  	vm14 =	vgt.s32 v9, v3  }
0x276: {  	v1 =	vsel vm14, v0, v1;
	_ =	sdelay $0x3  }
0x277: {  	[tilespmem:v9+s21+$0x0] =	vst.idx.msk $0xffff, v1  }
0x278: {  	v4 =	vld.idx.msk [tilespmem:v1+s2+$0x0], $0xffff  }
0x279: {  	v5 =	vld.idx.msk [tilespmem:v1+s17+$0x0], $0xffff  }
0x27a: {  	v59 =	vshll.u32 v9, $0x3;
	v1 =	vld.idx.msk [tilespmem:v1+s15+$0x0], $0xffff  }
0x27b: {  	v60 =	vor.u32 $0x1, v59  }
0x27c: {  	v8 =	vor.u32 $0x2, v59  }
0x27d: {  	v9 =	vor.u32 v38, v53;
	v4 =	vsub.f32 v4, v10  }
0x27e: {  	v5 =	vsub.f32 v5, v11  }
0x27f: {  	v1 =	vsub.f32 v1, v56;
	[tilespmem:v59+s22+$0x0] =	vst.idx.msk $0xffff, v4  }
0x280: {  	[tilespmem:v60+s22+$0x0] =	vst.idx.msk $0xffff, v5  }
0x281: {  	[tilespmem:v8+s22+$0x0] =	vst.idx.msk $0xffff, v1  }
0x282: {  	v1 =	vld.idx.msk [tilespmem:v9+s21+$0x0], $0xffff;
	_ =	sdelay $0x3  }
0x283: {  	vm15 =	vgt.s32 v9, v3  }
0x284: {  	v0 =	vsel vm15, v0, v1;
	_ =	sdelay $0x3  }
0x285: {  	[tilespmem:v9+s21+$0x0] =	vst.idx.msk $0xffff, v0  }
0x286: {  	v1 =	vld.idx.msk [tilespmem:v0+s2+$0x0], $0xffff  }
0x287: {  	v3 =	vld.idx.msk [tilespmem:v0+s17+$0x0], $0xffff  }
0x288: {  	v61 =	vshll.u32 v9, $0x3;
	v0 =	vld.idx.msk [tilespmem:v0+s15+$0x0], $0xffff  }
0x289: {  	s1 =	sadd.s32 $0x1, s1;
	v62 =	vor.u32 $0x1, v61  }
0x28a: {  	p0 =	sne.s32 s1, $0x10;
	v63 =	vor.u32 $0x2, v61  }
.Ltmp2:
0x28b: {  	v1 =	vsub.f32 v1, v10;
	(pc) =	sbr.rel @p0 .LBB2_4-.Ltmp2, $4  }
0x28c: {  	v3 =	vsub.f32 v3, v11  }
0x28d: {  	v0 =	vsub.f32 v0, v56;
	[tilespmem:v61+s22+$0x0] =	vst.idx.msk $0xffff, v1  }
0x28e: {  	[tilespmem:v62+s22+$0x0] =	vst.idx.msk $0xffff, v3  }
0x28f: {  	v11 =	vlaneseq.u32;
	[tilespmem:v63+s22+$0x0] =	vst.idx.msk $0xffff, v0  }
0x290: {  	s0 =	rddreg [dreg:$0x9]  }
0x291: {  	[hbm4b:s0+s14] =	stream.strided.scatter [tilespmem:s22], [sflag:$0x5], $0x10000, s15, s14, $0x38;
	[tilespmem:$0x1A780] =	vst v63  }
0x292: {  	_ =	swait.ge [sflag:s16], $0x10000  }
0x293: {  	[sflag:s16] =	ssyncset.done $0x0  }
0x294: {  	s6 =	simm.s32 $0x10780;
	[sflag:s16] =	ssyncadd.s32 $0xFFFF0000  }
0x295: {  	[tilespmem:s23], [sflag:$0x1] =	stream.indirect.gather [hbm4b:s10+s14], $0x80, s6, s14, $0xb8;
	[tilespmem:$0x1A780] =	vst v63  }
0x296: {  	s7 =	simm.s32 $0x10800  }
0x297: {  	[tilespmem:s24], [sflag:$0x2] =	stream.indirect.gather [hbm4b:s10+s14], $0x80, s7, s14, $0xb8;
	[tilespmem:$0x1A780] =	vst v63  }
0x298: {  	_ =	swait.ge [sflag:s25], $0x4000  }
0x299: {  	[sflag:s25] =	ssyncset.done $0x0  }
0x29a: {  	s8 =	sadd.s32 $0x0, s12;
	[sflag:s25] =	ssyncadd.s32 $0xFFFFC000  }
0x29b: {  	[hbm4b:s8+s2] =	stream.linear.scatter [tilespmem:s23], [sflag:$0x3], $0x4000, $0x38;
	[tilespmem:$0x1A780] =	vst v63  }
0x29c: {  	_ =	swait.ge [sflag:s26], $0x4000  }
0x29d: {  	[sflag:s26] =	ssyncset.done $0x0  }
0x29e: {  	s9 =	sadd.s32 $0x0, s13;
	[sflag:s26] =	ssyncadd.s32 $0xFFFFC000  }
0x29f: {  	[hbm4b:s9+s2] =	stream.linear.scatter [tilespmem:s24], [sflag:$0x4], $0x4000, $0x38;
	[tilespmem:$0x1A780] =	vst v63  }
0x2a0: {  	_ =	swait.ge [sflag:s28], $0x4000  }
0x2a1: {  	[sflag:s28] =	ssyncset.done $0x0  }
0x2a2: {  	[sflag:s28] =	ssyncadd.s32 $0xFFFFC000  }
0x2a3: {  	s3 =	simm.s32 $0x2000;
	_ =	swait.ge [sflag:s29], $0x4000  }
0x2a4: {  	s1 =	simm.s32 $0x10900;
	s0 =	simm.s32 $0x1000;
	[sflag:s29] =	ssyncset.done $0x0  }
.LBB2_8:
0x2a5: {  	p0 =	sne.s32 s3, $0x1F000;
	s4 =	sadd.s32 $0xFFFFFF80, s1;
	[sflag:s29] =	ssyncadd.s32 $0xFFFFC000  }
0x2a6: {  	[tilespmem:s23], [sflag:$0x1] =	stream.indirect.gather [hbm4b:s10+s14], $0x80, s4, s14, $0xb8;
	[tilespmem:$0x1A780] =	vst v63  }
0x2a7: {  	s4 =	smov.u32 s3;
	s3 =	sadd.s32 $0x1000, s3  }
0x2a8: {  	[tilespmem:s24], [sflag:$0x2] =	stream.indirect.gather [hbm4b:s10+s14], $0x80, s1, s14, $0xb8;
	[tilespmem:$0x1A780] =	vst v63  }
0x2a9: {  	_ =	swait.ge [sflag:s25], $0x4000  }
0x2aa: {  	[sflag:s25] =	ssyncset.done $0x0  }
0x2ab: {  	s5 =	sadd.s32 s0, s12;
	[sflag:s25] =	ssyncadd.s32 $0xFFFFC000  }
0x2ac: {  	[hbm4b:s5+s2] =	stream.linear.scatter [tilespmem:s23], [sflag:$0x3], $0x4000, $0x38;
	[tilespmem:$0x1A780] =	vst v63  }
0x2ad: {  	_ =	swait.ge [sflag:s26], $0x4000  }
0x2ae: {  	[sflag:s26] =	ssyncset.done $0x0  }
0x2af: {  	s5 =	sadd.s32 s0, s13;
	s0 =	smov.u32 s4;
	[sflag:s26] =	ssyncadd.s32 $0xFFFFC000  }
0x2b0: {  	[hbm4b:s5+s2] =	stream.linear.scatter [tilespmem:s24], [sflag:$0x4], $0x4000, $0x38;
	[tilespmem:$0x1A780] =	vst v63  }
.Ltmp3:
0x2b1: {  	_ =	swait.ge [sflag:s28], $0x4000;
	(pc) =	sbr.rel @p0 .LBB2_8-.Ltmp3, $4  }
0x2b2: {  	[sflag:s28] =	ssyncset.done $0x0  }
0x2b3: {  	[sflag:s28] =	ssyncadd.s32 $0xFFFFC000  }
0x2b4: {  	_ =	swait.ge [sflag:s29], $0x4000  }
0x2b5: {  	s1 =	sadd.s32 $0x100, s1;
	[sflag:s29] =	ssyncset.done $0x0  }
0x2b6: {  	s3 =	sadd.s32 $0xFFFFFF80, s1;
	[sflag:s29] =	ssyncadd.s32 $0xFFFFC000  }
0x2b7: {  	[tilespmem:s23], [sflag:$0x1] =	stream.indirect.gather [hbm4b:s10+s14], $0x80, s3, s14, $0xb8;
	[tilespmem:$0x1A780] =	vst v63  }
0x2b8: {  	_ = 	snop  }
0x2b9: {  	[tilespmem:s24], [sflag:$0x2] =	stream.indirect.gather [hbm4b:s10+s14], $0x80, s1, s14, $0xb8;
	[tilespmem:$0x1A780] =	vst v63  }
0x2ba: {  	_ =	swait.ge [sflag:s25], $0x4000  }
0x2bb: {  	[sflag:s25] =	ssyncset.done $0x0  }
0x2bc: {  	s8 =	sadd.s32 s0, s12;
	[sflag:s25] =	ssyncadd.s32 $0xFFFFC000  }
0x2bd: {  	[hbm4b:s8+s2] =	stream.linear.scatter [tilespmem:s23], [sflag:$0x3], $0x4000, $0x38;
	[tilespmem:$0x1A780] =	vst v63  }
0x2be: {  	_ =	swait.ge [sflag:s26], $0x4000  }
0x2bf: {  	[sflag:s26] =	ssyncset.done $0x0  }
0x2c0: {  	s9 =	sadd.s32 s0, s13;
	s30 =	sadd.s32 $0x1, s30;
	[sflag:s26] =	ssyncadd.s32 $0xFFFFC000  }
0x2c1: {  	[hbm4b:s9+s2] =	stream.linear.scatter [tilespmem:s24], [sflag:$0x4], $0x4000, $0x38;
	[tilespmem:$0x1A780] =	vst v63  }
0x2c2: {  	p0 =	sne.s32 s30, s11;
	_ =	swait.ge [sflag:s28], $0x4000  }
.Ltmp4:
0x2c3: {  	[sflag:s28] =	ssyncset.done $0x0;
	(pc) =	sbr.rel @p0 .LBB2_1-.Ltmp4, $4  }
0x2c4: {  	[sflag:s28] =	ssyncadd.s32 $0xFFFFC000  }
0x2c5: {  	_ =	swait.ge [sflag:s29], $0x4000  }
0x2c6: {  	[sflag:s29] =	ssyncset.done $0x0  }
0x2c7: {  	v0 =	vimm.f32 $0.0e+00;
	[sflag:s29] =	ssyncadd.s32 $0xFFFFC000  }
0x2c8: {  	_ =	sfence.sel $0x180000  }
0x2c9: {  	[bflag:$0x0] =	sbarrier.arrive $0xFFFF  }
0x2ca: {  	_ =	strace $0x9000004A  }
0x2cb: {  	s0 =	stileid.u32;
	[bflag:$0x2] =	sbarrier.arrive $0xFFFF  }
0x2cc: {  	p0 =	sne.s32 s0, $0x0;
	s0 =	rddreg [dreg:$0x2]  }
0x2cd: {  	s0 =	sadd.s32 @!p0 $0x100000, s0  }
0x2ce: {  	[sflag:s0] =	ssyncadd.tile.s32 @!p0 $0x1;
	_ =	shalt  }
.Lfunc_end2:
_tile_overlayer_lowered:
.L_overlay_start_2:
0x2cf: {  	(tag) =	ssettag $0x2  }
0x2d0: {  	s0 =	rddreg [dreg:$0x0];
	s2 =	stileid.u32  }
0x2d1: {  	s1 =	rddreg [dreg:$0x1];
	p0 =	sne.s32 s2, $0x0  }
0x2d2: {  	s3 =	rddreg [dreg:$0x2];
	[bflag:$0x3] =	sbarrier.arrive $0xFFFF;
	s2 =	simm.s32 @!p0 $0x1C05  }
0x2d3: {  	[timem:s3], [sflag:s2] =	dma.local @!p0 [hbm:s0], s1  }
0x2d4: {  	s0 =	simm.s32 @!p0 $0x5  }
0x2d5: {  	_ =	swait.ge @!p0 [sflag:s0], s1  }
0x2d6: {  	s1 =	ssub.s32 @!p0 $0x0, s1;
	[sflag:s0] =	ssyncset.done @!p0 $0x0  }
0x2d7: {  	[sflag:s0] =	ssyncadd.s32 @!p0 s1  }
0x2d8: {  	[bflag:$0x3] =	sbarrier.arrive $0xFFFF  }
0x2d9: {  	_ =	shalt  }

// kernel: kernel.9.cloned.1.call-start
scs
__scs_entry_jumppad:
0x0: {  	(pc) =	sbr.rel $0x88, $3  }
0x1: {  	(tag) =	ssettag $0x0;
	lr =	simm.s32 $0x1  }
0x2: {  	[smem:$0x3F7D] =	sst lr;
	_ =	strace $0xD0000000  }
0x3: {  	_ = 	snop  }
0x4: {  	_ = 	snop  }
0x5: {  	_ = 	snop  }
0x6: {  	_ = 	snop  }
0x7: {  	_ = 	snop  }
__scs_overlays_trampoline_lowered:
0x8: {  	[smem:$0x3F8C] =	sst s0  }
0x9: {  	[smem:$0x3F8D] =	sst s1  }
0xa: {  	[smem:$0x3F8E] =	sst s2  }
0xb: {  	[smem:$0x3F8F] =	sst s3  }
0xc: {  	[smem:$0x3F90] =	sst s4  }
0xd: {  	[smem:$0x3F91] =	sst s5  }
0xe: {  	[smem:$0x3F92] =	sst s6  }
0xf: {  	[smem:$0x3F93] =	sst s7  }
0x10: {  	[smem:$0x3F94] =	sst s8  }
0x11: {  	[smem:$0x3F95] =	sst s9;
	s0 =	simm.s32 @!p0 $0x0  }
0x12: {  	s1 =	sld [smem:$0x3F7B];
	s0 =	simm.s32 @p0 $0x1  }
0x13: {  	[smem:$0x3F96] =	sst s0;
	s0 =	simm.s32 @!p1 $0x0  }
0x14: {  	s2 =	sld [smem:$0x3F7A];
	s0 =	simm.s32 @p1 $0x1  }
0x15: {  	[smem:$0x3F97] =	sst s0;
	s0 =	simm.s32 @!p2 $0x0  }
0x16: {  	s3 =	sld [smem:$0x3FDB];
	s0 =	simm.s32 @p2 $0x1  }
0x17: {  	s4 =	simm.s32 $0x1BF5;
	[smem:$0x3F99] =	sst s0  }
0x18: {  	s0 =	sld [smem:$0x3F7C];
	_ =	swait.ge [sflag:s4], $0x0  }
0x19: {  	s7 =	sld [smem:$0x3F7D]  }
0x1a: {  	s8 =	sadd.s32 $0xFFFFE003, lr  }
0x1b: {  	s9 =	sadd.s32 $0xFFFFFEF7, lr;
	s5 =	simm.s32 $0xFFFFFFFF;
	p2 =	slt.u32 s8, $0xFFFFF086  }
0x1c: {  	p1 =	slt.u32 s9, $0xF7A;
	s5 =	simm.s32 @!p2 $0x0  }
0x1d: {  	s5 =	simm.s32 @p1 $0x1;
	p0 =	seq.s32 s7, s2  }
0x1e: {  	s7 =	smul.u32 @!p0 $0xF7A, s2;
	p2 =	seq.s32 @!p0 s5, $0x0  }
0x1f: {  	s9 =	smul.u32 $0xF7A, s1;
	s8 =	simm.s32 @!p0 $0x1BF5;
	p2 =	por !p2, p0  }
0x20: {  	[sflag:s8] =	ssyncset.s32 @!p0 $0xFFFFF086;
	s6 =	sadd.s32 @!p0 s3, s7;
	s7 =	simm.s32 @!p0 $0x108  }
0x21: {  	s3 =	sadd.s32 s3, s9;
	s6 =	sadd.s32 @!p0 $0x88, s6;
	s7 =	simm.s32 @p2 $0x1082  }
0x22: {  	[simem:s7], [sflag:s8] =	dma.local @!p0 [hbm:s6], $0xF7A  }
0x23: {  	s9 =	sor.u32 $0xD0000000, s2;
	s6 =	simm.s32 $0x108;
	_ =	swait.ge @!p0 [sflag:s8], $0x0  }
0x24: {  	s3 =	sadd.s32 $0x88, s3;
	s6 =	simm.s32 @!p1 $0x1082;
	[sflag:s4] =	ssyncset.s32 $0xFFFFF086  }
0x25: {  	[simem:s6], [sflag:s4] =	dma.local [hbm:s3], $0xF7A  }
0x26: {  	[smem:$0x3F7D] =	sst s1;
	(tag) =	ssettag s2;
	_ =	strace s9  }
0x27: {  	s1 =	sld [smem:$0x3F8D]  }
0x28: {  	s2 =	sld [smem:$0x3F8E]  }
0x29: {  	s4 =	sld [smem:$0x3F90]  }
0x2a: {  	p0 =	seq.s32 s5, $0x0;
	s5 =	sld [smem:$0x3F91]  }
0x2b: {  	s6 =	sld [smem:$0x3F92]  }
0x2c: {  	s7 =	sld [smem:$0x3F93]  }
0x2d: {  	s3 =	simm.s32 $0x108;
	s8 =	sld [smem:$0x3F94]  }
0x2e: {  	s3 =	simm.s32 @!p0 $0x1082;
	s9 =	sld [smem:$0x3F95]  }
0x2f: {  	lr =	sadd.s32 s0, s3;
	s0 =	sld [smem:$0x3F8C]  }
0x30: {  	s3 =	sld [smem:$0x3F8F]  }
0x31: {  	[smem:$0x3F98] =	sst s10  }
0x32: {  	s10 =	sld [smem:$0x3F96];
	_ =	sdelay $0x3  }
0x33: {  	p0 =	seq.s32 s10, $0x1;
	s10 =	sld [smem:$0x3F98];
	_ =	sdelay $0x3  }
0x34: {  	[smem:$0x3F98] =	sst s10  }
0x35: {  	s10 =	sld [smem:$0x3F97];
	_ =	sdelay $0x3  }
0x36: {  	p1 =	seq.s32 s10, $0x1;
	s10 =	sld [smem:$0x3F98];
	_ =	sdelay $0x3  }
0x37: {  	[smem:$0x3F98] =	sst s10  }
0x38: {  	s10 =	sld [smem:$0x3F99]  }
0x39: {  	_ = 	snop;
	(pc) =	sbr.ind lr, $3  }
0x3a: {  	_ = 	snop  }
0x3b: {  	_ = 	snop  }
0x3c: {  	p2 =	seq.s32 s10, $0x1;
	s10 =	sld [smem:$0x3F98]  }
0x3d: {  	_ =	shalt  }
0x3e: {  	_ =	shalt  }
0x3f: {  	_ =	shalt  }
0x40: {  	_ =	shalt  }
0x41: {  	_ =	shalt  }
0x42: {  	_ =	shalt  }
0x43: {  	_ =	shalt  }
0x44: {  	_ =	shalt  }
0x45: {  	_ =	shalt  }
0x46: {  	_ =	shalt  }
0x47: {  	_ =	shalt  }
0x48: {  	_ =	shalt  }
0x49: {  	_ =	shalt  }
0x4a: {  	_ =	shalt  }
0x4b: {  	_ =	shalt  }
0x4c: {  	_ =	shalt  }
0x4d: {  	_ =	shalt  }
0x4e: {  	_ =	shalt  }
0x4f: {  	_ =	shalt  }
0x50: {  	_ =	shalt  }
0x51: {  	_ =	shalt  }
0x52: {  	_ =	shalt  }
0x53: {  	_ =	shalt  }
0x54: {  	_ =	shalt  }
0x55: {  	_ =	shalt  }
0x56: {  	_ =	shalt  }
0x57: {  	_ =	shalt  }
0x58: {  	_ =	shalt  }
0x59: {  	_ =	shalt  }
0x5a: {  	_ =	shalt  }
0x5b: {  	_ =	shalt  }
0x5c: {  	_ =	shalt  }
0x5d: {  	_ =	shalt  }
0x5e: {  	_ =	shalt  }
0x5f: {  	_ =	shalt  }
0x60: {  	_ =	shalt  }
0x61: {  	_ =	shalt  }
0x62: {  	_ =	shalt  }
0x63: {  	_ =	shalt  }
0x64: {  	_ =	shalt  }
0x65: {  	_ =	shalt  }
0x66: {  	_ =	shalt  }
0x67: {  	_ =	shalt  }
0x68: {  	_ =	shalt  }
0x69: {  	_ =	shalt  }
0x6a: {  	_ =	shalt  }
0x6b: {  	_ =	shalt  }
0x6c: {  	_ =	shalt  }
0x6d: {  	_ =	shalt  }
0x6e: {  	_ =	shalt  }
0x6f: {  	_ =	shalt  }
0x70: {  	_ =	shalt  }
0x71: {  	_ =	shalt  }
0x72: {  	_ =	shalt  }
0x73: {  	_ =	shalt  }
0x74: {  	_ =	shalt  }
0x75: {  	_ =	shalt  }
0x76: {  	_ =	shalt  }
0x77: {  	_ =	shalt  }
0x78: {  	_ =	shalt  }
0x79: {  	_ =	shalt  }
0x7a: {  	_ =	shalt  }
0x7b: {  	_ =	shalt  }
0x7c: {  	_ =	shalt  }
0x7d: {  	_ =	shalt  }
0x7e: {  	_ =	shalt  }
0x7f: {  	_ =	shalt  }
0x80: {  	_ =	shalt  }
0x81: {  	_ =	shalt  }
0x82: {  	_ =	shalt  }
0x83: {  	_ =	shalt  }
0x84: {  	_ =	shalt  }
0x85: {  	_ =	shalt  }
0x86: {  	_ =	shalt  }
0x87: {  	_ =	shalt  }
.Lfunc_end0:
.L_simem_size_0:
called_computation_lowered:
.L_overlay_start_0:
0x88: {  	s2 =	sld [smem:$0x3FD9]  }
0x89: {  	s3 =	sld [smem:$0x3FFE];
	_ =	sdelay $0x1  }
0x8a: {  	s1 =	srdreg.scid  }
0x8b: {  	s0 =	sand.u32 $0x1, s1  }
0x8c: {  	s16 =	sshll.u32 s0, $0xA;
	s2 =	sadd.s32 s3, s2  }
0x8d: {  	s2 =	sadd.s32 s2, s16  }
0x8e: {  	[smem:$0x3FA4] =	sst s2  }
0x8f: {  	_ = 	snop  }
0x90: {  	(tm) =	ssettm $0x1  }
0x91: {  	s17 =	sld [smem:$0x3FFB];
	_ =	sdelay $0x3  }
0x92: {  	_ =	strace s17  }
0x93: {  	s2 =	sld [smem:$0x3FFC];
	_ =	sdelay $0x3  }
0x94: {  	_ =	strace s2  }
0x95: {  	s2 =	sld [smem:$0x3FFD];
	_ =	sdelay $0x3  }
0x96: {  	_ =	strace s2  }
0x97: {  	_ =	strace $0x8FFFFFFF  }
0x98: {  	s18 =	sld [smem:$0x3FDB];
	_ =	sdelay $0x1  }
0x99: {  	s19 =	simm.s32 $_scs_section_size  }
0x9a: {  	s4 =	simm.s32 $_size__tile_overlayer_lowered;
	s5 =	simm.s32 $_tile_overlayer_lowered  }
0x9b: {  	s22 =	simm.s32 $0x1BFF;
	s21 =	sshll.u32 s5, $0x1;
	s2 =	sadd.s32 s19, s18  }
0x9c: {  	s6 =	simm.s32 $0x0;
	s20 =	sshll.u32 s4, $0x1;
	s4 =	sadd.s32 s21, s2  }
0x9d: {  	[timem:s6], [sflag:s22] =	dma.local [hbm:s4], s20  }
0x9e: {  	_ =	swait.ge [sflag:s22], s20  }
0x9f: {  	s3 =	ssub.s32 $0x0, s20;
	[sflag:s22] =	ssyncset.done $0x0  }
0xa0: {  	[sflag:s22] =	ssyncadd.s32 s3;
	_ =	sdelay $0x1  }
0xa1: {  	s23 =	simm.s32 $0x1B8B  }
0xa2: {  	_ =	swait.ge [sflag:s23], $0x1  }
0xa3: {  	[sflag:s23] =	ssyncset.done $0x0  }
0xa4: {  	s25 =	simm.s32 $0x1B8E;
	s24 =	sld [smem:$0x3FFE];
	[sflag:s23] =	ssyncadd.s32 $0xFFFFFFFF  }
0xa5: {  	s26 =	simm.s32 $execute0_lowered;
	[smem:$0x3FD2] =	sst s25  }
0xa6: {  	s4 =	sshll.u32 s26, $0x1;
	_ =	strace $0x80000046;
	[dreg:$0x1] =	wrdreg $0xFFFFFFFF  }
0xa7: {  	s28 =	simm.s32 $_size_execute0_lowered;
	s2 =	sadd.s32 s2, s4;
	[dreg:$0x0] =	wrdreg $0x0  }
0xa8: {  	s4 =	sshll.u32 s28, $0x1;
	[dreg:$0x2] =	wrdreg s2  }
0xa9: {  	[dreg:$0x3] =	wrdreg s4  }
0xaa: {  	[dreg:$0x4] =	wrdreg $0xC0  }
0xab: {  	_ =	task [dreg:s6], $0x5FFFF  }
0xac: {  	[dreg:$0x1] =	wrdreg $0xFFFFFFFF  }
0xad: {  	[dreg:$0x0] =	wrdreg $0x60  }
0xae: {  	[dreg:$0x2] =	wrdreg s24  }
0xaf: {  	[dreg:$0x3] =	wrdreg $0x9  }
0xb0: {  	_ =	task.clear_ibuf [dreg:s6], $0x4FFFF;
	_ =	strace $0x90000046  }
0xb1: {  	s29 =	simm.s32 $0x9;
	_ =	strace $0x80000048  }
0xb2: {  	_ =	swait.ge [sflag:s29], $0x1  }
0xb3: {  	[sflag:s29] =	ssyncadd.s32 $0xFFFFFFFF  }
0xb4: {  	_ =	strace $0x90000048  }
0xb5: {  	_ =	sfence  }
0xb6: {  	s30 =	sld [smem:$0x0];
	_ =	sdelay $0x2  }
0xb7: {  	s31 =	sshll.u32 s1, $0xD;
	s1 =	sshrl.u32 s1, $0x2  }
0xb8: {  	s3 =	sand.u32 $0x4000, s31;
	s1 =	sadd.s32 s1, s30  }
0xb9: {  	s0 =	sor.u32 s3, s0;
	s1 =	sshll.u32 s1, $0x11  }
0xba: {  	s0 =	sor.u32 s1, s0  }
0xbb: {  	s0 =	sadd.s32 $0x8F2B, s0  }
0xbc: {  	[sflag:s0] =	ssyncadd.remote.s32 $0x1  }
0xbd: {  	_ =	sfence.sel $0xFFFF  }
0xbe: {  	[dreg:$0x0] =	wrdreg $0xFFFFFFFF;
	(pc) =	sbr.abs _section_cstart, $3  }
0xbf: {  	[dreg:$0x1] =	wrdreg $0xFFFFFFFF  }
0xc0: {  	_ =	task.clear_ibuf [dreg:s6], $0x2FFFF;
	_ =	strace $0x9FFFFFFF  }
0xc1: {  	(tm) =	ssettm $0x7FFFFFFF  }
tec
execute0_lowered:
.L_overlay_start_1:
0x0: {  	(tag) =	ssettag $0x1  }
0x1: {  	s3 =	rddreg [dreg:$0x0]  }
0x2: {  	s2 =	srdreg.scid;
	s1 =	stileid.u32  }
0x3: {  	s0 =	rddreg [dreg:$0x1];
	s13 =	simm.s32 $0x400;
	s14 =	simm.s32 $0x1  }
0x4: {  	s15 =	simm.s32 $0x800;
	s16 =	simm.s32 $0x1000;
	s17 =	simm.s32 $0x1800  }
0x5: {  	s18 =	simm.s32 $0x1A00;
	s19 =	simm.s32 $0x1C00;
	s20 =	simm.s32 $0x11E00  }
0x6: {  	s21 =	simm.s32 $0x1E00;
	s22 =	simm.s32 $0x0;
	s4 =	sand.u32 $0x1, s2  }
0x7: {  	s26 =	sshll.u32 s1, $0x8;
	s8 =	sshrl.u32 s1, $0x2;
	s2 =	simm.s32 $0x0  }
0x8: {  	s5 =	sshll.u32 s4, $0x7;
	s6 =	sand.u32 $0x300, s26;
	s28 =	sshll.u32 s8, $0xE  }
0x9: {  	[smem:$0x7FF] =	sst s2;
	s29 =	sshll.u32 s8, $0xC;
	s4 =	ssub.s32 $0x2, s4  }
0xa: {  	s12 =	sshll.u32 s8, $0x15;
	s10 =	sor.u32 s5, s6;
	_ =	strace $0x80000047  }
0xb: {  	s31 =	sshrl.u32 s4, $0x1;
	s5 =	sor.u32 s28, s10;
	s6 =	sor.u32 s29, s10  }
0xc: {  	s11 =	ssub.s32 s4, s31;
	s10 =	sor.u32 s10, s12;
	s12 =	simm.s32 $0x80  }
0xd: {  	s5 =	sshrl.u32 s5, $0x3;
	s30 =	sshrl.u32 s6, $0x3;
	s11 =	smax.u32 s11, $0x1  }
0xe: {  	s7 =	sadd.s32 s5, s3;
	s9 =	sadd.s32 s30, s3;
	s3 =	sadd.s32 $0xF000, s3  }
0xf: {  	s4 =	sadd.s32 $0x7800, s7;
	s5 =	sadd.s32 $0xB800, s7;
	s6 =	sadd.s32 $0x9800, s7  }
0x10: {  	v0 =	vimm.f32 $0.0e+00;
	v15 =	vlaneseq.u32;
	v2 =	vimm.s32 $0x1;
	s7 =	sadd.s32 $0xD800, s9;
	s8 =	sadd.s32 $0xE000, s9;
	s9 =	sadd.s32 $0xE800, s9  }
.LBB2_1:
0x11: {  	[tilespmem:s2], [sflag:$0x1] =	stream.strided.gather [hbm4b:s4+s12], $0x800, s13, s12, $0x38;
	[tilespmem:$0x13E00] =	vst v63  }
0x12: {  	_ =	swait.ge [sflag:s14], $0x800  }
0x13: {  	[sflag:s14] =	ssyncset.done $0x0  }
0x14: {  	[sflag:s14] =	ssyncadd.s32 $0xFFFFF800  }
0x15: {  	[tilespmem:s15], [sflag:$0x1] =	stream.strided.gather [hbm4b:s5+s12], $0x800, s13, s12, $0x38;
	[tilespmem:$0x13E00] =	vst v63  }
0x16: {  	_ =	swait.ge [sflag:s14], $0x800  }
0x17: {  	[sflag:s14] =	ssyncset.done $0x0  }
0x18: {  	[sflag:s14] =	ssyncadd.s32 $0xFFFFF800  }
0x19: {  	[tilespmem:s16], [sflag:$0x1] =	stream.strided.gather [hbm4b:s6+s12], $0x800, s13, s12, $0x38;
	[tilespmem:$0x13E00] =	vst v63  }
0x1a: {  	_ =	swait.ge [sflag:s14], $0x800  }
0x1b: {  	[sflag:s14] =	ssyncset.done $0x0  }
0x1c: {  	[sflag:s14] =	ssyncadd.s32 $0xFFFFF800  }
0x1d: {  	[tilespmem:s17], [sflag:$0x1] =	stream.strided.gather [hbm4b:s7+s12], $0x200, s13, s12, $0x38;
	[tilespmem:$0x13E00] =	vst v63  }
0x1e: {  	_ =	swait.ge [sflag:s14], $0x200  }
0x1f: {  	[sflag:s14] =	ssyncset.done $0x0  }
0x20: {  	[sflag:s14] =	ssyncadd.s32 $0xFFFFFE00  }
0x21: {  	[tilespmem:s18], [sflag:$0x1] =	stream.strided.gather [hbm4b:s8+s12], $0x200, s13, s12, $0x38;
	[tilespmem:$0x13E00] =	vst v63  }
0x22: {  	_ =	swait.ge [sflag:s14], $0x200  }
0x23: {  	[sflag:s14] =	ssyncset.done $0x0  }
0x24: {  	[sflag:s14] =	ssyncadd.s32 $0xFFFFFE00  }
0x25: {  	[tilespmem:s19], [sflag:$0x1] =	stream.strided.gather [hbm4b:s9+s12], $0x200, s13, s12, $0x38;
	[tilespmem:$0x13E00] =	vst v63  }
0x26: {  	_ =	swait.ge [sflag:s14], $0x200  }
0x27: {  	[sflag:s14] =	ssyncset.done $0x0  }
0x28: {  	s23 =	simm.s32 $0x40;
	s24 =	simm.s32 $0x0;
	[sflag:s14] =	ssyncadd.s32 $0xFFFFFE00  }
.LBB2_2:
0x29: {  	p0 =	sne.s32 s23, $0x3FFC0;
	[tilespmem:s24+$0x1E00] =	vst v0;
	s24 =	smov.u32 s23;
	s23 =	sadd.s32 $0x40, s23  }
.Ltmp0:
0x2a: {  	(pc) =	sbr.rel @p0 .LBB2_2-.Ltmp0, $2  }
0x2b: {  	_ =	sdelay $0x2  }
0x2c: {  	s24 =	sshra.s32 s24, $0x2  }
0x2d: {  	[tilespmem:s24+$0x1E00] =	vst v0;
	s23 =	simm.s32 $0x0  }
.LBB2_4:
0x2e: {  	s24 =	sshll.u32 s23, $0x7;
	s25 =	simm.s32 $0x0  }
.LBB2_5:
0x2f: {  	s26 =	sshll.u32 s25, $0x3  }
0x30: {  	s26 =	sadd.s32 s24, s26  }
0x31: {  	v0 =	vmov s26  }
0x32: {  	v0 =	vand.u32 $0xFFFFFFF8, v0  }
0x33: {  	s28 =	sor.u32 $0x1, s26;
	v0 =	vbroadcast v0, $0x0  }
0x34: {  	v1 =	vmov s28;
	s28 =	sor.u32 $0x2, s26  }
0x35: {  	v3 =	vmov s28;
	s28 =	sor.u32 $0x3, s26  }
0x36: {  	v1 =	vand.u32 $0xFFFFFFF9, v1;
	v4 =	vmov s28;
	s28 =	sor.u32 $0x4, s26  }
0x37: {  	v1 =	vbroadcast v1, $0x0;
	v5 =	vmov s28  }
0x38: {  	s28 =	sor.u32 $0x5, s26;
	v5 =	vand.u32 $0xFFFFFFFC, v5  }
0x39: {  	s30 =	sshll.u32 s25, $0x9;
	v3 =	vand.u32 $0xFFFFFFFA, v3;
	v6 =	vbroadcast v5, $0x0;
	v5 =	vmov s28;
	s28 =	sor.u32 $0x6, s26;
	s26 =	sor.u32 $0x7, s26;
	v40 =	vld.idx.msk [tilespmem:v0+s17+$0x0], $0xffff  }
0x3a: {  	v9 =	vmov s30;
	v3 =	vbroadcast v3, $0x0;
	v8 =	vmov s26;
	s26 =	simm.s32 $0x0;
	v41 =	vld.idx.msk [tilespmem:v0+s18+$0x0], $0xffff  }
0x3b: {  	v36 =	vadd.s32 $0xFFFFFFFF, v9;
	[tilespmem:$0x1FF00] =	vst v9;
	v37 =	vor.u32 $0x40, v9;
	v4 =	vand.u32 $0xFFFFFFFB, v4;
	v9 =	vld [tilespmem:s26+$0x0]  }
0x3c: {  	v4 =	vbroadcast v4, $0x0;
	v44 =	vld.idx.msk [tilespmem:v0+s19+$0x0], $0xffff  }
0x3d: {  	v31 =	vld.idx.msk [tilespmem:v1+s17+$0x0], $0xffff  }
0x3e: {  	v32 =	vld.idx.msk [tilespmem:v1+s19+$0x0], $0xffff  }
0x3f: {  	v39 =	vld.idx.msk [tilespmem:v1+s18+$0x0], $0xffff  }
0x40: {  	v27 =	vld.idx.msk [tilespmem:v3+s17+$0x0], $0xffff  }
0x41: {  	v7 =	vmov s28;
	v30 =	vld.idx.msk [tilespmem:v3+s19+$0x0], $0xffff  }
0x42: {  	v5 =	vand.u32 $0xFFFFFFFD, v5;
	s28 =	sor.u32 $0x40, s30;
	v7 =	vand.u32 $0xFFFFFFFE, v7;
	v21 =	vld.idx.msk [tilespmem:v4+s17+$0x0], $0xffff  }
0x43: {  	v5 =	vbroadcast v5, $0x0;
	v10 =	vmov s28;
	s28 =	sor.u32 $0x80, s30;
	v7 =	vbroadcast v7, $0x0;
	v17 =	vld.idx.msk [tilespmem:v6+s17+$0x0], $0xffff  }
0x44: {  	v42 =	vadd.s32 $0xFFFFFFFF, v10;
	[tilespmem:$0x1FF10] =	vst v10;
	v38 =	vadd.s32 $0x40, v10;
	v10 =	vmov s28;
	s28 =	sor.u32 $0xC0, s30;
	v26 =	vld.idx.msk [tilespmem:v6+s19+$0x0], $0xffff  }
0x45: {  	v34 =	vadd.s32 $0xFFFFFFFF, v10;
	[tilespmem:$0x1FF20] =	vst v10;
	v45 =	vor.u32 $0x40, v10;
	v10 =	vmov s28;
	s28 =	sor.u32 $0x100, s30;
	v12 =	vld.idx.msk [tilespmem:v8+s17+$0x0], $0xffff  }
0x46: {  	v28 =	vadd.s32 $0xFFFFFFFF, v10;
	[tilespmem:$0x1FF30] =	vst v10;
	v46 =	vadd.s32 $0x40, v10;
	v10 =	vmov s28;
	s28 =	sor.u32 $0x140, s30;
	v29 =	vld.idx.msk [tilespmem:v8+s18+$0x0], $0xffff  }
0x47: {  	v22 =	vadd.s32 $0xFFFFFFFF, v10;
	[tilespmem:$0x1FF40] =	vst v10;
	v47 =	vor.u32 $0x40, v10;
	v10 =	vmov s28;
	s28 =	simm.s32 $0x1000;
	v23 =	vld.idx.msk [tilespmem:v8+s19+$0x0], $0xffff  }
0x48: {  	s29 =	sor.u32 $0x180, s30;
	v19 =	vadd.s32 $0xFFFFFFFF, v10;
	[tilespmem:$0x1FF50] =	vst v10;
	v48 =	vadd.s32 $0x40, v10;
	v10 =	vld [tilespmem:s28+$0x0]  }
0x49: {  	v49 =	vmov s29;
	v25 =	vld.idx.msk [tilespmem:v5+s17+$0x0], $0xffff  }
0x4a: {  	v13 =	vadd.s32 $0xFFFFFFFF, v49;
	v11 =	vsub.f32 v9, v31;
	v35 =	vld.idx.msk [tilespmem:v5+s19+$0x0], $0xffff  }
0x4b: {  	s29 =	simm.s32 $0x800;
	v50 =	vor.u32 $0x40, v49;
	v51 =	vor.u32 s26, v15;
	v56 =	vmovc v42;
	v55 =	vmovc v34;
	v18 =	vsub.f32 v9, v40;
	v24 =	vld.idx.msk [tilespmem:v7+s17+$0x0], $0xffff  }
0x4c: {  	v60 =	vld [tilespmem:s29+$0x0];
	v14 =	vsub.f32 v9, v21;
	v61 =	vmul.f32 v11, v11;
	[tilespmem:$0x1FF60] =	vst v12;
	v8 =	vsub.f32 v9, v12  }
0x4d: {  	v33 =	vld.idx.msk [tilespmem:v7+s19+$0x0], $0xffff;
	v12 =	vsub.f32 v9, v27;
	v16 =	vmov v17;
	v1 =	vsub.f32 v9, v17;
	[tilespmem:$0x1FF90] =	vst v23  }
0x4e: {  	[tilespmem:$0x1FFB0] =	vst v29;
	v63 =	vmul.f32 v14, v14;
	v11 =	vsub.f32 v10, v26;
	v14 =	vsub.f32 v10, v32  }
0x4f: {  	v17 =	vmov v26;
	v26 =	vld.idx.msk [tilespmem:v4+s19+$0x0], $0xffff;
	v0 =	vsub.f32 v10, v30;
	v20 =	vmul.f32 v8, v8;
	[tilespmem:$0x1FF70] =	vst v25  }
0x50: {  	v8 =	vsub.f32 v9, v25;
	v62 =	vmul.f32 v12, v12;
	v25 =	vld.idx.msk [tilespmem:v4+s18+$0x0], $0xffff;
	v12 =	vsub.f32 v10, v23  }
0x51: {  	v4 =	vsub.f32 v60, v29;
	[tilespmem:$0x1FF80] =	vst v24;
	v9 =	vsub.f32 v9, v24;
	v24 =	vmul.f32 v18, v18  }
0x52: {  	[tilespmem:$0x1FFA0] =	vst v33;
	v23 =	vsub.f32 v10, v33;
	v59 =	vmul.f32 v11, v11;
	v29 =	vmul.f32 v14, v14  }
0x53: {  	v33 =	vld.idx.msk [tilespmem:v3+s18+$0x0], $0xffff;
	v43 =	vmul.f32 v0, v0;
	v14 =	vsub.f32 v10, v35;
	v3 =	vmul.f32 v4, v4  }
0x54: {  	v52 =	vld.idx.msk [tilespmem:v5+s18+$0x0], $0xffff;
	v57 =	vmul.f32 v8, v8;
	v8 =	vmul.f32 v1, v1;
	v1 =	vsub.f32 v60, v41  }
0x55: {  	v11 =	vld.idx.msk [tilespmem:v7+s18+$0x0], $0xffff;
	v58 =	vmul.f32 v12, v12;
	v0 =	vadd.f32 v3, v20;
	v20 =	vmul.f32 v9, v9  }
0x56: {  	v12 =	vsub.f32 v60, v39;
	v9 =	vmul.f32 v14, v14;
	v14 =	vmul.f32 v23, v23;
	v23 =	vld.idx.msk [tilespmem:v6+s18+$0x0], $0xffff  }
0x57: {  	s30 =	sor.u32 $0x1C0, s30;
	[tilespmem:$0x1FFC0] =	vst v35;
	v4 =	vmul.f32 v1, v1;
	v35 =	vsub.f32 v10, v26;
	v1 =	vsub.f32 v10, v44  }
0x58: {  	[tilespmem:$0x1FFD0] =	vst v49;
	v54 =	vmovc v22;
	v53 =	vmovc v19;
	v10 =	vmul.f32 v12, v12;
	v3 =	vmov s30;
	v5 =	vsub.f32 v60, v25  }
0x59: {  	v18 =	vmovc v52;
	v6 =	vsub.f32 v60, v52;
	v52 =	vmovc v13;
	v12 =	vadd.s32 $0xFFFFFFFF, v3;
	[tilespmem:$0x1FFE0] =	vst v3;
	v49 =	vadd.s32 $0x40, v3  }
0x5a: {  	s30 =	simm.s32 $0x10;
	[tilespmem:$0x1FFF0] =	vst v11;
	v3 =	vsub.f32 v60, v11;
	v7 =	vmul.f32 v5, v5;
	v5 =	vsub.f32 v60, v33  }
.LBB2_6:
0x5b: {  	v60 =	vsub.f32 v60, v23  }
0x5c: {  	v1 =	vmul.f32 v1, v1;
	v5 =	vmul.f32 v5, v5;
	v4 =	vadd.f32 v4, v24  }
0x5d: {  	v7 =	vadd.f32 v7, v63;
	v10 =	vadd.f32 v10, v61;
	v3 =	vmul.f32 v3, v3  }
0x5e: {  	v24 =	vmul.f32 v60, v60;
	v5 =	vadd.f32 v5, v62;
	v1 =	vadd.f32 v1, v4  }
0x5f: {  	v6 =	vmul.f32 v6, v6;
	v4 =	vadd.f32 v29, v10;
	v10 =	vmul.f32 v35, v35  }
0x60: {  	v8 =	vadd.f32 v24, v8;
	v5 =	vadd.f32 v43, v5;
	vm5 =	vle.f32 v1, $3.999999910e-02  }
0x61: {  	vm3 =	vle.f32 v4, $3.999999910e-02;
	v1 =	vadd.f32 v6, v57;
	v6 =	vadd.f32 v10, v7;
	(xrf0) =	vadd.scan.msk.s32 vm5, v2  }
0x62: {  	v3 =	vadd.f32 v3, v20;
	v7 =	vadd.f32 v59, v8;
	vm6 =	vle.f32 v5, $3.999999910e-02;
	(xrf0) =	vadd.scan.msk.s32 vm3, v2  }
0x63: {  	v8 =	vmpcnt.ones.xlane vm3;
	vm0 =	vle.f32 v6, $3.999999910e-02;
	v1 =	vadd.f32 v9, v1;
	(xrf0) =	vadd.scan.msk.s32 vm6, v2  }
0x64: {  	v0 =	vadd.f32 v58, v0;
	vm2 =	vle.f32 v7, $3.999999910e-02;
	v7 =	vadd.f32 v14, v3;
	(xrf0) =	vadd.scan.msk.s32 vm0, v2  }
0x65: {  	v4 =	vmpcnt.ones.xlane vm5;
	v42 =	vadd.s32 v42, v8;
	vm7 =	vle.f32 v1, $3.999999910e-02;
	(xrf0) =	vadd.scan.msk.s32 vm2, v2  }
0x66: {  	v8 =	vmpcnt.ones.xlane vm6;
	v6 =	vmpcnt.ones.xlane vm2;
	vm4 =	vle.f32 v7, $3.999999910e-02;
	(xrf0) =	vadd.scan.msk.s32 vm7, v2  }
0x67: {  	vm1 =	vle.f32 v0, $3.999999910e-02;
	v1 =	vmpcnt.ones.xlane vm7;
	v7 =	vmpcnt.ones.xlane vm4;
	v3, _, _ =	vpop (xrf0);
	(xrf0) =	vadd.scan.msk.s32 vm4, v2  }
0x68: {  	v34 =	vadd.s32 v34, v8;
	v22 =	vadd.s32 v22, v6;
	v3 =	vadd.s32 v36, v3;
	v5, _, _ =	vpop (xrf0);
	(xrf0) =	vadd.scan.msk.s32 vm1, v2  }
0x69: {  	v13 =	vadd.s32 v13, v7;
	vm8 =	vlt.s32 v3, v37;
	v5 =	vadd.s32 v56, v5;
	v0, _, _ =	vpop (xrf0)  }
0x6a: {  	vm5 =	vmand vm5, vm8;
	vm13 =	vlt.s32 v5, v38;
	v0 =	vadd.s32 v55, v0;
	v6, _, _ =	vpop (xrf0)  }
0x6b: {  	vm3 =	vmand vm3, vm13;
	vm14 =	vlt.s32 v0, v45;
	v6 =	vadd.s32 v28, v6;
	v7, _, _ =	vpop (xrf0)  }
0x6c: {  	vm6 =	vmand vm6, vm14;
	vm15 =	vlt.s32 v6, v46;
	v7 =	vadd.s32 v54, v7;
	v8, _, _ =	vpop (xrf0)  }
0x6d: {  	vm8 =	vmand vm0, vm15;
	vm9 =	vlt.s32 v7, v47;
	v8 =	vadd.s32 v53, v8;
	v9, _, _ =	vpop (xrf0)  }
0x6e: {  	vm2 =	vmand vm2, vm9;
	vm12 =	vlt.s32 v8, v48;
	v9 =	vadd.s32 v52, v9;
	v10, _, _ =	vpop (xrf0)  }
0x6f: {  	vm7 =	vmand vm7, vm12;
	vm13 =	vlt.s32 v9, v50;
	v10 =	vadd.s32 v12, v10  }
0x70: {  	[tilespmem:v3+s20+$0x0] =	vst.idx.msk vm5, v51;
	vm4 =	vmand vm4, vm13;
	vm14 =	vlt.s32 v10, v49  }
0x71: {  	[tilespmem:v5+s20+$0x0] =	vst.idx.msk vm3, v51;
	vm15 =	vmand vm1, vm14  }
0x72: {  	[tilespmem:v0+s20+$0x0] =	vst.idx.msk vm6, v51  }
0x73: {  	[tilespmem:v6+s20+$0x0] =	vst.idx.msk vm8, v51  }
0x74: {  	[tilespmem:v7+s20+$0x0] =	vst.idx.msk vm2, v51  }
0x75: {  	[tilespmem:v8+s20+$0x0] =	vst.idx.msk vm7, v51  }
0x76: {  	[tilespmem:v9+s20+$0x0] =	vst.idx.msk vm4, v51  }
0x77: {  	s26 =	sadd.s32 $0x10, s26;
	[tilespmem:v10+s20+$0x0] =	vst.idx.msk vm15, v51  }
0x78: {  	v0 =	vld [tilespmem:s26+$0x0]  }
0x79: {  	v19 =	vadd.s32 v19, v1;
	v1 =	vmpcnt.ones.xlane vm1;
	_ =	sdelay $0x1  }
0x7a: {  	v12 =	vadd.s32 v12, v1;
	v1 =	vmpcnt.ones.xlane vm0;
	_ =	sdelay $0x1  }
0x7b: {  	s28 =	sadd.s32 $0x10, s28;
	v36 =	vadd.s32 v36, v4;
	v4 =	vld [tilespmem:$0x1FF60];
	v28 =	vadd.s32 v28, v1;
	v1 =	vsub.f32 v0, v31  }
0x7c: {  	v3 =	vld [tilespmem:s28+$0x0];
	v5 =	vsub.f32 v0, v27  }
0x7d: {  	v61 =	vmul.f32 v1, v1;
	v1 =	vld [tilespmem:$0x1FF70]  }
0x7e: {  	v62 =	vmul.f32 v5, v5;
	v5 =	vld [tilespmem:$0x1FF80];
	_ =	sdelay $0x1  }
0x7f: {  	v4 =	vsub.f32 v0, v4  }
0x80: {  	v6 =	vsub.f32 v0, v21;
	v7 =	vsub.f32 v0, v40  }
0x81: {  	s29 =	sadd.s32 $0x10, s29;
	v10 =	vmul.f32 v4, v4;
	v4 =	vsub.f32 v0, v16;
	v1 =	vsub.f32 v0, v1  }
0x82: {  	v60 =	vld [tilespmem:s29+$0x0];
	v0 =	vsub.f32 v0, v5;
	v5 =	vsub.f32 v3, v17  }
0x83: {  	v57 =	vmul.f32 v1, v1;
	v1 =	vld [tilespmem:$0x1FF90]  }
0x84: {  	v59 =	vmul.f32 v5, v5;
	v5 =	vld [tilespmem:$0x1FFB0]  }
0x85: {  	v24 =	vmul.f32 v7, v7;
	v7 =	vld [tilespmem:$0x1FFA0]  }
0x86: {  	v8 =	vmul.f32 v4, v4;
	v4 =	vld [tilespmem:$0x1FFC0]  }
0x87: {  	s31 =	smov.u32 s30;
	v20 =	vsub.f32 v3, v30  }
0x88: {  	v51 =	vor.u32 s31, v15;
	v35 =	vsub.f32 v3, v26;
	v1 =	vsub.f32 v3, v1  }
0x89: {  	v63 =	vmul.f32 v6, v6;
	v6 =	vsub.f32 v3, v32;
	v9 =	vsub.f32 v60, v5  }
0x8a: {  	v43 =	vmul.f32 v20, v20;
	v14 =	vsub.f32 v3, v7;
	v58 =	vmul.f32 v1, v1  }
0x8b: {  	p0 =	sne.s32 s30, $0x7F0;
	v1 =	vsub.f32 v3, v44;
	v11 =	vmul.f32 v9, v9;
	v9 =	vsub.f32 v3, v4;
	v3 =	vld [tilespmem:$0x1FFF0]  }
.Ltmp1:
0x8c: {  	v29 =	vmul.f32 v6, v6;
	v6 =	vsub.f32 v60, v25;
	v7 =	vsub.f32 v60, v41;
	(pc) =	sbr.rel @p0 .LBB2_6-.Ltmp1, $4  }
0x8d: {  	v56 =	vmovc v42;
	v15 =	vsub.f32 v60, v39;
	v20 =	vmul.f32 v0, v0;
	v14 =	vmul.f32 v14, v14  }
0x8e: {  	v55 =	vmovc v34;
	v5 =	vsub.f32 v60, v33;
	v4 =	vmul.f32 v7, v7;
	v7 =	vmul.f32 v6, v6  }
0x8f: {  	v54 =	vmovc v22;
	v6 =	vsub.f32 v60, v18;
	v9 =	vmul.f32 v9, v9;
	v0 =	vadd.f32 v11, v10  }
0x90: {  	s30 =	sadd.s32 $0x10, s30;
	v53 =	vmovc v19;
	v52 =	vmovc v13;
	v10 =	vmul.f32 v15, v15;
	v15 =	vlaneseq.u32;
	v3 =	vsub.f32 v60, v3  }
0x91: {  	v4 =	vadd.f32 v4, v24;
	v5 =	vmul.f32 v5, v5  }
0x92: {  	v11 =	vsub.f32 v60, v23;
	v1 =	vmul.f32 v1, v1;
	v10 =	vadd.f32 v10, v61  }
0x93: {  	v7 =	vadd.f32 v7, v63;
	v5 =	vadd.f32 v5, v62  }
0x94: {  	v1 =	vadd.f32 v1, v4;
	v24 =	vadd.f32 v29, v10;
	v29 =	vmul.f32 v11, v11  }
0x95: {  	v6 =	vmul.f32 v6, v6;
	v35 =	vmul.f32 v35, v35;
	v5 =	vadd.f32 v43, v5  }
0x96: {  	vm7 =	vle.f32 v1, $3.999999910e-02;
	v1 =	vmul.f32 v3, v3;
	v8 =	vadd.f32 v29, v8  }
0x97: {  	v3 =	vadd.f32 v6, v57;
	v43 =	vadd.f32 v35, v7;
	vm6 =	vle.f32 v24, $3.999999910e-02;
	(xrf0) =	vadd.scan.msk.s32 vm7, v2  }
0x98: {  	vm5 =	vle.f32 v5, $3.999999910e-02;
	v1 =	vadd.f32 v1, v20;
	(xrf0) =	vadd.scan.msk.s32 vm6, v2;
	v57 =	vadd.f32 v59, v8  }
0x99: {  	v0 =	vadd.f32 v58, v0;
	vm4 =	vle.f32 v43, $3.999999910e-02;
	v3 =	vadd.f32 v9, v3;
	(xrf0) =	vadd.scan.msk.s32 vm5, v2  }
0x9a: {  	v1 =	vadd.f32 v14, v1;
	(xrf0) =	vadd.scan.msk.s32 vm4, v2;
	vm3 =	vle.f32 v57, $3.999999910e-02  }
0x9b: {  	vm2 =	vle.f32 v3, $3.999999910e-02;
	(xrf0) =	vadd.scan.msk.s32 vm3, v2  }
0x9c: {  	vm1 =	vle.f32 v1, $3.999999910e-02;
	(xrf0) =	vadd.scan.msk.s32 vm2, v2  }
0x9d: {  	vm0 =	vle.f32 v0, $3.999999910e-02;
	v0, _, _ =	vpop (xrf0);
	(xrf0) =	vadd.scan.msk.s32 vm1, v2  }
0x9e: {  	v0 =	vadd.s32 v36, v0;
	v1, _, _ =	vpop (xrf0);
	(xrf0) =	vadd.scan.msk.s32 vm0, v2  }
0x9f: {  	vm8 =	vlt.s32 v0, v37;
	v1 =	vadd.s32 v56, v1;
	v3, _, _ =	vpop (xrf0)  }
0xa0: {  	vm9 =	vlt.s32 v1, v38;
	vm8 =	vmand vm7, vm8;
	v3 =	vadd.s32 v55, v3;
	v58, _, _ =	vpop (xrf0)  }
0xa1: {  	vm9 =	vmand vm6, vm9;
	vm10 =	vlt.s32 v3, v45;
	v4 =	vadd.s32 v28, v58;
	v59, _, _ =	vpop (xrf0)  }
0xa2: {  	vm11 =	vlt.s32 v4, v46;
	vm10 =	vmand vm5, vm10;
	v5 =	vadd.s32 v54, v59;
	v60, _, _ =	vpop (xrf0)  }
0xa3: {  	vm11 =	vmand vm4, vm11;
	vm12 =	vlt.s32 v5, v47;
	v6 =	vadd.s32 v53, v60;
	v61, _, _ =	vpop (xrf0)  }
0xa4: {  	vm13 =	vlt.s32 v6, v48;
	vm12 =	vmand vm3, vm12;
	v7 =	vadd.s32 v52, v61;
	v62, _, _ =	vpop (xrf0)  }
0xa5: {  	v63 =	vld [tilespmem:$0x1FF00];
	vm14 =	vlt.s32 v7, v50;
	vm13 =	vmand vm2, vm13;
	v8 =	vadd.s32 v12, v62  }
0xa6: {  	[tilespmem:v0+s20+$0x0] =	vst.idx.msk vm8, v51;
	vm8 =	vmand vm1, vm14;
	vm14 =	vlt.s32 v8, v49  }
0xa7: {  	[tilespmem:v1+s20+$0x0] =	vst.idx.msk vm9, v51;
	vm15 =	vmand vm0, vm14  }
0xa8: {  	[tilespmem:v3+s20+$0x0] =	vst.idx.msk vm10, v51  }
0xa9: {  	[tilespmem:v4+s20+$0x0] =	vst.idx.msk vm11, v51  }
0xaa: {  	v0 =	vor.u32 v15, v63;
	[tilespmem:v5+s20+$0x0] =	vst.idx.msk vm12, v51  }
0xab: {  	[tilespmem:v6+s20+$0x0] =	vst.idx.msk vm13, v51  }
0xac: {  	[tilespmem:v7+s20+$0x0] =	vst.idx.msk vm8, v51  }
0xad: {  	[tilespmem:v8+s20+$0x0] =	vst.idx.msk vm15, v51  }
0xae: {  	v1 =	vld.idx.msk [tilespmem:v63+s20+$0x0], $0xffff  }
0xaf: {  	v3 =	vld.idx.msk [tilespmem:v0+s20+$0x0], $0xffff  }
0xb0: {  	v11 =	vmpcnt.ones.xlane vm7;
	_ =	sdelay $0x1  }
0xb1: {  	v4 =	vadd.s32 v36, v11  }
0xb2: {  	vm11 =	vgt.s32 v0, v4  }
0xb3: {  	v3 =	vsel vm11, v1, v3;
	_ =	sdelay $0x4  }
0xb4: {  	v5 =	vld.idx.msk [tilespmem:v3+s2+$0x0], $0xffff  }
0xb5: {  	v6 =	vld.idx.msk [tilespmem:v3+s15+$0x0], $0xffff  }
0xb6: {  	v0 =	vshll.u32 v0, $0x3;
	v3 =	vld.idx.msk [tilespmem:v3+s16+$0x0], $0xffff  }
0xb7: {  	v20 =	vor.u32 $0x1, v0  }
0xb8: {  	v36 =	vor.u32 $0x10, v15;
	v24 =	vor.u32 $0x2, v0  }
0xb9: {  	v29 =	vor.u32 v36, v63;
	v5 =	vsub.f32 v5, v40  }
0xba: {  	v6 =	vsub.f32 v6, v41  }
0xbb: {  	v3 =	vsub.f32 v3, v44;
	[tilespmem:v0+s21+$0x0] =	vst.idx.msk $0xffff, v5  }
0xbc: {  	[tilespmem:v20+s21+$0x0] =	vst.idx.msk $0xffff, v6  }
0xbd: {  	[tilespmem:v24+s21+$0x0] =	vst.idx.msk $0xffff, v3  }
0xbe: {  	v0 =	vld.idx.msk [tilespmem:v29+s20+$0x0], $0xffff;
	_ =	sdelay $0x3  }
0xbf: {  	vm12 =	vgt.s32 v29, v4  }
0xc0: {  	v0 =	vsel vm12, v1, v0;
	_ =	sdelay $0x4  }
0xc1: {  	v3 =	vld.idx.msk [tilespmem:v0+s2+$0x0], $0xffff  }
0xc2: {  	v5 =	vld.idx.msk [tilespmem:v0+s15+$0x0], $0xffff  }
0xc3: {  	v35 =	vshll.u32 v29, $0x3;
	v0 =	vld.idx.msk [tilespmem:v0+s16+$0x0], $0xffff  }
0xc4: {  	v43 =	vor.u32 $0x1, v35  }
0xc5: {  	v37 =	vor.u32 $0x20, v15;
	v45 =	vor.u32 $0x2, v35  }
0xc6: {  	v46 =	vor.u32 v37, v63;
	v3 =	vsub.f32 v3, v40  }
0xc7: {  	v5 =	vsub.f32 v5, v41  }
0xc8: {  	v0 =	vsub.f32 v0, v44;
	[tilespmem:v35+s21+$0x0] =	vst.idx.msk $0xffff, v3  }
0xc9: {  	[tilespmem:v43+s21+$0x0] =	vst.idx.msk $0xffff, v5  }
0xca: {  	[tilespmem:v45+s21+$0x0] =	vst.idx.msk $0xffff, v0  }
0xcb: {  	v0 =	vld.idx.msk [tilespmem:v46+s20+$0x0], $0xffff;
	_ =	sdelay $0x3  }
0xcc: {  	vm13 =	vgt.s32 v46, v4  }
0xcd: {  	v0 =	vsel vm13, v1, v0;
	_ =	sdelay $0x4  }
0xce: {  	v3 =	vld.idx.msk [tilespmem:v0+s2+$0x0], $0xffff  }
0xcf: {  	v5 =	vld.idx.msk [tilespmem:v0+s15+$0x0], $0xffff  }
0xd0: {  	v47 =	vshll.u32 v46, $0x3;
	v0 =	vld.idx.msk [tilespmem:v0+s16+$0x0], $0xffff  }
0xd1: {  	v48 =	vor.u32 $0x1, v47  }
0xd2: {  	v38 =	vor.u32 $0x30, v15;
	v49 =	vor.u32 $0x2, v47  }
0xd3: {  	v50 =	vor.u32 v38, v63;
	v3 =	vsub.f32 v3, v40  }
0xd4: {  	v5 =	vsub.f32 v5, v41  }
0xd5: {  	v0 =	vsub.f32 v0, v44;
	[tilespmem:v47+s21+$0x0] =	vst.idx.msk $0xffff, v3  }
0xd6: {  	[tilespmem:v48+s21+$0x0] =	vst.idx.msk $0xffff, v5  }
0xd7: {  	[tilespmem:v49+s21+$0x0] =	vst.idx.msk $0xffff, v0  }
0xd8: {  	v0 =	vld.idx.msk [tilespmem:v50+s20+$0x0], $0xffff;
	_ =	sdelay $0x3  }
0xd9: {  	vm14 =	vgt.s32 v50, v4  }
0xda: {  	v0 =	vsel vm14, v1, v0;
	_ =	sdelay $0x3  }
0xdb: {  	v54 =	vld [tilespmem:$0x1FF10]  }
0xdc: {  	v1 =	vld.idx.msk [tilespmem:v0+s2+$0x0], $0xffff  }
0xdd: {  	v3 =	vld.idx.msk [tilespmem:v0+s15+$0x0], $0xffff  }
0xde: {  	v51 =	vshll.u32 v50, $0x3;
	v0 =	vld.idx.msk [tilespmem:v0+s16+$0x0], $0xffff  }
0xdf: {  	v52 =	vor.u32 $0x1, v51  }
0xe0: {  	v53 =	vor.u32 $0x2, v51  }
0xe1: {  	v1 =	vsub.f32 v1, v40  }
0xe2: {  	v55 =	vor.u32 v15, v54;
	v3 =	vsub.f32 v3, v41  }
0xe3: {  	v0 =	vsub.f32 v0, v44;
	[tilespmem:v51+s21+$0x0] =	vst.idx.msk $0xffff, v1  }
0xe4: {  	[tilespmem:v52+s21+$0x0] =	vst.idx.msk $0xffff, v3  }
0xe5: {  	[tilespmem:v53+s21+$0x0] =	vst.idx.msk $0xffff, v0  }
0xe6: {  	v0 =	vld.idx.msk [tilespmem:v54+s20+$0x0], $0xffff  }
0xe7: {  	v1 =	vld.idx.msk [tilespmem:v55+s20+$0x0], $0xffff  }
0xe8: {  	v3 =	vmpcnt.ones.xlane vm6;
	_ =	sdelay $0x1  }
0xe9: {  	v3 =	vadd.s32 v42, v3  }
0xea: {  	vm15 =	vgt.s32 v55, v3  }
0xeb: {  	v1 =	vsel vm15, v0, v1;
	_ =	sdelay $0x4  }
0xec: {  	v4 =	vld.idx.msk [tilespmem:v1+s2+$0x0], $0xffff  }
0xed: {  	v5 =	vld.idx.msk [tilespmem:v1+s15+$0x0], $0xffff  }
0xee: {  	v56 =	vshll.u32 v55, $0x3;
	v1 =	vld.idx.msk [tilespmem:v1+s16+$0x0], $0xffff  }
0xef: {  	v7 =	vor.u32 $0x1, v56  }
0xf0: {  	v57 =	vor.u32 $0x2, v56  }
0xf1: {  	v58 =	vor.u32 v36, v54;
	v4 =	vsub.f32 v4, v31  }
0xf2: {  	v5 =	vsub.f32 v5, v39  }
0xf3: {  	v1 =	vsub.f32 v1, v32;
	[tilespmem:v56+s21+$0x0] =	vst.idx.msk $0xffff, v4  }
0xf4: {  	[tilespmem:v7+s21+$0x0] =	vst.idx.msk $0xffff, v5  }
0xf5: {  	[tilespmem:v57+s21+$0x0] =	vst.idx.msk $0xffff, v1  }
0xf6: {  	v1 =	vld.idx.msk [tilespmem:v58+s20+$0x0], $0xffff;
	_ =	sdelay $0x3  }
0xf7: {  	vm9 =	vgt.s32 v58, v3  }
0xf8: {  	v1 =	vsel vm9, v0, v1;
	_ =	sdelay $0x4  }
0xf9: {  	v4 =	vld.idx.msk [tilespmem:v1+s2+$0x0], $0xffff  }
0xfa: {  	v5 =	vld.idx.msk [tilespmem:v1+s15+$0x0], $0xffff  }
0xfb: {  	v59 =	vshll.u32 v58, $0x3;
	v1 =	vld.idx.msk [tilespmem:v1+s16+$0x0], $0xffff  }
0xfc: {  	v60 =	vor.u32 $0x1, v59  }
0xfd: {  	v61 =	vor.u32 $0x2, v59  }
0xfe: {  	v62 =	vor.u32 v37, v54;
	v4 =	vsub.f32 v4, v31  }
0xff: {  	v5 =	vsub.f32 v5, v39  }
0x100: {  	v1 =	vsub.f32 v1, v32;
	[tilespmem:v59+s21+$0x0] =	vst.idx.msk $0xffff, v4  }
0x101: {  	[tilespmem:v60+s21+$0x0] =	vst.idx.msk $0xffff, v5  }
0x102: {  	[tilespmem:v61+s21+$0x0] =	vst.idx.msk $0xffff, v1  }
0x103: {  	v1 =	vld.idx.msk [tilespmem:v62+s20+$0x0], $0xffff;
	_ =	sdelay $0x3  }
0x104: {  	vm10 =	vgt.s32 v62, v3  }
0x105: {  	v1 =	vsel vm10, v0, v1;
	_ =	sdelay $0x4  }
0x106: {  	v4 =	vld.idx.msk [tilespmem:v1+s2+$0x0], $0xffff  }
0x107: {  	v5 =	vld.idx.msk [tilespmem:v1+s15+$0x0], $0xffff  }
0x108: {  	v63 =	vshll.u32 v62, $0x3;
	v1 =	vld.idx.msk [tilespmem:v1+s16+$0x0], $0xffff  }
0x109: {  	v20 =	vor.u32 $0x1, v63  }
0x10a: {  	v24 =	vor.u32 $0x2, v63  }
0x10b: {  	v29 =	vor.u32 v38, v54;
	v4 =	vsub.f32 v4, v31  }
0x10c: {  	v5 =	vsub.f32 v5, v39  }
0x10d: {  	v1 =	vsub.f32 v1, v32;
	[tilespmem:v63+s21+$0x0] =	vst.idx.msk $0xffff, v4  }
0x10e: {  	[tilespmem:v20+s21+$0x0] =	vst.idx.msk $0xffff, v5  }
0x10f: {  	[tilespmem:v24+s21+$0x0] =	vst.idx.msk $0xffff, v1  }
0x110: {  	v1 =	vld.idx.msk [tilespmem:v29+s20+$0x0], $0xffff;
	_ =	sdelay $0x3  }
0x111: {  	vm11 =	vgt.s32 v29, v3  }
0x112: {  	v0 =	vsel vm11, v0, v1;
	_ =	sdelay $0x3  }
0x113: {  	v42 =	vld [tilespmem:$0x1FF20]  }
0x114: {  	v1 =	vld.idx.msk [tilespmem:v0+s2+$0x0], $0xffff  }
0x115: {  	v3 =	vld.idx.msk [tilespmem:v0+s15+$0x0], $0xffff  }
0x116: {  	v35 =	vshll.u32 v29, $0x3;
	v0 =	vld.idx.msk [tilespmem:v0+s16+$0x0], $0xffff  }
0x117: {  	v40 =	vor.u32 $0x1, v35  }
0x118: {  	v41 =	vor.u32 $0x2, v35  }
0x119: {  	v1 =	vsub.f32 v1, v31  }
0x11a: {  	v43 =	vor.u32 v15, v42;
	v3 =	vsub.f32 v3, v39  }
0x11b: {  	v0 =	vsub.f32 v0, v32;
	[tilespmem:v35+s21+$0x0] =	vst.idx.msk $0xffff, v1  }
0x11c: {  	[tilespmem:v40+s21+$0x0] =	vst.idx.msk $0xffff, v3  }
0x11d: {  	[tilespmem:v41+s21+$0x0] =	vst.idx.msk $0xffff, v0  }
0x11e: {  	v0 =	vld.idx.msk [tilespmem:v42+s20+$0x0], $0xffff  }
0x11f: {  	v1 =	vld.idx.msk [tilespmem:v43+s20+$0x0], $0xffff  }
0x120: {  	v3 =	vmpcnt.ones.xlane vm5;
	_ =	sdelay $0x1  }
0x121: {  	v3 =	vadd.s32 v34, v3  }
0x122: {  	vm12 =	vgt.s32 v43, v3  }
0x123: {  	v1 =	vsel vm12, v0, v1;
	_ =	sdelay $0x4  }
0x124: {  	v4 =	vld.idx.msk [tilespmem:v1+s2+$0x0], $0xffff  }
0x125: {  	v5 =	vld.idx.msk [tilespmem:v1+s15+$0x0], $0xffff  }
0x126: {  	v44 =	vshll.u32 v43, $0x3;
	v1 =	vld.idx.msk [tilespmem:v1+s16+$0x0], $0xffff  }
0x127: {  	v7 =	vor.u32 $0x1, v44  }
0x128: {  	v45 =	vor.u32 $0x2, v44  }
0x129: {  	v46 =	vor.u32 v36, v42;
	v4 =	vsub.f32 v4, v27  }
0x12a: {  	v5 =	vsub.f32 v5, v33  }
0x12b: {  	v1 =	vsub.f32 v1, v30;
	[tilespmem:v44+s21+$0x0] =	vst.idx.msk $0xffff, v4  }
0x12c: {  	[tilespmem:v7+s21+$0x0] =	vst.idx.msk $0xffff, v5  }
0x12d: {  	[tilespmem:v45+s21+$0x0] =	vst.idx.msk $0xffff, v1  }
0x12e: {  	v1 =	vld.idx.msk [tilespmem:v46+s20+$0x0], $0xffff;
	_ =	sdelay $0x3  }
0x12f: {  	vm13 =	vgt.s32 v46, v3  }
0x130: {  	v1 =	vsel vm13, v0, v1;
	_ =	sdelay $0x4  }
0x131: {  	v4 =	vld.idx.msk [tilespmem:v1+s2+$0x0], $0xffff  }
0x132: {  	v5 =	vld.idx.msk [tilespmem:v1+s15+$0x0], $0xffff  }
0x133: {  	v47 =	vshll.u32 v46, $0x3;
	v1 =	vld.idx.msk [tilespmem:v1+s16+$0x0], $0xffff  }
0x134: {  	v48 =	vor.u32 $0x1, v47  }
0x135: {  	v49 =	vor.u32 $0x2, v47  }
0x136: {  	v50 =	vor.u32 v37, v42;
	v4 =	vsub.f32 v4, v27  }
0x137: {  	v5 =	vsub.f32 v5, v33  }
0x138: {  	v1 =	vsub.f32 v1, v30;
	[tilespmem:v47+s21+$0x0] =	vst.idx.msk $0xffff, v4  }
0x139: {  	[tilespmem:v48+s21+$0x0] =	vst.idx.msk $0xffff, v5  }
0x13a: {  	[tilespmem:v49+s21+$0x0] =	vst.idx.msk $0xffff, v1  }
0x13b: {  	v1 =	vld.idx.msk [tilespmem:v50+s20+$0x0], $0xffff;
	_ =	sdelay $0x3  }
0x13c: {  	vm14 =	vgt.s32 v50, v3  }
0x13d: {  	v1 =	vsel vm14, v0, v1;
	_ =	sdelay $0x4  }
0x13e: {  	v4 =	vld.idx.msk [tilespmem:v1+s2+$0x0], $0xffff  }
0x13f: {  	v5 =	vld.idx.msk [tilespmem:v1+s15+$0x0], $0xffff  }
0x140: {  	v51 =	vshll.u32 v50, $0x3;
	v1 =	vld.idx.msk [tilespmem:v1+s16+$0x0], $0xffff  }
0x141: {  	v52 =	vor.u32 $0x1, v51  }
0x142: {  	v53 =	vor.u32 $0x2, v51  }
0x143: {  	v54 =	vor.u32 v38, v42;
	v4 =	vsub.f32 v4, v27  }
0x144: {  	v5 =	vsub.f32 v5, v33  }
0x145: {  	v1 =	vsub.f32 v1, v30;
	[tilespmem:v51+s21+$0x0] =	vst.idx.msk $0xffff, v4  }
0x146: {  	[tilespmem:v52+s21+$0x0] =	vst.idx.msk $0xffff, v5  }
0x147: {  	[tilespmem:v53+s21+$0x0] =	vst.idx.msk $0xffff, v1  }
0x148: {  	v1 =	vld.idx.msk [tilespmem:v54+s20+$0x0], $0xffff;
	_ =	sdelay $0x3  }
0x149: {  	vm15 =	vgt.s32 v54, v3  }
0x14a: {  	v0 =	vsel vm15, v0, v1;
	_ =	sdelay $0x3  }
0x14b: {  	v58 =	vld [tilespmem:$0x1FF30]  }
0x14c: {  	v1 =	vld.idx.msk [tilespmem:v0+s2+$0x0], $0xffff  }
0x14d: {  	v3 =	vld.idx.msk [tilespmem:v0+s15+$0x0], $0xffff  }
0x14e: {  	v55 =	vshll.u32 v54, $0x3;
	v0 =	vld.idx.msk [tilespmem:v0+s16+$0x0], $0xffff  }
0x14f: {  	v56 =	vor.u32 $0x1, v55  }
0x150: {  	v57 =	vor.u32 $0x2, v55  }
0x151: {  	v1 =	vsub.f32 v1, v27  }
0x152: {  	v59 =	vor.u32 v15, v58;
	v3 =	vsub.f32 v3, v33  }
0x153: {  	v0 =	vsub.f32 v0, v30;
	[tilespmem:v55+s21+$0x0] =	vst.idx.msk $0xffff, v1  }
0x154: {  	[tilespmem:v56+s21+$0x0] =	vst.idx.msk $0xffff, v3  }
0x155: {  	[tilespmem:v57+s21+$0x0] =	vst.idx.msk $0xffff, v0  }
0x156: {  	v0 =	vld.idx.msk [tilespmem:v58+s20+$0x0], $0xffff  }
0x157: {  	v1 =	vld.idx.msk [tilespmem:v59+s20+$0x0], $0xffff  }
0x158: {  	v3 =	vmpcnt.ones.xlane vm4;
	_ =	sdelay $0x1  }
0x159: {  	v3 =	vadd.s32 v28, v3  }
0x15a: {  	vm8 =	vgt.s32 v59, v3  }
0x15b: {  	v1 =	vsel vm8, v0, v1;
	_ =	sdelay $0x4  }
0x15c: {  	v4 =	vld.idx.msk [tilespmem:v1+s2+$0x0], $0xffff  }
0x15d: {  	v5 =	vld.idx.msk [tilespmem:v1+s15+$0x0], $0xffff  }
0x15e: {  	v60 =	vshll.u32 v59, $0x3;
	v1 =	vld.idx.msk [tilespmem:v1+s16+$0x0], $0xffff  }
0x15f: {  	v7 =	vor.u32 $0x1, v60  }
0x160: {  	v61 =	vor.u32 $0x2, v60  }
0x161: {  	v62 =	vor.u32 v36, v58;
	v4 =	vsub.f32 v4, v21  }
0x162: {  	v5 =	vsub.f32 v5, v25  }
0x163: {  	v1 =	vsub.f32 v1, v26;
	[tilespmem:v60+s21+$0x0] =	vst.idx.msk $0xffff, v4  }
0x164: {  	[tilespmem:v7+s21+$0x0] =	vst.idx.msk $0xffff, v5  }
0x165: {  	[tilespmem:v61+s21+$0x0] =	vst.idx.msk $0xffff, v1  }
0x166: {  	v1 =	vld.idx.msk [tilespmem:v62+s20+$0x0], $0xffff;
	_ =	sdelay $0x3  }
0x167: {  	vm9 =	vgt.s32 v62, v3  }
0x168: {  	v1 =	vsel vm9, v0, v1;
	_ =	sdelay $0x4  }
0x169: {  	v4 =	vld.idx.msk [tilespmem:v1+s2+$0x0], $0xffff  }
0x16a: {  	v5 =	vld.idx.msk [tilespmem:v1+s15+$0x0], $0xffff  }
0x16b: {  	v63 =	vshll.u32 v62, $0x3;
	v1 =	vld.idx.msk [tilespmem:v1+s16+$0x0], $0xffff  }
0x16c: {  	v20 =	vor.u32 $0x1, v63  }
0x16d: {  	v24 =	vor.u32 $0x2, v63  }
0x16e: {  	v27 =	vor.u32 v37, v58;
	v4 =	vsub.f32 v4, v21  }
0x16f: {  	v5 =	vsub.f32 v5, v25  }
0x170: {  	v1 =	vsub.f32 v1, v26;
	[tilespmem:v63+s21+$0x0] =	vst.idx.msk $0xffff, v4  }
0x171: {  	[tilespmem:v20+s21+$0x0] =	vst.idx.msk $0xffff, v5  }
0x172: {  	[tilespmem:v24+s21+$0x0] =	vst.idx.msk $0xffff, v1  }
0x173: {  	v1 =	vld.idx.msk [tilespmem:v27+s20+$0x0], $0xffff;
	_ =	sdelay $0x3  }
0x174: {  	vm10 =	vgt.s32 v27, v3  }
0x175: {  	v1 =	vsel vm10, v0, v1;
	_ =	sdelay $0x4  }
0x176: {  	v4 =	vld.idx.msk [tilespmem:v1+s2+$0x0], $0xffff  }
0x177: {  	v5 =	vld.idx.msk [tilespmem:v1+s15+$0x0], $0xffff  }
0x178: {  	v28 =	vshll.u32 v27, $0x3;
	v1 =	vld.idx.msk [tilespmem:v1+s16+$0x0], $0xffff  }
0x179: {  	v29 =	vor.u32 $0x1, v28  }
0x17a: {  	v30 =	vor.u32 $0x2, v28  }
0x17b: {  	v31 =	vor.u32 v38, v58;
	v4 =	vsub.f32 v4, v21  }
0x17c: {  	v5 =	vsub.f32 v5, v25  }
0x17d: {  	v1 =	vsub.f32 v1, v26;
	[tilespmem:v28+s21+$0x0] =	vst.idx.msk $0xffff, v4  }
0x17e: {  	[tilespmem:v29+s21+$0x0] =	vst.idx.msk $0xffff, v5  }
0x17f: {  	[tilespmem:v30+s21+$0x0] =	vst.idx.msk $0xffff, v1  }
0x180: {  	v1 =	vld.idx.msk [tilespmem:v31+s20+$0x0], $0xffff;
	_ =	sdelay $0x3  }
0x181: {  	vm11 =	vgt.s32 v31, v3  }
0x182: {  	v0 =	vsel vm11, v0, v1;
	_ =	sdelay $0x3  }
0x183: {  	v35 =	vld [tilespmem:$0x1FF40]  }
0x184: {  	v1 =	vld.idx.msk [tilespmem:v0+s2+$0x0], $0xffff  }
0x185: {  	v3 =	vld.idx.msk [tilespmem:v0+s15+$0x0], $0xffff  }
0x186: {  	v32 =	vshll.u32 v31, $0x3;
	v0 =	vld.idx.msk [tilespmem:v0+s16+$0x0], $0xffff  }
0x187: {  	v33 =	vor.u32 $0x1, v32  }
0x188: {  	v34 =	vor.u32 $0x2, v32  }
0x189: {  	v1 =	vsub.f32 v1, v21  }
0x18a: {  	v39 =	vor.u32 v15, v35;
	v3 =	vsub.f32 v3, v25  }
0x18b: {  	v0 =	vsub.f32 v0, v26;
	[tilespmem:v32+s21+$0x0] =	vst.idx.msk $0xffff, v1  }
0x18c: {  	[tilespmem:v33+s21+$0x0] =	vst.idx.msk $0xffff, v3  }
0x18d: {  	[tilespmem:v34+s21+$0x0] =	vst.idx.msk $0xffff, v0  }
0x18e: {  	v0 =	vld.idx.msk [tilespmem:v35+s20+$0x0], $0xffff  }
0x18f: {  	v1 =	vld.idx.msk [tilespmem:v39+s20+$0x0], $0xffff  }
0x190: {  	v3 =	vmpcnt.ones.xlane vm3;
	_ =	sdelay $0x1  }
0x191: {  	v3 =	vadd.s32 v22, v3  }
0x192: {  	vm12 =	vgt.s32 v39, v3  }
0x193: {  	v1 =	vsel vm12, v0, v1;
	_ =	sdelay $0x4  }
0x194: {  	v4 =	vld.idx.msk [tilespmem:v1+s2+$0x0], $0xffff  }
0x195: {  	v5 =	vld.idx.msk [tilespmem:v1+s15+$0x0], $0xffff  }
0x196: {  	v40 =	vshll.u32 v39, $0x3;
	v1 =	vld.idx.msk [tilespmem:v1+s16+$0x0], $0xffff  }
0x197: {  	v7 =	vor.u32 $0x1, v40  }
0x198: {  	v41 =	vor.u32 $0x2, v40  }
0x199: {  	v42 =	vor.u32 v36, v35;
	v4 =	vsub.f32 v4, v16  }
0x19a: {  	v5 =	vsub.f32 v5, v23  }
0x19b: {  	v1 =	vsub.f32 v1, v17;
	[tilespmem:v40+s21+$0x0] =	vst.idx.msk $0xffff, v4  }
0x19c: {  	[tilespmem:v7+s21+$0x0] =	vst.idx.msk $0xffff, v5  }
0x19d: {  	[tilespmem:v41+s21+$0x0] =	vst.idx.msk $0xffff, v1  }
0x19e: {  	v1 =	vld.idx.msk [tilespmem:v42+s20+$0x0], $0xffff;
	_ =	sdelay $0x3  }
0x19f: {  	vm13 =	vgt.s32 v42, v3  }
0x1a0: {  	v1 =	vsel vm13, v0, v1;
	_ =	sdelay $0x4  }
0x1a1: {  	v4 =	vld.idx.msk [tilespmem:v1+s2+$0x0], $0xffff  }
0x1a2: {  	v5 =	vld.idx.msk [tilespmem:v1+s15+$0x0], $0xffff  }
0x1a3: {  	v43 =	vshll.u32 v42, $0x3;
	v1 =	vld.idx.msk [tilespmem:v1+s16+$0x0], $0xffff  }
0x1a4: {  	v44 =	vor.u32 $0x1, v43  }
0x1a5: {  	v45 =	vor.u32 $0x2, v43  }
0x1a6: {  	v46 =	vor.u32 v37, v35;
	v4 =	vsub.f32 v4, v16  }
0x1a7: {  	v5 =	vsub.f32 v5, v23  }
0x1a8: {  	v1 =	vsub.f32 v1, v17;
	[tilespmem:v43+s21+$0x0] =	vst.idx.msk $0xffff, v4  }
0x1a9: {  	[tilespmem:v44+s21+$0x0] =	vst.idx.msk $0xffff, v5  }
0x1aa: {  	[tilespmem:v45+s21+$0x0] =	vst.idx.msk $0xffff, v1  }
0x1ab: {  	v1 =	vld.idx.msk [tilespmem:v46+s20+$0x0], $0xffff;
	_ =	sdelay $0x3  }
0x1ac: {  	vm14 =	vgt.s32 v46, v3  }
0x1ad: {  	v1 =	vsel vm14, v0, v1;
	_ =	sdelay $0x4  }
0x1ae: {  	v4 =	vld.idx.msk [tilespmem:v1+s2+$0x0], $0xffff  }
0x1af: {  	v5 =	vld.idx.msk [tilespmem:v1+s15+$0x0], $0xffff  }
0x1b0: {  	v47 =	vshll.u32 v46, $0x3;
	v1 =	vld.idx.msk [tilespmem:v1+s16+$0x0], $0xffff  }
0x1b1: {  	v48 =	vor.u32 $0x1, v47  }
0x1b2: {  	v49 =	vor.u32 $0x2, v47  }
0x1b3: {  	v50 =	vor.u32 v38, v35;
	v4 =	vsub.f32 v4, v16  }
0x1b4: {  	v5 =	vsub.f32 v5, v23  }
0x1b5: {  	v1 =	vsub.f32 v1, v17;
	[tilespmem:v47+s21+$0x0] =	vst.idx.msk $0xffff, v4  }
0x1b6: {  	[tilespmem:v48+s21+$0x0] =	vst.idx.msk $0xffff, v5  }
0x1b7: {  	[tilespmem:v49+s21+$0x0] =	vst.idx.msk $0xffff, v1  }
0x1b8: {  	v1 =	vld.idx.msk [tilespmem:v50+s20+$0x0], $0xffff;
	_ =	sdelay $0x3  }
0x1b9: {  	vm15 =	vgt.s32 v50, v3  }
0x1ba: {  	v0 =	vsel vm15, v0, v1;
	_ =	sdelay $0x3  }
0x1bb: {  	v54 =	vld [tilespmem:$0x1FF50]  }
0x1bc: {  	v1 =	vld.idx.msk [tilespmem:v0+s2+$0x0], $0xffff  }
0x1bd: {  	v3 =	vld.idx.msk [tilespmem:v0+s15+$0x0], $0xffff  }
0x1be: {  	v51 =	vshll.u32 v50, $0x3;
	v0 =	vld.idx.msk [tilespmem:v0+s16+$0x0], $0xffff  }
0x1bf: {  	v52 =	vor.u32 $0x1, v51  }
0x1c0: {  	v53 =	vor.u32 $0x2, v51  }
0x1c1: {  	v1 =	vsub.f32 v1, v16  }
0x1c2: {  	v55 =	vor.u32 v15, v54;
	v3 =	vsub.f32 v3, v23  }
0x1c3: {  	v0 =	vsub.f32 v0, v17;
	[tilespmem:v51+s21+$0x0] =	vst.idx.msk $0xffff, v1  }
0x1c4: {  	[tilespmem:v52+s21+$0x0] =	vst.idx.msk $0xffff, v3  }
0x1c5: {  	[tilespmem:v53+s21+$0x0] =	vst.idx.msk $0xffff, v0  }
0x1c6: {  	v0 =	vld.idx.msk [tilespmem:v54+s20+$0x0], $0xffff  }
0x1c7: {  	v1 =	vld.idx.msk [tilespmem:v55+s20+$0x0], $0xffff  }
0x1c8: {  	v3 =	vmpcnt.ones.xlane vm2;
	_ =	sdelay $0x1  }
0x1c9: {  	v3 =	vadd.s32 v19, v3  }
0x1ca: {  	vm4 =	vgt.s32 v55, v3  }
0x1cb: {  	v1 =	vsel vm4, v0, v1;
	_ =	sdelay $0x2  }
0x1cc: {  	v60 =	vld [tilespmem:$0x1FFC0]  }
0x1cd: {  	v16 =	vld [tilespmem:$0x1FF70]  }
0x1ce: {  	v4 =	vld.idx.msk [tilespmem:v1+s2+$0x0], $0xffff  }
0x1cf: {  	v5 =	vld.idx.msk [tilespmem:v1+s15+$0x0], $0xffff  }
0x1d0: {  	v56 =	vshll.u32 v55, $0x3;
	v1 =	vld.idx.msk [tilespmem:v1+s16+$0x0], $0xffff  }
0x1d1: {  	v7 =	vor.u32 $0x1, v56  }
0x1d2: {  	v57 =	vor.u32 $0x2, v56  }
0x1d3: {  	v58 =	vor.u32 v36, v54;
	v4 =	vsub.f32 v4, v16  }
0x1d4: {  	v5 =	vsub.f32 v5, v18  }
0x1d5: {  	v1 =	vsub.f32 v1, v60;
	[tilespmem:v56+s21+$0x0] =	vst.idx.msk $0xffff, v4  }
0x1d6: {  	[tilespmem:v7+s21+$0x0] =	vst.idx.msk $0xffff, v5  }
0x1d7: {  	[tilespmem:v57+s21+$0x0] =	vst.idx.msk $0xffff, v1  }
0x1d8: {  	v1 =	vld.idx.msk [tilespmem:v58+s20+$0x0], $0xffff;
	_ =	sdelay $0x3  }
0x1d9: {  	vm5 =	vgt.s32 v58, v3  }
0x1da: {  	v1 =	vsel vm5, v0, v1;
	_ =	sdelay $0x4  }
0x1db: {  	v4 =	vld.idx.msk [tilespmem:v1+s2+$0x0], $0xffff  }
0x1dc: {  	v5 =	vld.idx.msk [tilespmem:v1+s15+$0x0], $0xffff  }
0x1dd: {  	v61 =	vshll.u32 v58, $0x3;
	v1 =	vld.idx.msk [tilespmem:v1+s16+$0x0], $0xffff  }
0x1de: {  	v62 =	vor.u32 $0x1, v61  }
0x1df: {  	v63 =	vor.u32 $0x2, v61  }
0x1e0: {  	v59 =	vmov v18;
	v19 =	vor.u32 v37, v54;
	v4 =	vsub.f32 v4, v16  }
0x1e1: {  	v5 =	vsub.f32 v5, v59  }
0x1e2: {  	v1 =	vsub.f32 v1, v60;
	[tilespmem:v61+s21+$0x0] =	vst.idx.msk $0xffff, v4  }
0x1e3: {  	[tilespmem:v62+s21+$0x0] =	vst.idx.msk $0xffff, v5  }
0x1e4: {  	[tilespmem:v63+s21+$0x0] =	vst.idx.msk $0xffff, v1  }
0x1e5: {  	v1 =	vld.idx.msk [tilespmem:v19+s20+$0x0], $0xffff;
	_ =	sdelay $0x3  }
0x1e6: {  	vm6 =	vgt.s32 v19, v3  }
0x1e7: {  	v1 =	vsel vm6, v0, v1;
	_ =	sdelay $0x4  }
0x1e8: {  	v4 =	vld.idx.msk [tilespmem:v1+s2+$0x0], $0xffff  }
0x1e9: {  	v5 =	vld.idx.msk [tilespmem:v1+s15+$0x0], $0xffff  }
0x1ea: {  	v20 =	vshll.u32 v19, $0x3;
	v1 =	vld.idx.msk [tilespmem:v1+s16+$0x0], $0xffff  }
0x1eb: {  	v21 =	vor.u32 $0x1, v20  }
0x1ec: {  	v22 =	vor.u32 $0x2, v20  }
0x1ed: {  	v23 =	vor.u32 v38, v54;
	v4 =	vsub.f32 v4, v16  }
0x1ee: {  	v5 =	vsub.f32 v5, v59  }
0x1ef: {  	v1 =	vsub.f32 v1, v60;
	[tilespmem:v20+s21+$0x0] =	vst.idx.msk $0xffff, v4  }
0x1f0: {  	[tilespmem:v21+s21+$0x0] =	vst.idx.msk $0xffff, v5  }
0x1f1: {  	[tilespmem:v22+s21+$0x0] =	vst.idx.msk $0xffff, v1  }
0x1f2: {  	v1 =	vld.idx.msk [tilespmem:v23+s20+$0x0], $0xffff;
	_ =	sdelay $0x3  }
0x1f3: {  	vm7 =	vgt.s32 v23, v3  }
0x1f4: {  	v0 =	vsel vm7, v0, v1;
	_ =	sdelay $0x3  }
0x1f5: {  	v14 =	vld [tilespmem:$0x1FFD0]  }
0x1f6: {  	v1 =	vld.idx.msk [tilespmem:v0+s2+$0x0], $0xffff  }
0x1f7: {  	v3 =	vld.idx.msk [tilespmem:v0+s15+$0x0], $0xffff  }
0x1f8: {  	v24 =	vshll.u32 v23, $0x3;
	v0 =	vld.idx.msk [tilespmem:v0+s16+$0x0], $0xffff  }
0x1f9: {  	v25 =	vor.u32 $0x1, v24  }
0x1fa: {  	v26 =	vor.u32 $0x2, v24  }
0x1fb: {  	v1 =	vsub.f32 v1, v16  }
0x1fc: {  	v27 =	vor.u32 v15, v14;
	v3 =	vsub.f32 v3, v59  }
0x1fd: {  	v0 =	vsub.f32 v0, v60;
	[tilespmem:v24+s21+$0x0] =	vst.idx.msk $0xffff, v1  }
0x1fe: {  	[tilespmem:v25+s21+$0x0] =	vst.idx.msk $0xffff, v3  }
0x1ff: {  	[tilespmem:v26+s21+$0x0] =	vst.idx.msk $0xffff, v0  }
0x200: {  	v0 =	vld.idx.msk [tilespmem:v14+s20+$0x0], $0xffff  }
0x201: {  	v1 =	vld.idx.msk [tilespmem:v27+s20+$0x0], $0xffff  }
0x202: {  	v3 =	vmpcnt.ones.xlane vm1;
	_ =	sdelay $0x1  }
0x203: {  	v3 =	vadd.s32 v13, v3  }
0x204: {  	vm8 =	vgt.s32 v27, v3  }
0x205: {  	v1 =	vsel vm8, v0, v1;
	_ =	sdelay $0x1  }
0x206: {  	v30 =	vld [tilespmem:$0x1FF80]  }
0x207: {  	v32 =	vld [tilespmem:$0x1FFA0]  }
0x208: {  	v17 =	vld [tilespmem:$0x1FFF0]  }
0x209: {  	v4 =	vld.idx.msk [tilespmem:v1+s2+$0x0], $0xffff  }
0x20a: {  	v5 =	vld.idx.msk [tilespmem:v1+s15+$0x0], $0xffff  }
0x20b: {  	v28 =	vshll.u32 v27, $0x3;
	v1 =	vld.idx.msk [tilespmem:v1+s16+$0x0], $0xffff  }
0x20c: {  	v7 =	vor.u32 $0x1, v28  }
0x20d: {  	v29 =	vor.u32 $0x2, v28  }
0x20e: {  	v31 =	vor.u32 v36, v14;
	v4 =	vsub.f32 v4, v30  }
0x20f: {  	v5 =	vsub.f32 v5, v17  }
0x210: {  	v1 =	vsub.f32 v1, v32;
	[tilespmem:v28+s21+$0x0] =	vst.idx.msk $0xffff, v4  }
0x211: {  	[tilespmem:v7+s21+$0x0] =	vst.idx.msk $0xffff, v5  }
0x212: {  	[tilespmem:v29+s21+$0x0] =	vst.idx.msk $0xffff, v1  }
0x213: {  	v1 =	vld.idx.msk [tilespmem:v31+s20+$0x0], $0xffff;
	_ =	sdelay $0x3  }
0x214: {  	vm9 =	vgt.s32 v31, v3  }
0x215: {  	v1 =	vsel vm9, v0, v1;
	_ =	sdelay $0x4  }
0x216: {  	v4 =	vld.idx.msk [tilespmem:v1+s2+$0x0], $0xffff  }
0x217: {  	v5 =	vld.idx.msk [tilespmem:v1+s15+$0x0], $0xffff  }
0x218: {  	v33 =	vshll.u32 v31, $0x3;
	v1 =	vld.idx.msk [tilespmem:v1+s16+$0x0], $0xffff  }
0x219: {  	v34 =	vor.u32 $0x1, v33  }
0x21a: {  	v35 =	vor.u32 $0x2, v33  }
0x21b: {  	v39 =	vor.u32 v37, v14;
	v4 =	vsub.f32 v4, v30  }
0x21c: {  	v5 =	vsub.f32 v5, v17  }
0x21d: {  	v1 =	vsub.f32 v1, v32;
	[tilespmem:v33+s21+$0x0] =	vst.idx.msk $0xffff, v4  }
0x21e: {  	[tilespmem:v34+s21+$0x0] =	vst.idx.msk $0xffff, v5  }
0x21f: {  	[tilespmem:v35+s21+$0x0] =	vst.idx.msk $0xffff, v1  }
0x220: {  	v1 =	vld.idx.msk [tilespmem:v39+s20+$0x0], $0xffff;
	_ =	sdelay $0x3  }
0x221: {  	vm10 =	vgt.s32 v39, v3  }
0x222: {  	v1 =	vsel vm10, v0, v1;
	_ =	sdelay $0x4  }
0x223: {  	v4 =	vld.idx.msk [tilespmem:v1+s2+$0x0], $0xffff  }
0x224: {  	v5 =	vld.idx.msk [tilespmem:v1+s15+$0x0], $0xffff  }
0x225: {  	v40 =	vshll.u32 v39, $0x3;
	v1 =	vld.idx.msk [tilespmem:v1+s16+$0x0], $0xffff  }
0x226: {  	v41 =	vor.u32 $0x1, v40  }
0x227: {  	v42 =	vor.u32 $0x2, v40  }
0x228: {  	v43 =	vor.u32 v38, v14;
	v4 =	vsub.f32 v4, v30  }
0x229: {  	v5 =	vsub.f32 v5, v17  }
0x22a: {  	v1 =	vsub.f32 v1, v32;
	[tilespmem:v40+s21+$0x0] =	vst.idx.msk $0xffff, v4  }
0x22b: {  	[tilespmem:v41+s21+$0x0] =	vst.idx.msk $0xffff, v5  }
0x22c: {  	[tilespmem:v42+s21+$0x0] =	vst.idx.msk $0xffff, v1  }
0x22d: {  	v1 =	vld.idx.msk [tilespmem:v43+s20+$0x0], $0xffff;
	_ =	sdelay $0x3  }
0x22e: {  	vm11 =	vgt.s32 v43, v3  }
0x22f: {  	v0 =	vsel vm11, v0, v1;
	_ =	sdelay $0x3  }
0x230: {  	v13 =	vld [tilespmem:$0x1FFE0]  }
0x231: {  	v1 =	vld.idx.msk [tilespmem:v0+s2+$0x0], $0xffff  }
0x232: {  	v3 =	vld.idx.msk [tilespmem:v0+s15+$0x0], $0xffff  }
0x233: {  	v44 =	vshll.u32 v43, $0x3;
	v0 =	vld.idx.msk [tilespmem:v0+s16+$0x0], $0xffff  }
0x234: {  	v45 =	vor.u32 $0x1, v44  }
0x235: {  	v46 =	vor.u32 $0x2, v44  }
0x236: {  	v1 =	vsub.f32 v1, v30  }
0x237: {  	v47 =	vor.u32 v15, v13;
	v3 =	vsub.f32 v3, v17  }
0x238: {  	v0 =	vsub.f32 v0, v32;
	[tilespmem:v44+s21+$0x0] =	vst.idx.msk $0xffff, v1  }
0x239: {  	[tilespmem:v45+s21+$0x0] =	vst.idx.msk $0xffff, v3  }
0x23a: {  	[tilespmem:v46+s21+$0x0] =	vst.idx.msk $0xffff, v0  }
0x23b: {  	v0 =	vld.idx.msk [tilespmem:v13+s20+$0x0], $0xffff  }
0x23c: {  	v1 =	vld.idx.msk [tilespmem:v47+s20+$0x0], $0xffff  }
0x23d: {  	v3 =	vmpcnt.ones.xlane vm0;
	_ =	sdelay $0x1  }
0x23e: {  	v3 =	vadd.s32 v12, v3  }
0x23f: {  	vm12 =	vgt.s32 v47, v3  }
0x240: {  	v1 =	vsel vm12, v0, v1;
	_ =	sdelay $0x1  }
0x241: {  	v50 =	vld [tilespmem:$0x1FF60]  }
0x242: {  	v52 =	vld [tilespmem:$0x1FFB0]  }
0x243: {  	v12 =	vld [tilespmem:$0x1FF90]  }
0x244: {  	v4 =	vld.idx.msk [tilespmem:v1+s2+$0x0], $0xffff  }
0x245: {  	v5 =	vld.idx.msk [tilespmem:v1+s15+$0x0], $0xffff  }
0x246: {  	v48 =	vshll.u32 v47, $0x3;
	v1 =	vld.idx.msk [tilespmem:v1+s16+$0x0], $0xffff  }
0x247: {  	v7 =	vor.u32 $0x1, v48  }
0x248: {  	v49 =	vor.u32 $0x2, v48  }
0x249: {  	v51 =	vor.u32 v36, v13;
	v4 =	vsub.f32 v4, v50  }
0x24a: {  	v5 =	vsub.f32 v5, v52  }
0x24b: {  	v1 =	vsub.f32 v1, v12;
	[tilespmem:v48+s21+$0x0] =	vst.idx.msk $0xffff, v4  }
0x24c: {  	[tilespmem:v7+s21+$0x0] =	vst.idx.msk $0xffff, v5  }
0x24d: {  	[tilespmem:v49+s21+$0x0] =	vst.idx.msk $0xffff, v1  }
0x24e: {  	v1 =	vld.idx.msk [tilespmem:v51+s20+$0x0], $0xffff;
	_ =	sdelay $0x3  }
0x24f: {  	vm13 =	vgt.s32 v51, v3  }
0x250: {  	v1 =	vsel vm13, v0, v1;
	_ =	sdelay $0x4  }
0x251: {  	v4 =	vld.idx.msk [tilespmem:v1+s2+$0x0], $0xffff  }
0x252: {  	v5 =	vld.idx.msk [tilespmem:v1+s15+$0x0], $0xffff  }
0x253: {  	v53 =	vshll.u32 v51, $0x3;
	v1 =	vld.idx.msk [tilespmem:v1+s16+$0x0], $0xffff  }
0x254: {  	v54 =	vor.u32 $0x1, v53  }
0x255: {  	v55 =	vor.u32 $0x2, v53  }
0x256: {  	v56 =	vor.u32 v37, v13;
	v4 =	vsub.f32 v4, v50  }
0x257: {  	v5 =	vsub.f32 v5, v52  }
0x258: {  	v1 =	vsub.f32 v1, v12;
	[tilespmem:v53+s21+$0x0] =	vst.idx.msk $0xffff, v4  }
0x259: {  	[tilespmem:v54+s21+$0x0] =	vst.idx.msk $0xffff, v5  }
0x25a: {  	[tilespmem:v55+s21+$0x0] =	vst.idx.msk $0xffff, v1  }
0x25b: {  	v1 =	vld.idx.msk [tilespmem:v56+s20+$0x0], $0xffff;
	_ =	sdelay $0x3  }
0x25c: {  	vm14 =	vgt.s32 v56, v3  }
0x25d: {  	v1 =	vsel vm14, v0, v1;
	_ =	sdelay $0x4  }
0x25e: {  	v4 =	vld.idx.msk [tilespmem:v1+s2+$0x0], $0xffff  }
0x25f: {  	v5 =	vld.idx.msk [tilespmem:v1+s15+$0x0], $0xffff  }
0x260: {  	v57 =	vshll.u32 v56, $0x3;
	v1 =	vld.idx.msk [tilespmem:v1+s16+$0x0], $0xffff  }
0x261: {  	v58 =	vor.u32 $0x1, v57  }
0x262: {  	v59 =	vor.u32 $0x2, v57  }
0x263: {  	v60 =	vor.u32 v38, v13;
	v4 =	vsub.f32 v4, v50  }
0x264: {  	v5 =	vsub.f32 v5, v52  }
0x265: {  	v1 =	vsub.f32 v1, v12;
	[tilespmem:v57+s21+$0x0] =	vst.idx.msk $0xffff, v4  }
0x266: {  	[tilespmem:v58+s21+$0x0] =	vst.idx.msk $0xffff, v5  }
0x267: {  	[tilespmem:v59+s21+$0x0] =	vst.idx.msk $0xffff, v1  }
0x268: {  	v1 =	vld.idx.msk [tilespmem:v60+s20+$0x0], $0xffff;
	_ =	sdelay $0x3  }
0x269: {  	vm15 =	vgt.s32 v60, v3  }
0x26a: {  	v0 =	vsel vm15, v0, v1;
	_ =	sdelay $0x4  }
0x26b: {  	v1 =	vld.idx.msk [tilespmem:v0+s2+$0x0], $0xffff  }
0x26c: {  	v3 =	vld.idx.msk [tilespmem:v0+s15+$0x0], $0xffff  }
0x26d: {  	v61 =	vshll.u32 v60, $0x3;
	v0 =	vld.idx.msk [tilespmem:v0+s16+$0x0], $0xffff  }
0x26e: {  	s25 =	sadd.s32 $0x1, s25;
	v62 =	vor.u32 $0x1, v61  }
0x26f: {  	p0 =	sne.s32 s25, $0x10;
	v63 =	vor.u32 $0x2, v61  }
.Ltmp2:
0x270: {  	v1 =	vsub.f32 v1, v50;
	(pc) =	sbr.rel @p0 .LBB2_5-.Ltmp2, $4  }
0x271: {  	v3 =	vsub.f32 v3, v52  }
0x272: {  	v0 =	vsub.f32 v0, v12;
	[tilespmem:v61+s21+$0x0] =	vst.idx.msk $0xffff, v1  }
0x273: {  	[tilespmem:v62+s21+$0x0] =	vst.idx.msk $0xffff, v3  }
0x274: {  	[tilespmem:v63+s21+$0x0] =	vst.idx.msk $0xffff, v0  }
0x275: {  	s24 =	sshll.u32 s23, $0x13  }
0x276: {  	s23 =	sadd.s32 $0x1, s23;
	s24 =	sadd.s32 s10, s24  }
0x277: {  	p0 =	sne.s32 s23, $0x4;
	s24 =	sshrl.u32 s24, $0x3  }
.Ltmp3:
0x278: {  	s24 =	sadd.s32 s3, s24;
	(pc) =	sbr.rel @p0 .LBB2_4-.Ltmp3, $4  }
0x279: {  	[hbm4b:s24+s12] =	stream.strided.scatter [tilespmem:s21], [sflag:$0x1], $0x10000, s13, s12, $0x38;
	[tilespmem:$0x13E00] =	vst v63  }
0x27a: {  	_ =	swait.ge [sflag:s14], $0x10000  }
0x27b: {  	[sflag:s14] =	ssyncset.done $0x0  }
0x27c: {  	[sflag:s14] =	ssyncadd.s32 $0xFFFF0000  }
0x27d: {  	s22 =	sadd.s32 $0x1, s22  }
0x27e: {  	p0 =	sne.s32 s22, s11  }
.Ltmp4:
0x27f: {  	_ = 	snop;
	(pc) =	sbr.rel @p0 .LBB2_1-.Ltmp4, $2  }
0x280: {  	_ =	sdelay $0x2  }
0x281: {  	v0 =	vimm.f32 $0.0e+00  }
0x282: {  	_ =	sfence.sel $0x180000  }
0x283: {  	[bflag:$0x0] =	sbarrier.arrive $0xFFFF  }
0x284: {  	p0 =	sne.s32 s1, $0x0;
	_ =	strace $0x90000047  }
0x285: {  	s0 =	sadd.s32 @!p0 $0x100000, s0;
	[bflag:$0x2] =	sbarrier.arrive $0xFFFF  }
0x286: {  	[sflag:s0] =	ssyncadd.tile.s32 @!p0 $0x1;
	_ =	shalt  }
.Lfunc_end2:
_tile_overlayer_lowered:
.L_overlay_start_2:
0x287: {  	(tag) =	ssettag $0x2  }
0x288: {  	s0 =	rddreg [dreg:$0x0];
	s2 =	stileid.u32  }
0x289: {  	s1 =	rddreg [dreg:$0x1];
	p0 =	sne.s32 s2, $0x0  }
0x28a: {  	s3 =	rddreg [dreg:$0x2];
	[bflag:$0x3] =	sbarrier.arrive $0xFFFF;
	s2 =	simm.s32 @!p0 $0x1C01  }
0x28b: {  	[timem:s3], [sflag:s2] =	dma.local @!p0 [hbm:s0], s1  }
0x28c: {  	s0 =	simm.s32 @!p0 $0x1  }
0x28d: {  	_ =	swait.ge @!p0 [sflag:s0], s1  }
0x28e: {  	s1 =	ssub.s32 @!p0 $0x0, s1;
	[sflag:s0] =	ssyncset.done @!p0 $0x0  }
0x28f: {  	[sflag:s0] =	ssyncadd.s32 @!p0 s1  }
0x290: {  	[bflag:$0x3] =	sbarrier.arrive $0xFFFF  }
0x291: {  	_ =	shalt  }

</sc_bundles>
